<compile_context>
chip_gen: v7x
topology: tpu7x:2x2x1
jax: 0.10.2.dev20260603
libtpu: 0.0.44.dev20260713+nightly
codegen_flags: <defaults>
</compile_context>

<pallas_src>
import functools

import jax
import jax.numpy as jnp
from jax import lax
from jax.experimental import pallas as pl
from jax.experimental.pallas import tpu as pltpu
from jax.experimental.pallas import tpu_sc as plsc

NN = 10000
EE = 320000
CC = 128
TT = 3
HC = CC // 2

CHUNK = 64
SB = 320
NCH = SB // CHUNK
TILES = 16
EDGES_PER_TILE = 20480
NSB = EDGES_PER_TILE // SB
E_PAD = EDGES_PER_TILE * TILES
E_ALLOC = E_PAD + SB
STRIPE = 1876
SLOTS = STRIPE * TILES
WZ = 7
TRASH = TT * NN

BR = 400
NB = NN // BR
_PREC = lax.Precision.HIGHEST



def _sc_edge_pass(table, src_p, dst_p, typ_p, zrs):
    mesh = plsc.VectorSubcoreMesh(core_axis_name="c", subcore_axis_name="s")

    @functools.partial(
        pl.kernel,
        out_type=jax.ShapeDtypeStruct((SLOTS, CC), jnp.float32),
        mesh=mesh,
        scratch_types=[
            pltpu.VMEM((2, SB), jnp.int32),
            pltpu.VMEM((2, SB), jnp.int32),
            pltpu.VMEM((2, SB), jnp.int32),
            pltpu.VMEM((CHUNK,), jnp.int32),
            pltpu.VMEM((CHUNK,), jnp.int32),
            pltpu.VMEM((CHUNK,), jnp.int32),
            pltpu.VMEM((CHUNK,), jnp.int32),
            pltpu.VMEM((2, CHUNK, HC), jnp.float32),
            pltpu.VMEM_SHARED((SLOTS, HC), jnp.float32),
            pltpu.SemaphoreType.DMA,
            pltpu.SemaphoreType.DMA,
            pltpu.SemaphoreType.DMA,
            pltpu.SemaphoreType.DMA,
            pltpu.SemaphoreType.DMA,
            pltpu.SemaphoreType.DMA,
        ],
        compiler_params=pltpu.CompilerParams(use_tc_tiling_on_sc=False),
    )
    def k(table_h, src_h, dst_h, typ_h, z_h, out_h,
          src_v, dst_v, typ_v, gidx0_v, gidx1_v, didx0_v, didx1_v,
          rows_v,
          acc, sem_i0, sem_i1, sem_g0, sem_g1, sem_s0, sem_s1):
        c = lax.axis_index("c")
        s = lax.axis_index("s")
        gidx = (gidx0_v, gidx1_v)
        didx = (didx0_v, didx1_v)
        sem_i = (sem_i0, sem_i1)
        sem_g = (sem_g0, sem_g1)
        sem_s = (sem_s0, sem_s1)
        stripe_base = s * STRIPE

        pltpu.sync_copy(z_h, acc.at[pl.ds(stripe_base, STRIPE)])
        plsc.subcore_barrier()

        def issue_idx_load(sb, buf):
            base = s * EDGES_PER_TILE + sb * SB
            pltpu.async_copy(src_h.at[pl.ds(base, SB)], src_v.at[buf],
                             sem_i[buf])
            pltpu.async_copy(dst_h.at[pl.ds(base, SB)], dst_v.at[buf],
                             sem_i[buf])
            pltpu.async_copy(typ_h.at[pl.ds(base, SB)], typ_v.at[buf],
                             sem_i[buf])

        def wait_idx_load(buf):
            for ref in (src_v, dst_v, typ_v):
                pltpu.make_async_copy(src_h.at[pl.ds(0, SB)], ref.at[buf],
                                      sem_i[buf]).wait()

        def process_superblock(buf, rb_base, state):
            gdesc, sdesc = state
            for ch in range(NCH):
                rb = (rb_base + ch) & 1
                if sdesc[rb] is not None:
                    sdesc[rb].wait()
                    sdesc[rb] = None
                for g in range(CHUNK // 16):
                    off = pl.ds(ch * CHUNK + g * 16, 16)
                    sl = pl.ds(g * 16, 16)
                    t16 = typ_v[buf, off]
                    gidx[rb][sl] = (t16 * NN + src_v[buf, off]) * 2 + c
                    didx[rb][sl] = t16 * NN + dst_v[buf, off]
                if gdesc[rb ^ 1] is not None:
                    gdesc[rb ^ 1].wait()
                    gdesc[rb ^ 1] = None
                    sdesc[rb ^ 1] = pltpu.async_copy(
                        rows_v.at[rb ^ 1], acc.at[didx[rb ^ 1]],
                        sem_s[rb ^ 1], add=True)
                gdesc[rb] = pltpu.async_copy(
                    table_h.at[gidx[rb]], rows_v.at[rb], sem_g[rb])
            return gdesc, sdesc

        def drain(state):
            gdesc, sdesc = state
            for rb in (0, 1):
                if gdesc[rb] is not None:
                    if sdesc[rb] is not None:
                        sdesc[rb].wait()
                    gdesc[rb].wait()
                    sdesc[rb] = pltpu.async_copy(
                        rows_v.at[rb], acc.at[didx[rb]],
                        sem_s[rb], add=True)
                    gdesc[rb] = None
            for rb in (0, 1):
                if sdesc[rb] is not None:
                    sdesc[rb].wait()

        issue_idx_load(0, 0)

        def pair_body(i, carry):
            sb0 = 2 * i
            wait_idx_load(0)
            issue_idx_load(sb0 + 1, 1)
            state = process_superblock(0, 0, ([None, None], [None, None]))
            wait_idx_load(1)
            issue_idx_load(sb0 + 2, 0)
            state = process_superblock(1, NCH & 1, state)
            drain(state)
            return carry
        lax.fori_loop(0, NSB // 2, pair_body, 0)
        wait_idx_load(0)
        plsc.subcore_barrier()

        pltpu.sync_copy(acc.at[pl.ds(stripe_base, STRIPE)],
                        out_h.at[pl.ds(stripe_base, STRIPE),
                                 pl.ds(c * HC, HC)])

    return k(table, src_p, dst_p, typ_p, zrs)



def _msg_matmul(h, W0):
    def body(h_ref, w_ref, o_ref):
        o_ref[0] = lax.dot_general(
            h_ref[...], w_ref[0], (((1,), (0,)), ((), ())),
            preferred_element_type=jnp.float32, precision=_PREC)
    return pl.pallas_call(
        body,
        grid=(TT, NB),
        in_specs=[
            pl.BlockSpec((BR, CC), lambda t, r: (r, 0)),
            pl.BlockSpec((1, CC, CC), lambda t, r: (t, 0, 0)),
        ],
        out_specs=pl.BlockSpec((1, BR, CC), lambda t, r: (t, r, 0)),
        out_shape=jax.ShapeDtypeStruct((TT, NN, CC), jnp.float32),
    )(h, W0)


def _gh_step1(h, Whh, bhh):
    def body(h_ref, whh_ref, bhh_ref, o_ref):
        o_ref[0] = lax.dot_general(
            h_ref[...], whh_ref[0], (((1,), (1,)), ((), ())),
            preferred_element_type=jnp.float32,
            precision=_PREC) + bhh_ref[0, 0]
    return pl.pallas_call(
        body,
        grid=(TT, NB),
        in_specs=[
            pl.BlockSpec((BR, CC), lambda t, r: (r, 0)),
            pl.BlockSpec((1, 3 * CC, CC), lambda t, r: (t, 0, 0)),
            pl.BlockSpec((1, 1, 3 * CC), lambda t, r: (t, 0, 0)),
        ],
        out_specs=pl.BlockSpec((1, BR, 3 * CC), lambda t, r: (t, r, 0)),
        out_shape=jax.ShapeDtypeStruct((TT, NN, 3 * CC), jnp.float32),
    )(h, Whh, bhh.reshape(TT, 1, 3 * CC))


def _gh_step2(x1, Whh, bhh):
    def body(x_ref, whh_ref, bhh_ref, o_ref):
        o_ref[0] = lax.dot_general(
            x_ref[0], whh_ref[0], (((1,), (1,)), ((), ())),
            preferred_element_type=jnp.float32,
            precision=_PREC) + bhh_ref[0, 0]
    return pl.pallas_call(
        body,
        grid=(TT, NB),
        in_specs=[
            pl.BlockSpec((1, BR, CC), lambda t, r: (t, r, 0)),
            pl.BlockSpec((1, 3 * CC, CC), lambda t, r: (t, 0, 0)),
            pl.BlockSpec((1, 1, 3 * CC), lambda t, r: (t, 0, 0)),
        ],
        out_specs=pl.BlockSpec((1, BR, 3 * CC), lambda t, r: (t, r, 0)),
        out_shape=jax.ShapeDtypeStruct((TT, NN, 3 * CC), jnp.float32),
    )(x1, Whh, bhh.reshape(TT, 1, 3 * CC))


def _gru_combine(a, gh, hp, wih, bih):
    gi = lax.dot_general(a, wih, (((1,), (1,)), ((), ())),
                         preferred_element_type=jnp.float32,
                         precision=_PREC) + bih
    r = jax.nn.sigmoid(gi[:, :CC] + gh[:, :CC])
    z = jax.nn.sigmoid(gi[:, CC:2 * CC] + gh[:, CC:2 * CC])
    n = jnp.tanh(gi[:, 2 * CC:] + r * gh[:, 2 * CC:])
    return (1.0 - z) * n + z * hp


def _gru_and_msg(agg, h, gh1, Wih, bih, W1):
    def body(a_ref, h_ref, gh_ref, wih_ref, bih_ref, w1_ref,
             x1_ref, m1_ref):
        x1 = _gru_combine(a_ref[...], gh_ref[0], h_ref[...],
                          wih_ref[0], bih_ref[0, 0])
        x1_ref[0] = x1
        m1_ref[0] = lax.dot_general(
            x1, w1_ref[0], (((1,), (0,)), ((), ())),
            preferred_element_type=jnp.float32, precision=_PREC)
    return pl.pallas_call(
        body,
        grid=(TT, NB),
        in_specs=[
            pl.BlockSpec((BR, CC), lambda t, r: (t * NB + r, 0)),
            pl.BlockSpec((BR, CC), lambda t, r: (r, 0)),
            pl.BlockSpec((1, BR, 3 * CC), lambda t, r: (t, r, 0)),
            pl.BlockSpec((1, 3 * CC, CC), lambda t, r: (t, 0, 0)),
            pl.BlockSpec((1, 1, 3 * CC), lambda t, r: (t, 0, 0)),
            pl.BlockSpec((1, CC, CC), lambda t, r: (t, 0, 0)),
        ],
        out_specs=[
            pl.BlockSpec((1, BR, CC), lambda t, r: (t, r, 0)),
            pl.BlockSpec((1, BR, CC), lambda t, r: (t, r, 0)),
        ],
        out_shape=[
            jax.ShapeDtypeStruct((TT, NN, CC), jnp.float32),
            jax.ShapeDtypeStruct((TT, NN, CC), jnp.float32),
        ],
    )(agg, h, gh1, Wih, bih.reshape(TT, 1, 3 * CC), W1)


def _final(agg1, x1, gh2, h, Wih, bih, ln_g, ln_b):
    def body(a0_ref, a1_ref, a2_ref,
             x1_ref, gh_ref, h_ref, wih_ref,
             bih_ref, lng_ref, lnb_ref, y_ref):
        a_refs = (a0_ref, a1_ref, a2_ref)
        acc = h_ref[...]
        for t in range(TT):
            acc = acc + _gru_combine(a_refs[t][...],
                                     gh_ref[t], x1_ref[t],
                                     wih_ref[t], bih_ref[t])
        mu = jnp.mean(acc, axis=1, keepdims=True)
        d = acc - mu
        var = jnp.mean(d * d, axis=1, keepdims=True)
        y = d * lax.rsqrt(var + 1e-5) * lng_ref[...] + lnb_ref[...]
        y_ref[...] = jnp.where(y >= 0, y, 0.1 * y)

    agg_spec = lambda t: pl.BlockSpec((BR, CC), lambda r, t=t: (t * NB + r, 0))
    return pl.pallas_call(
        body,
        grid=(NB,),
        in_specs=[
            agg_spec(0), agg_spec(1), agg_spec(2),
            pl.BlockSpec((TT, BR, CC), lambda r: (0, r, 0)),
            pl.BlockSpec((TT, BR, 3 * CC), lambda r: (0, r, 0)),
            pl.BlockSpec((BR, CC), lambda r: (r, 0)),
            pl.BlockSpec((TT, 3 * CC, CC), lambda r: (0, 0, 0)),
            pl.BlockSpec((TT, 3 * CC), lambda r: (0, 0)),
            pl.BlockSpec((1, CC), lambda r: (0, 0)),
            pl.BlockSpec((1, CC), lambda r: (0, 0)),
        ],
        out_specs=pl.BlockSpec((BR, CC), lambda r: (r, 0)),
        out_shape=jax.ShapeDtypeStruct((NN, CC), jnp.float32),
    )(agg1, agg1, agg1, x1, gh2, h, Wih, bih, ln_g, ln_b)



def kernel(h, edge_index, edge_type, W, Wih, Whh, bih, bhh, ln_g, ln_b):
    src = edge_index[0].astype(jnp.int32)
    dst = edge_index[1].astype(jnp.int32)
    typ = edge_type.astype(jnp.int32)
    npad = E_ALLOC - EE
    src_p = jnp.concatenate([src, jnp.zeros((npad,), jnp.int32)])
    dst_p = jnp.concatenate([dst, jnp.full((npad,), TRASH, jnp.int32)])
    typ_p = jnp.concatenate([typ, jnp.zeros((npad,), jnp.int32)])

    m0 = _msg_matmul(h, W[:, 0])
    zrs = jnp.zeros((STRIPE, HC), jnp.float32)
    agg0 = _sc_edge_pass(m0.reshape(2 * TT * NN, HC),
                         src_p, dst_p, typ_p, zrs)
    gh1 = _gh_step1(h, Whh, bhh)
    x1, m1 = _gru_and_msg(agg0, h, gh1, Wih, bih, W[:, 1])
    agg1 = _sc_edge_pass(m1.reshape(2 * TT * NN, HC),
                         src_p, dst_p, typ_p, zrs)
    gh2 = _gh_step2(x1, Whh, bhh)
    return _final(agg1, x1, gh2, h, Wih, bih,
                  ln_g.reshape(1, CC), ln_b.reshape(1, CC))

# --- scband reference (transcript-rebuilt; emitter-appended) ---
"""Pipeline reference for scband-ggnnblock-feats-7842610283353 (READ-ONLY COPY).

The authoritative reference and input builder live on the scoring server;
editing this copy changes nothing except your own understanding.
"""

import jax, jax.numpy as jnp
import numpy as np

N = 10000
E = 320000
C = 128
STEPS = 2
T = 3


def setup_inputs(seed: int = 0) -> dict:
    key = jax.random.key(seed)
    ks = jax.random.split(key, 10)
    h = jax.random.normal(ks[0], (N, C), dtype=jnp.float32)
    edge_index = jax.random.randint(ks[1], (2, E), 0, N, dtype=jnp.int64) if jax.config.jax_enable_x64 else jax.random.randint(ks[1], (2, E), 0, N).astype(jnp.int32)
    edge_type = jax.random.randint(ks[2], (E,), 0, T).astype(jnp.int32)
    s = 1.0 / np.sqrt(C)
    W = jax.random.uniform(ks[3], (T, STEPS, C, C), jnp.float32, -s, s)
    Wih = jax.random.uniform(ks[4], (T, 3 * C, C), jnp.float32, -s, s)
    Whh = jax.random.uniform(ks[5], (T, 3 * C, C), jnp.float32, -s, s)
    bih = jax.random.uniform(ks[6], (T, 3 * C), jnp.float32, -s, s)
    bhh = jax.random.uniform(ks[7], (T, 3 * C), jnp.float32, -s, s)
    ln_g = jnp.ones((C,), jnp.float32)
    ln_b = jnp.zeros((C,), jnp.float32)
    return {"h": h, "edge_index": edge_index, "edge_type": edge_type, "W": W, "Wih": Wih, "Whh": Whh, "bih": bih, "bhh": bhh, "ln_g": ln_g, "ln_b": ln_b}


def _gru(x_in, h_prev, Wih, Whh, bih, bhh):
    gi = x_in @ Wih.T + bih
    gh = h_prev @ Whh.T + bhh
    ir, iz, inn = jnp.split(gi, 3, axis=-1)
    hr, hz, hn = jnp.split(gh, 3, axis=-1)
    r = jax.nn.sigmoid(ir + hr)
    z = jax.nn.sigmoid(iz + hz)
    n = jnp.tanh(inn + r * hn)
    return (1.0 - z) * n + z * h_prev


def _gated_graph_conv(h, src, dst, mask, W, Wih, Whh, bih, bhh):
    x = h
    for l in range(STEPS):
        m = x @ W[l]
        msg = jnp.take(m, src, axis=0) * mask[:, None]
        agg = jax.ops.segment_sum(msg, dst, num_segments=N)
        x = _gru(agg, x, Wih, Whh, bih, bhh)
    return x


def reference(h, edge_index, edge_type, W, Wih, Whh, bih, bhh, ln_g, ln_b):
    src = edge_index[0]
    dst = edge_index[1]
    h_msg = jnp.zeros_like(h)
    for t in range(T):
        mask = (edge_type == t).astype(h.dtype)
        h_msg = h_msg + _gated_graph_conv(h, src, dst, mask, W[t], Wih[t], Whh[t], bih[t], bhh[t])
    y = h + h_msg
    mu = jnp.mean(y, axis=-1, keepdims=True)
    var = jnp.var(y, axis=-1, keepdims=True)
    y = (y - mu) / jnp.sqrt(var + 1e-5) * ln_g + ln_b
    return jnp.where(y >= 0, y, 0.1 * y)

if __name__ == "__main__":
    import jax
    _d = setup_inputs()
    print(jax.jit(kernel)(*tuple(_d.values())))

</pallas_src>

<mosaic_0001>
#map = affine_map<(d0, d1) -> (0, 0)>
#map1 = affine_map<(d0, d1) -> (0)>
module attributes {stable_mosaic.version = 14 : i64} {
  func.func @k(%arg0: i32, %arg1: i32, %arg2: memref<60000x64xf32, #tpu.memory_space<hbm>>, %arg3: memref<328000xi32, #tpu.memory_space<hbm>>, %arg4: memref<328000xi32, #tpu.memory_space<hbm>>, %arg5: memref<328000xi32, #tpu.memory_space<hbm>>, %arg6: memref<1876x64xf32, #tpu.memory_space<hbm>>, %arg7: memref<30016x128xf32, #tpu.memory_space<hbm>>, %arg8: memref<2x320xi32, #tpu.memory_space<vmem>>, %arg9: memref<2x320xi32, #tpu.memory_space<vmem>>, %arg10: memref<2x320xi32, #tpu.memory_space<vmem>>, %arg11: memref<64xi32, #tpu.memory_space<vmem>>, %arg12: memref<64xi32, #tpu.memory_space<vmem>>, %arg13: memref<64xi32, #tpu.memory_space<vmem>>, %arg14: memref<64xi32, #tpu.memory_space<vmem>>, %arg15: memref<2x64x64xf32, #tpu.memory_space<vmem>>, %arg16: memref<30016x64xf32, #tpu.memory_space<vmem_shared>>, %arg17: memref<!tpu.dma_semaphore, #tpu.memory_space<semaphore_mem>>, %arg18: memref<!tpu.dma_semaphore, #tpu.memory_space<semaphore_mem>>, %arg19: memref<!tpu.dma_semaphore, #tpu.memory_space<semaphore_mem>>, %arg20: memref<!tpu.dma_semaphore, #tpu.memory_space<semaphore_mem>>, %arg21: memref<!tpu.dma_semaphore, #tpu.memory_space<semaphore_mem>>, %arg22: memref<!tpu.dma_semaphore, #tpu.memory_space<semaphore_mem>>) attributes {dimension_semantics = [#tpu.dimension_semantics<core_parallel>, #tpu.dimension_semantics<subcore_parallel>], iteration_bounds = array<i64: 2, 16>, scalar_prefetch = 0 : i64, scratch_operands = 15 : i64, tpu.core_type = #tpu.core_type<sc_vector_subcore>, window_params = [{transform_indices = #map}, {transform_indices = #map1}, {transform_indices = #map1}, {transform_indices = #map1}, {transform_indices = #map}, {transform_indices = #map}]} {
    %mul3A = arith.constant 1876 : i32
    %mul3A_0 = arith.muli %arg1, %mul3A : i32
    "tpu.region"() ({
      %run_scoped3A = tpu.sem_alloc : memref<!tpu.dma_semaphore, #tpu.memory_space<semaphore_mem>>
      %dma_start3A_70 = arith.constant 0 : i32
      %dma_start3A_71 = tpu.memref_slice %arg16[%mul3A_0, %dma_start3A_70] : memref<30016x64xf32, #tpu.memory_space<vmem_shared>> -> memref<1876x64xf32, #tpu.memory_space<vmem_shared>>
      tpu.enqueue_dma source(%arg6 : memref<1876x64xf32, #tpu.memory_space<hbm>>) target(%dma_start3A_71 : memref<1876x64xf32, #tpu.memory_space<vmem_shared>>) target_semaphore(%run_scoped3A : memref<!tpu.dma_semaphore, #tpu.memory_space<semaphore_mem>>)
      %dma_wait3A_72 = arith.constant 0 : i32
      %dma_wait3A_73 = tpu.memref_slice %arg16[%mul3A_0, %dma_wait3A_72] : memref<30016x64xf32, #tpu.memory_space<vmem_shared>> -> memref<1876x64xf32, #tpu.memory_space<vmem_shared>>
      tpu.wait_dma2 semaphore(%run_scoped3A : memref<!tpu.dma_semaphore, #tpu.memory_space<semaphore_mem>>) src(%arg6 : memref<1876x64xf32, #tpu.memory_space<hbm>>) dst(%dma_wait3A_73 : memref<1876x64xf32, #tpu.memory_space<vmem_shared>>)
      tpu.yield
    }) : () -> ()
    %barrier3A = arith.constant 0 : index
    tpu.barrier barrier_id(%barrier3A)
    %mul3A_1 = arith.constant 20480 : i32
    %mul3A_2 = arith.muli %arg1, %mul3A_1 : i32
    %add3A = arith.constant 0 : i32
    %add3A_3 = arith.addi %mul3A_2, %add3A : i32
    %dma_start3A = arith.constant 0 : i32
    %dma_start3A_4 = arith.constant 0 : i32
    %dma_start3A_5 = tpu.memref_slice %arg8[%dma_start3A, %dma_start3A_4] : memref<2x320xi32, #tpu.memory_space<vmem>> -> memref<1x320xi32, #tpu.memory_space<vmem>>
    %dma_start3A_6 = tpu.memref_squeeze %dma_start3A_5 : memref<1x320xi32, #tpu.memory_space<vmem>> -> memref<320xi32, #tpu.memory_space<vmem>>
    %dma_start3A_7 = tpu.memref_slice %arg3[%add3A_3] : memref<328000xi32, #tpu.memory_space<hbm>> -> memref<320xi32, #tpu.memory_space<hbm>>
    %dma_start3A_8 = arith.constant 0 : i32
    %dma_start3A_9 = tpu.memref_slice %arg8[%dma_start3A, %dma_start3A_8] : memref<2x320xi32, #tpu.memory_space<vmem>> -> memref<1x320xi32, #tpu.memory_space<vmem>>
    %dma_start3A_10 = tpu.memref_squeeze %dma_start3A_9 : memref<1x320xi32, #tpu.memory_space<vmem>> -> memref<320xi32, #tpu.memory_space<vmem>>
    %dma_start3A_11 = tpu.memref_slice %arg3[%add3A_3] : memref<328000xi32, #tpu.memory_space<hbm>> -> memref<320xi32, #tpu.memory_space<hbm>>
    tpu.enqueue_dma source(%dma_start3A_11 : memref<320xi32, #tpu.memory_space<hbm>>) target(%dma_start3A_10 : memref<320xi32, #tpu.memory_space<vmem>>) target_semaphore(%arg17 : memref<!tpu.dma_semaphore, #tpu.memory_space<semaphore_mem>>)
    %dma_start3A_12 = arith.constant 0 : i32
    %dma_start3A_13 = arith.constant 0 : i32
    %dma_start3A_14 = tpu.memref_slice %arg9[%dma_start3A_12, %dma_start3A_13] : memref<2x320xi32, #tpu.memory_space<vmem>> -> memref<1x320xi32, #tpu.memory_space<vmem>>
    %dma_start3A_15 = tpu.memref_squeeze %dma_start3A_14 : memref<1x320xi32, #tpu.memory_space<vmem>> -> memref<320xi32, #tpu.memory_space<vmem>>
    %dma_start3A_16 = tpu.memref_slice %arg4[%add3A_3] : memref<328000xi32, #tpu.memory_space<hbm>> -> memref<320xi32, #tpu.memory_space<hbm>>
    %dma_start3A_17 = arith.constant 0 : i32
    %dma_start3A_18 = tpu.memref_slice %arg9[%dma_start3A_12, %dma_start3A_17] : memref<2x320xi32, #tpu.memory_space<vmem>> -> memref<1x320xi32, #tpu.memory_space<vmem>>
    %dma_start3A_19 = tpu.memref_squeeze %dma_start3A_18 : memref<1x320xi32, #tpu.memory_space<vmem>> -> memref<320xi32, #tpu.memory_space<vmem>>
    %dma_start3A_20 = tpu.memref_slice %arg4[%add3A_3] : memref<328000xi32, #tpu.memory_space<hbm>> -> memref<320xi32, #tpu.memory_space<hbm>>
    tpu.enqueue_dma source(%dma_start3A_20 : memref<320xi32, #tpu.memory_space<hbm>>) target(%dma_start3A_19 : memref<320xi32, #tpu.memory_space<vmem>>) target_semaphore(%arg17 : memref<!tpu.dma_semaphore, #tpu.memory_space<semaphore_mem>>)
    %dma_start3A_21 = arith.constant 0 : i32
    %dma_start3A_22 = arith.constant 0 : i32
    %dma_start3A_23 = tpu.memref_slice %arg10[%dma_start3A_21, %dma_start3A_22] : memref<2x320xi32, #tpu.memory_space<vmem>> -> memref<1x320xi32, #tpu.memory_space<vmem>>
    %dma_start3A_24 = tpu.memref_squeeze %dma_start3A_23 : memref<1x320xi32, #tpu.memory_space<vmem>> -> memref<320xi32, #tpu.memory_space<vmem>>
    %dma_start3A_25 = tpu.memref_slice %arg5[%add3A_3] : memref<328000xi32, #tpu.memory_space<hbm>> -> memref<320xi32, #tpu.memory_space<hbm>>
    %dma_start3A_26 = arith.constant 0 : i32
    %dma_start3A_27 = tpu.memref_slice %arg10[%dma_start3A_21, %dma_start3A_26] : memref<2x320xi32, #tpu.memory_space<vmem>> -> memref<1x320xi32, #tpu.memory_space<vmem>>
    %dma_start3A_28 = tpu.memref_squeeze %dma_start3A_27 : memref<1x320xi32, #tpu.memory_space<vmem>> -> memref<320xi32, #tpu.memory_space<vmem>>
    %dma_start3A_29 = tpu.memref_slice %arg5[%add3A_3] : memref<328000xi32, #tpu.memory_space<hbm>> -> memref<320xi32, #tpu.memory_space<hbm>>
    tpu.enqueue_dma source(%dma_start3A_29 : memref<320xi32, #tpu.memory_space<hbm>>) target(%dma_start3A_28 : memref<320xi32, #tpu.memory_space<vmem>>) target_semaphore(%arg17 : memref<!tpu.dma_semaphore, #tpu.memory_space<semaphore_mem>>)
    %scan3A = arith.constant 0 : i32
    %scan3A_30 = arith.constant 0 : i32
    %scan3A_31 = arith.constant 32 : i32
    %scan3A_32 = arith.addi %scan3A_30, %scan3A_31 : i32
    %scan3A_33 = arith.constant 1 : i32
    scf.for %scan3A_70 = %scan3A_30 to %scan3A_32 step %scan3A_33  : i32 {
      %mul3A_71 = arith.constant 2 : i32
      %mul3A_72 = arith.muli %mul3A_71, %scan3A_70 : i32
      %dma_wait3A_73 = arith.constant 0 : i32
      %dma_wait3A_74 = arith.constant 0 : i32
      %dma_wait3A_75 = tpu.memref_slice %arg8[%dma_wait3A_73, %dma_wait3A_74] : memref<2x320xi32, #tpu.memory_space<vmem>> -> memref<1x320xi32, #tpu.memory_space<vmem>>
      %dma_wait3A_76 = tpu.memref_squeeze %dma_wait3A_75 : memref<1x320xi32, #tpu.memory_space<vmem>> -> memref<320xi32, #tpu.memory_space<vmem>>
      %dma_wait3A_77 = arith.constant 0 : i32
      %dma_wait3A_78 = tpu.memref_slice %arg3[%dma_wait3A_77] : memref<328000xi32, #tpu.memory_space<hbm>> -> memref<320xi32, #tpu.memory_space<hbm>>
      %dma_wait3A_79 = arith.constant 0 : i32
      %dma_wait3A_80 = tpu.memref_slice %arg8[%dma_wait3A_73, %dma_wait3A_79] : memref<2x320xi32, #tpu.memory_space<vmem>> -> memref<1x320xi32, #tpu.memory_space<vmem>>
      %dma_wait3A_81 = tpu.memref_squeeze %dma_wait3A_80 : memref<1x320xi32, #tpu.memory_space<vmem>> -> memref<320xi32, #tpu.memory_space<vmem>>
      %dma_wait3A_82 = arith.constant 0 : i32
      %dma_wait3A_83 = tpu.memref_slice %arg3[%dma_wait3A_82] : memref<328000xi32, #tpu.memory_space<hbm>> -> memref<320xi32, #tpu.memory_space<hbm>>
      tpu.wait_dma2 semaphore(%arg17 : memref<!tpu.dma_semaphore, #tpu.memory_space<semaphore_mem>>) src(%dma_wait3A_83 : memref<320xi32, #tpu.memory_space<hbm>>) dst(%dma_wait3A_81 : memref<320xi32, #tpu.memory_space<vmem>>)
      %dma_wait3A_84 = arith.constant 0 : i32
      %dma_wait3A_85 = arith.constant 0 : i32
      %dma_wait3A_86 = tpu.memref_slice %arg9[%dma_wait3A_84, %dma_wait3A_85] : memref<2x320xi32, #tpu.memory_space<vmem>> -> memref<1x320xi32, #tpu.memory_space<vmem>>
      %dma_wait3A_87 = tpu.memref_squeeze %dma_wait3A_86 : memref<1x320xi32, #tpu.memory_space<vmem>> -> memref<320xi32, #tpu.memory_space<vmem>>
      %dma_wait3A_88 = arith.constant 0 : i32
      %dma_wait3A_89 = tpu.memref_slice %arg3[%dma_wait3A_88] : memref<328000xi32, #tpu.memory_space<hbm>> -> memref<320xi32, #tpu.memory_space<hbm>>
      %dma_wait3A_90 = arith.constant 0 : i32
      %dma_wait3A_91 = tpu.memref_slice %arg9[%dma_wait3A_84, %dma_wait3A_90] : memref<2x320xi32, #tpu.memory_space<vmem>> -> memref<1x320xi32, #tpu.memory_space<vmem>>
      %dma_wait3A_92 = tpu.memref_squeeze %dma_wait3A_91 : memref<1x320xi32, #tpu.memory_space<vmem>> -> memref<320xi32, #tpu.memory_space<vmem>>
      %dma_wait3A_93 = arith.constant 0 : i32
      %dma_wait3A_94 = tpu.memref_slice %arg3[%dma_wait3A_93] : memref<328000xi32, #tpu.memory_space<hbm>> -> memref<320xi32, #tpu.memory_space<hbm>>
      tpu.wait_dma2 semaphore(%arg17 : memref<!tpu.dma_semaphore, #tpu.memory_space<semaphore_mem>>) src(%dma_wait3A_94 : memref<320xi32, #tpu.memory_space<hbm>>) dst(%dma_wait3A_92 : memref<320xi32, #tpu.memory_space<vmem>>)
      %dma_wait3A_95 = arith.constant 0 : i32
      %dma_wait3A_96 = arith.constant 0 : i32
      %dma_wait3A_97 = tpu.memref_slice %arg10[%dma_wait3A_95, %dma_wait3A_96] : memref<2x320xi32, #tpu.memory_space<vmem>> -> memref<1x320xi32, #tpu.memory_space<vmem>>
      %dma_wait3A_98 = tpu.memref_squeeze %dma_wait3A_97 : memref<1x320xi32, #tpu.memory_space<vmem>> -> memref<320xi32, #tpu.memory_space<vmem>>
      %dma_wait3A_99 = arith.constant 0 : i32
      %dma_wait3A_100 = tpu.memref_slice %arg3[%dma_wait3A_99] : memref<328000xi32, #tpu.memory_space<hbm>> -> memref<320xi32, #tpu.memory_space<hbm>>
      %dma_wait3A_101 = arith.constant 0 : i32
      %dma_wait3A_102 = tpu.memref_slice %arg10[%dma_wait3A_95, %dma_wait3A_101] : memref<2x320xi32, #tpu.memory_space<vmem>> -> memref<1x320xi32, #tpu.memory_space<vmem>>
      %dma_wait3A_103 = tpu.memref_squeeze %dma_wait3A_102 : memref<1x320xi32, #tpu.memory_space<vmem>> -> memref<320xi32, #tpu.memory_space<vmem>>
      %dma_wait3A_104 = arith.constant 0 : i32
      %dma_wait3A_105 = tpu.memref_slice %arg3[%dma_wait3A_104] : memref<328000xi32, #tpu.memory_space<hbm>> -> memref<320xi32, #tpu.memory_space<hbm>>
      tpu.wait_dma2 semaphore(%arg17 : memref<!tpu.dma_semaphore, #tpu.memory_space<semaphore_mem>>) src(%dma_wait3A_105 : memref<320xi32, #tpu.memory_space<hbm>>) dst(%dma_wait3A_103 : memref<320xi32, #tpu.memory_space<vmem>>)
      %add3A_106 = arith.constant 1 : i32
      %add3A_107 = arith.addi %mul3A_72, %add3A_106 : i32
      %mul3A_108 = arith.constant 20480 : i32
      %mul3A_109 = arith.muli %arg1, %mul3A_108 : i32
      %mul3A_110 = arith.constant 320 : i32
      %mul3A_111 = arith.muli %add3A_107, %mul3A_110 : i32
      %add3A_112 = arith.addi %mul3A_109, %mul3A_111 : i32
      %dma_start3A_113 = arith.constant 1 : i32
      %dma_start3A_114 = arith.constant 0 : i32
      %dma_start3A_115 = tpu.memref_slice %arg8[%dma_start3A_113, %dma_start3A_114] : memref<2x320xi32, #tpu.memory_space<vmem>> -> memref<1x320xi32, #tpu.memory_space<vmem>>
      %dma_start3A_116 = tpu.memref_squeeze %dma_start3A_115 : memref<1x320xi32, #tpu.memory_space<vmem>> -> memref<320xi32, #tpu.memory_space<vmem>>
      %dma_start3A_117 = tpu.memref_slice %arg3[%add3A_112] : memref<328000xi32, #tpu.memory_space<hbm>> -> memref<320xi32, #tpu.memory_space<hbm>>
      %dma_start3A_118 = arith.constant 0 : i32
      %dma_start3A_119 = tpu.memref_slice %arg8[%dma_start3A_113, %dma_start3A_118] : memref<2x320xi32, #tpu.memory_space<vmem>> -> memref<1x320xi32, #tpu.memory_space<vmem>>
      %dma_start3A_120 = tpu.memref_squeeze %dma_start3A_119 : memref<1x320xi32, #tpu.memory_space<vmem>> -> memref<320xi32, #tpu.memory_space<vmem>>
      %dma_start3A_121 = tpu.memref_slice %arg3[%add3A_112] : memref<328000xi32, #tpu.memory_space<hbm>> -> memref<320xi32, #tpu.memory_space<hbm>>
      tpu.enqueue_dma source(%dma_start3A_121 : memref<320xi32, #tpu.memory_space<hbm>>) target(%dma_start3A_120 : memref<320xi32, #tpu.memory_space<vmem>>) target_semaphore(%arg18 : memref<!tpu.dma_semaphore, #tpu.memory_space<semaphore_mem>>)
      %dma_start3A_122 = arith.constant 1 : i32
      %dma_start3A_123 = arith.constant 0 : i32
      %dma_start3A_124 = tpu.memref_slice %arg9[%dma_start3A_122, %dma_start3A_123] : memref<2x320xi32, #tpu.memory_space<vmem>> -> memref<1x320xi32, #tpu.memory_space<vmem>>
      %dma_start3A_125 = tpu.memref_squeeze %dma_start3A_124 : memref<1x320xi32, #tpu.memory_space<vmem>> -> memref<320xi32, #tpu.memory_space<vmem>>
      %dma_start3A_126 = tpu.memref_slice %arg4[%add3A_112] : memref<328000xi32, #tpu.memory_space<hbm>> -> memref<320xi32, #tpu.memory_space<hbm>>
      %dma_start3A_127 = arith.constant 0 : i32
      %dma_start3A_128 = tpu.memref_slice %arg9[%dma_start3A_122, %dma_start3A_127] : memref<2x320xi32, #tpu.memory_space<vmem>> -> memref<1x320xi32, #tpu.memory_space<vmem>>
      %dma_start3A_129 = tpu.memref_squeeze %dma_start3A_128 : memref<1x320xi32, #tpu.memory_space<vmem>> -> memref<320xi32, #tpu.memory_space<vmem>>
      %dma_start3A_130 = tpu.memref_slice %arg4[%add3A_112] : memref<328000xi32, #tpu.memory_space<hbm>> -> memref<320xi32, #tpu.memory_space<hbm>>
      tpu.enqueue_dma source(%dma_start3A_130 : memref<320xi32, #tpu.memory_space<hbm>>) target(%dma_start3A_129 : memref<320xi32, #tpu.memory_space<vmem>>) target_semaphore(%arg18 : memref<!tpu.dma_semaphore, #tpu.memory_space<semaphore_mem>>)
      %dma_start3A_131 = arith.constant 1 : i32
      %dma_start3A_132 = arith.constant 0 : i32
      %dma_start3A_133 = tpu.memref_slice %arg10[%dma_start3A_131, %dma_start3A_132] : memref<2x320xi32, #tpu.memory_space<vmem>> -> memref<1x320xi32, #tpu.memory_space<vmem>>
      %dma_start3A_134 = tpu.memref_squeeze %dma_start3A_133 : memref<1x320xi32, #tpu.memory_space<vmem>> -> memref<320xi32, #tpu.memory_space<vmem>>
      %dma_start3A_135 = tpu.memref_slice %arg5[%add3A_112] : memref<328000xi32, #tpu.memory_space<hbm>> -> memref<320xi32, #tpu.memory_space<hbm>>
      %dma_start3A_136 = arith.constant 0 : i32
      %dma_start3A_137 = tpu.memref_slice %arg10[%dma_start3A_131, %dma_start3A_136] : memref<2x320xi32, #tpu.memory_space<vmem>> -> memref<1x320xi32, #tpu.memory_space<vmem>>
      %dma_start3A_138 = tpu.memref_squeeze %dma_start3A_137 : memref<1x320xi32, #tpu.memory_space<vmem>> -> memref<320xi32, #tpu.memory_space<vmem>>
      %dma_start3A_139 = tpu.memref_slice %arg5[%add3A_112] : memref<328000xi32, #tpu.memory_space<hbm>> -> memref<320xi32, #tpu.memory_space<hbm>>
      tpu.enqueue_dma source(%dma_start3A_139 : memref<320xi32, #tpu.memory_space<hbm>>) target(%dma_start3A_138 : memref<320xi32, #tpu.memory_space<vmem>>) target_semaphore(%arg18 : memref<!tpu.dma_semaphore, #tpu.memory_space<semaphore_mem>>)
      %get3A = arith.constant 0 : i32
      %get3A_140 = arith.index_cast %get3A : i32 to index
      %get3A_141 = arith.constant 0 : index
      %get3A_142 = tpu.vector_load %arg10[%get3A_140, %get3A_141] {strides = array<i32>} : memref<2x320xi32, #tpu.memory_space<vmem>>, vector<1x16xi32>,
      %get3A_143 = vector.shape_cast %get3A_142 : vector<1x16xi32> to vector<16xi32>
      %mul3A_144 = arith.constant 10000 : i32
      %mul3A_145 = vector.broadcast %mul3A_144 : i32 to vector<16xi32>
      %mul3A_146 = arith.muli %get3A_143, %mul3A_145 : vector<16xi32>
      %get3A_147 = arith.constant 0 : i32
      %get3A_148 = arith.index_cast %get3A_147 : i32 to index
      %get3A_149 = arith.constant 0 : index
      %get3A_150 = tpu.vector_load %arg8[%get3A_148, %get3A_149] {strides = array<i32>} : memref<2x320xi32, #tpu.memory_space<vmem>>, vector<1x16xi32>,
      %get3A_151 = vector.shape_cast %get3A_150 : vector<1x16xi32> to vector<16xi32>
      %add3A_152 = arith.addi %mul3A_146, %get3A_151 : vector<16xi32>
      %mul3A_153 = arith.constant 2 : i32
      %mul3A_154 = vector.broadcast %mul3A_153 : i32 to vector<16xi32>
      %mul3A_155 = arith.muli %add3A_152, %mul3A_154 : vector<16xi32>
      %add3A_156 = vector.broadcast %arg0 : i32 to vector<16xi32>
      %add3A_157 = arith.addi %mul3A_155, %add3A_156 : vector<16xi32>
      %swap3A = arith.constant 0 : index
      %swap3A_158 = tpu.vector_load %arg11[%swap3A] {strides = array<i32>} : memref<64xi32, #tpu.memory_space<vmem>>, vector<16xi32>,
      %swap3A_159 = vector.shape_cast %swap3A_158 : vector<16xi32> to vector<16xi32>
      %swap3A_160 = vector.shape_cast %add3A_157 : vector<16xi32> to vector<16xi32>
      tpu.vector_store %arg11[%swap3A], %swap3A_160 {strides = array<i32>} : memref<64xi32, #tpu.memory_space<vmem>>, vector<16xi32>,
      %mul3A_161 = arith.constant 10000 : i32
      %mul3A_162 = vector.broadcast %mul3A_161 : i32 to vector<16xi32>
      %mul3A_163 = arith.muli %get3A_143, %mul3A_162 : vector<16xi32>
      %get3A_164 = arith.constant 0 : i32
      %get3A_165 = arith.index_cast %get3A_164 : i32 to index
      %get3A_166 = arith.constant 0 : index
      %get3A_167 = tpu.vector_load %arg9[%get3A_165, %get3A_166] {strides = array<i32>} : memref<2x320xi32, #tpu.memory_space<vmem>>, vector<1x16xi32>,
      %get3A_168 = vector.shape_cast %get3A_167 : vector<1x16xi32> to vector<16xi32>
      %add3A_169 = arith.addi %mul3A_163, %get3A_168 : vector<16xi32>
      %swap3A_170 = arith.constant 0 : index
      %swap3A_171 = tpu.vector_load %arg13[%swap3A_170] {strides = array<i32>} : memref<64xi32, #tpu.memory_space<vmem>>, vector<16xi32>,
      %swap3A_172 = vector.shape_cast %swap3A_171 : vector<16xi32> to vector<16xi32>
      %swap3A_173 = vector.shape_cast %add3A_169 : vector<16xi32> to vector<16xi32>
      tpu.vector_store %arg13[%swap3A_170], %swap3A_173 {strides = array<i32>} : memref<64xi32, #tpu.memory_space<vmem>>, vector<16xi32>,
      %get3A_174 = arith.constant 0 : i32
      %get3A_175 = arith.index_cast %get3A_174 : i32 to index
      %get3A_176 = arith.constant 16 : index
      %get3A_177 = tpu.vector_load %arg10[%get3A_175, %get3A_176] {strides = array<i32>} : memref<2x320xi32, #tpu.memory_space<vmem>>, vector<1x16xi32>,
      %get3A_178 = vector.shape_cast %get3A_177 : vector<1x16xi32> to vector<16xi32>
      %mul3A_179 = arith.constant 10000 : i32
      %mul3A_180 = vector.broadcast %mul3A_179 : i32 to vector<16xi32>
      %mul3A_181 = arith.muli %get3A_178, %mul3A_180 : vector<16xi32>
      %get3A_182 = arith.constant 0 : i32
      %get3A_183 = arith.index_cast %get3A_182 : i32 to index
      %get3A_184 = arith.constant 16 : index
      %get3A_185 = tpu.vector_load %arg8[%get3A_183, %get3A_184] {strides = array<i32>} : memref<2x320xi32, #tpu.memory_space<vmem>>, vector<1x16xi32>,
      %get3A_186 = vector.shape_cast %get3A_185 : vector<1x16xi32> to vector<16xi32>
      %add3A_187 = arith.addi %mul3A_181, %get3A_186 : vector<16xi32>
      %mul3A_188 = arith.constant 2 : i32
      %mul3A_189 = vector.broadcast %mul3A_188 : i32 to vector<16xi32>
      %mul3A_190 = arith.muli %add3A_187, %mul3A_189 : vector<16xi32>
      %add3A_191 = vector.broadcast %arg0 : i32 to vector<16xi32>
      %add3A_192 = arith.addi %mul3A_190, %add3A_191 : vector<16xi32>
      %swap3A_193 = arith.constant 16 : index
      %swap3A_194 = tpu.vector_load %arg11[%swap3A_193] {strides = array<i32>} : memref<64xi32, #tpu.memory_space<vmem>>, vector<16xi32>,
      %swap3A_195 = vector.shape_cast %swap3A_194 : vector<16xi32> to vector<16xi32>
      %swap3A_196 = vector.shape_cast %add3A_192 : vector<16xi32> to vector<16xi32>
      tpu.vector_store %arg11[%swap3A_193], %swap3A_196 {strides = array<i32>} : memref<64xi32, #tpu.memory_space<vmem>>, vector<16xi32>,
      %mul3A_197 = arith.constant 10000 : i32
      %mul3A_198 = vector.broadcast %mul3A_197 : i32 to vector<16xi32>
      %mul3A_199 = arith.muli %get3A_178, %mul3A_198 : vector<16xi32>
      %get3A_200 = arith.constant 0 : i32
      %get3A_201 = arith.index_cast %get3A_200 : i32 to index
      %get3A_202 = arith.constant 16 : index
      %get3A_203 = tpu.vector_load %arg9[%get3A_201, %get3A_202] {strides = array<i32>} : memref<2x320xi32, #tpu.memory_space<vmem>>, vector<1x16xi32>,
      %get3A_204 = vector.shape_cast %get3A_203 : vector<1x16xi32> to vector<16xi32>
      %add3A_205 = arith.addi %mul3A_199, %get3A_204 : vector<16xi32>
      %swap3A_206 = arith.constant 16 : index
      %swap3A_207 = tpu.vector_load %arg13[%swap3A_206] {strides = array<i32>} : memref<64xi32, #tpu.memory_space<vmem>>, vector<16xi32>,
      %swap3A_208 = vector.shape_cast %swap3A_207 : vector<16xi32> to vector<16xi32>
      %swap3A_209 = vector.shape_cast %add3A_205 : vector<16xi32> to vector<16xi32>
      tpu.vector_store %arg13[%swap3A_206], %swap3A_209 {strides = array<i32>} : memref<64xi32, #tpu.memory_space<vmem>>, vector<16xi32>,
      %get3A_210 = arith.constant 0 : i32
      %get3A_211 = arith.index_cast %get3A_210 : i32 to index
      %get3A_212 = arith.constant 32 : index
      %get3A_213 = tpu.vector_load %arg10[%get3A_211, %get3A_212] {strides = array<i32>} : memref<2x320xi32, #tpu.memory_space<vmem>>, vector<1x16xi32>,
      %get3A_214 = vector.shape_cast %get3A_213 : vector<1x16xi32> to vector<16xi32>
      %mul3A_215 = arith.constant 10000 : i32
      %mul3A_216 = vector.broadcast %mul3A_215 : i32 to vector<16xi32>
      %mul3A_217 = arith.muli %get3A_214, %mul3A_216 : vector<16xi32>
      %get3A_218 = arith.constant 0 : i32
      %get3A_219 = arith.index_cast %get3A_218 : i32 to index
      %get3A_220 = arith.constant 32 : index
      %get3A_221 = tpu.vector_load %arg8[%get3A_219, %get3A_220] {strides = array<i32>} : memref<2x320xi32, #tpu.memory_space<vmem>>, vector<1x16xi32>,
      %get3A_222 = vector.shape_cast %get3A_221 : vector<1x16xi32> to vector<16xi32>
      %add3A_223 = arith.addi %mul3A_217, %get3A_222 : vector<16xi32>
      %mul3A_224 = arith.constant 2 : i32
      %mul3A_225 = vector.broadcast %mul3A_224 : i32 to vector<16xi32>
      %mul3A_226 = arith.muli %add3A_223, %mul3A_225 : vector<16xi32>
      %add3A_227 = vector.broadcast %arg0 : i32 to vector<16xi32>
      %add3A_228 = arith.addi %mul3A_226, %add3A_227 : vector<16xi32>
      %swap3A_229 = arith.constant 32 : index
      %swap3A_230 = tpu.vector_load %arg11[%swap3A_229] {strides = array<i32>} : memref<64xi32, #tpu.memory_space<vmem>>, vector<16xi32>,
      %swap3A_231 = vector.shape_cast %swap3A_230 : vector<16xi32> to vector<16xi32>
      %swap3A_232 = vector.shape_cast %add3A_228 : vector<16xi32> to vector<16xi32>
      tpu.vector_store %arg11[%swap3A_229], %swap3A_232 {strides = array<i32>} : memref<64xi32, #tpu.memory_space<vmem>>, vector<16xi32>,
      %mul3A_233 = arith.constant 10000 : i32
      %mul3A_234 = vector.broadcast %mul3A_233 : i32 to vector<16xi32>
      %mul3A_235 = arith.muli %get3A_214, %mul3A_234 : vector<16xi32>
      %get3A_236 = arith.constant 0 : i32
      %get3A_237 = arith.index_cast %get3A_236 : i32 to index
      %get3A_238 = arith.constant 32 : index
      %get3A_239 = tpu.vector_load %arg9[%get3A_237, %get3A_238] {strides = array<i32>} : memref<2x320xi32, #tpu.memory_space<vmem>>, vector<1x16xi32>,
      %get3A_240 = vector.shape_cast %get3A_239 : vector<1x16xi32> to vector<16xi32>
      %add3A_241 = arith.addi %mul3A_235, %get3A_240 : vector<16xi32>
      %swap3A_242 = arith.constant 32 : index
      %swap3A_243 = tpu.vector_load %arg13[%swap3A_242] {strides = array<i32>} : memref<64xi32, #tpu.memory_space<vmem>>, vector<16xi32>,
      %swap3A_244 = vector.shape_cast %swap3A_243 : vector<16xi32> to vector<16xi32>
      %swap3A_245 = vector.shape_cast %add3A_241 : vector<16xi32> to vector<16xi32>
      tpu.vector_store %arg13[%swap3A_242], %swap3A_245 {strides = array<i32>} : memref<64xi32, #tpu.memory_space<vmem>>, vector<16xi32>,
      %get3A_246 = arith.constant 0 : i32
      %get3A_247 = arith.index_cast %get3A_246 : i32 to index
      %get3A_248 = arith.constant 48 : index
      %get3A_249 = tpu.vector_load %arg10[%get3A_247, %get3A_248] {strides = array<i32>} : memref<2x320xi32, #tpu.memory_space<vmem>>, vector<1x16xi32>,
      %get3A_250 = vector.shape_cast %get3A_249 : vector<1x16xi32> to vector<16xi32>
      %mul3A_251 = arith.constant 10000 : i32
      %mul3A_252 = vector.broadcast %mul3A_251 : i32 to vector<16xi32>
      %mul3A_253 = arith.muli %get3A_250, %mul3A_252 : vector<16xi32>
      %get3A_254 = arith.constant 0 : i32
      %get3A_255 = arith.index_cast %get3A_254 : i32 to index
      %get3A_256 = arith.constant 48 : index
      %get3A_257 = tpu.vector_load %arg8[%get3A_255, %get3A_256] {strides = array<i32>} : memref<2x320xi32, #tpu.memory_space<vmem>>, vector<1x16xi32>,
      %get3A_258 = vector.shape_cast %get3A_257 : vector<1x16xi32> to vector<16xi32>
      %add3A_259 = arith.addi %mul3A_253, %get3A_258 : vector<16xi32>
      %mul3A_260 = arith.constant 2 : i32
      %mul3A_261 = vector.broadcast %mul3A_260 : i32 to vector<16xi32>
      %mul3A_262 = arith.muli %add3A_259, %mul3A_261 : vector<16xi32>
      %add3A_263 = vector.broadcast %arg0 : i32 to vector<16xi32>
      %add3A_264 = arith.addi %mul3A_262, %add3A_263 : vector<16xi32>
      %swap3A_265 = arith.constant 48 : index
      %swap3A_266 = tpu.vector_load %arg11[%swap3A_265] {strides = array<i32>} : memref<64xi32, #tpu.memory_space<vmem>>, vector<16xi32>,
      %swap3A_267 = vector.shape_cast %swap3A_266 : vector<16xi32> to vector<16xi32>
      %swap3A_268 = vector.shape_cast %add3A_264 : vector<16xi32> to vector<16xi32>
      tpu.vector_store %arg11[%swap3A_265], %swap3A_268 {strides = array<i32>} : memref<64xi32, #tpu.memory_space<vmem>>, vector<16xi32>,
      %mul3A_269 = arith.constant 10000 : i32
      %mul3A_270 = vector.broadcast %mul3A_269 : i32 to vector<16xi32>
      %mul3A_271 = arith.muli %get3A_250, %mul3A_270 : vector<16xi32>
      %get3A_272 = arith.constant 0 : i32
      %get3A_273 = arith.index_cast %get3A_272 : i32 to index
      %get3A_274 = arith.constant 48 : index
      %get3A_275 = tpu.vector_load %arg9[%get3A_273, %get3A_274] {strides = array<i32>} : memref<2x320xi32, #tpu.memory_space<vmem>>, vector<1x16xi32>,
      %get3A_276 = vector.shape_cast %get3A_275 : vector<1x16xi32> to vector<16xi32>
      %add3A_277 = arith.addi %mul3A_271, %get3A_276 : vector<16xi32>
      %swap3A_278 = arith.constant 48 : index
      %swap3A_279 = tpu.vector_load %arg13[%swap3A_278] {strides = array<i32>} : memref<64xi32, #tpu.memory_space<vmem>>, vector<16xi32>,
      %swap3A_280 = vector.shape_cast %swap3A_279 : vector<16xi32> to vector<16xi32>
      %swap3A_281 = vector.shape_cast %add3A_277 : vector<16xi32> to vector<16xi32>
      tpu.vector_store %arg13[%swap3A_278], %swap3A_281 {strides = array<i32>} : memref<64xi32, #tpu.memory_space<vmem>>, vector<16xi32>,
      %dma_start3A_282 = arith.constant 0 : i32
      %dma_start3A_283 = arith.constant 0 : i32
      %dma_start3A_284 = arith.constant 0 : i32
      %dma_start3A_285 = tpu.memref_slice %arg15[%dma_start3A_282, %dma_start3A_283, %dma_start3A_284] : memref<2x64x64xf32, #tpu.memory_space<vmem>> -> memref<1x64x64xf32, #tpu.memory_space<vmem>>
      %dma_start3A_286 = tpu.memref_squeeze %dma_start3A_285 : memref<1x64x64xf32, #tpu.memory_space<vmem>> -> memref<64x64xf32, #tpu.memory_space<vmem>>
      %dma_start3A_287 = arith.constant 0 : i32
      %dma_start3A_288 = arith.constant 0 : i32
      %dma_start3A_289 = tpu.memref_slice %arg2[%dma_start3A_287, %dma_start3A_288] : memref<60000x64xf32, #tpu.memory_space<hbm>> -> memref<60000x64xf32, #tpu.memory_space<hbm>>
      tpu.enqueue_indirect_dma source(%dma_start3A_289 : memref<60000x64xf32, #tpu.memory_space<hbm>>) target(%dma_start3A_286 : memref<64x64xf32, #tpu.memory_space<vmem>>) offsets(%arg11 : memref<64xi32, #tpu.memory_space<vmem>>) semaphore(%arg19 : memref<!tpu.dma_semaphore, #tpu.memory_space<semaphore_mem>>)
      %get3A_290 = arith.constant 0 : i32
      %get3A_291 = arith.index_cast %get3A_290 : i32 to index
      %get3A_292 = arith.constant 64 : index
      %get3A_293 = tpu.vector_load %arg10[%get3A_291, %get3A_292] {strides = array<i32>} : memref<2x320xi32, #tpu.memory_space<vmem>>, vector<1x16xi32>,
      %get3A_294 = vector.shape_cast %get3A_293 : vector<1x16xi32> to vector<16xi32>
      %mul3A_295 = arith.constant 10000 : i32
      %mul3A_296 = vector.broadcast %mul3A_295 : i32 to vector<16xi32>
      %mul3A_297 = arith.muli %get3A_294, %mul3A_296 : vector<16xi32>
      %get3A_298 = arith.constant 0 : i32
      %get3A_299 = arith.index_cast %get3A_298 : i32 to index
      %get3A_300 = arith.constant 64 : index
      %get3A_301 = tpu.vector_load %arg8[%get3A_299, %get3A_300] {strides = array<i32>} : memref<2x320xi32, #tpu.memory_space<vmem>>, vector<1x16xi32>,
      %get3A_302 = vector.shape_cast %get3A_301 : vector<1x16xi32> to vector<16xi32>
      %add3A_303 = arith.addi %mul3A_297, %get3A_302 : vector<16xi32>
      %mul3A_304 = arith.constant 2 : i32
      %mul3A_305 = vector.broadcast %mul3A_304 : i32 to vector<16xi32>
      %mul3A_306 = arith.muli %add3A_303, %mul3A_305 : vector<16xi32>
      %add3A_307 = vector.broadcast %arg0 : i32 to vector<16xi32>
      %add3A_308 = arith.addi %mul3A_306, %add3A_307 : vector<16xi32>
      %swap3A_309 = arith.constant 0 : index
      %swap3A_310 = tpu.vector_load %arg12[%swap3A_309] {strides = array<i32>} : memref<64xi32, #tpu.memory_space<vmem>>, vector<16xi32>,
      %swap3A_311 = vector.shape_cast %swap3A_310 : vector<16xi32> to vector<16xi32>
      %swap3A_312 = vector.shape_cast %add3A_308 : vector<16xi32> to vector<16xi32>
      tpu.vector_store %arg12[%swap3A_309], %swap3A_312 {strides = array<i32>} : memref<64xi32, #tpu.memory_space<vmem>>, vector<16xi32>,
      %mul3A_313 = arith.constant 10000 : i32
      %mul3A_314 = vector.broadcast %mul3A_313 : i32 to vector<16xi32>
      %mul3A_315 = arith.muli %get3A_294, %mul3A_314 : vector<16xi32>
      %get3A_316 = arith.constant 0 : i32
      %get3A_317 = arith.index_cast %get3A_316 : i32 to index
      %get3A_318 = arith.constant 64 : index
      %get3A_319 = tpu.vector_load %arg9[%get3A_317, %get3A_318] {strides = array<i32>} : memref<2x320xi32, #tpu.memory_space<vmem>>, vector<1x16xi32>,
      %get3A_320 = vector.shape_cast %get3A_319 : vector<1x16xi32> to vector<16xi32>
      %add3A_321 = arith.addi %mul3A_315, %get3A_320 : vector<16xi32>
      %swap3A_322 = arith.constant 0 : index
      %swap3A_323 = tpu.vector_load %arg14[%swap3A_322] {strides = array<i32>} : memref<64xi32, #tpu.memory_space<vmem>>, vector<16xi32>,
      %swap3A_324 = vector.shape_cast %swap3A_323 : vector<16xi32> to vector<16xi32>
      %swap3A_325 = vector.shape_cast %add3A_321 : vector<16xi32> to vector<16xi32>
      tpu.vector_store %arg14[%swap3A_322], %swap3A_325 {strides = array<i32>} : memref<64xi32, #tpu.memory_space<vmem>>, vector<16xi32>,
      %get3A_326 = arith.constant 0 : i32
      %get3A_327 = arith.index_cast %get3A_326 : i32 to index
      %get3A_328 = arith.constant 80 : index
      %get3A_329 = tpu.vector_load %arg10[%get3A_327, %get3A_328] {strides = array<i32>} : memref<2x320xi32, #tpu.memory_space<vmem>>, vector<1x16xi32>,
      %get3A_330 = vector.shape_cast %get3A_329 : vector<1x16xi32> to vector<16xi32>
      %mul3A_331 = arith.constant 10000 : i32
      %mul3A_332 = vector.broadcast %mul3A_331 : i32 to vector<16xi32>
      %mul3A_333 = arith.muli %get3A_330, %mul3A_332 : vector<16xi32>
      %get3A_334 = arith.constant 0 : i32
      %get3A_335 = arith.index_cast %get3A_334 : i32 to index
      %get3A_336 = arith.constant 80 : index
      %get3A_337 = tpu.vector_load %arg8[%get3A_335, %get3A_336] {strides = array<i32>} : memref<2x320xi32, #tpu.memory_space<vmem>>, vector<1x16xi32>,
      %get3A_338 = vector.shape_cast %get3A_337 : vector<1x16xi32> to vector<16xi32>
      %add3A_339 = arith.addi %mul3A_333, %get3A_338 : vector<16xi32>
      %mul3A_340 = arith.constant 2 : i32
      %mul3A_341 = vector.broadcast %mul3A_340 : i32 to vector<16xi32>
      %mul3A_342 = arith.muli %add3A_339, %mul3A_341 : vector<16xi32>
      %add3A_343 = vector.broadcast %arg0 : i32 to vector<16xi32>
      %add3A_344 = arith.addi %mul3A_342, %add3A_343 : vector<16xi32>
      %swap3A_345 = arith.constant 16 : index
      %swap3A_346 = tpu.vector_load %arg12[%swap3A_345] {strides = array<i32>} : memref<64xi32, #tpu.memory_space<vmem>>, vector<16xi32>,
      %swap3A_347 = vector.shape_cast %swap3A_346 : vector<16xi32> to vector<16xi32>
      %swap3A_348 = vector.shape_cast %add3A_344 : vector<16xi32> to vector<16xi32>
      tpu.vector_store %arg12[%swap3A_345], %swap3A_348 {strides = array<i32>} : memref<64xi32, #tpu.memory_space<vmem>>, vector<16xi32>,
      %mul3A_349 = arith.constant 10000 : i32
      %mul3A_350 = vector.broadcast %mul3A_349 : i32 to vector<16xi32>
      %mul3A_351 = arith.muli %get3A_330, %mul3A_350 : vector<16xi32>
      %get3A_352 = arith.constant 0 : i32
      %get3A_353 = arith.index_cast %get3A_352 : i32 to index
      %get3A_354 = arith.constant 80 : index
      %get3A_355 = tpu.vector_load %arg9[%get3A_353, %get3A_354] {strides = array<i32>} : memref<2x320xi32, #tpu.memory_space<vmem>>, vector<1x16xi32>,
      %get3A_356 = vector.shape_cast %get3A_355 : vector<1x16xi32> to vector<16xi32>
      %add3A_357 = arith.addi %mul3A_351, %get3A_356 : vector<16xi32>
      %swap3A_358 = arith.constant 16 : index
      %swap3A_359 = tpu.vector_load %arg14[%swap3A_358] {strides = array<i32>} : memref<64xi32, #tpu.memory_space<vmem>>, vector<16xi32>,
      %swap3A_360 = vector.shape_cast %swap3A_359 : vector<16xi32> to vector<16xi32>
      %swap3A_361 = vector.shape_cast %add3A_357 : vector<16xi32> to vector<16xi32>
      tpu.vector_store %arg14[%swap3A_358], %swap3A_361 {strides = array<i32>} : memref<64xi32, #tpu.memory_space<vmem>>, vector<16xi32>,
      %get3A_362 = arith.constant 0 : i32
      %get3A_363 = arith.index_cast %get3A_362 : i32 to index
      %get3A_364 = arith.constant 96 : index
      %get3A_365 = tpu.vector_load %arg10[%get3A_363, %get3A_364] {strides = array<i32>} : memref<2x320xi32, #tpu.memory_space<vmem>>, vector<1x16xi32>,
      %get3A_366 = vector.shape_cast %get3A_365 : vector<1x16xi32> to vector<16xi32>
      %mul3A_367 = arith.constant 10000 : i32
      %mul3A_368 = vector.broadcast %mul3A_367 : i32 to vector<16xi32>
      %mul3A_369 = arith.muli %get3A_366, %mul3A_368 : vector<16xi32>
      %get3A_370 = arith.constant 0 : i32
      %get3A_371 = arith.index_cast %get3A_370 : i32 to index
      %get3A_372 = arith.constant 96 : index
      %get3A_373 = tpu.vector_load %arg8[%get3A_371, %get3A_372] {strides = array<i32>} : memref<2x320xi32, #tpu.memory_space<vmem>>, vector<1x16xi32>,
      %get3A_374 = vector.shape_cast %get3A_373 : vector<1x16xi32> to vector<16xi32>
      %add3A_375 = arith.addi %mul3A_369, %get3A_374 : vector<16xi32>
      %mul3A_376 = arith.constant 2 : i32
      %mul3A_377 = vector.broadcast %mul3A_376 : i32 to vector<16xi32>
      %mul3A_378 = arith.muli %add3A_375, %mul3A_377 : vector<16xi32>
      %add3A_379 = vector.broadcast %arg0 : i32 to vector<16xi32>
      %add3A_380 = arith.addi %mul3A_378, %add3A_379 : vector<16xi32>
      %swap3A_381 = arith.constant 32 : index
      %swap3A_382 = tpu.vector_load %arg12[%swap3A_381] {strides = array<i32>} : memref<64xi32, #tpu.memory_space<vmem>>, vector<16xi32>,
      %swap3A_383 = vector.shape_cast %swap3A_382 : vector<16xi32> to vector<16xi32>
      %swap3A_384 = vector.shape_cast %add3A_380 : vector<16xi32> to vector<16xi32>
      tpu.vector_store %arg12[%swap3A_381], %swap3A_384 {strides = array<i32>} : memref<64xi32, #tpu.memory_space<vmem>>, vector<16xi32>,
      %mul3A_385 = arith.constant 10000 : i32
      %mul3A_386 = vector.broadcast %mul3A_385 : i32 to vector<16xi32>
      %mul3A_387 = arith.muli %get3A_366, %mul3A_386 : vector<16xi32>
      %get3A_388 = arith.constant 0 : i32
      %get3A_389 = arith.index_cast %get3A_388 : i32 to index
      %get3A_390 = arith.constant 96 : index
      %get3A_391 = tpu.vector_load %arg9[%get3A_389, %get3A_390] {strides = array<i32>} : memref<2x320xi32, #tpu.memory_space<vmem>>, vector<1x16xi32>,
      %get3A_392 = vector.shape_cast %get3A_391 : vector<1x16xi32> to vector<16xi32>
      %add3A_393 = arith.addi %mul3A_387, %get3A_392 : vector<16xi32>
      %swap3A_394 = arith.constant 32 : index
      %swap3A_395 = tpu.vector_load %arg14[%swap3A_394] {strides = array<i32>} : memref<64xi32, #tpu.memory_space<vmem>>, vector<16xi32>,
      %swap3A_396 = vector.shape_cast %swap3A_395 : vector<16xi32> to vector<16xi32>
      %swap3A_397 = vector.shape_cast %add3A_393 : vector<16xi32> to vector<16xi32>
      tpu.vector_store %arg14[%swap3A_394], %swap3A_397 {strides = array<i32>} : memref<64xi32, #tpu.memory_space<vmem>>, vector<16xi32>,
      %get3A_398 = arith.constant 0 : i32
      %get3A_399 = arith.index_cast %get3A_398 : i32 to index
      %get3A_400 = arith.constant 112 : index
      %get3A_401 = tpu.vector_load %arg10[%get3A_399, %get3A_400] {strides = array<i32>} : memref<2x320xi32, #tpu.memory_space<vmem>>, vector<1x16xi32>,
      %get3A_402 = vector.shape_cast %get3A_401 : vector<1x16xi32> to vector<16xi32>
      %mul3A_403 = arith.constant 10000 : i32
      %mul3A_404 = vector.broadcast %mul3A_403 : i32 to vector<16xi32>
      %mul3A_405 = arith.muli %get3A_402, %mul3A_404 : vector<16xi32>
      %get3A_406 = arith.constant 0 : i32
      %get3A_407 = arith.index_cast %get3A_406 : i32 to index
      %get3A_408 = arith.constant 112 : index
      %get3A_409 = tpu.vector_load %arg8[%get3A_407, %get3A_408] {strides = array<i32>} : memref<2x320xi32, #tpu.memory_space<vmem>>, vector<1x16xi32>,
      %get3A_410 = vector.shape_cast %get3A_409 : vector<1x16xi32> to vector<16xi32>
      %add3A_411 = arith.addi %mul3A_405, %get3A_410 : vector<16xi32>
      %mul3A_412 = arith.constant 2 : i32
      %mul3A_413 = vector.broadcast %mul3A_412 : i32 to vector<16xi32>
      %mul3A_414 = arith.muli %add3A_411, %mul3A_413 : vector<16xi32>
      %add3A_415 = vector.broadcast %arg0 : i32 to vector<16xi32>
      %add3A_416 = arith.addi %mul3A_414, %add3A_415 : vector<16xi32>
      %swap3A_417 = arith.constant 48 : index
      %swap3A_418 = tpu.vector_load %arg12[%swap3A_417] {strides = array<i32>} : memref<64xi32, #tpu.memory_space<vmem>>, vector<16xi32>,
      %swap3A_419 = vector.shape_cast %swap3A_418 : vector<16xi32> to vector<16xi32>
      %swap3A_420 = vector.shape_cast %add3A_416 : vector<16xi32> to vector<16xi32>
      tpu.vector_store %arg12[%swap3A_417], %swap3A_420 {strides = array<i32>} : memref<64xi32, #tpu.memory_space<vmem>>, vector<16xi32>,
      %mul3A_421 = arith.constant 10000 : i32
      %mul3A_422 = vector.broadcast %mul3A_421 : i32 to vector<16xi32>
      %mul3A_423 = arith.muli %get3A_402, %mul3A_422 : vector<16xi32>
      %get3A_424 = arith.constant 0 : i32
      %get3A_425 = arith.index_cast %get3A_424 : i32 to index
      %get3A_426 = arith.constant 112 : index
      %get3A_427 = tpu.vector_load %arg9[%get3A_425, %get3A_426] {strides = array<i32>} : memref<2x320xi32, #tpu.memory_space<vmem>>, vector<1x16xi32>,
      %get3A_428 = vector.shape_cast %get3A_427 : vector<1x16xi32> to vector<16xi32>
      %add3A_429 = arith.addi %mul3A_423, %get3A_428 : vector<16xi32>
      %swap3A_430 = arith.constant 48 : index
      %swap3A_431 = tpu.vector_load %arg14[%swap3A_430] {strides = array<i32>} : memref<64xi32, #tpu.memory_space<vmem>>, vector<16xi32>,
      %swap3A_432 = vector.shape_cast %swap3A_431 : vector<16xi32> to vector<16xi32>
      %swap3A_433 = vector.shape_cast %add3A_429 : vector<16xi32> to vector<16xi32>
      tpu.vector_store %arg14[%swap3A_430], %swap3A_433 {strides = array<i32>} : memref<64xi32, #tpu.memory_space<vmem>>, vector<16xi32>,
      %dma_wait3A_434 = arith.constant 0 : i32
      %dma_wait3A_435 = arith.constant 0 : i32
      %dma_wait3A_436 = arith.constant 0 : i32
      %dma_wait3A_437 = tpu.memref_slice %arg15[%dma_wait3A_434, %dma_wait3A_435, %dma_wait3A_436] : memref<2x64x64xf32, #tpu.memory_space<vmem>> -> memref<1x64x64xf32, #tpu.memory_space<vmem>>
      %dma_wait3A_438 = tpu.memref_squeeze %dma_wait3A_437 : memref<1x64x64xf32, #tpu.memory_space<vmem>> -> memref<64x64xf32, #tpu.memory_space<vmem>>
      %dma_wait3A_439 = arith.constant 0 : i32
      %dma_wait3A_440 = arith.constant 0 : i32
      %dma_wait3A_441 = tpu.memref_slice %arg2[%dma_wait3A_439, %dma_wait3A_440] : memref<60000x64xf32, #tpu.memory_space<hbm>> -> memref<60000x64xf32, #tpu.memory_space<hbm>>
      tpu.wait_indirect_dma semaphore(%arg19 : memref<!tpu.dma_semaphore, #tpu.memory_space<semaphore_mem>>) src(%dma_wait3A_441 : memref<60000x64xf32, #tpu.memory_space<hbm>>) dst(%dma_wait3A_438 : memref<64x64xf32, #tpu.memory_space<vmem>>)
      %dma_start3A_442 = arith.constant 0 : i32
      %dma_start3A_443 = arith.constant 0 : i32
      %dma_start3A_444 = arith.constant 0 : i32
      %dma_start3A_445 = tpu.memref_slice %arg15[%dma_start3A_442, %dma_start3A_443, %dma_start3A_444] : memref<2x64x64xf32, #tpu.memory_space<vmem>> -> memref<1x64x64xf32, #tpu.memory_space<vmem>>
      %dma_start3A_446 = tpu.memref_squeeze %dma_start3A_445 : memref<1x64x64xf32, #tpu.memory_space<vmem>> -> memref<64x64xf32, #tpu.memory_space<vmem>>
      %dma_start3A_447 = arith.constant 0 : i32
      %dma_start3A_448 = arith.constant 0 : i32
      %dma_start3A_449 = tpu.memref_slice %arg16[%dma_start3A_447, %dma_start3A_448] : memref<30016x64xf32, #tpu.memory_space<vmem_shared>> -> memref<30016x64xf32, #tpu.memory_space<vmem_shared>>
      tpu.enqueue_indirect_dma source(%dma_start3A_446 : memref<64x64xf32, #tpu.memory_space<vmem>>) target(%dma_start3A_449 : memref<30016x64xf32, #tpu.memory_space<vmem_shared>>) offsets(%arg13 : memref<64xi32, #tpu.memory_space<vmem>>) semaphore(%arg21 : memref<!tpu.dma_semaphore, #tpu.memory_space<semaphore_mem>>) {add = true}
      %dma_start3A_450 = arith.constant 1 : i32
      %dma_start3A_451 = arith.constant 0 : i32
      %dma_start3A_452 = arith.constant 0 : i32
      %dma_start3A_453 = tpu.memref_slice %arg15[%dma_start3A_450, %dma_start3A_451, %dma_start3A_452] : memref<2x64x64xf32, #tpu.memory_space<vmem>> -> memref<1x64x64xf32, #tpu.memory_space<vmem>>
      %dma_start3A_454 = tpu.memref_squeeze %dma_start3A_453 : memref<1x64x64xf32, #tpu.memory_space<vmem>> -> memref<64x64xf32, #tpu.memory_space<vmem>>
      %dma_start3A_455 = arith.constant 0 : i32
      %dma_start3A_456 = arith.constant 0 : i32
      %dma_start3A_457 = tpu.memref_slice %arg2[%dma_start3A_455, %dma_start3A_456] : memref<60000x64xf32, #tpu.memory_space<hbm>> -> memref<60000x64xf32, #tpu.memory_space<hbm>>
      tpu.enqueue_indirect_dma source(%dma_start3A_457 : memref<60000x64xf32, #tpu.memory_space<hbm>>) target(%dma_start3A_454 : memref<64x64xf32, #tpu.memory_space<vmem>>) offsets(%arg12 : memref<64xi32, #tpu.memory_space<vmem>>) semaphore(%arg20 : memref<!tpu.dma_semaphore, #tpu.memory_space<semaphore_mem>>)
      %dma_wait3A_458 = arith.constant 0 : i32
      %dma_wait3A_459 = arith.constant 0 : i32
      %dma_wait3A_460 = arith.constant 0 : i32
      %dma_wait3A_461 = tpu.memref_slice %arg15[%dma_wait3A_458, %dma_wait3A_459, %dma_wait3A_460] : memref<2x64x64xf32, #tpu.memory_space<vmem>> -> memref<1x64x64xf32, #tpu.memory_space<vmem>>
      %dma_wait3A_462 = tpu.memref_squeeze %dma_wait3A_461 : memref<1x64x64xf32, #tpu.memory_space<vmem>> -> memref<64x64xf32, #tpu.memory_space<vmem>>
      %dma_wait3A_463 = arith.constant 0 : i32
      %dma_wait3A_464 = arith.constant 0 : i32
      %dma_wait3A_465 = tpu.memref_slice %arg16[%dma_wait3A_463, %dma_wait3A_464] : memref<30016x64xf32, #tpu.memory_space<vmem_shared>> -> memref<30016x64xf32, #tpu.memory_space<vmem_shared>>
      tpu.wait_indirect_dma semaphore(%arg21 : memref<!tpu.dma_semaphore, #tpu.memory_space<semaphore_mem>>) src(%dma_wait3A_462 : memref<64x64xf32, #tpu.memory_space<vmem>>) dst(%dma_wait3A_465 : memref<30016x64xf32, #tpu.memory_space<vmem_shared>>)
      %get3A_466 = arith.constant 0 : i32
      %get3A_467 = arith.index_cast %get3A_466 : i32 to index
      %get3A_468 = arith.constant 128 : index
      %get3A_469 = tpu.vector_load %arg10[%get3A_467, %get3A_468] {strides = array<i32>} : memref<2x320xi32, #tpu.memory_space<vmem>>, vector<1x16xi32>,
      %get3A_470 = vector.shape_cast %get3A_469 : vector<1x16xi32> to vector<16xi32>
      %mul3A_471 = arith.constant 10000 : i32
      %mul3A_472 = vector.broadcast %mul3A_471 : i32 to vector<16xi32>
      %mul3A_473 = arith.muli %get3A_470, %mul3A_472 : vector<16xi32>
      %get3A_474 = arith.constant 0 : i32
      %get3A_475 = arith.index_cast %get3A_474 : i32 to index
      %get3A_476 = arith.constant 128 : index
      %get3A_477 = tpu.vector_load %arg8[%get3A_475, %get3A_476] {strides = array<i32>} : memref<2x320xi32, #tpu.memory_space<vmem>>, vector<1x16xi32>,
      %get3A_478 = vector.shape_cast %get3A_477 : vector<1x16xi32> to vector<16xi32>
      %add3A_479 = arith.addi %mul3A_473, %get3A_478 : vector<16xi32>
      %mul3A_480 = arith.constant 2 : i32
      %mul3A_481 = vector.broadcast %mul3A_480 : i32 to vector<16xi32>
      %mul3A_482 = arith.muli %add3A_479, %mul3A_481 : vector<16xi32>
      %add3A_483 = vector.broadcast %arg0 : i32 to vector<16xi32>
      %add3A_484 = arith.addi %mul3A_482, %add3A_483 : vector<16xi32>
      %swap3A_485 = arith.constant 0 : index
      %swap3A_486 = tpu.vector_load %arg11[%swap3A_485] {strides = array<i32>} : memref<64xi32, #tpu.memory_space<vmem>>, vector<16xi32>,
      %swap3A_487 = vector.shape_cast %swap3A_486 : vector<16xi32> to vector<16xi32>
      %swap3A_488 = vector.shape_cast %add3A_484 : vector<16xi32> to vector<16xi32>
      tpu.vector_store %arg11[%swap3A_485], %swap3A_488 {strides = array<i32>} : memref<64xi32, #tpu.memory_space<vmem>>, vector<16xi32>,
      %mul3A_489 = arith.constant 10000 : i32
      %mul3A_490 = vector.broadcast %mul3A_489 : i32 to vector<16xi32>
      %mul3A_491 = arith.muli %get3A_470, %mul3A_490 : vector<16xi32>
      %get3A_492 = arith.constant 0 : i32
      %get3A_493 = arith.index_cast %get3A_492 : i32 to index
      %get3A_494 = arith.constant 128 : index
      %get3A_495 = tpu.vector_load %arg9[%get3A_493, %get3A_494] {strides = array<i32>} : memref<2x320xi32, #tpu.memory_space<vmem>>, vector<1x16xi32>,
      %get3A_496 = vector.shape_cast %get3A_495 : vector<1x16xi32> to vector<16xi32>
      %add3A_497 = arith.addi %mul3A_491, %get3A_496 : vector<16xi32>
      %swap3A_498 = arith.constant 0 : index
      %swap3A_499 = tpu.vector_load %arg13[%swap3A_498] {strides = array<i32>} : memref<64xi32, #tpu.memory_space<vmem>>, vector<16xi32>,
      %swap3A_500 = vector.shape_cast %swap3A_499 : vector<16xi32> to vector<16xi32>
      %swap3A_501 = vector.shape_cast %add3A_497 : vector<16xi32> to vector<16xi32>
      tpu.vector_store %arg13[%swap3A_498], %swap3A_501 {strides = array<i32>} : memref<64xi32, #tpu.memory_space<vmem>>, vector<16xi32>,
      %get3A_502 = arith.constant 0 : i32
      %get3A_503 = arith.index_cast %get3A_502 : i32 to index
      %get3A_504 = arith.constant 144 : index
      %get3A_505 = tpu.vector_load %arg10[%get3A_503, %get3A_504] {strides = array<i32>} : memref<2x320xi32, #tpu.memory_space<vmem>>, vector<1x16xi32>,
      %get3A_506 = vector.shape_cast %get3A_505 : vector<1x16xi32> to vector<16xi32>
      %mul3A_507 = arith.constant 10000 : i32
      %mul3A_508 = vector.broadcast %mul3A_507 : i32 to vector<16xi32>
      %mul3A_509 = arith.muli %get3A_506, %mul3A_508 : vector<16xi32>
      %get3A_510 = arith.constant 0 : i32
      %get3A_511 = arith.index_cast %get3A_510 : i32 to index
      %get3A_512 = arith.constant 144 : index
      %get3A_513 = tpu.vector_load %arg8[%get3A_511, %get3A_512] {strides = array<i32>} : memref<2x320xi32, #tpu.memory_space<vmem>>, vector<1x16xi32>,
      %get3A_514 = vector.shape_cast %get3A_513 : vector<1x16xi32> to vector<16xi32>
      %add3A_515 = arith.addi %mul3A_509, %get3A_514 : vector<16xi32>
      %mul3A_516 = arith.constant 2 : i32
      %mul3A_517 = vector.broadcast %mul3A_516 : i32 to vector<16xi32>
      %mul3A_518 = arith.muli %add3A_515, %mul3A_517 : vector<16xi32>
      %add3A_519 = vector.broadcast %arg0 : i32 to vector<16xi32>
      %add3A_520 = arith.addi %mul3A_518, %add3A_519 : vector<16xi32>
      %swap3A_521 = arith.constant 16 : index
      %swap3A_522 = tpu.vector_load %arg11[%swap3A_521] {strides = array<i32>} : memref<64xi32, #tpu.memory_space<vmem>>, vector<16xi32>,
      %swap3A_523 = vector.shape_cast %swap3A_522 : vector<16xi32> to vector<16xi32>
      %swap3A_524 = vector.shape_cast %add3A_520 : vector<16xi32> to vector<16xi32>
      tpu.vector_store %arg11[%swap3A_521], %swap3A_524 {strides = array<i32>} : memref<64xi32, #tpu.memory_space<vmem>>, vector<16xi32>,
      %mul3A_525 = arith.constant 10000 : i32
      %mul3A_526 = vector.broadcast %mul3A_525 : i32 to vector<16xi32>
      %mul3A_527 = arith.muli %get3A_506, %mul3A_526 : vector<16xi32>
      %get3A_528 = arith.constant 0 : i32
      %get3A_529 = arith.index_cast %get3A_528 : i32 to index
      %get3A_530 = arith.constant 144 : index
      %get3A_531 = tpu.vector_load %arg9[%get3A_529, %get3A_530] {strides = array<i32>} : memref<2x320xi32, #tpu.memory_space<vmem>>, vector<1x16xi32>,
      %get3A_532 = vector.shape_cast %get3A_531 : vector<1x16xi32> to vector<16xi32>
      %add3A_533 = arith.addi %mul3A_527, %get3A_532 : vector<16xi32>
      %swap3A_534 = arith.constant 16 : index
      %swap3A_535 = tpu.vector_load %arg13[%swap3A_534] {strides = array<i32>} : memref<64xi32, #tpu.memory_space<vmem>>, vector<16xi32>,
      %swap3A_536 = vector.shape_cast %swap3A_535 : vector<16xi32> to vector<16xi32>
      %swap3A_537 = vector.shape_cast %add3A_533 : vector<16xi32> to vector<16xi32>
      tpu.vector_store %arg13[%swap3A_534], %swap3A_537 {strides = array<i32>} : memref<64xi32, #tpu.memory_space<vmem>>, vector<16xi32>,
      %get3A_538 = arith.constant 0 : i32
      %get3A_539 = arith.index_cast %get3A_538 : i32 to index
      %get3A_540 = arith.constant 160 : index
      %get3A_541 = tpu.vector_load %arg10[%get3A_539, %get3A_540] {strides = array<i32>} : memref<2x320xi32, #tpu.memory_space<vmem>>, vector<1x16xi32>,
      %get3A_542 = vector.shape_cast %get3A_541 : vector<1x16xi32> to vector<16xi32>
      %mul3A_543 = arith.constant 10000 : i32
      %mul3A_544 = vector.broadcast %mul3A_543 : i32 to vector<16xi32>
      %mul3A_545 = arith.muli %get3A_542, %mul3A_544 : vector<16xi32>
      %get3A_546 = arith.constant 0 : i32
      %get3A_547 = arith.index_cast %get3A_546 : i32 to index
      %get3A_548 = arith.constant 160 : index
      %get3A_549 = tpu.vector_load %arg8[%get3A_547, %get3A_548] {strides = array<i32>} : memref<2x320xi32, #tpu.memory_space<vmem>>, vector<1x16xi32>,
      %get3A_550 = vector.shape_cast %get3A_549 : vector<1x16xi32> to vector<16xi32>
      %add3A_551 = arith.addi %mul3A_545, %get3A_550 : vector<16xi32>
      %mul3A_552 = arith.constant 2 : i32
      %mul3A_553 = vector.broadcast %mul3A_552 : i32 to vector<16xi32>
      %mul3A_554 = arith.muli %add3A_551, %mul3A_553 : vector<16xi32>
      %add3A_555 = vector.broadcast %arg0 : i32 to vector<16xi32>
      %add3A_556 = arith.addi %mul3A_554, %add3A_555 : vector<16xi32>
      %swap3A_557 = arith.constant 32 : index
      %swap3A_558 = tpu.vector_load %arg11[%swap3A_557] {strides = array<i32>} : memref<64xi32, #tpu.memory_space<vmem>>, vector<16xi32>,
      %swap3A_559 = vector.shape_cast %swap3A_558 : vector<16xi32> to vector<16xi32>
      %swap3A_560 = vector.shape_cast %add3A_556 : vector<16xi32> to vector<16xi32>
      tpu.vector_store %arg11[%swap3A_557], %swap3A_560 {strides = array<i32>} : memref<64xi32, #tpu.memory_space<vmem>>, vector<16xi32>,
      %mul3A_561 = arith.constant 10000 : i32
      %mul3A_562 = vector.broadcast %mul3A_561 : i32 to vector<16xi32>
      %mul3A_563 = arith.muli %get3A_542, %mul3A_562 : vector<16xi32>
      %get3A_564 = arith.constant 0 : i32
      %get3A_565 = arith.index_cast %get3A_564 : i32 to index
      %get3A_566 = arith.constant 160 : index
      %get3A_567 = tpu.vector_load %arg9[%get3A_565, %get3A_566] {strides = array<i32>} : memref<2x320xi32, #tpu.memory_space<vmem>>, vector<1x16xi32>,
      %get3A_568 = vector.shape_cast %get3A_567 : vector<1x16xi32> to vector<16xi32>
      %add3A_569 = arith.addi %mul3A_563, %get3A_568 : vector<16xi32>
      %swap3A_570 = arith.constant 32 : index
      %swap3A_571 = tpu.vector_load %arg13[%swap3A_570] {strides = array<i32>} : memref<64xi32, #tpu.memory_space<vmem>>, vector<16xi32>,
      %swap3A_572 = vector.shape_cast %swap3A_571 : vector<16xi32> to vector<16xi32>
      %swap3A_573 = vector.shape_cast %add3A_569 : vector<16xi32> to vector<16xi32>
      tpu.vector_store %arg13[%swap3A_570], %swap3A_573 {strides = array<i32>} : memref<64xi32, #tpu.memory_space<vmem>>, vector<16xi32>,
      %get3A_574 = arith.constant 0 : i32
      %get3A_575 = arith.index_cast %get3A_574 : i32 to index
      %get3A_576 = arith.constant 176 : index
      %get3A_577 = tpu.vector_load %arg10[%get3A_575, %get3A_576] {strides = array<i32>} : memref<2x320xi32, #tpu.memory_space<vmem>>, vector<1x16xi32>,
      %get3A_578 = vector.shape_cast %get3A_577 : vector<1x16xi32> to vector<16xi32>
      %mul3A_579 = arith.constant 10000 : i32
      %mul3A_580 = vector.broadcast %mul3A_579 : i32 to vector<16xi32>
      %mul3A_581 = arith.muli %get3A_578, %mul3A_580 : vector<16xi32>
      %get3A_582 = arith.constant 0 : i32
      %get3A_583 = arith.index_cast %get3A_582 : i32 to index
      %get3A_584 = arith.constant 176 : index
      %get3A_585 = tpu.vector_load %arg8[%get3A_583, %get3A_584] {strides = array<i32>} : memref<2x320xi32, #tpu.memory_space<vmem>>, vector<1x16xi32>,
      %get3A_586 = vector.shape_cast %get3A_585 : vector<1x16xi32> to vector<16xi32>
      %add3A_587 = arith.addi %mul3A_581, %get3A_586 : vector<16xi32>
      %mul3A_588 = arith.constant 2 : i32
      %mul3A_589 = vector.broadcast %mul3A_588 : i32 to vector<16xi32>
      %mul3A_590 = arith.muli %add3A_587, %mul3A_589 : vector<16xi32>
      %add3A_591 = vector.broadcast %arg0 : i32 to vector<16xi32>
      %add3A_592 = arith.addi %mul3A_590, %add3A_591 : vector<16xi32>
      %swap3A_593 = arith.constant 48 : index
      %swap3A_594 = tpu.vector_load %arg11[%swap3A_593] {strides = array<i32>} : memref<64xi32, #tpu.memory_space<vmem>>, vector<16xi32>,
      %swap3A_595 = vector.shape_cast %swap3A_594 : vector<16xi32> to vector<16xi32>
      %swap3A_596 = vector.shape_cast %add3A_592 : vector<16xi32> to vector<16xi32>
      tpu.vector_store %arg11[%swap3A_593], %swap3A_596 {strides = array<i32>} : memref<64xi32, #tpu.memory_space<vmem>>, vector<16xi32>,
      %mul3A_597 = arith.constant 10000 : i32
      %mul3A_598 = vector.broadcast %mul3A_597 : i32 to vector<16xi32>
      %mul3A_599 = arith.muli %get3A_578, %mul3A_598 : vector<16xi32>
      %get3A_600 = arith.constant 0 : i32
      %get3A_601 = arith.index_cast %get3A_600 : i32 to index
      %get3A_602 = arith.constant 176 : index
      %get3A_603 = tpu.vector_load %arg9[%get3A_601, %get3A_602] {strides = array<i32>} : memref<2x320xi32, #tpu.memory_space<vmem>>, vector<1x16xi32>,
      %get3A_604 = vector.shape_cast %get3A_603 : vector<1x16xi32> to vector<16xi32>
      %add3A_605 = arith.addi %mul3A_599, %get3A_604 : vector<16xi32>
      %swap3A_606 = arith.constant 48 : index
      %swap3A_607 = tpu.vector_load %arg13[%swap3A_606] {strides = array<i32>} : memref<64xi32, #tpu.memory_space<vmem>>, vector<16xi32>,
      %swap3A_608 = vector.shape_cast %swap3A_607 : vector<16xi32> to vector<16xi32>
      %swap3A_609 = vector.shape_cast %add3A_605 : vector<16xi32> to vector<16xi32>
      tpu.vector_store %arg13[%swap3A_606], %swap3A_609 {strides = array<i32>} : memref<64xi32, #tpu.memory_space<vmem>>, vector<16xi32>,
      %dma_wait3A_610 = arith.constant 1 : i32
      %dma_wait3A_611 = arith.constant 0 : i32
      %dma_wait3A_612 = arith.constant 0 : i32
      %dma_wait3A_613 = tpu.memref_slice %arg15[%dma_wait3A_610, %dma_wait3A_611, %dma_wait3A_612] : memref<2x64x64xf32, #tpu.memory_space<vmem>> -> memref<1x64x64xf32, #tpu.memory_space<vmem>>
      %dma_wait3A_614 = tpu.memref_squeeze %dma_wait3A_613 : memref<1x64x64xf32, #tpu.memory_space<vmem>> -> memref<64x64xf32, #tpu.memory_space<vmem>>
      %dma_wait3A_615 = arith.constant 0 : i32
      %dma_wait3A_616 = arith.constant 0 : i32
      %dma_wait3A_617 = tpu.memref_slice %arg2[%dma_wait3A_615, %dma_wait3A_616] : memref<60000x64xf32, #tpu.memory_space<hbm>> -> memref<60000x64xf32, #tpu.memory_space<hbm>>
      tpu.wait_indirect_dma semaphore(%arg20 : memref<!tpu.dma_semaphore, #tpu.memory_space<semaphore_mem>>) src(%dma_wait3A_617 : memref<60000x64xf32, #tpu.memory_space<hbm>>) dst(%dma_wait3A_614 : memref<64x64xf32, #tpu.memory_space<vmem>>)
      %dma_start3A_618 = arith.constant 1 : i32
      %dma_start3A_619 = arith.constant 0 : i32
      %dma_start3A_620 = arith.constant 0 : i32
      %dma_start3A_621 = tpu.memref_slice %arg15[%dma_start3A_618, %dma_start3A_619, %dma_start3A_620] : memref<2x64x64xf32, #tpu.memory_space<vmem>> -> memref<1x64x64xf32, #tpu.memory_space<vmem>>
      %dma_start3A_622 = tpu.memref_squeeze %dma_start3A_621 : memref<1x64x64xf32, #tpu.memory_space<vmem>> -> memref<64x64xf32, #tpu.memory_space<vmem>>
      %dma_start3A_623 = arith.constant 0 : i32
      %dma_start3A_624 = arith.constant 0 : i32
      %dma_start3A_625 = tpu.memref_slice %arg16[%dma_start3A_623, %dma_start3A_624] : memref<30016x64xf32, #tpu.memory_space<vmem_shared>> -> memref<30016x64xf32, #tpu.memory_space<vmem_shared>>
      tpu.enqueue_indirect_dma source(%dma_start3A_622 : memref<64x64xf32, #tpu.memory_space<vmem>>) target(%dma_start3A_625 : memref<30016x64xf32, #tpu.memory_space<vmem_shared>>) offsets(%arg14 : memref<64xi32, #tpu.memory_space<vmem>>) semaphore(%arg22 : memref<!tpu.dma_semaphore, #tpu.memory_space<semaphore_mem>>) {add = true}
      %dma_start3A_626 = arith.constant 0 : i32
      %dma_start3A_627 = arith.constant 0 : i32
      %dma_start3A_628 = arith.constant 0 : i32
      %dma_start3A_629 = tpu.memref_slice %arg15[%dma_start3A_626, %dma_start3A_627, %dma_start3A_628] : memref<2x64x64xf32, #tpu.memory_space<vmem>> -> memref<1x64x64xf32, #tpu.memory_space<vmem>>
      %dma_start3A_630 = tpu.memref_squeeze %dma_start3A_629 : memref<1x64x64xf32, #tpu.memory_space<vmem>> -> memref<64x64xf32, #tpu.memory_space<vmem>>
      %dma_start3A_631 = arith.constant 0 : i32
      %dma_start3A_632 = arith.constant 0 : i32
      %dma_start3A_633 = tpu.memref_slice %arg2[%dma_start3A_631, %dma_start3A_632] : memref<60000x64xf32, #tpu.memory_space<hbm>> -> memref<60000x64xf32, #tpu.memory_space<hbm>>
      tpu.enqueue_indirect_dma source(%dma_start3A_633 : memref<60000x64xf32, #tpu.memory_space<hbm>>) target(%dma_start3A_630 : memref<64x64xf32, #tpu.memory_space<vmem>>) offsets(%arg11 : memref<64xi32, #tpu.memory_space<vmem>>) semaphore(%arg19 : memref<!tpu.dma_semaphore, #tpu.memory_space<semaphore_mem>>)
      %dma_wait3A_634 = arith.constant 1 : i32
      %dma_wait3A_635 = arith.constant 0 : i32
      %dma_wait3A_636 = arith.constant 0 : i32
      %dma_wait3A_637 = tpu.memref_slice %arg15[%dma_wait3A_634, %dma_wait3A_635, %dma_wait3A_636] : memref<2x64x64xf32, #tpu.memory_space<vmem>> -> memref<1x64x64xf32, #tpu.memory_space<vmem>>
      %dma_wait3A_638 = tpu.memref_squeeze %dma_wait3A_637 : memref<1x64x64xf32, #tpu.memory_space<vmem>> -> memref<64x64xf32, #tpu.memory_space<vmem>>
      %dma_wait3A_639 = arith.constant 0 : i32
      %dma_wait3A_640 = arith.constant 0 : i32
      %dma_wait3A_641 = tpu.memref_slice %arg16[%dma_wait3A_639, %dma_wait3A_640] : memref<30016x64xf32, #tpu.memory_space<vmem_shared>> -> memref<30016x64xf32, #tpu.memory_space<vmem_shared>>
      tpu.wait_indirect_dma semaphore(%arg22 : memref<!tpu.dma_semaphore, #tpu.memory_space<semaphore_mem>>) src(%dma_wait3A_638 : memref<64x64xf32, #tpu.memory_space<vmem>>) dst(%dma_wait3A_641 : memref<30016x64xf32, #tpu.memory_space<vmem_shared>>)
      %get3A_642 = arith.constant 0 : i32
      %get3A_643 = arith.index_cast %get3A_642 : i32 to index
      %get3A_644 = arith.constant 192 : index
      %get3A_645 = tpu.vector_load %arg10[%get3A_643, %get3A_644] {strides = array<i32>} : memref<2x320xi32, #tpu.memory_space<vmem>>, vector<1x16xi32>,
      %get3A_646 = vector.shape_cast %get3A_645 : vector<1x16xi32> to vector<16xi32>
      %mul3A_647 = arith.constant 10000 : i32
      %mul3A_648 = vector.broadcast %mul3A_647 : i32 to vector<16xi32>
      %mul3A_649 = arith.muli %get3A_646, %mul3A_648 : vector<16xi32>
      %get3A_650 = arith.constant 0 : i32
      %get3A_651 = arith.index_cast %get3A_650 : i32 to index
      %get3A_652 = arith.constant 192 : index
      %get3A_653 = tpu.vector_load %arg8[%get3A_651, %get3A_652] {strides = array<i32>} : memref<2x320xi32, #tpu.memory_space<vmem>>, vector<1x16xi32>,
      %get3A_654 = vector.shape_cast %get3A_653 : vector<1x16xi32> to vector<16xi32>
      %add3A_655 = arith.addi %mul3A_649, %get3A_654 : vector<16xi32>
      %mul3A_656 = arith.constant 2 : i32
      %mul3A_657 = vector.broadcast %mul3A_656 : i32 to vector<16xi32>
      %mul3A_658 = arith.muli %add3A_655, %mul3A_657 : vector<16xi32>
      %add3A_659 = vector.broadcast %arg0 : i32 to vector<16xi32>
      %add3A_660 = arith.addi %mul3A_658, %add3A_659 : vector<16xi32>
      %swap3A_661 = arith.constant 0 : index
      %swap3A_662 = tpu.vector_load %arg12[%swap3A_661] {strides = array<i32>} : memref<64xi32, #tpu.memory_space<vmem>>, vector<16xi32>,
      %swap3A_663 = vector.shape_cast %swap3A_662 : vector<16xi32> to vector<16xi32>
      %swap3A_664 = vector.shape_cast %add3A_660 : vector<16xi32> to vector<16xi32>
      tpu.vector_store %arg12[%swap3A_661], %swap3A_664 {strides = array<i32>} : memref<64xi32, #tpu.memory_space<vmem>>, vector<16xi32>,
      %mul3A_665 = arith.constant 10000 : i32
      %mul3A_666 = vector.broadcast %mul3A_665 : i32 to vector<16xi32>
      %mul3A_667 = arith.muli %get3A_646, %mul3A_666 : vector<16xi32>
      %get3A_668 = arith.constant 0 : i32
      %get3A_669 = arith.index_cast %get3A_668 : i32 to index
      %get3A_670 = arith.constant 192 : index
      %get3A_671 = tpu.vector_load %arg9[%get3A_669, %get3A_670] {strides = array<i32>} : memref<2x320xi32, #tpu.memory_space<vmem>>, vector<1x16xi32>,
      %get3A_672 = vector.shape_cast %get3A_671 : vector<1x16xi32> to vector<16xi32>
      %add3A_673 = arith.addi %mul3A_667, %get3A_672 : vector<16xi32>
      %swap3A_674 = arith.constant 0 : index
      %swap3A_675 = tpu.vector_load %arg14[%swap3A_674] {strides = array<i32>} : memref<64xi32, #tpu.memory_space<vmem>>, vector<16xi32>,
      %swap3A_676 = vector.shape_cast %swap3A_675 : vector<16xi32> to vector<16xi32>
      %swap3A_677 = vector.shape_cast %add3A_673 : vector<16xi32> to vector<16xi32>
      tpu.vector_store %arg14[%swap3A_674], %swap3A_677 {strides = array<i32>} : memref<64xi32, #tpu.memory_space<vmem>>, vector<16xi32>,
      %get3A_678 = arith.constant 0 : i32
      %get3A_679 = arith.index_cast %get3A_678 : i32 to index
      %get3A_680 = arith.constant 208 : index
      %get3A_681 = tpu.vector_load %arg10[%get3A_679, %get3A_680] {strides = array<i32>} : memref<2x320xi32, #tpu.memory_space<vmem>>, vector<1x16xi32>,
      %get3A_682 = vector.shape_cast %get3A_681 : vector<1x16xi32> to vector<16xi32>
      %mul3A_683 = arith.constant 10000 : i32
      %mul3A_684 = vector.broadcast %mul3A_683 : i32 to vector<16xi32>
      %mul3A_685 = arith.muli %get3A_682, %mul3A_684 : vector<16xi32>
      %get3A_686 = arith.constant 0 : i32
      %get3A_687 = arith.index_cast %get3A_686 : i32 to index
      %get3A_688 = arith.constant 208 : index
      %get3A_689 = tpu.vector_load %arg8[%get3A_687, %get3A_688] {strides = array<i32>} : memref<2x320xi32, #tpu.memory_space<vmem>>, vector<1x16xi32>,
      %get3A_690 = vector.shape_cast %get3A_689 : vector<1x16xi32> to vector<16xi32>
      %add3A_691 = arith.addi %mul3A_685, %get3A_690 : vector<16xi32>
      %mul3A_692 = arith.constant 2 : i32
      %mul3A_693 = vector.broadcast %mul3A_692 : i32 to vector<16xi32>
      %mul3A_694 = arith.muli %add3A_691, %mul3A_693 : vector<16xi32>
      %add3A_695 = vector.broadcast %arg0 : i32 to vector<16xi32>
      %add3A_696 = arith.addi %mul3A_694, %add3A_695 : vector<16xi32>
      %swap3A_697 = arith.constant 16 : index
      %swap3A_698 = tpu.vector_load %arg12[%swap3A_697] {strides = array<i32>} : memref<64xi32, #tpu.memory_space<vmem>>, vector<16xi32>,
      %swap3A_699 = vector.shape_cast %swap3A_698 : vector<16xi32> to vector<16xi32>
      %swap3A_700 = vector.shape_cast %add3A_696 : vector<16xi32> to vector<16xi32>
      tpu.vector_store %arg12[%swap3A_697], %swap3A_700 {strides = array<i32>} : memref<64xi32, #tpu.memory_space<vmem>>, vector<16xi32>,
      %mul3A_701 = arith.constant 10000 : i32
      %mul3A_702 = vector.broadcast %mul3A_701 : i32 to vector<16xi32>
      %mul3A_703 = arith.muli %get3A_682, %mul3A_702 : vector<16xi32>
      %get3A_704 = arith.constant 0 : i32
      %get3A_705 = arith.index_cast %get3A_704 : i32 to index
      %get3A_706 = arith.constant 208 : index
      %get3A_707 = tpu.vector_load %arg9[%get3A_705, %get3A_706] {strides = array<i32>} : memref<2x320xi32, #tpu.memory_space<vmem>>, vector<1x16xi32>,
      %get3A_708 = vector.shape_cast %get3A_707 : vector<1x16xi32> to vector<16xi32>
      %add3A_709 = arith.addi %mul3A_703, %get3A_708 : vector<16xi32>
      %swap3A_710 = arith.constant 16 : index
      %swap3A_711 = tpu.vector_load %arg14[%swap3A_710] {strides = array<i32>} : memref<64xi32, #tpu.memory_space<vmem>>, vector<16xi32>,
      %swap3A_712 = vector.shape_cast %swap3A_711 : vector<16xi32> to vector<16xi32>
      %swap3A_713 = vector.shape_cast %add3A_709 : vector<16xi32> to vector<16xi32>
      tpu.vector_store %arg14[%swap3A_710], %swap3A_713 {strides = array<i32>} : memref<64xi32, #tpu.memory_space<vmem>>, vector<16xi32>,
      %get3A_714 = arith.constant 0 : i32
      %get3A_715 = arith.index_cast %get3A_714 : i32 to index
      %get3A_716 = arith.constant 224 : index
      %get3A_717 = tpu.vector_load %arg10[%get3A_715, %get3A_716] {strides = array<i32>} : memref<2x320xi32, #tpu.memory_space<vmem>>, vector<1x16xi32>,
      %get3A_718 = vector.shape_cast %get3A_717 : vector<1x16xi32> to vector<16xi32>
      %mul3A_719 = arith.constant 10000 : i32
      %mul3A_720 = vector.broadcast %mul3A_719 : i32 to vector<16xi32>
      %mul3A_721 = arith.muli %get3A_718, %mul3A_720 : vector<16xi32>
      %get3A_722 = arith.constant 0 : i32
      %get3A_723 = arith.index_cast %get3A_722 : i32 to index
      %get3A_724 = arith.constant 224 : index
      %get3A_725 = tpu.vector_load %arg8[%get3A_723, %get3A_724] {strides = array<i32>} : memref<2x320xi32, #tpu.memory_space<vmem>>, vector<1x16xi32>,
      %get3A_726 = vector.shape_cast %get3A_725 : vector<1x16xi32> to vector<16xi32>
      %add3A_727 = arith.addi %mul3A_721, %get3A_726 : vector<16xi32>
      %mul3A_728 = arith.constant 2 : i32
      %mul3A_729 = vector.broadcast %mul3A_728 : i32 to vector<16xi32>
      %mul3A_730 = arith.muli %add3A_727, %mul3A_729 : vector<16xi32>
      %add3A_731 = vector.broadcast %arg0 : i32 to vector<16xi32>
      %add3A_732 = arith.addi %mul3A_730, %add3A_731 : vector<16xi32>
      %swap3A_733 = arith.constant 32 : index
      %swap3A_734 = tpu.vector_load %arg12[%swap3A_733] {strides = array<i32>} : memref<64xi32, #tpu.memory_space<vmem>>, vector<16xi32>,
      %swap3A_735 = vector.shape_cast %swap3A_734 : vector<16xi32> to vector<16xi32>
      %swap3A_736 = vector.shape_cast %add3A_732 : vector<16xi32> to vector<16xi32>
      tpu.vector_store %arg12[%swap3A_733], %swap3A_736 {strides = array<i32>} : memref<64xi32, #tpu.memory_space<vmem>>, vector<16xi32>,
      %mul3A_737 = arith.constant 10000 : i32
      %mul3A_738 = vector.broadcast %mul3A_737 : i32 to vector<16xi32>
      %mul3A_739 = arith.muli %get3A_718, %mul3A_738 : vector<16xi32>
      %get3A_740 = arith.constant 0 : i32
      %get3A_741 = arith.index_cast %get3A_740 : i32 to index
      %get3A_742 = arith.constant 224 : index
      %get3A_743 = tpu.vector_load %arg9[%get3A_741, %get3A_742] {strides = array<i32>} : memref<2x320xi32, #tpu.memory_space<vmem>>, vector<1x16xi32>,
      %get3A_744 = vector.shape_cast %get3A_743 : vector<1x16xi32> to vector<16xi32>
      %add3A_745 = arith.addi %mul3A_739, %get3A_744 : vector<16xi32>
      %swap3A_746 = arith.constant 32 : index
      %swap3A_747 = tpu.vector_load %arg14[%swap3A_746] {strides = array<i32>} : memref<64xi32, #tpu.memory_space<vmem>>, vector<16xi32>,
      %swap3A_748 = vector.shape_cast %swap3A_747 : vector<16xi32> to vector<16xi32>
      %swap3A_749 = vector.shape_cast %add3A_745 : vector<16xi32> to vector<16xi32>
      tpu.vector_store %arg14[%swap3A_746], %swap3A_749 {strides = array<i32>} : memref<64xi32, #tpu.memory_space<vmem>>, vector<16xi32>,
      %get3A_750 = arith.constant 0 : i32
      %get3A_751 = arith.index_cast %get3A_750 : i32 to index
      %get3A_752 = arith.constant 240 : index
      %get3A_753 = tpu.vector_load %arg10[%get3A_751, %get3A_752] {strides = array<i32>} : memref<2x320xi32, #tpu.memory_space<vmem>>, vector<1x16xi32>,
      %get3A_754 = vector.shape_cast %get3A_753 : vector<1x16xi32> to vector<16xi32>
      %mul3A_755 = arith.constant 10000 : i32
      %mul3A_756 = vector.broadcast %mul3A_755 : i32 to vector<16xi32>
      %mul3A_757 = arith.muli %get3A_754, %mul3A_756 : vector<16xi32>
      %get3A_758 = arith.constant 0 : i32
      %get3A_759 = arith.index_cast %get3A_758 : i32 to index
      %get3A_760 = arith.constant 240 : index
      %get3A_761 = tpu.vector_load %arg8[%get3A_759, %get3A_760] {strides = array<i32>} : memref<2x320xi32, #tpu.memory_space<vmem>>, vector<1x16xi32>,
      %get3A_762 = vector.shape_cast %get3A_761 : vector<1x16xi32> to vector<16xi32>
      %add3A_763 = arith.addi %mul3A_757, %get3A_762 : vector<16xi32>
      %mul3A_764 = arith.constant 2 : i32
      %mul3A_765 = vector.broadcast %mul3A_764 : i32 to vector<16xi32>
      %mul3A_766 = arith.muli %add3A_763, %mul3A_765 : vector<16xi32>
      %add3A_767 = vector.broadcast %arg0 : i32 to vector<16xi32>
      %add3A_768 = arith.addi %mul3A_766, %add3A_767 : vector<16xi32>
      %swap3A_769 = arith.constant 48 : index
      %swap3A_770 = tpu.vector_load %arg12[%swap3A_769] {strides = array<i32>} : memref<64xi32, #tpu.memory_space<vmem>>, vector<16xi32>,
      %swap3A_771 = vector.shape_cast %swap3A_770 : vector<16xi32> to vector<16xi32>
      %swap3A_772 = vector.shape_cast %add3A_768 : vector<16xi32> to vector<16xi32>
      tpu.vector_store %arg12[%swap3A_769], %swap3A_772 {strides = array<i32>} : memref<64xi32, #tpu.memory_space<vmem>>, vector<16xi32>,
      %mul3A_773 = arith.constant 10000 : i32
      %mul3A_774 = vector.broadcast %mul3A_773 : i32 to vector<16xi32>
      %mul3A_775 = arith.muli %get3A_754, %mul3A_774 : vector<16xi32>
      %get3A_776 = arith.constant 0 : i32
      %get3A_777 = arith.index_cast %get3A_776 : i32 to index
      %get3A_778 = arith.constant 240 : index
      %get3A_779 = tpu.vector_load %arg9[%get3A_777, %get3A_778] {strides = array<i32>} : memref<2x320xi32, #tpu.memory_space<vmem>>, vector<1x16xi32>,
      %get3A_780 = vector.shape_cast %get3A_779 : vector<1x16xi32> to vector<16xi32>
      %add3A_781 = arith.addi %mul3A_775, %get3A_780 : vector<16xi32>
      %swap3A_782 = arith.constant 48 : index
      %swap3A_783 = tpu.vector_load %arg14[%swap3A_782] {strides = array<i32>} : memref<64xi32, #tpu.memory_space<vmem>>, vector<16xi32>,
      %swap3A_784 = vector.shape_cast %swap3A_783 : vector<16xi32> to vector<16xi32>
      %swap3A_785 = vector.shape_cast %add3A_781 : vector<16xi32> to vector<16xi32>
      tpu.vector_store %arg14[%swap3A_782], %swap3A_785 {strides = array<i32>} : memref<64xi32, #tpu.memory_space<vmem>>, vector<16xi32>,
      %dma_wait3A_786 = arith.constant 0 : i32
      %dma_wait3A_787 = arith.constant 0 : i32
      %dma_wait3A_788 = arith.constant 0 : i32
      %dma_wait3A_789 = tpu.memref_slice %arg15[%dma_wait3A_786, %dma_wait3A_787, %dma_wait3A_788] : memref<2x64x64xf32, #tpu.memory_space<vmem>> -> memref<1x64x64xf32, #tpu.memory_space<vmem>>
      %dma_wait3A_790 = tpu.memref_squeeze %dma_wait3A_789 : memref<1x64x64xf32, #tpu.memory_space<vmem>> -> memref<64x64xf32, #tpu.memory_space<vmem>>
      %dma_wait3A_791 = arith.constant 0 : i32
      %dma_wait3A_792 = arith.constant 0 : i32
      %dma_wait3A_793 = tpu.memref_slice %arg2[%dma_wait3A_791, %dma_wait3A_792] : memref<60000x64xf32, #tpu.memory_space<hbm>> -> memref<60000x64xf32, #tpu.memory_space<hbm>>
      tpu.wait_indirect_dma semaphore(%arg19 : memref<!tpu.dma_semaphore, #tpu.memory_space<semaphore_mem>>) src(%dma_wait3A_793 : memref<60000x64xf32, #tpu.memory_space<hbm>>) dst(%dma_wait3A_790 : memref<64x64xf32, #tpu.memory_space<vmem>>)
      %dma_start3A_794 = arith.constant 0 : i32
      %dma_start3A_795 = arith.constant 0 : i32
      %dma_start3A_796 = arith.constant 0 : i32
      %dma_start3A_797 = tpu.memref_slice %arg15[%dma_start3A_794, %dma_start3A_795, %dma_start3A_796] : memref<2x64x64xf32, #tpu.memory_space<vmem>> -> memref<1x64x64xf32, #tpu.memory_space<vmem>>
      %dma_start3A_798 = tpu.memref_squeeze %dma_start3A_797 : memref<1x64x64xf32, #tpu.memory_space<vmem>> -> memref<64x64xf32, #tpu.memory_space<vmem>>
      %dma_start3A_799 = arith.constant 0 : i32
      %dma_start3A_800 = arith.constant 0 : i32
      %dma_start3A_801 = tpu.memref_slice %arg16[%dma_start3A_799, %dma_start3A_800] : memref<30016x64xf32, #tpu.memory_space<vmem_shared>> -> memref<30016x64xf32, #tpu.memory_space<vmem_shared>>
      tpu.enqueue_indirect_dma source(%dma_start3A_798 : memref<64x64xf32, #tpu.memory_space<vmem>>) target(%dma_start3A_801 : memref<30016x64xf32, #tpu.memory_space<vmem_shared>>) offsets(%arg13 : memref<64xi32, #tpu.memory_space<vmem>>) semaphore(%arg21 : memref<!tpu.dma_semaphore, #tpu.memory_space<semaphore_mem>>) {add = true}
      %dma_start3A_802 = arith.constant 1 : i32
      %dma_start3A_803 = arith.constant 0 : i32
      %dma_start3A_804 = arith.constant 0 : i32
      %dma_start3A_805 = tpu.memref_slice %arg15[%dma_start3A_802, %dma_start3A_803, %dma_start3A_804] : memref<2x64x64xf32, #tpu.memory_space<vmem>> -> memref<1x64x64xf32, #tpu.memory_space<vmem>>
      %dma_start3A_806 = tpu.memref_squeeze %dma_start3A_805 : memref<1x64x64xf32, #tpu.memory_space<vmem>> -> memref<64x64xf32, #tpu.memory_space<vmem>>
      %dma_start3A_807 = arith.constant 0 : i32
      %dma_start3A_808 = arith.constant 0 : i32
      %dma_start3A_809 = tpu.memref_slice %arg2[%dma_start3A_807, %dma_start3A_808] : memref<60000x64xf32, #tpu.memory_space<hbm>> -> memref<60000x64xf32, #tpu.memory_space<hbm>>
      tpu.enqueue_indirect_dma source(%dma_start3A_809 : memref<60000x64xf32, #tpu.memory_space<hbm>>) target(%dma_start3A_806 : memref<64x64xf32, #tpu.memory_space<vmem>>) offsets(%arg12 : memref<64xi32, #tpu.memory_space<vmem>>) semaphore(%arg20 : memref<!tpu.dma_semaphore, #tpu.memory_space<semaphore_mem>>)
      %dma_wait3A_810 = arith.constant 0 : i32
      %dma_wait3A_811 = arith.constant 0 : i32
      %dma_wait3A_812 = arith.constant 0 : i32
      %dma_wait3A_813 = tpu.memref_slice %arg15[%dma_wait3A_810, %dma_wait3A_811, %dma_wait3A_812] : memref<2x64x64xf32, #tpu.memory_space<vmem>> -> memref<1x64x64xf32, #tpu.memory_space<vmem>>
      %dma_wait3A_814 = tpu.memref_squeeze %dma_wait3A_813 : memref<1x64x64xf32, #tpu.memory_space<vmem>> -> memref<64x64xf32, #tpu.memory_space<vmem>>
      %dma_wait3A_815 = arith.constant 0 : i32
      %dma_wait3A_816 = arith.constant 0 : i32
      %dma_wait3A_817 = tpu.memref_slice %arg16[%dma_wait3A_815, %dma_wait3A_816] : memref<30016x64xf32, #tpu.memory_space<vmem_shared>> -> memref<30016x64xf32, #tpu.memory_space<vmem_shared>>
      tpu.wait_indirect_dma semaphore(%arg21 : memref<!tpu.dma_semaphore, #tpu.memory_space<semaphore_mem>>) src(%dma_wait3A_814 : memref<64x64xf32, #tpu.memory_space<vmem>>) dst(%dma_wait3A_817 : memref<30016x64xf32, #tpu.memory_space<vmem_shared>>)
      %get3A_818 = arith.constant 0 : i32
      %get3A_819 = arith.index_cast %get3A_818 : i32 to index
      %get3A_820 = arith.constant 256 : index
      %get3A_821 = tpu.vector_load %arg10[%get3A_819, %get3A_820] {strides = array<i32>} : memref<2x320xi32, #tpu.memory_space<vmem>>, vector<1x16xi32>,
      %get3A_822 = vector.shape_cast %get3A_821 : vector<1x16xi32> to vector<16xi32>
      %mul3A_823 = arith.constant 10000 : i32
      %mul3A_824 = vector.broadcast %mul3A_823 : i32 to vector<16xi32>
      %mul3A_825 = arith.muli %get3A_822, %mul3A_824 : vector<16xi32>
      %get3A_826 = arith.constant 0 : i32
      %get3A_827 = arith.index_cast %get3A_826 : i32 to index
      %get3A_828 = arith.constant 256 : index
      %get3A_829 = tpu.vector_load %arg8[%get3A_827, %get3A_828] {strides = array<i32>} : memref<2x320xi32, #tpu.memory_space<vmem>>, vector<1x16xi32>,
      %get3A_830 = vector.shape_cast %get3A_829 : vector<1x16xi32> to vector<16xi32>
      %add3A_831 = arith.addi %mul3A_825, %get3A_830 : vector<16xi32>
      %mul3A_832 = arith.constant 2 : i32
      %mul3A_833 = vector.broadcast %mul3A_832 : i32 to vector<16xi32>
      %mul3A_834 = arith.muli %add3A_831, %mul3A_833 : vector<16xi32>
      %add3A_835 = vector.broadcast %arg0 : i32 to vector<16xi32>
      %add3A_836 = arith.addi %mul3A_834, %add3A_835 : vector<16xi32>
      %swap3A_837 = arith.constant 0 : index
      %swap3A_838 = tpu.vector_load %arg11[%swap3A_837] {strides = array<i32>} : memref<64xi32, #tpu.memory_space<vmem>>, vector<16xi32>,
      %swap3A_839 = vector.shape_cast %swap3A_838 : vector<16xi32> to vector<16xi32>
      %swap3A_840 = vector.shape_cast %add3A_836 : vector<16xi32> to vector<16xi32>
      tpu.vector_store %arg11[%swap3A_837], %swap3A_840 {strides = array<i32>} : memref<64xi32, #tpu.memory_space<vmem>>, vector<16xi32>,
      %mul3A_841 = arith.constant 10000 : i32
      %mul3A_842 = vector.broadcast %mul3A_841 : i32 to vector<16xi32>
      %mul3A_843 = arith.muli %get3A_822, %mul3A_842 : vector<16xi32>
      %get3A_844 = arith.constant 0 : i32
      %get3A_845 = arith.index_cast %get3A_844 : i32 to index
      %get3A_846 = arith.constant 256 : index
      %get3A_847 = tpu.vector_load %arg9[%get3A_845, %get3A_846] {strides = array<i32>} : memref<2x320xi32, #tpu.memory_space<vmem>>, vector<1x16xi32>,
      %get3A_848 = vector.shape_cast %get3A_847 : vector<1x16xi32> to vector<16xi32>
      %add3A_849 = arith.addi %mul3A_843, %get3A_848 : vector<16xi32>
      %swap3A_850 = arith.constant 0 : index
      %swap3A_851 = tpu.vector_load %arg13[%swap3A_850] {strides = array<i32>} : memref<64xi32, #tpu.memory_space<vmem>>, vector<16xi32>,
      %swap3A_852 = vector.shape_cast %swap3A_851 : vector<16xi32> to vector<16xi32>
      %swap3A_853 = vector.shape_cast %add3A_849 : vector<16xi32> to vector<16xi32>
      tpu.vector_store %arg13[%swap3A_850], %swap3A_853 {strides = array<i32>} : memref<64xi32, #tpu.memory_space<vmem>>, vector<16xi32>,
      %get3A_854 = arith.constant 0 : i32
      %get3A_855 = arith.index_cast %get3A_854 : i32 to index
      %get3A_856 = arith.constant 272 : index
      %get3A_857 = tpu.vector_load %arg10[%get3A_855, %get3A_856] {strides = array<i32>} : memref<2x320xi32, #tpu.memory_space<vmem>>, vector<1x16xi32>,
      %get3A_858 = vector.shape_cast %get3A_857 : vector<1x16xi32> to vector<16xi32>
      %mul3A_859 = arith.constant 10000 : i32
      %mul3A_860 = vector.broadcast %mul3A_859 : i32 to vector<16xi32>
      %mul3A_861 = arith.muli %get3A_858, %mul3A_860 : vector<16xi32>
      %get3A_862 = arith.constant 0 : i32
      %get3A_863 = arith.index_cast %get3A_862 : i32 to index
      %get3A_864 = arith.constant 272 : index
      %get3A_865 = tpu.vector_load %arg8[%get3A_863, %get3A_864] {strides = array<i32>} : memref<2x320xi32, #tpu.memory_space<vmem>>, vector<1x16xi32>,
      %get3A_866 = vector.shape_cast %get3A_865 : vector<1x16xi32> to vector<16xi32>
      %add3A_867 = arith.addi %mul3A_861, %get3A_866 : vector<16xi32>
      %mul3A_868 = arith.constant 2 : i32
      %mul3A_869 = vector.broadcast %mul3A_868 : i32 to vector<16xi32>
      %mul3A_870 = arith.muli %add3A_867, %mul3A_869 : vector<16xi32>
      %add3A_871 = vector.broadcast %arg0 : i32 to vector<16xi32>
      %add3A_872 = arith.addi %mul3A_870, %add3A_871 : vector<16xi32>
      %swap3A_873 = arith.constant 16 : index
      %swap3A_874 = tpu.vector_load %arg11[%swap3A_873] {strides = array<i32>} : memref<64xi32, #tpu.memory_space<vmem>>, vector<16xi32>,
      %swap3A_875 = vector.shape_cast %swap3A_874 : vector<16xi32> to vector<16xi32>
      %swap3A_876 = vector.shape_cast %add3A_872 : vector<16xi32> to vector<16xi32>
      tpu.vector_store %arg11[%swap3A_873], %swap3A_876 {strides = array<i32>} : memref<64xi32, #tpu.memory_space<vmem>>, vector<16xi32>,
      %mul3A_877 = arith.constant 10000 : i32
      %mul3A_878 = vector.broadcast %mul3A_877 : i32 to vector<16xi32>
      %mul3A_879 = arith.muli %get3A_858, %mul3A_878 : vector<16xi32>
      %get3A_880 = arith.constant 0 : i32
      %get3A_881 = arith.index_cast %get3A_880 : i32 to index
      %get3A_882 = arith.constant 272 : index
      %get3A_883 = tpu.vector_load %arg9[%get3A_881, %get3A_882] {strides = array<i32>} : memref<2x320xi32, #tpu.memory_space<vmem>>, vector<1x16xi32>,
      %get3A_884 = vector.shape_cast %get3A_883 : vector<1x16xi32> to vector<16xi32>
      %add3A_885 = arith.addi %mul3A_879, %get3A_884 : vector<16xi32>
      %swap3A_886 = arith.constant 16 : index
      %swap3A_887 = tpu.vector_load %arg13[%swap3A_886] {strides = array<i32>} : memref<64xi32, #tpu.memory_space<vmem>>, vector<16xi32>,
      %swap3A_888 = vector.shape_cast %swap3A_887 : vector<16xi32> to vector<16xi32>
      %swap3A_889 = vector.shape_cast %add3A_885 : vector<16xi32> to vector<16xi32>
      tpu.vector_store %arg13[%swap3A_886], %swap3A_889 {strides = array<i32>} : memref<64xi32, #tpu.memory_space<vmem>>, vector<16xi32>,
      %get3A_890 = arith.constant 0 : i32
      %get3A_891 = arith.index_cast %get3A_890 : i32 to index
      %get3A_892 = arith.constant 288 : index
      %get3A_893 = tpu.vector_load %arg10[%get3A_891, %get3A_892] {strides = array<i32>} : memref<2x320xi32, #tpu.memory_space<vmem>>, vector<1x16xi32>,
      %get3A_894 = vector.shape_cast %get3A_893 : vector<1x16xi32> to vector<16xi32>
      %mul3A_895 = arith.constant 10000 : i32
      %mul3A_896 = vector.broadcast %mul3A_895 : i32 to vector<16xi32>
      %mul3A_897 = arith.muli %get3A_894, %mul3A_896 : vector<16xi32>
      %get3A_898 = arith.constant 0 : i32
      %get3A_899 = arith.index_cast %get3A_898 : i32 to index
      %get3A_900 = arith.constant 288 : index
      %get3A_901 = tpu.vector_load %arg8[%get3A_899, %get3A_900] {strides = array<i32>} : memref<2x320xi32, #tpu.memory_space<vmem>>, vector<1x16xi32>,
      %get3A_902 = vector.shape_cast %get3A_901 : vector<1x16xi32> to vector<16xi32>
      %add3A_903 = arith.addi %mul3A_897, %get3A_902 : vector<16xi32>
      %mul3A_904 = arith.constant 2 : i32
      %mul3A_905 = vector.broadcast %mul3A_904 : i32 to vector<16xi32>
      %mul3A_906 = arith.muli %add3A_903, %mul3A_905 : vector<16xi32>
      %add3A_907 = vector.broadcast %arg0 : i32 to vector<16xi32>
      %add3A_908 = arith.addi %mul3A_906, %add3A_907 : vector<16xi32>
      %swap3A_909 = arith.constant 32 : index
      %swap3A_910 = tpu.vector_load %arg11[%swap3A_909] {strides = array<i32>} : memref<64xi32, #tpu.memory_space<vmem>>, vector<16xi32>,
      %swap3A_911 = vector.shape_cast %swap3A_910 : vector<16xi32> to vector<16xi32>
      %swap3A_912 = vector.shape_cast %add3A_908 : vector<16xi32> to vector<16xi32>
      tpu.vector_store %arg11[%swap3A_909], %swap3A_912 {strides = array<i32>} : memref<64xi32, #tpu.memory_space<vmem>>, vector<16xi32>,
      %mul3A_913 = arith.constant 10000 : i32
      %mul3A_914 = vector.broadcast %mul3A_913 : i32 to vector<16xi32>
      %mul3A_915 = arith.muli %get3A_894, %mul3A_914 : vector<16xi32>
      %get3A_916 = arith.constant 0 : i32
      %get3A_917 = arith.index_cast %get3A_916 : i32 to index
      %get3A_918 = arith.constant 288 : index
      %get3A_919 = tpu.vector_load %arg9[%get3A_917, %get3A_918] {strides = array<i32>} : memref<2x320xi32, #tpu.memory_space<vmem>>, vector<1x16xi32>,
      %get3A_920 = vector.shape_cast %get3A_919 : vector<1x16xi32> to vector<16xi32>
      %add3A_921 = arith.addi %mul3A_915, %get3A_920 : vector<16xi32>
      %swap3A_922 = arith.constant 32 : index
      %swap3A_923 = tpu.vector_load %arg13[%swap3A_922] {strides = array<i32>} : memref<64xi32, #tpu.memory_space<vmem>>, vector<16xi32>,
      %swap3A_924 = vector.shape_cast %swap3A_923 : vector<16xi32> to vector<16xi32>
      %swap3A_925 = vector.shape_cast %add3A_921 : vector<16xi32> to vector<16xi32>
      tpu.vector_store %arg13[%swap3A_922], %swap3A_925 {strides = array<i32>} : memref<64xi32, #tpu.memory_space<vmem>>, vector<16xi32>,
      %get3A_926 = arith.constant 0 : i32
      %get3A_927 = arith.index_cast %get3A_926 : i32 to index
      %get3A_928 = arith.constant 304 : index
      %get3A_929 = tpu.vector_load %arg10[%get3A_927, %get3A_928] {strides = array<i32>} : memref<2x320xi32, #tpu.memory_space<vmem>>, vector<1x16xi32>,
      %get3A_930 = vector.shape_cast %get3A_929 : vector<1x16xi32> to vector<16xi32>
      %mul3A_931 = arith.constant 10000 : i32
      %mul3A_932 = vector.broadcast %mul3A_931 : i32 to vector<16xi32>
      %mul3A_933 = arith.muli %get3A_930, %mul3A_932 : vector<16xi32>
      %get3A_934 = arith.constant 0 : i32
      %get3A_935 = arith.index_cast %get3A_934 : i32 to index
      %get3A_936 = arith.constant 304 : index
      %get3A_937 = tpu.vector_load %arg8[%get3A_935, %get3A_936] {strides = array<i32>} : memref<2x320xi32, #tpu.memory_space<vmem>>, vector<1x16xi32>,
      %get3A_938 = vector.shape_cast %get3A_937 : vector<1x16xi32> to vector<16xi32>
      %add3A_939 = arith.addi %mul3A_933, %get3A_938 : vector<16xi32>
      %mul3A_940 = arith.constant 2 : i32
      %mul3A_941 = vector.broadcast %mul3A_940 : i32 to vector<16xi32>
      %mul3A_942 = arith.muli %add3A_939, %mul3A_941 : vector<16xi32>
      %add3A_943 = vector.broadcast %arg0 : i32 to vector<16xi32>
      %add3A_944 = arith.addi %mul3A_942, %add3A_943 : vector<16xi32>
      %swap3A_945 = arith.constant 48 : index
      %swap3A_946 = tpu.vector_load %arg11[%swap3A_945] {strides = array<i32>} : memref<64xi32, #tpu.memory_space<vmem>>, vector<16xi32>,
      %swap3A_947 = vector.shape_cast %swap3A_946 : vector<16xi32> to vector<16xi32>
      %swap3A_948 = vector.shape_cast %add3A_944 : vector<16xi32> to vector<16xi32>
      tpu.vector_store %arg11[%swap3A_945], %swap3A_948 {strides = array<i32>} : memref<64xi32, #tpu.memory_space<vmem>>, vector<16xi32>,
      %mul3A_949 = arith.constant 10000 : i32
      %mul3A_950 = vector.broadcast %mul3A_949 : i32 to vector<16xi32>
      %mul3A_951 = arith.muli %get3A_930, %mul3A_950 : vector<16xi32>
      %get3A_952 = arith.constant 0 : i32
      %get3A_953 = arith.index_cast %get3A_952 : i32 to index
      %get3A_954 = arith.constant 304 : index
      %get3A_955 = tpu.vector_load %arg9[%get3A_953, %get3A_954] {strides = array<i32>} : memref<2x320xi32, #tpu.memory_space<vmem>>, vector<1x16xi32>,
      %get3A_956 = vector.shape_cast %get3A_955 : vector<1x16xi32> to vector<16xi32>
      %add3A_957 = arith.addi %mul3A_951, %get3A_956 : vector<16xi32>
      %swap3A_958 = arith.constant 48 : index
      %swap3A_959 = tpu.vector_load %arg13[%swap3A_958] {strides = array<i32>} : memref<64xi32, #tpu.memory_space<vmem>>, vector<16xi32>,
      %swap3A_960 = vector.shape_cast %swap3A_959 : vector<16xi32> to vector<16xi32>
      %swap3A_961 = vector.shape_cast %add3A_957 : vector<16xi32> to vector<16xi32>
      tpu.vector_store %arg13[%swap3A_958], %swap3A_961 {strides = array<i32>} : memref<64xi32, #tpu.memory_space<vmem>>, vector<16xi32>,
      %dma_wait3A_962 = arith.constant 1 : i32
      %dma_wait3A_963 = arith.constant 0 : i32
      %dma_wait3A_964 = arith.constant 0 : i32
      %dma_wait3A_965 = tpu.memref_slice %arg15[%dma_wait3A_962, %dma_wait3A_963, %dma_wait3A_964] : memref<2x64x64xf32, #tpu.memory_space<vmem>> -> memref<1x64x64xf32, #tpu.memory_space<vmem>>
      %dma_wait3A_966 = tpu.memref_squeeze %dma_wait3A_965 : memref<1x64x64xf32, #tpu.memory_space<vmem>> -> memref<64x64xf32, #tpu.memory_space<vmem>>
      %dma_wait3A_967 = arith.constant 0 : i32
      %dma_wait3A_968 = arith.constant 0 : i32
      %dma_wait3A_969 = tpu.memref_slice %arg2[%dma_wait3A_967, %dma_wait3A_968] : memref<60000x64xf32, #tpu.memory_space<hbm>> -> memref<60000x64xf32, #tpu.memory_space<hbm>>
      tpu.wait_indirect_dma semaphore(%arg20 : memref<!tpu.dma_semaphore, #tpu.memory_space<semaphore_mem>>) src(%dma_wait3A_969 : memref<60000x64xf32, #tpu.memory_space<hbm>>) dst(%dma_wait3A_966 : memref<64x64xf32, #tpu.memory_space<vmem>>)
      %dma_start3A_970 = arith.constant 1 : i32
      %dma_start3A_971 = arith.constant 0 : i32
      %dma_start3A_972 = arith.constant 0 : i32
      %dma_start3A_973 = tpu.memref_slice %arg15[%dma_start3A_970, %dma_start3A_971, %dma_start3A_972] : memref<2x64x64xf32, #tpu.memory_space<vmem>> -> memref<1x64x64xf32, #tpu.memory_space<vmem>>
      %dma_start3A_974 = tpu.memref_squeeze %dma_start3A_973 : memref<1x64x64xf32, #tpu.memory_space<vmem>> -> memref<64x64xf32, #tpu.memory_space<vmem>>
      %dma_start3A_975 = arith.constant 0 : i32
      %dma_start3A_976 = arith.constant 0 : i32
      %dma_start3A_977 = tpu.memref_slice %arg16[%dma_start3A_975, %dma_start3A_976] : memref<30016x64xf32, #tpu.memory_space<vmem_shared>> -> memref<30016x64xf32, #tpu.memory_space<vmem_shared>>
      tpu.enqueue_indirect_dma source(%dma_start3A_974 : memref<64x64xf32, #tpu.memory_space<vmem>>) target(%dma_start3A_977 : memref<30016x64xf32, #tpu.memory_space<vmem_shared>>) offsets(%arg14 : memref<64xi32, #tpu.memory_space<vmem>>) semaphore(%arg22 : memref<!tpu.dma_semaphore, #tpu.memory_space<semaphore_mem>>) {add = true}
      %dma_start3A_978 = arith.constant 0 : i32
      %dma_start3A_979 = arith.constant 0 : i32
      %dma_start3A_980 = arith.constant 0 : i32
      %dma_start3A_981 = tpu.memref_slice %arg15[%dma_start3A_978, %dma_start3A_979, %dma_start3A_980] : memref<2x64x64xf32, #tpu.memory_space<vmem>> -> memref<1x64x64xf32, #tpu.memory_space<vmem>>
      %dma_start3A_982 = tpu.memref_squeeze %dma_start3A_981 : memref<1x64x64xf32, #tpu.memory_space<vmem>> -> memref<64x64xf32, #tpu.memory_space<vmem>>
      %dma_start3A_983 = arith.constant 0 : i32
      %dma_start3A_984 = arith.constant 0 : i32
      %dma_start3A_985 = tpu.memref_slice %arg2[%dma_start3A_983, %dma_start3A_984] : memref<60000x64xf32, #tpu.memory_space<hbm>> -> memref<60000x64xf32, #tpu.memory_space<hbm>>
      tpu.enqueue_indirect_dma source(%dma_start3A_985 : memref<60000x64xf32, #tpu.memory_space<hbm>>) target(%dma_start3A_982 : memref<64x64xf32, #tpu.memory_space<vmem>>) offsets(%arg11 : memref<64xi32, #tpu.memory_space<vmem>>) semaphore(%arg19 : memref<!tpu.dma_semaphore, #tpu.memory_space<semaphore_mem>>)
      %dma_wait3A_986 = arith.constant 1 : i32
      %dma_wait3A_987 = arith.constant 0 : i32
      %dma_wait3A_988 = tpu.memref_slice %arg8[%dma_wait3A_986, %dma_wait3A_987] : memref<2x320xi32, #tpu.memory_space<vmem>> -> memref<1x320xi32, #tpu.memory_space<vmem>>
      %dma_wait3A_989 = tpu.memref_squeeze %dma_wait3A_988 : memref<1x320xi32, #tpu.memory_space<vmem>> -> memref<320xi32, #tpu.memory_space<vmem>>
      %dma_wait3A_990 = arith.constant 0 : i32
      %dma_wait3A_991 = tpu.memref_slice %arg3[%dma_wait3A_990] : memref<328000xi32, #tpu.memory_space<hbm>> -> memref<320xi32, #tpu.memory_space<hbm>>
      %dma_wait3A_992 = arith.constant 0 : i32
      %dma_wait3A_993 = tpu.memref_slice %arg8[%dma_wait3A_986, %dma_wait3A_992] : memref<2x320xi32, #tpu.memory_space<vmem>> -> memref<1x320xi32, #tpu.memory_space<vmem>>
      %dma_wait3A_994 = tpu.memref_squeeze %dma_wait3A_993 : memref<1x320xi32, #tpu.memory_space<vmem>> -> memref<320xi32, #tpu.memory_space<vmem>>
      %dma_wait3A_995 = arith.constant 0 : i32
      %dma_wait3A_996 = tpu.memref_slice %arg3[%dma_wait3A_995] : memref<328000xi32, #tpu.memory_space<hbm>> -> memref<320xi32, #tpu.memory_space<hbm>>
      tpu.wait_dma2 semaphore(%arg18 : memref<!tpu.dma_semaphore, #tpu.memory_space<semaphore_mem>>) src(%dma_wait3A_996 : memref<320xi32, #tpu.memory_space<hbm>>) dst(%dma_wait3A_994 : memref<320xi32, #tpu.memory_space<vmem>>)
      %dma_wait3A_997 = arith.constant 1 : i32
      %dma_wait3A_998 = arith.constant 0 : i32
      %dma_wait3A_999 = tpu.memref_slice %arg9[%dma_wait3A_997, %dma_wait3A_998] : memref<2x320xi32, #tpu.memory_space<vmem>> -> memref<1x320xi32, #tpu.memory_space<vmem>>
      %dma_wait3A_1000 = tpu.memref_squeeze %dma_wait3A_999 : memref<1x320xi32, #tpu.memory_space<vmem>> -> memref<320xi32, #tpu.memory_space<vmem>>
      %dma_wait3A_1001 = arith.constant 0 : i32
      %dma_wait3A_1002 = tpu.memref_slice %arg3[%dma_wait3A_1001] : memref<328000xi32, #tpu.memory_space<hbm>> -> memref<320xi32, #tpu.memory_space<hbm>>
      %dma_wait3A_1003 = arith.constant 0 : i32
      %dma_wait3A_1004 = tpu.memref_slice %arg9[%dma_wait3A_997, %dma_wait3A_1003] : memref<2x320xi32, #tpu.memory_space<vmem>> -> memref<1x320xi32, #tpu.memory_space<vmem>>
      %dma_wait3A_1005 = tpu.memref_squeeze %dma_wait3A_1004 : memref<1x320xi32, #tpu.memory_space<vmem>> -> memref<320xi32, #tpu.memory_space<vmem>>
      %dma_wait3A_1006 = arith.constant 0 : i32
      %dma_wait3A_1007 = tpu.memref_slice %arg3[%dma_wait3A_1006] : memref<328000xi32, #tpu.memory_space<hbm>> -> memref<320xi32, #tpu.memory_space<hbm>>
      tpu.wait_dma2 semaphore(%arg18 : memref<!tpu.dma_semaphore, #tpu.memory_space<semaphore_mem>>) src(%dma_wait3A_1007 : memref<320xi32, #tpu.memory_space<hbm>>) dst(%dma_wait3A_1005 : memref<320xi32, #tpu.memory_space<vmem>>)
      %dma_wait3A_1008 = arith.constant 1 : i32
      %dma_wait3A_1009 = arith.constant 0 : i32
      %dma_wait3A_1010 = tpu.memref_slice %arg10[%dma_wait3A_1008, %dma_wait3A_1009] : memref<2x320xi32, #tpu.memory_space<vmem>> -> memref<1x320xi32, #tpu.memory_space<vmem>>
      %dma_wait3A_1011 = tpu.memref_squeeze %dma_wait3A_1010 : memref<1x320xi32, #tpu.memory_space<vmem>> -> memref<320xi32, #tpu.memory_space<vmem>>
      %dma_wait3A_1012 = arith.constant 0 : i32
      %dma_wait3A_1013 = tpu.memref_slice %arg3[%dma_wait3A_1012] : memref<328000xi32, #tpu.memory_space<hbm>> -> memref<320xi32, #tpu.memory_space<hbm>>
      %dma_wait3A_1014 = arith.constant 0 : i32
      %dma_wait3A_1015 = tpu.memref_slice %arg10[%dma_wait3A_1008, %dma_wait3A_1014] : memref<2x320xi32, #tpu.memory_space<vmem>> -> memref<1x320xi32, #tpu.memory_space<vmem>>
      %dma_wait3A_1016 = tpu.memref_squeeze %dma_wait3A_1015 : memref<1x320xi32, #tpu.memory_space<vmem>> -> memref<320xi32, #tpu.memory_space<vmem>>
      %dma_wait3A_1017 = arith.constant 0 : i32
      %dma_wait3A_1018 = tpu.memref_slice %arg3[%dma_wait3A_1017] : memref<328000xi32, #tpu.memory_space<hbm>> -> memref<320xi32, #tpu.memory_space<hbm>>
      tpu.wait_dma2 semaphore(%arg18 : memref<!tpu.dma_semaphore, #tpu.memory_space<semaphore_mem>>) src(%dma_wait3A_1018 : memref<320xi32, #tpu.memory_space<hbm>>) dst(%dma_wait3A_1016 : memref<320xi32, #tpu.memory_space<vmem>>)
      %add3A_1019 = arith.constant 2 : i32
      %add3A_1020 = arith.addi %mul3A_72, %add3A_1019 : i32
      %mul3A_1021 = arith.constant 20480 : i32
      %mul3A_1022 = arith.muli %arg1, %mul3A_1021 : i32
      %mul3A_1023 = arith.constant 320 : i32
      %mul3A_1024 = arith.muli %add3A_1020, %mul3A_1023 : i32
      %add3A_1025 = arith.addi %mul3A_1022, %mul3A_1024 : i32
      %dma_start3A_1026 = arith.constant 0 : i32
      %dma_start3A_1027 = arith.constant 0 : i32
      %dma_start3A_1028 = tpu.memref_slice %arg8[%dma_start3A_1026, %dma_start3A_1027] : memref<2x320xi32, #tpu.memory_space<vmem>> -> memref<1x320xi32, #tpu.memory_space<vmem>>
      %dma_start3A_1029 = tpu.memref_squeeze %dma_start3A_1028 : memref<1x320xi32, #tpu.memory_space<vmem>> -> memref<320xi32, #tpu.memory_space<vmem>>
      %dma_start3A_1030 = tpu.memref_slice %arg3[%add3A_1025] : memref<328000xi32, #tpu.memory_space<hbm>> -> memref<320xi32, #tpu.memory_space<hbm>>
      %dma_start3A_1031 = arith.constant 0 : i32
      %dma_start3A_1032 = tpu.memref_slice %arg8[%dma_start3A_1026, %dma_start3A_1031] : memref<2x320xi32, #tpu.memory_space<vmem>> -> memref<1x320xi32, #tpu.memory_space<vmem>>
      %dma_start3A_1033 = tpu.memref_squeeze %dma_start3A_1032 : memref<1x320xi32, #tpu.memory_space<vmem>> -> memref<320xi32, #tpu.memory_space<vmem>>
      %dma_start3A_1034 = tpu.memref_slice %arg3[%add3A_1025] : memref<328000xi32, #tpu.memory_space<hbm>> -> memref<320xi32, #tpu.memory_space<hbm>>
      tpu.enqueue_dma source(%dma_start3A_1034 : memref<320xi32, #tpu.memory_space<hbm>>) target(%dma_start3A_1033 : memref<320xi32, #tpu.memory_space<vmem>>) target_semaphore(%arg17 : memref<!tpu.dma_semaphore, #tpu.memory_space<semaphore_mem>>)
      %dma_start3A_1035 = arith.constant 0 : i32
      %dma_start3A_1036 = arith.constant 0 : i32
      %dma_start3A_1037 = tpu.memref_slice %arg9[%dma_start3A_1035, %dma_start3A_1036] : memref<2x320xi32, #tpu.memory_space<vmem>> -> memref<1x320xi32, #tpu.memory_space<vmem>>
      %dma_start3A_1038 = tpu.memref_squeeze %dma_start3A_1037 : memref<1x320xi32, #tpu.memory_space<vmem>> -> memref<320xi32, #tpu.memory_space<vmem>>
      %dma_start3A_1039 = tpu.memref_slice %arg4[%add3A_1025] : memref<328000xi32, #tpu.memory_space<hbm>> -> memref<320xi32, #tpu.memory_space<hbm>>
      %dma_start3A_1040 = arith.constant 0 : i32
      %dma_start3A_1041 = tpu.memref_slice %arg9[%dma_start3A_1035, %dma_start3A_1040] : memref<2x320xi32, #tpu.memory_space<vmem>> -> memref<1x320xi32, #tpu.memory_space<vmem>>
      %dma_start3A_1042 = tpu.memref_squeeze %dma_start3A_1041 : memref<1x320xi32, #tpu.memory_space<vmem>> -> memref<320xi32, #tpu.memory_space<vmem>>
      %dma_start3A_1043 = tpu.memref_slice %arg4[%add3A_1025] : memref<328000xi32, #tpu.memory_space<hbm>> -> memref<320xi32, #tpu.memory_space<hbm>>
      tpu.enqueue_dma source(%dma_start3A_1043 : memref<320xi32, #tpu.memory_space<hbm>>) target(%dma_start3A_1042 : memref<320xi32, #tpu.memory_space<vmem>>) target_semaphore(%arg17 : memref<!tpu.dma_semaphore, #tpu.memory_space<semaphore_mem>>)
      %dma_start3A_1044 = arith.constant 0 : i32
      %dma_start3A_1045 = arith.constant 0 : i32
      %dma_start3A_1046 = tpu.memref_slice %arg10[%dma_start3A_1044, %dma_start3A_1045] : memref<2x320xi32, #tpu.memory_space<vmem>> -> memref<1x320xi32, #tpu.memory_space<vmem>>
      %dma_start3A_1047 = tpu.memref_squeeze %dma_start3A_1046 : memref<1x320xi32, #tpu.memory_space<vmem>> -> memref<320xi32, #tpu.memory_space<vmem>>
      %dma_start3A_1048 = tpu.memref_slice %arg5[%add3A_1025] : memref<328000xi32, #tpu.memory_space<hbm>> -> memref<320xi32, #tpu.memory_space<hbm>>
      %dma_start3A_1049 = arith.constant 0 : i32
      %dma_start3A_1050 = tpu.memref_slice %arg10[%dma_start3A_1044, %dma_start3A_1049] : memref<2x320xi32, #tpu.memory_space<vmem>> -> memref<1x320xi32, #tpu.memory_space<vmem>>
      %dma_start3A_1051 = tpu.memref_squeeze %dma_start3A_1050 : memref<1x320xi32, #tpu.memory_space<vmem>> -> memref<320xi32, #tpu.memory_space<vmem>>
      %dma_start3A_1052 = tpu.memref_slice %arg5[%add3A_1025] : memref<328000xi32, #tpu.memory_space<hbm>> -> memref<320xi32, #tpu.memory_space<hbm>>
      tpu.enqueue_dma source(%dma_start3A_1052 : memref<320xi32, #tpu.memory_space<hbm>>) target(%dma_start3A_1051 : memref<320xi32, #tpu.memory_space<vmem>>) target_semaphore(%arg17 : memref<!tpu.dma_semaphore, #tpu.memory_space<semaphore_mem>>)
      %dma_wait3A_1053 = arith.constant 1 : i32
      %dma_wait3A_1054 = arith.constant 0 : i32
      %dma_wait3A_1055 = arith.constant 0 : i32
      %dma_wait3A_1056 = tpu.memref_slice %arg15[%dma_wait3A_1053, %dma_wait3A_1054, %dma_wait3A_1055] : memref<2x64x64xf32, #tpu.memory_space<vmem>> -> memref<1x64x64xf32, #tpu.memory_space<vmem>>
      %dma_wait3A_1057 = tpu.memref_squeeze %dma_wait3A_1056 : memref<1x64x64xf32, #tpu.memory_space<vmem>> -> memref<64x64xf32, #tpu.memory_space<vmem>>
      %dma_wait3A_1058 = arith.constant 0 : i32
      %dma_wait3A_1059 = arith.constant 0 : i32
      %dma_wait3A_1060 = tpu.memref_slice %arg16[%dma_wait3A_1058, %dma_wait3A_1059] : memref<30016x64xf32, #tpu.memory_space<vmem_shared>> -> memref<30016x64xf32, #tpu.memory_space<vmem_shared>>
      tpu.wait_indirect_dma semaphore(%arg22 : memref<!tpu.dma_semaphore, #tpu.memory_space<semaphore_mem>>) src(%dma_wait3A_1057 : memref<64x64xf32, #tpu.memory_space<vmem>>) dst(%dma_wait3A_1060 : memref<30016x64xf32, #tpu.memory_space<vmem_shared>>)
      %get3A_1061 = arith.constant 1 : i32
      %get3A_1062 = arith.index_cast %get3A_1061 : i32 to index
      %get3A_1063 = arith.constant 0 : index
      %get3A_1064 = tpu.vector_load %arg10[%get3A_1062, %get3A_1063] {strides = array<i32>} : memref<2x320xi32, #tpu.memory_space<vmem>>, vector<1x16xi32>,
      %get3A_1065 = vector.shape_cast %get3A_1064 : vector<1x16xi32> to vector<16xi32>
      %mul3A_1066 = arith.constant 10000 : i32
      %mul3A_1067 = vector.broadcast %mul3A_1066 : i32 to vector<16xi32>
      %mul3A_1068 = arith.muli %get3A_1065, %mul3A_1067 : vector<16xi32>
      %get3A_1069 = arith.constant 1 : i32
      %get3A_1070 = arith.index_cast %get3A_1069 : i32 to index
      %get3A_1071 = arith.constant 0 : index
      %get3A_1072 = tpu.vector_load %arg8[%get3A_1070, %get3A_1071] {strides = array<i32>} : memref<2x320xi32, #tpu.memory_space<vmem>>, vector<1x16xi32>,
      %get3A_1073 = vector.shape_cast %get3A_1072 : vector<1x16xi32> to vector<16xi32>
      %add3A_1074 = arith.addi %mul3A_1068, %get3A_1073 : vector<16xi32>
      %mul3A_1075 = arith.constant 2 : i32
      %mul3A_1076 = vector.broadcast %mul3A_1075 : i32 to vector<16xi32>
      %mul3A_1077 = arith.muli %add3A_1074, %mul3A_1076 : vector<16xi32>
      %add3A_1078 = vector.broadcast %arg0 : i32 to vector<16xi32>
      %add3A_1079 = arith.addi %mul3A_1077, %add3A_1078 : vector<16xi32>
      %swap3A_1080 = arith.constant 0 : index
      %swap3A_1081 = tpu.vector_load %arg12[%swap3A_1080] {strides = array<i32>} : memref<64xi32, #tpu.memory_space<vmem>>, vector<16xi32>,
      %swap3A_1082 = vector.shape_cast %swap3A_1081 : vector<16xi32> to vector<16xi32>
      %swap3A_1083 = vector.shape_cast %add3A_1079 : vector<16xi32> to vector<16xi32>
      tpu.vector_store %arg12[%swap3A_1080], %swap3A_1083 {strides = array<i32>} : memref<64xi32, #tpu.memory_space<vmem>>, vector<16xi32>,
      %mul3A_1084 = arith.constant 10000 : i32
      %mul3A_1085 = vector.broadcast %mul3A_1084 : i32 to vector<16xi32>
      %mul3A_1086 = arith.muli %get3A_1065, %mul3A_1085 : vector<16xi32>
      %get3A_1087 = arith.constant 1 : i32
      %get3A_1088 = arith.index_cast %get3A_1087 : i32 to index
      %get3A_1089 = arith.constant 0 : index
      %get3A_1090 = tpu.vector_load %arg9[%get3A_1088, %get3A_1089] {strides = array<i32>} : memref<2x320xi32, #tpu.memory_space<vmem>>, vector<1x16xi32>,
      %get3A_1091 = vector.shape_cast %get3A_1090 : vector<1x16xi32> to vector<16xi32>
      %add3A_1092 = arith.addi %mul3A_1086, %get3A_1091 : vector<16xi32>
      %swap3A_1093 = arith.constant 0 : index
      %swap3A_1094 = tpu.vector_load %arg14[%swap3A_1093] {strides = array<i32>} : memref<64xi32, #tpu.memory_space<vmem>>, vector<16xi32>,
      %swap3A_1095 = vector.shape_cast %swap3A_1094 : vector<16xi32> to vector<16xi32>
      %swap3A_1096 = vector.shape_cast %add3A_1092 : vector<16xi32> to vector<16xi32>
      tpu.vector_store %arg14[%swap3A_1093], %swap3A_1096 {strides = array<i32>} : memref<64xi32, #tpu.memory_space<vmem>>, vector<16xi32>,
      %get3A_1097 = arith.constant 1 : i32
      %get3A_1098 = arith.index_cast %get3A_1097 : i32 to index
      %get3A_1099 = arith.constant 16 : index
      %get3A_1100 = tpu.vector_load %arg10[%get3A_1098, %get3A_1099] {strides = array<i32>} : memref<2x320xi32, #tpu.memory_space<vmem>>, vector<1x16xi32>,
      %get3A_1101 = vector.shape_cast %get3A_1100 : vector<1x16xi32> to vector<16xi32>
      %mul3A_1102 = arith.constant 10000 : i32
      %mul3A_1103 = vector.broadcast %mul3A_1102 : i32 to vector<16xi32>
      %mul3A_1104 = arith.muli %get3A_1101, %mul3A_1103 : vector<16xi32>
      %get3A_1105 = arith.constant 1 : i32
      %get3A_1106 = arith.index_cast %get3A_1105 : i32 to index
      %get3A_1107 = arith.constant 16 : index
      %get3A_1108 = tpu.vector_load %arg8[%get3A_1106, %get3A_1107] {strides = array<i32>} : memref<2x320xi32, #tpu.memory_space<vmem>>, vector<1x16xi32>,
      %get3A_1109 = vector.shape_cast %get3A_1108 : vector<1x16xi32> to vector<16xi32>
      %add3A_1110 = arith.addi %mul3A_1104, %get3A_1109 : vector<16xi32>
      %mul3A_1111 = arith.constant 2 : i32
      %mul3A_1112 = vector.broadcast %mul3A_1111 : i32 to vector<16xi32>
      %mul3A_1113 = arith.muli %add3A_1110, %mul3A_1112 : vector<16xi32>
      %add3A_1114 = vector.broadcast %arg0 : i32 to vector<16xi32>
      %add3A_1115 = arith.addi %mul3A_1113, %add3A_1114 : vector<16xi32>
      %swap3A_1116 = arith.constant 16 : index
      %swap3A_1117 = tpu.vector_load %arg12[%swap3A_1116] {strides = array<i32>} : memref<64xi32, #tpu.memory_space<vmem>>, vector<16xi32>,
      %swap3A_1118 = vector.shape_cast %swap3A_1117 : vector<16xi32> to vector<16xi32>
      %swap3A_1119 = vector.shape_cast %add3A_1115 : vector<16xi32> to vector<16xi32>
      tpu.vector_store %arg12[%swap3A_1116], %swap3A_1119 {strides = array<i32>} : memref<64xi32, #tpu.memory_space<vmem>>, vector<16xi32>,
      %mul3A_1120 = arith.constant 10000 : i32
      %mul3A_1121 = vector.broadcast %mul3A_1120 : i32 to vector<16xi32>
      %mul3A_1122 = arith.muli %get3A_1101, %mul3A_1121 : vector<16xi32>
      %get3A_1123 = arith.constant 1 : i32
      %get3A_1124 = arith.index_cast %get3A_1123 : i32 to index
      %get3A_1125 = arith.constant 16 : index
      %get3A_1126 = tpu.vector_load %arg9[%get3A_1124, %get3A_1125] {strides = array<i32>} : memref<2x320xi32, #tpu.memory_space<vmem>>, vector<1x16xi32>,
      %get3A_1127 = vector.shape_cast %get3A_1126 : vector<1x16xi32> to vector<16xi32>
      %add3A_1128 = arith.addi %mul3A_1122, %get3A_1127 : vector<16xi32>
      %swap3A_1129 = arith.constant 16 : index
      %swap3A_1130 = tpu.vector_load %arg14[%swap3A_1129] {strides = array<i32>} : memref<64xi32, #tpu.memory_space<vmem>>, vector<16xi32>,
      %swap3A_1131 = vector.shape_cast %swap3A_1130 : vector<16xi32> to vector<16xi32>
      %swap3A_1132 = vector.shape_cast %add3A_1128 : vector<16xi32> to vector<16xi32>
      tpu.vector_store %arg14[%swap3A_1129], %swap3A_1132 {strides = array<i32>} : memref<64xi32, #tpu.memory_space<vmem>>, vector<16xi32>,
      %get3A_1133 = arith.constant 1 : i32
      %get3A_1134 = arith.index_cast %get3A_1133 : i32 to index
      %get3A_1135 = arith.constant 32 : index
      %get3A_1136 = tpu.vector_load %arg10[%get3A_1134, %get3A_1135] {strides = array<i32>} : memref<2x320xi32, #tpu.memory_space<vmem>>, vector<1x16xi32>,
      %get3A_1137 = vector.shape_cast %get3A_1136 : vector<1x16xi32> to vector<16xi32>
      %mul3A_1138 = arith.constant 10000 : i32
      %mul3A_1139 = vector.broadcast %mul3A_1138 : i32 to vector<16xi32>
      %mul3A_1140 = arith.muli %get3A_1137, %mul3A_1139 : vector<16xi32>
      %get3A_1141 = arith.constant 1 : i32
      %get3A_1142 = arith.index_cast %get3A_1141 : i32 to index
      %get3A_1143 = arith.constant 32 : index
      %get3A_1144 = tpu.vector_load %arg8[%get3A_1142, %get3A_1143] {strides = array<i32>} : memref<2x320xi32, #tpu.memory_space<vmem>>, vector<1x16xi32>,
      %get3A_1145 = vector.shape_cast %get3A_1144 : vector<1x16xi32> to vector<16xi32>
      %add3A_1146 = arith.addi %mul3A_1140, %get3A_1145 : vector<16xi32>
      %mul3A_1147 = arith.constant 2 : i32
      %mul3A_1148 = vector.broadcast %mul3A_1147 : i32 to vector<16xi32>
      %mul3A_1149 = arith.muli %add3A_1146, %mul3A_1148 : vector<16xi32>
      %add3A_1150 = vector.broadcast %arg0 : i32 to vector<16xi32>
      %add3A_1151 = arith.addi %mul3A_1149, %add3A_1150 : vector<16xi32>
      %swap3A_1152 = arith.constant 32 : index
      %swap3A_1153 = tpu.vector_load %arg12[%swap3A_1152] {strides = array<i32>} : memref<64xi32, #tpu.memory_space<vmem>>, vector<16xi32>,
      %swap3A_1154 = vector.shape_cast %swap3A_1153 : vector<16xi32> to vector<16xi32>
      %swap3A_1155 = vector.shape_cast %add3A_1151 : vector<16xi32> to vector<16xi32>
      tpu.vector_store %arg12[%swap3A_1152], %swap3A_1155 {strides = array<i32>} : memref<64xi32, #tpu.memory_space<vmem>>, vector<16xi32>,
      %mul3A_1156 = arith.constant 10000 : i32
      %mul3A_1157 = vector.broadcast %mul3A_1156 : i32 to vector<16xi32>
      %mul3A_1158 = arith.muli %get3A_1137, %mul3A_1157 : vector<16xi32>
      %get3A_1159 = arith.constant 1 : i32
      %get3A_1160 = arith.index_cast %get3A_1159 : i32 to index
      %get3A_1161 = arith.constant 32 : index
      %get3A_1162 = tpu.vector_load %arg9[%get3A_1160, %get3A_1161] {strides = array<i32>} : memref<2x320xi32, #tpu.memory_space<vmem>>, vector<1x16xi32>,
      %get3A_1163 = vector.shape_cast %get3A_1162 : vector<1x16xi32> to vector<16xi32>
      %add3A_1164 = arith.addi %mul3A_1158, %get3A_1163 : vector<16xi32>
      %swap3A_1165 = arith.constant 32 : index
      %swap3A_1166 = tpu.vector_load %arg14[%swap3A_1165] {strides = array<i32>} : memref<64xi32, #tpu.memory_space<vmem>>, vector<16xi32>,
      %swap3A_1167 = vector.shape_cast %swap3A_1166 : vector<16xi32> to vector<16xi32>
      %swap3A_1168 = vector.shape_cast %add3A_1164 : vector<16xi32> to vector<16xi32>
      tpu.vector_store %arg14[%swap3A_1165], %swap3A_1168 {strides = array<i32>} : memref<64xi32, #tpu.memory_space<vmem>>, vector<16xi32>,
      %get3A_1169 = arith.constant 1 : i32
      %get3A_1170 = arith.index_cast %get3A_1169 : i32 to index
      %get3A_1171 = arith.constant 48 : index
      %get3A_1172 = tpu.vector_load %arg10[%get3A_1170, %get3A_1171] {strides = array<i32>} : memref<2x320xi32, #tpu.memory_space<vmem>>, vector<1x16xi32>,
      %get3A_1173 = vector.shape_cast %get3A_1172 : vector<1x16xi32> to vector<16xi32>
      %mul3A_1174 = arith.constant 10000 : i32
      %mul3A_1175 = vector.broadcast %mul3A_1174 : i32 to vector<16xi32>
      %mul3A_1176 = arith.muli %get3A_1173, %mul3A_1175 : vector<16xi32>
      %get3A_1177 = arith.constant 1 : i32
      %get3A_1178 = arith.index_cast %get3A_1177 : i32 to index
      %get3A_1179 = arith.constant 48 : index
      %get3A_1180 = tpu.vector_load %arg8[%get3A_1178, %get3A_1179] {strides = array<i32>} : memref<2x320xi32, #tpu.memory_space<vmem>>, vector<1x16xi32>,
      %get3A_1181 = vector.shape_cast %get3A_1180 : vector<1x16xi32> to vector<16xi32>
      %add3A_1182 = arith.addi %mul3A_1176, %get3A_1181 : vector<16xi32>
      %mul3A_1183 = arith.constant 2 : i32
      %mul3A_1184 = vector.broadcast %mul3A_1183 : i32 to vector<16xi32>
      %mul3A_1185 = arith.muli %add3A_1182, %mul3A_1184 : vector<16xi32>
      %add3A_1186 = vector.broadcast %arg0 : i32 to vector<16xi32>
      %add3A_1187 = arith.addi %mul3A_1185, %add3A_1186 : vector<16xi32>
      %swap3A_1188 = arith.constant 48 : index
      %swap3A_1189 = tpu.vector_load %arg12[%swap3A_1188] {strides = array<i32>} : memref<64xi32, #tpu.memory_space<vmem>>, vector<16xi32>,
      %swap3A_1190 = vector.shape_cast %swap3A_1189 : vector<16xi32> to vector<16xi32>
      %swap3A_1191 = vector.shape_cast %add3A_1187 : vector<16xi32> to vector<16xi32>
      tpu.vector_store %arg12[%swap3A_1188], %swap3A_1191 {strides = array<i32>} : memref<64xi32, #tpu.memory_space<vmem>>, vector<16xi32>,
      %mul3A_1192 = arith.constant 10000 : i32
      %mul3A_1193 = vector.broadcast %mul3A_1192 : i32 to vector<16xi32>
      %mul3A_1194 = arith.muli %get3A_1173, %mul3A_1193 : vector<16xi32>
      %get3A_1195 = arith.constant 1 : i32
      %get3A_1196 = arith.index_cast %get3A_1195 : i32 to index
      %get3A_1197 = arith.constant 48 : index
      %get3A_1198 = tpu.vector_load %arg9[%get3A_1196, %get3A_1197] {strides = array<i32>} : memref<2x320xi32, #tpu.memory_space<vmem>>, vector<1x16xi32>,
      %get3A_1199 = vector.shape_cast %get3A_1198 : vector<1x16xi32> to vector<16xi32>
      %add3A_1200 = arith.addi %mul3A_1194, %get3A_1199 : vector<16xi32>
      %swap3A_1201 = arith.constant 48 : index
      %swap3A_1202 = tpu.vector_load %arg14[%swap3A_1201] {strides = array<i32>} : memref<64xi32, #tpu.memory_space<vmem>>, vector<16xi32>,
      %swap3A_1203 = vector.shape_cast %swap3A_1202 : vector<16xi32> to vector<16xi32>
      %swap3A_1204 = vector.shape_cast %add3A_1200 : vector<16xi32> to vector<16xi32>
      tpu.vector_store %arg14[%swap3A_1201], %swap3A_1204 {strides = array<i32>} : memref<64xi32, #tpu.memory_space<vmem>>, vector<16xi32>,
      %dma_wait3A_1205 = arith.constant 0 : i32
      %dma_wait3A_1206 = arith.constant 0 : i32
      %dma_wait3A_1207 = arith.constant 0 : i32
      %dma_wait3A_1208 = tpu.memref_slice %arg15[%dma_wait3A_1205, %dma_wait3A_1206, %dma_wait3A_1207] : memref<2x64x64xf32, #tpu.memory_space<vmem>> -> memref<1x64x64xf32, #tpu.memory_space<vmem>>
      %dma_wait3A_1209 = tpu.memref_squeeze %dma_wait3A_1208 : memref<1x64x64xf32, #tpu.memory_space<vmem>> -> memref<64x64xf32, #tpu.memory_space<vmem>>
      %dma_wait3A_1210 = arith.constant 0 : i32
      %dma_wait3A_1211 = arith.constant 0 : i32
      %dma_wait3A_1212 = tpu.memref_slice %arg2[%dma_wait3A_1210, %dma_wait3A_1211] : memref<60000x64xf32, #tpu.memory_space<hbm>> -> memref<60000x64xf32, #tpu.memory_space<hbm>>
      tpu.wait_indirect_dma semaphore(%arg19 : memref<!tpu.dma_semaphore, #tpu.memory_space<semaphore_mem>>) src(%dma_wait3A_1212 : memref<60000x64xf32, #tpu.memory_space<hbm>>) dst(%dma_wait3A_1209 : memref<64x64xf32, #tpu.memory_space<vmem>>)
      %dma_start3A_1213 = arith.constant 0 : i32
      %dma_start3A_1214 = arith.constant 0 : i32
      %dma_start3A_1215 = arith.constant 0 : i32
      %dma_start3A_1216 = tpu.memref_slice %arg15[%dma_start3A_1213, %dma_start3A_1214, %dma_start3A_1215] : memref<2x64x64xf32, #tpu.memory_space<vmem>> -> memref<1x64x64xf32, #tpu.memory_space<vmem>>
      %dma_start3A_1217 = tpu.memref_squeeze %dma_start3A_1216 : memref<1x64x64xf32, #tpu.memory_space<vmem>> -> memref<64x64xf32, #tpu.memory_space<vmem>>
      %dma_start3A_1218 = arith.constant 0 : i32
      %dma_start3A_1219 = arith.constant 0 : i32
      %dma_start3A_1220 = tpu.memref_slice %arg16[%dma_start3A_1218, %dma_start3A_1219] : memref<30016x64xf32, #tpu.memory_space<vmem_shared>> -> memref<30016x64xf32, #tpu.memory_space<vmem_shared>>
      tpu.enqueue_indirect_dma source(%dma_start3A_1217 : memref<64x64xf32, #tpu.memory_space<vmem>>) target(%dma_start3A_1220 : memref<30016x64xf32, #tpu.memory_space<vmem_shared>>) offsets(%arg13 : memref<64xi32, #tpu.memory_space<vmem>>) semaphore(%arg21 : memref<!tpu.dma_semaphore, #tpu.memory_space<semaphore_mem>>) {add = true}
      %dma_start3A_1221 = arith.constant 1 : i32
      %dma_start3A_1222 = arith.constant 0 : i32
      %dma_start3A_1223 = arith.constant 0 : i32
      %dma_start3A_1224 = tpu.memref_slice %arg15[%dma_start3A_1221, %dma_start3A_1222, %dma_start3A_1223] : memref<2x64x64xf32, #tpu.memory_space<vmem>> -> memref<1x64x64xf32, #tpu.memory_space<vmem>>
      %dma_start3A_1225 = tpu.memref_squeeze %dma_start3A_1224 : memref<1x64x64xf32, #tpu.memory_space<vmem>> -> memref<64x64xf32, #tpu.memory_space<vmem>>
      %dma_start3A_1226 = arith.constant 0 : i32
      %dma_start3A_1227 = arith.constant 0 : i32
      %dma_start3A_1228 = tpu.memref_slice %arg2[%dma_start3A_1226, %dma_start3A_1227] : memref<60000x64xf32, #tpu.memory_space<hbm>> -> memref<60000x64xf32, #tpu.memory_space<hbm>>
      tpu.enqueue_indirect_dma source(%dma_start3A_1228 : memref<60000x64xf32, #tpu.memory_space<hbm>>) target(%dma_start3A_1225 : memref<64x64xf32, #tpu.memory_space<vmem>>) offsets(%arg12 : memref<64xi32, #tpu.memory_space<vmem>>) semaphore(%arg20 : memref<!tpu.dma_semaphore, #tpu.memory_space<semaphore_mem>>)
      %dma_wait3A_1229 = arith.constant 0 : i32
      %dma_wait3A_1230 = arith.constant 0 : i32
      %dma_wait3A_1231 = arith.constant 0 : i32
      %dma_wait3A_1232 = tpu.memref_slice %arg15[%dma_wait3A_1229, %dma_wait3A_1230, %dma_wait3A_1231] : memref<2x64x64xf32, #tpu.memory_space<vmem>> -> memref<1x64x64xf32, #tpu.memory_space<vmem>>
      %dma_wait3A_1233 = tpu.memref_squeeze %dma_wait3A_1232 : memref<1x64x64xf32, #tpu.memory_space<vmem>> -> memref<64x64xf32, #tpu.memory_space<vmem>>
      %dma_wait3A_1234 = arith.constant 0 : i32
      %dma_wait3A_1235 = arith.constant 0 : i32
      %dma_wait3A_1236 = tpu.memref_slice %arg16[%dma_wait3A_1234, %dma_wait3A_1235] : memref<30016x64xf32, #tpu.memory_space<vmem_shared>> -> memref<30016x64xf32, #tpu.memory_space<vmem_shared>>
      tpu.wait_indirect_dma semaphore(%arg21 : memref<!tpu.dma_semaphore, #tpu.memory_space<semaphore_mem>>) src(%dma_wait3A_1233 : memref<64x64xf32, #tpu.memory_space<vmem>>) dst(%dma_wait3A_1236 : memref<30016x64xf32, #tpu.memory_space<vmem_shared>>)
      %get3A_1237 = arith.constant 1 : i32
      %get3A_1238 = arith.index_cast %get3A_1237 : i32 to index
      %get3A_1239 = arith.constant 64 : index
      %get3A_1240 = tpu.vector_load %arg10[%get3A_1238, %get3A_1239] {strides = array<i32>} : memref<2x320xi32, #tpu.memory_space<vmem>>, vector<1x16xi32>,
      %get3A_1241 = vector.shape_cast %get3A_1240 : vector<1x16xi32> to vector<16xi32>
      %mul3A_1242 = arith.constant 10000 : i32
      %mul3A_1243 = vector.broadcast %mul3A_1242 : i32 to vector<16xi32>
      %mul3A_1244 = arith.muli %get3A_1241, %mul3A_1243 : vector<16xi32>
      %get3A_1245 = arith.constant 1 : i32
      %get3A_1246 = arith.index_cast %get3A_1245 : i32 to index
      %get3A_1247 = arith.constant 64 : index
      %get3A_1248 = tpu.vector_load %arg8[%get3A_1246, %get3A_1247] {strides = array<i32>} : memref<2x320xi32, #tpu.memory_space<vmem>>, vector<1x16xi32>,
      %get3A_1249 = vector.shape_cast %get3A_1248 : vector<1x16xi32> to vector<16xi32>
      %add3A_1250 = arith.addi %mul3A_1244, %get3A_1249 : vector<16xi32>
      %mul3A_1251 = arith.constant 2 : i32
      %mul3A_1252 = vector.broadcast %mul3A_1251 : i32 to vector<16xi32>
      %mul3A_1253 = arith.muli %add3A_1250, %mul3A_1252 : vector<16xi32>
      %add3A_1254 = vector.broadcast %arg0 : i32 to vector<16xi32>
      %add3A_1255 = arith.addi %mul3A_1253, %add3A_1254 : vector<16xi32>
      %swap3A_1256 = arith.constant 0 : index
      %swap3A_1257 = tpu.vector_load %arg11[%swap3A_1256] {strides = array<i32>} : memref<64xi32, #tpu.memory_space<vmem>>, vector<16xi32>,
      %swap3A_1258 = vector.shape_cast %swap3A_1257 : vector<16xi32> to vector<16xi32>
      %swap3A_1259 = vector.shape_cast %add3A_1255 : vector<16xi32> to vector<16xi32>
      tpu.vector_store %arg11[%swap3A_1256], %swap3A_1259 {strides = array<i32>} : memref<64xi32, #tpu.memory_space<vmem>>, vector<16xi32>,
      %mul3A_1260 = arith.constant 10000 : i32
      %mul3A_1261 = vector.broadcast %mul3A_1260 : i32 to vector<16xi32>
      %mul3A_1262 = arith.muli %get3A_1241, %mul3A_1261 : vector<16xi32>
      %get3A_1263 = arith.constant 1 : i32
      %get3A_1264 = arith.index_cast %get3A_1263 : i32 to index
      %get3A_1265 = arith.constant 64 : index
      %get3A_1266 = tpu.vector_load %arg9[%get3A_1264, %get3A_1265] {strides = array<i32>} : memref<2x320xi32, #tpu.memory_space<vmem>>, vector<1x16xi32>,
      %get3A_1267 = vector.shape_cast %get3A_1266 : vector<1x16xi32> to vector<16xi32>
      %add3A_1268 = arith.addi %mul3A_1262, %get3A_1267 : vector<16xi32>
      %swap3A_1269 = arith.constant 0 : index
      %swap3A_1270 = tpu.vector_load %arg13[%swap3A_1269] {strides = array<i32>} : memref<64xi32, #tpu.memory_space<vmem>>, vector<16xi32>,
      %swap3A_1271 = vector.shape_cast %swap3A_1270 : vector<16xi32> to vector<16xi32>
      %swap3A_1272 = vector.shape_cast %add3A_1268 : vector<16xi32> to vector<16xi32>
      tpu.vector_store %arg13[%swap3A_1269], %swap3A_1272 {strides = array<i32>} : memref<64xi32, #tpu.memory_space<vmem>>, vector<16xi32>,
      %get3A_1273 = arith.constant 1 : i32
      %get3A_1274 = arith.index_cast %get3A_1273 : i32 to index
      %get3A_1275 = arith.constant 80 : index
      %get3A_1276 = tpu.vector_load %arg10[%get3A_1274, %get3A_1275] {strides = array<i32>} : memref<2x320xi32, #tpu.memory_space<vmem>>, vector<1x16xi32>,
      %get3A_1277 = vector.shape_cast %get3A_1276 : vector<1x16xi32> to vector<16xi32>
      %mul3A_1278 = arith.constant 10000 : i32
      %mul3A_1279 = vector.broadcast %mul3A_1278 : i32 to vector<16xi32>
      %mul3A_1280 = arith.muli %get3A_1277, %mul3A_1279 : vector<16xi32>
      %get3A_1281 = arith.constant 1 : i32
      %get3A_1282 = arith.index_cast %get3A_1281 : i32 to index
      %get3A_1283 = arith.constant 80 : index
      %get3A_1284 = tpu.vector_load %arg8[%get3A_1282, %get3A_1283] {strides = array<i32>} : memref<2x320xi32, #tpu.memory_space<vmem>>, vector<1x16xi32>,
      %get3A_1285 = vector.shape_cast %get3A_1284 : vector<1x16xi32> to vector<16xi32>
      %add3A_1286 = arith.addi %mul3A_1280, %get3A_1285 : vector<16xi32>
      %mul3A_1287 = arith.constant 2 : i32
      %mul3A_1288 = vector.broadcast %mul3A_1287 : i32 to vector<16xi32>
      %mul3A_1289 = arith.muli %add3A_1286, %mul3A_1288 : vector<16xi32>
      %add3A_1290 = vector.broadcast %arg0 : i32 to vector<16xi32>
      %add3A_1291 = arith.addi %mul3A_1289, %add3A_1290 : vector<16xi32>
      %swap3A_1292 = arith.constant 16 : index
      %swap3A_1293 = tpu.vector_load %arg11[%swap3A_1292] {strides = array<i32>} : memref<64xi32, #tpu.memory_space<vmem>>, vector<16xi32>,
      %swap3A_1294 = vector.shape_cast %swap3A_1293 : vector<16xi32> to vector<16xi32>
      %swap3A_1295 = vector.shape_cast %add3A_1291 : vector<16xi32> to vector<16xi32>
      tpu.vector_store %arg11[%swap3A_1292], %swap3A_1295 {strides = array<i32>} : memref<64xi32, #tpu.memory_space<vmem>>, vector<16xi32>,
      %mul3A_1296 = arith.constant 10000 : i32
      %mul3A_1297 = vector.broadcast %mul3A_1296 : i32 to vector<16xi32>
      %mul3A_1298 = arith.muli %get3A_1277, %mul3A_1297 : vector<16xi32>
      %get3A_1299 = arith.constant 1 : i32
      %get3A_1300 = arith.index_cast %get3A_1299 : i32 to index
      %get3A_1301 = arith.constant 80 : index
      %get3A_1302 = tpu.vector_load %arg9[%get3A_1300, %get3A_1301] {strides = array<i32>} : memref<2x320xi32, #tpu.memory_space<vmem>>, vector<1x16xi32>,
      %get3A_1303 = vector.shape_cast %get3A_1302 : vector<1x16xi32> to vector<16xi32>
      %add3A_1304 = arith.addi %mul3A_1298, %get3A_1303 : vector<16xi32>
      %swap3A_1305 = arith.constant 16 : index
      %swap3A_1306 = tpu.vector_load %arg13[%swap3A_1305] {strides = array<i32>} : memref<64xi32, #tpu.memory_space<vmem>>, vector<16xi32>,
      %swap3A_1307 = vector.shape_cast %swap3A_1306 : vector<16xi32> to vector<16xi32>
      %swap3A_1308 = vector.shape_cast %add3A_1304 : vector<16xi32> to vector<16xi32>
      tpu.vector_store %arg13[%swap3A_1305], %swap3A_1308 {strides = array<i32>} : memref<64xi32, #tpu.memory_space<vmem>>, vector<16xi32>,
      %get3A_1309 = arith.constant 1 : i32
      %get3A_1310 = arith.index_cast %get3A_1309 : i32 to index
      %get3A_1311 = arith.constant 96 : index
      %get3A_1312 = tpu.vector_load %arg10[%get3A_1310, %get3A_1311] {strides = array<i32>} : memref<2x320xi32, #tpu.memory_space<vmem>>, vector<1x16xi32>,
      %get3A_1313 = vector.shape_cast %get3A_1312 : vector<1x16xi32> to vector<16xi32>
      %mul3A_1314 = arith.constant 10000 : i32
      %mul3A_1315 = vector.broadcast %mul3A_1314 : i32 to vector<16xi32>
      %mul3A_1316 = arith.muli %get3A_1313, %mul3A_1315 : vector<16xi32>
      %get3A_1317 = arith.constant 1 : i32
      %get3A_1318 = arith.index_cast %get3A_1317 : i32 to index
      %get3A_1319 = arith.constant 96 : index
      %get3A_1320 = tpu.vector_load %arg8[%get3A_1318, %get3A_1319] {strides = array<i32>} : memref<2x320xi32, #tpu.memory_space<vmem>>, vector<1x16xi32>,
      %get3A_1321 = vector.shape_cast %get3A_1320 : vector<1x16xi32> to vector<16xi32>
      %add3A_1322 = arith.addi %mul3A_1316, %get3A_1321 : vector<16xi32>
      %mul3A_1323 = arith.constant 2 : i32
      %mul3A_1324 = vector.broadcast %mul3A_1323 : i32 to vector<16xi32>
      %mul3A_1325 = arith.muli %add3A_1322, %mul3A_1324 : vector<16xi32>
      %add3A_1326 = vector.broadcast %arg0 : i32 to vector<16xi32>
      %add3A_1327 = arith.addi %mul3A_1325, %add3A_1326 : vector<16xi32>
      %swap3A_1328 = arith.constant 32 : index
      %swap3A_1329 = tpu.vector_load %arg11[%swap3A_1328] {strides = array<i32>} : memref<64xi32, #tpu.memory_space<vmem>>, vector<16xi32>,
      %swap3A_1330 = vector.shape_cast %swap3A_1329 : vector<16xi32> to vector<16xi32>
      %swap3A_1331 = vector.shape_cast %add3A_1327 : vector<16xi32> to vector<16xi32>
      tpu.vector_store %arg11[%swap3A_1328], %swap3A_1331 {strides = array<i32>} : memref<64xi32, #tpu.memory_space<vmem>>, vector<16xi32>,
      %mul3A_1332 = arith.constant 10000 : i32
      %mul3A_1333 = vector.broadcast %mul3A_1332 : i32 to vector<16xi32>
      %mul3A_1334 = arith.muli %get3A_1313, %mul3A_1333 : vector<16xi32>
      %get3A_1335 = arith.constant 1 : i32
      %get3A_1336 = arith.index_cast %get3A_1335 : i32 to index
      %get3A_1337 = arith.constant 96 : index
      %get3A_1338 = tpu.vector_load %arg9[%get3A_1336, %get3A_1337] {strides = array<i32>} : memref<2x320xi32, #tpu.memory_space<vmem>>, vector<1x16xi32>,
      %get3A_1339 = vector.shape_cast %get3A_1338 : vector<1x16xi32> to vector<16xi32>
      %add3A_1340 = arith.addi %mul3A_1334, %get3A_1339 : vector<16xi32>
      %swap3A_1341 = arith.constant 32 : index
      %swap3A_1342 = tpu.vector_load %arg13[%swap3A_1341] {strides = array<i32>} : memref<64xi32, #tpu.memory_space<vmem>>, vector<16xi32>,
      %swap3A_1343 = vector.shape_cast %swap3A_1342 : vector<16xi32> to vector<16xi32>
      %swap3A_1344 = vector.shape_cast %add3A_1340 : vector<16xi32> to vector<16xi32>
      tpu.vector_store %arg13[%swap3A_1341], %swap3A_1344 {strides = array<i32>} : memref<64xi32, #tpu.memory_space<vmem>>, vector<16xi32>,
      %get3A_1345 = arith.constant 1 : i32
      %get3A_1346 = arith.index_cast %get3A_1345 : i32 to index
      %get3A_1347 = arith.constant 112 : index
      %get3A_1348 = tpu.vector_load %arg10[%get3A_1346, %get3A_1347] {strides = array<i32>} : memref<2x320xi32, #tpu.memory_space<vmem>>, vector<1x16xi32>,
      %get3A_1349 = vector.shape_cast %get3A_1348 : vector<1x16xi32> to vector<16xi32>
      %mul3A_1350 = arith.constant 10000 : i32
      %mul3A_1351 = vector.broadcast %mul3A_1350 : i32 to vector<16xi32>
      %mul3A_1352 = arith.muli %get3A_1349, %mul3A_1351 : vector<16xi32>
      %get3A_1353 = arith.constant 1 : i32
      %get3A_1354 = arith.index_cast %get3A_1353 : i32 to index
      %get3A_1355 = arith.constant 112 : index
      %get3A_1356 = tpu.vector_load %arg8[%get3A_1354, %get3A_1355] {strides = array<i32>} : memref<2x320xi32, #tpu.memory_space<vmem>>, vector<1x16xi32>,
      %get3A_1357 = vector.shape_cast %get3A_1356 : vector<1x16xi32> to vector<16xi32>
      %add3A_1358 = arith.addi %mul3A_1352, %get3A_1357 : vector<16xi32>
      %mul3A_1359 = arith.constant 2 : i32
      %mul3A_1360 = vector.broadcast %mul3A_1359 : i32 to vector<16xi32>
      %mul3A_1361 = arith.muli %add3A_1358, %mul3A_1360 : vector<16xi32>
      %add3A_1362 = vector.broadcast %arg0 : i32 to vector<16xi32>
      %add3A_1363 = arith.addi %mul3A_1361, %add3A_1362 : vector<16xi32>
      %swap3A_1364 = arith.constant 48 : index
      %swap3A_1365 = tpu.vector_load %arg11[%swap3A_1364] {strides = array<i32>} : memref<64xi32, #tpu.memory_space<vmem>>, vector<16xi32>,
      %swap3A_1366 = vector.shape_cast %swap3A_1365 : vector<16xi32> to vector<16xi32>
      %swap3A_1367 = vector.shape_cast %add3A_1363 : vector<16xi32> to vector<16xi32>
      tpu.vector_store %arg11[%swap3A_1364], %swap3A_1367 {strides = array<i32>} : memref<64xi32, #tpu.memory_space<vmem>>, vector<16xi32>,
      %mul3A_1368 = arith.constant 10000 : i32
      %mul3A_1369 = vector.broadcast %mul3A_1368 : i32 to vector<16xi32>
      %mul3A_1370 = arith.muli %get3A_1349, %mul3A_1369 : vector<16xi32>
      %get3A_1371 = arith.constant 1 : i32
      %get3A_1372 = arith.index_cast %get3A_1371 : i32 to index
      %get3A_1373 = arith.constant 112 : index
      %get3A_1374 = tpu.vector_load %arg9[%get3A_1372, %get3A_1373] {strides = array<i32>} : memref<2x320xi32, #tpu.memory_space<vmem>>, vector<1x16xi32>,
      %get3A_1375 = vector.shape_cast %get3A_1374 : vector<1x16xi32> to vector<16xi32>
      %add3A_1376 = arith.addi %mul3A_1370, %get3A_1375 : vector<16xi32>
      %swap3A_1377 = arith.constant 48 : index
      %swap3A_1378 = tpu.vector_load %arg13[%swap3A_1377] {strides = array<i32>} : memref<64xi32, #tpu.memory_space<vmem>>, vector<16xi32>,
      %swap3A_1379 = vector.shape_cast %swap3A_1378 : vector<16xi32> to vector<16xi32>
      %swap3A_1380 = vector.shape_cast %add3A_1376 : vector<16xi32> to vector<16xi32>
      tpu.vector_store %arg13[%swap3A_1377], %swap3A_1380 {strides = array<i32>} : memref<64xi32, #tpu.memory_space<vmem>>, vector<16xi32>,
      %dma_wait3A_1381 = arith.constant 1 : i32
      %dma_wait3A_1382 = arith.constant 0 : i32
      %dma_wait3A_1383 = arith.constant 0 : i32
      %dma_wait3A_1384 = tpu.memref_slice %arg15[%dma_wait3A_1381, %dma_wait3A_1382, %dma_wait3A_1383] : memref<2x64x64xf32, #tpu.memory_space<vmem>> -> memref<1x64x64xf32, #tpu.memory_space<vmem>>
      %dma_wait3A_1385 = tpu.memref_squeeze %dma_wait3A_1384 : memref<1x64x64xf32, #tpu.memory_space<vmem>> -> memref<64x64xf32, #tpu.memory_space<vmem>>
      %dma_wait3A_1386 = arith.constant 0 : i32
      %dma_wait3A_1387 = arith.constant 0 : i32
      %dma_wait3A_1388 = tpu.memref_slice %arg2[%dma_wait3A_1386, %dma_wait3A_1387] : memref<60000x64xf32, #tpu.memory_space<hbm>> -> memref<60000x64xf32, #tpu.memory_space<hbm>>
      tpu.wait_indirect_dma semaphore(%arg20 : memref<!tpu.dma_semaphore, #tpu.memory_space<semaphore_mem>>) src(%dma_wait3A_1388 : memref<60000x64xf32, #tpu.memory_space<hbm>>) dst(%dma_wait3A_1385 : memref<64x64xf32, #tpu.memory_space<vmem>>)
      %dma_start3A_1389 = arith.constant 1 : i32
      %dma_start3A_1390 = arith.constant 0 : i32
      %dma_start3A_1391 = arith.constant 0 : i32
      %dma_start3A_1392 = tpu.memref_slice %arg15[%dma_start3A_1389, %dma_start3A_1390, %dma_start3A_1391] : memref<2x64x64xf32, #tpu.memory_space<vmem>> -> memref<1x64x64xf32, #tpu.memory_space<vmem>>
      %dma_start3A_1393 = tpu.memref_squeeze %dma_start3A_1392 : memref<1x64x64xf32, #tpu.memory_space<vmem>> -> memref<64x64xf32, #tpu.memory_space<vmem>>
      %dma_start3A_1394 = arith.constant 0 : i32
      %dma_start3A_1395 = arith.constant 0 : i32
      %dma_start3A_1396 = tpu.memref_slice %arg16[%dma_start3A_1394, %dma_start3A_1395] : memref<30016x64xf32, #tpu.memory_space<vmem_shared>> -> memref<30016x64xf32, #tpu.memory_space<vmem_shared>>
      tpu.enqueue_indirect_dma source(%dma_start3A_1393 : memref<64x64xf32, #tpu.memory_space<vmem>>) target(%dma_start3A_1396 : memref<30016x64xf32, #tpu.memory_space<vmem_shared>>) offsets(%arg14 : memref<64xi32, #tpu.memory_space<vmem>>) semaphore(%arg22 : memref<!tpu.dma_semaphore, #tpu.memory_space<semaphore_mem>>) {add = true}
      %dma_start3A_1397 = arith.constant 0 : i32
      %dma_start3A_1398 = arith.constant 0 : i32
      %dma_start3A_1399 = arith.constant 0 : i32
      %dma_start3A_1400 = tpu.memref_slice %arg15[%dma_start3A_1397, %dma_start3A_1398, %dma_start3A_1399] : memref<2x64x64xf32, #tpu.memory_space<vmem>> -> memref<1x64x64xf32, #tpu.memory_space<vmem>>
      %dma_start3A_1401 = tpu.memref_squeeze %dma_start3A_1400 : memref<1x64x64xf32, #tpu.memory_space<vmem>> -> memref<64x64xf32, #tpu.memory_space<vmem>>
      %dma_start3A_1402 = arith.constant 0 : i32
      %dma_start3A_1403 = arith.constant 0 : i32
      %dma_start3A_1404 = tpu.memref_slice %arg2[%dma_start3A_1402, %dma_start3A_1403] : memref<60000x64xf32, #tpu.memory_space<hbm>> -> memref<60000x64xf32, #tpu.memory_space<hbm>>
      tpu.enqueue_indirect_dma source(%dma_start3A_1404 : memref<60000x64xf32, #tpu.memory_space<hbm>>) target(%dma_start3A_1401 : memref<64x64xf32, #tpu.memory_space<vmem>>) offsets(%arg11 : memref<64xi32, #tpu.memory_space<vmem>>) semaphore(%arg19 : memref<!tpu.dma_semaphore, #tpu.memory_space<semaphore_mem>>)
      %dma_wait3A_1405 = arith.constant 1 : i32
      %dma_wait3A_1406 = arith.constant 0 : i32
      %dma_wait3A_1407 = arith.constant 0 : i32
      %dma_wait3A_1408 = tpu.memref_slice %arg15[%dma_wait3A_1405, %dma_wait3A_1406, %dma_wait3A_1407] : memref<2x64x64xf32, #tpu.memory_space<vmem>> -> memref<1x64x64xf32, #tpu.memory_space<vmem>>
      %dma_wait3A_1409 = tpu.memref_squeeze %dma_wait3A_1408 : memref<1x64x64xf32, #tpu.memory_space<vmem>> -> memref<64x64xf32, #tpu.memory_space<vmem>>
      %dma_wait3A_1410 = arith.constant 0 : i32
      %dma_wait3A_1411 = arith.constant 0 : i32
      %dma_wait3A_1412 = tpu.memref_slice %arg16[%dma_wait3A_1410, %dma_wait3A_1411] : memref<30016x64xf32, #tpu.memory_space<vmem_shared>> -> memref<30016x64xf32, #tpu.memory_space<vmem_shared>>
      tpu.wait_indirect_dma semaphore(%arg22 : memref<!tpu.dma_semaphore, #tpu.memory_space<semaphore_mem>>) src(%dma_wait3A_1409 : memref<64x64xf32, #tpu.memory_space<vmem>>) dst(%dma_wait3A_1412 : memref<30016x64xf32, #tpu.memory_space<vmem_shared>>)
      %get3A_1413 = arith.constant 1 : i32
      %get3A_1414 = arith.index_cast %get3A_1413 : i32 to index
      %get3A_1415 = arith.constant 128 : index
      %get3A_1416 = tpu.vector_load %arg10[%get3A_1414, %get3A_1415] {strides = array<i32>} : memref<2x320xi32, #tpu.memory_space<vmem>>, vector<1x16xi32>,
      %get3A_1417 = vector.shape_cast %get3A_1416 : vector<1x16xi32> to vector<16xi32>
      %mul3A_1418 = arith.constant 10000 : i32
      %mul3A_1419 = vector.broadcast %mul3A_1418 : i32 to vector<16xi32>
      %mul3A_1420 = arith.muli %get3A_1417, %mul3A_1419 : vector<16xi32>
      %get3A_1421 = arith.constant 1 : i32
      %get3A_1422 = arith.index_cast %get3A_1421 : i32 to index
      %get3A_1423 = arith.constant 128 : index
      %get3A_1424 = tpu.vector_load %arg8[%get3A_1422, %get3A_1423] {strides = array<i32>} : memref<2x320xi32, #tpu.memory_space<vmem>>, vector<1x16xi32>,
      %get3A_1425 = vector.shape_cast %get3A_1424 : vector<1x16xi32> to vector<16xi32>
      %add3A_1426 = arith.addi %mul3A_1420, %get3A_1425 : vector<16xi32>
      %mul3A_1427 = arith.constant 2 : i32
      %mul3A_1428 = vector.broadcast %mul3A_1427 : i32 to vector<16xi32>
      %mul3A_1429 = arith.muli %add3A_1426, %mul3A_1428 : vector<16xi32>
      %add3A_1430 = vector.broadcast %arg0 : i32 to vector<16xi32>
      %add3A_1431 = arith.addi %mul3A_1429, %add3A_1430 : vector<16xi32>
      %swap3A_1432 = arith.constant 0 : index
      %swap3A_1433 = tpu.vector_load %arg12[%swap3A_1432] {strides = array<i32>} : memref<64xi32, #tpu.memory_space<vmem>>, vector<16xi32>,
      %swap3A_1434 = vector.shape_cast %swap3A_1433 : vector<16xi32> to vector<16xi32>
      %swap3A_1435 = vector.shape_cast %add3A_1431 : vector<16xi32> to vector<16xi32>
      tpu.vector_store %arg12[%swap3A_1432], %swap3A_1435 {strides = array<i32>} : memref<64xi32, #tpu.memory_space<vmem>>, vector<16xi32>,
      %mul3A_1436 = arith.constant 10000 : i32
      %mul3A_1437 = vector.broadcast %mul3A_1436 : i32 to vector<16xi32>
      %mul3A_1438 = arith.muli %get3A_1417, %mul3A_1437 : vector<16xi32>
      %get3A_1439 = arith.constant 1 : i32
      %get3A_1440 = arith.index_cast %get3A_1439 : i32 to index
      %get3A_1441 = arith.constant 128 : index
      %get3A_1442 = tpu.vector_load %arg9[%get3A_1440, %get3A_1441] {strides = array<i32>} : memref<2x320xi32, #tpu.memory_space<vmem>>, vector<1x16xi32>,
      %get3A_1443 = vector.shape_cast %get3A_1442 : vector<1x16xi32> to vector<16xi32>
      %add3A_1444 = arith.addi %mul3A_1438, %get3A_1443 : vector<16xi32>
      %swap3A_1445 = arith.constant 0 : index
      %swap3A_1446 = tpu.vector_load %arg14[%swap3A_1445] {strides = array<i32>} : memref<64xi32, #tpu.memory_space<vmem>>, vector<16xi32>,
      %swap3A_1447 = vector.shape_cast %swap3A_1446 : vector<16xi32> to vector<16xi32>
      %swap3A_1448 = vector.shape_cast %add3A_1444 : vector<16xi32> to vector<16xi32>
      tpu.vector_store %arg14[%swap3A_1445], %swap3A_1448 {strides = array<i32>} : memref<64xi32, #tpu.memory_space<vmem>>, vector<16xi32>,
      %get3A_1449 = arith.constant 1 : i32
      %get3A_1450 = arith.index_cast %get3A_1449 : i32 to index
      %get3A_1451 = arith.constant 144 : index
      %get3A_1452 = tpu.vector_load %arg10[%get3A_1450, %get3A_1451] {strides = array<i32>} : memref<2x320xi32, #tpu.memory_space<vmem>>, vector<1x16xi32>,
      %get3A_1453 = vector.shape_cast %get3A_1452 : vector<1x16xi32> to vector<16xi32>
      %mul3A_1454 = arith.constant 10000 : i32
      %mul3A_1455 = vector.broadcast %mul3A_1454 : i32 to vector<16xi32>
      %mul3A_1456 = arith.muli %get3A_1453, %mul3A_1455 : vector<16xi32>
      %get3A_1457 = arith.constant 1 : i32
      %get3A_1458 = arith.index_cast %get3A_1457 : i32 to index
      %get3A_1459 = arith.constant 144 : index
      %get3A_1460 = tpu.vector_load %arg8[%get3A_1458, %get3A_1459] {strides = array<i32>} : memref<2x320xi32, #tpu.memory_space<vmem>>, vector<1x16xi32>,
      %get3A_1461 = vector.shape_cast %get3A_1460 : vector<1x16xi32> to vector<16xi32>
      %add3A_1462 = arith.addi %mul3A_1456, %get3A_1461 : vector<16xi32>
      %mul3A_1463 = arith.constant 2 : i32
      %mul3A_1464 = vector.broadcast %mul3A_1463 : i32 to vector<16xi32>
      %mul3A_1465 = arith.muli %add3A_1462, %mul3A_1464 : vector<16xi32>
      %add3A_1466 = vector.broadcast %arg0 : i32 to vector<16xi32>
      %add3A_1467 = arith.addi %mul3A_1465, %add3A_1466 : vector<16xi32>
      %swap3A_1468 = arith.constant 16 : index
      %swap3A_1469 = tpu.vector_load %arg12[%swap3A_1468] {strides = array<i32>} : memref<64xi32, #tpu.memory_space<vmem>>, vector<16xi32>,
      %swap3A_1470 = vector.shape_cast %swap3A_1469 : vector<16xi32> to vector<16xi32>
      %swap3A_1471 = vector.shape_cast %add3A_1467 : vector<16xi32> to vector<16xi32>
      tpu.vector_store %arg12[%swap3A_1468], %swap3A_1471 {strides = array<i32>} : memref<64xi32, #tpu.memory_space<vmem>>, vector<16xi32>,
      %mul3A_1472 = arith.constant 10000 : i32
      %mul3A_1473 = vector.broadcast %mul3A_1472 : i32 to vector<16xi32>
      %mul3A_1474 = arith.muli %get3A_1453, %mul3A_1473 : vector<16xi32>
      %get3A_1475 = arith.constant 1 : i32
      %get3A_1476 = arith.index_cast %get3A_1475 : i32 to index
      %get3A_1477 = arith.constant 144 : index
      %get3A_1478 = tpu.vector_load %arg9[%get3A_1476, %get3A_1477] {strides = array<i32>} : memref<2x320xi32, #tpu.memory_space<vmem>>, vector<1x16xi32>,
      %get3A_1479 = vector.shape_cast %get3A_1478 : vector<1x16xi32> to vector<16xi32>
      %add3A_1480 = arith.addi %mul3A_1474, %get3A_1479 : vector<16xi32>
      %swap3A_1481 = arith.constant 16 : index
      %swap3A_1482 = tpu.vector_load %arg14[%swap3A_1481] {strides = array<i32>} : memref<64xi32, #tpu.memory_space<vmem>>, vector<16xi32>,
      %swap3A_1483 = vector.shape_cast %swap3A_1482 : vector<16xi32> to vector<16xi32>
      %swap3A_1484 = vector.shape_cast %add3A_1480 : vector<16xi32> to vector<16xi32>
      tpu.vector_store %arg14[%swap3A_1481], %swap3A_1484 {strides = array<i32>} : memref<64xi32, #tpu.memory_space<vmem>>, vector<16xi32>,
      %get3A_1485 = arith.constant 1 : i32
      %get3A_1486 = arith.index_cast %get3A_1485 : i32 to index
      %get3A_1487 = arith.constant 160 : index
      %get3A_1488 = tpu.vector_load %arg10[%get3A_1486, %get3A_1487] {strides = array<i32>} : memref<2x320xi32, #tpu.memory_space<vmem>>, vector<1x16xi32>,
      %get3A_1489 = vector.shape_cast %get3A_1488 : vector<1x16xi32> to vector<16xi32>
      %mul3A_1490 = arith.constant 10000 : i32
      %mul3A_1491 = vector.broadcast %mul3A_1490 : i32 to vector<16xi32>
      %mul3A_1492 = arith.muli %get3A_1489, %mul3A_1491 : vector<16xi32>
      %get3A_1493 = arith.constant 1 : i32
      %get3A_1494 = arith.index_cast %get3A_1493 : i32 to index
      %get3A_1495 = arith.constant 160 : index
      %get3A_1496 = tpu.vector_load %arg8[%get3A_1494, %get3A_1495] {strides = array<i32>} : memref<2x320xi32, #tpu.memory_space<vmem>>, vector<1x16xi32>,
      %get3A_1497 = vector.shape_cast %get3A_1496 : vector<1x16xi32> to vector<16xi32>
      %add3A_1498 = arith.addi %mul3A_1492, %get3A_1497 : vector<16xi32>
      %mul3A_1499 = arith.constant 2 : i32
      %mul3A_1500 = vector.broadcast %mul3A_1499 : i32 to vector<16xi32>
      %mul3A_1501 = arith.muli %add3A_1498, %mul3A_1500 : vector<16xi32>
      %add3A_1502 = vector.broadcast %arg0 : i32 to vector<16xi32>
      %add3A_1503 = arith.addi %mul3A_1501, %add3A_1502 : vector<16xi32>
      %swap3A_1504 = arith.constant 32 : index
      %swap3A_1505 = tpu.vector_load %arg12[%swap3A_1504] {strides = array<i32>} : memref<64xi32, #tpu.memory_space<vmem>>, vector<16xi32>,
      %swap3A_1506 = vector.shape_cast %swap3A_1505 : vector<16xi32> to vector<16xi32>
      %swap3A_1507 = vector.shape_cast %add3A_1503 : vector<16xi32> to vector<16xi32>
      tpu.vector_store %arg12[%swap3A_1504], %swap3A_1507 {strides = array<i32>} : memref<64xi32, #tpu.memory_space<vmem>>, vector<16xi32>,
      %mul3A_1508 = arith.constant 10000 : i32
      %mul3A_1509 = vector.broadcast %mul3A_1508 : i32 to vector<16xi32>
      %mul3A_1510 = arith.muli %get3A_1489, %mul3A_1509 : vector<16xi32>
      %get3A_1511 = arith.constant 1 : i32
      %get3A_1512 = arith.index_cast %get3A_1511 : i32 to index
      %get3A_1513 = arith.constant 160 : index
      %get3A_1514 = tpu.vector_load %arg9[%get3A_1512, %get3A_1513] {strides = array<i32>} : memref<2x320xi32, #tpu.memory_space<vmem>>, vector<1x16xi32>,
      %get3A_1515 = vector.shape_cast %get3A_1514 : vector<1x16xi32> to vector<16xi32>
      %add3A_1516 = arith.addi %mul3A_1510, %get3A_1515 : vector<16xi32>
      %swap3A_1517 = arith.constant 32 : index
      %swap3A_1518 = tpu.vector_load %arg14[%swap3A_1517] {strides = array<i32>} : memref<64xi32, #tpu.memory_space<vmem>>, vector<16xi32>,
      %swap3A_1519 = vector.shape_cast %swap3A_1518 : vector<16xi32> to vector<16xi32>
      %swap3A_1520 = vector.shape_cast %add3A_1516 : vector<16xi32> to vector<16xi32>
      tpu.vector_store %arg14[%swap3A_1517], %swap3A_1520 {strides = array<i32>} : memref<64xi32, #tpu.memory_space<vmem>>, vector<16xi32>,
      %get3A_1521 = arith.constant 1 : i32
      %get3A_1522 = arith.index_cast %get3A_1521 : i32 to index
      %get3A_1523 = arith.constant 176 : index
      %get3A_1524 = tpu.vector_load %arg10[%get3A_1522, %get3A_1523] {strides = array<i32>} : memref<2x320xi32, #tpu.memory_space<vmem>>, vector<1x16xi32>,
      %get3A_1525 = vector.shape_cast %get3A_1524 : vector<1x16xi32> to vector<16xi32>
      %mul3A_1526 = arith.constant 10000 : i32
      %mul3A_1527 = vector.broadcast %mul3A_1526 : i32 to vector<16xi32>
      %mul3A_1528 = arith.muli %get3A_1525, %mul3A_1527 : vector<16xi32>
      %get3A_1529 = arith.constant 1 : i32
      %get3A_1530 = arith.index_cast %get3A_1529 : i32 to index
      %get3A_1531 = arith.constant 176 : index
      %get3A_1532 = tpu.vector_load %arg8[%get3A_1530, %get3A_1531] {strides = array<i32>} : memref<2x320xi32, #tpu.memory_space<vmem>>, vector<1x16xi32>,
      %get3A_1533 = vector.shape_cast %get3A_1532 : vector<1x16xi32> to vector<16xi32>
      %add3A_1534 = arith.addi %mul3A_1528, %get3A_1533 : vector<16xi32>
      %mul3A_1535 = arith.constant 2 : i32
      %mul3A_1536 = vector.broadcast %mul3A_1535 : i32 to vector<16xi32>
      %mul3A_1537 = arith.muli %add3A_1534, %mul3A_1536 : vector<16xi32>
      %add3A_1538 = vector.broadcast %arg0 : i32 to vector<16xi32>
      %add3A_1539 = arith.addi %mul3A_1537, %add3A_1538 : vector<16xi32>
      %swap3A_1540 = arith.constant 48 : index
      %swap3A_1541 = tpu.vector_load %arg12[%swap3A_1540] {strides = array<i32>} : memref<64xi32, #tpu.memory_space<vmem>>, vector<16xi32>,
      %swap3A_1542 = vector.shape_cast %swap3A_1541 : vector<16xi32> to vector<16xi32>
      %swap3A_1543 = vector.shape_cast %add3A_1539 : vector<16xi32> to vector<16xi32>
      tpu.vector_store %arg12[%swap3A_1540], %swap3A_1543 {strides = array<i32>} : memref<64xi32, #tpu.memory_space<vmem>>, vector<16xi32>,
      %mul3A_1544 = arith.constant 10000 : i32
      %mul3A_1545 = vector.broadcast %mul3A_1544 : i32 to vector<16xi32>
      %mul3A_1546 = arith.muli %get3A_1525, %mul3A_1545 : vector<16xi32>
      %get3A_1547 = arith.constant 1 : i32
      %get3A_1548 = arith.index_cast %get3A_1547 : i32 to index
      %get3A_1549 = arith.constant 176 : index
      %get3A_1550 = tpu.vector_load %arg9[%get3A_1548, %get3A_1549] {strides = array<i32>} : memref<2x320xi32, #tpu.memory_space<vmem>>, vector<1x16xi32>,
      %get3A_1551 = vector.shape_cast %get3A_1550 : vector<1x16xi32> to vector<16xi32>
      %add3A_1552 = arith.addi %mul3A_1546, %get3A_1551 : vector<16xi32>
      %swap3A_1553 = arith.constant 48 : index
      %swap3A_1554 = tpu.vector_load %arg14[%swap3A_1553] {strides = array<i32>} : memref<64xi32, #tpu.memory_space<vmem>>, vector<16xi32>,
      %swap3A_1555 = vector.shape_cast %swap3A_1554 : vector<16xi32> to vector<16xi32>
      %swap3A_1556 = vector.shape_cast %add3A_1552 : vector<16xi32> to vector<16xi32>
      tpu.vector_store %arg14[%swap3A_1553], %swap3A_1556 {strides = array<i32>} : memref<64xi32, #tpu.memory_space<vmem>>, vector<16xi32>,
      %dma_wait3A_1557 = arith.constant 0 : i32
      %dma_wait3A_1558 = arith.constant 0 : i32
      %dma_wait3A_1559 = arith.constant 0 : i32
      %dma_wait3A_1560 = tpu.memref_slice %arg15[%dma_wait3A_1557, %dma_wait3A_1558, %dma_wait3A_1559] : memref<2x64x64xf32, #tpu.memory_space<vmem>> -> memref<1x64x64xf32, #tpu.memory_space<vmem>>
      %dma_wait3A_1561 = tpu.memref_squeeze %dma_wait3A_1560 : memref<1x64x64xf32, #tpu.memory_space<vmem>> -> memref<64x64xf32, #tpu.memory_space<vmem>>
      %dma_wait3A_1562 = arith.constant 0 : i32
      %dma_wait3A_1563 = arith.constant 0 : i32
      %dma_wait3A_1564 = tpu.memref_slice %arg2[%dma_wait3A_1562, %dma_wait3A_1563] : memref<60000x64xf32, #tpu.memory_space<hbm>> -> memref<60000x64xf32, #tpu.memory_space<hbm>>
      tpu.wait_indirect_dma semaphore(%arg19 : memref<!tpu.dma_semaphore, #tpu.memory_space<semaphore_mem>>) src(%dma_wait3A_1564 : memref<60000x64xf32, #tpu.memory_space<hbm>>) dst(%dma_wait3A_1561 : memref<64x64xf32, #tpu.memory_space<vmem>>)
      %dma_start3A_1565 = arith.constant 0 : i32
      %dma_start3A_1566 = arith.constant 0 : i32
      %dma_start3A_1567 = arith.constant 0 : i32
      %dma_start3A_1568 = tpu.memref_slice %arg15[%dma_start3A_1565, %dma_start3A_1566, %dma_start3A_1567] : memref<2x64x64xf32, #tpu.memory_space<vmem>> -> memref<1x64x64xf32, #tpu.memory_space<vmem>>
      %dma_start3A_1569 = tpu.memref_squeeze %dma_start3A_1568 : memref<1x64x64xf32, #tpu.memory_space<vmem>> -> memref<64x64xf32, #tpu.memory_space<vmem>>
      %dma_start3A_1570 = arith.constant 0 : i32
      %dma_start3A_1571 = arith.constant 0 : i32
      %dma_start3A_1572 = tpu.memref_slice %arg16[%dma_start3A_1570, %dma_start3A_1571] : memref<30016x64xf32, #tpu.memory_space<vmem_shared>> -> memref<30016x64xf32, #tpu.memory_space<vmem_shared>>
      tpu.enqueue_indirect_dma source(%dma_start3A_1569 : memref<64x64xf32, #tpu.memory_space<vmem>>) target(%dma_start3A_1572 : memref<30016x64xf32, #tpu.memory_space<vmem_shared>>) offsets(%arg13 : memref<64xi32, #tpu.memory_space<vmem>>) semaphore(%arg21 : memref<!tpu.dma_semaphore, #tpu.memory_space<semaphore_mem>>) {add = true}
      %dma_start3A_1573 = arith.constant 1 : i32
      %dma_start3A_1574 = arith.constant 0 : i32
      %dma_start3A_1575 = arith.constant 0 : i32
      %dma_start3A_1576 = tpu.memref_slice %arg15[%dma_start3A_1573, %dma_start3A_1574, %dma_start3A_1575] : memref<2x64x64xf32, #tpu.memory_space<vmem>> -> memref<1x64x64xf32, #tpu.memory_space<vmem>>
      %dma_start3A_1577 = tpu.memref_squeeze %dma_start3A_1576 : memref<1x64x64xf32, #tpu.memory_space<vmem>> -> memref<64x64xf32, #tpu.memory_space<vmem>>
      %dma_start3A_1578 = arith.constant 0 : i32
      %dma_start3A_1579 = arith.constant 0 : i32
      %dma_start3A_1580 = tpu.memref_slice %arg2[%dma_start3A_1578, %dma_start3A_1579] : memref<60000x64xf32, #tpu.memory_space<hbm>> -> memref<60000x64xf32, #tpu.memory_space<hbm>>
      tpu.enqueue_indirect_dma source(%dma_start3A_1580 : memref<60000x64xf32, #tpu.memory_space<hbm>>) target(%dma_start3A_1577 : memref<64x64xf32, #tpu.memory_space<vmem>>) offsets(%arg12 : memref<64xi32, #tpu.memory_space<vmem>>) semaphore(%arg20 : memref<!tpu.dma_semaphore, #tpu.memory_space<semaphore_mem>>)
      %dma_wait3A_1581 = arith.constant 0 : i32
      %dma_wait3A_1582 = arith.constant 0 : i32
      %dma_wait3A_1583 = arith.constant 0 : i32
      %dma_wait3A_1584 = tpu.memref_slice %arg15[%dma_wait3A_1581, %dma_wait3A_1582, %dma_wait3A_1583] : memref<2x64x64xf32, #tpu.memory_space<vmem>> -> memref<1x64x64xf32, #tpu.memory_space<vmem>>
      %dma_wait3A_1585 = tpu.memref_squeeze %dma_wait3A_1584 : memref<1x64x64xf32, #tpu.memory_space<vmem>> -> memref<64x64xf32, #tpu.memory_space<vmem>>
      %dma_wait3A_1586 = arith.constant 0 : i32
      %dma_wait3A_1587 = arith.constant 0 : i32
      %dma_wait3A_1588 = tpu.memref_slice %arg16[%dma_wait3A_1586, %dma_wait3A_1587] : memref<30016x64xf32, #tpu.memory_space<vmem_shared>> -> memref<30016x64xf32, #tpu.memory_space<vmem_shared>>
      tpu.wait_indirect_dma semaphore(%arg21 : memref<!tpu.dma_semaphore, #tpu.memory_space<semaphore_mem>>) src(%dma_wait3A_1585 : memref<64x64xf32, #tpu.memory_space<vmem>>) dst(%dma_wait3A_1588 : memref<30016x64xf32, #tpu.memory_space<vmem_shared>>)
      %get3A_1589 = arith.constant 1 : i32
      %get3A_1590 = arith.index_cast %get3A_1589 : i32 to index
      %get3A_1591 = arith.constant 192 : index
      %get3A_1592 = tpu.vector_load %arg10[%get3A_1590, %get3A_1591] {strides = array<i32>} : memref<2x320xi32, #tpu.memory_space<vmem>>, vector<1x16xi32>,
      %get3A_1593 = vector.shape_cast %get3A_1592 : vector<1x16xi32> to vector<16xi32>
      %mul3A_1594 = arith.constant 10000 : i32
      %mul3A_1595 = vector.broadcast %mul3A_1594 : i32 to vector<16xi32>
      %mul3A_1596 = arith.muli %get3A_1593, %mul3A_1595 : vector<16xi32>
      %get3A_1597 = arith.constant 1 : i32
      %get3A_1598 = arith.index_cast %get3A_1597 : i32 to index
      %get3A_1599 = arith.constant 192 : index
      %get3A_1600 = tpu.vector_load %arg8[%get3A_1598, %get3A_1599] {strides = array<i32>} : memref<2x320xi32, #tpu.memory_space<vmem>>, vector<1x16xi32>,
      %get3A_1601 = vector.shape_cast %get3A_1600 : vector<1x16xi32> to vector<16xi32>
      %add3A_1602 = arith.addi %mul3A_1596, %get3A_1601 : vector<16xi32>
      %mul3A_1603 = arith.constant 2 : i32
      %mul3A_1604 = vector.broadcast %mul3A_1603 : i32 to vector<16xi32>
      %mul3A_1605 = arith.muli %add3A_1602, %mul3A_1604 : vector<16xi32>
      %add3A_1606 = vector.broadcast %arg0 : i32 to vector<16xi32>
      %add3A_1607 = arith.addi %mul3A_1605, %add3A_1606 : vector<16xi32>
      %swap3A_1608 = arith.constant 0 : index
      %swap3A_1609 = tpu.vector_load %arg11[%swap3A_1608] {strides = array<i32>} : memref<64xi32, #tpu.memory_space<vmem>>, vector<16xi32>,
      %swap3A_1610 = vector.shape_cast %swap3A_1609 : vector<16xi32> to vector<16xi32>
      %swap3A_1611 = vector.shape_cast %add3A_1607 : vector<16xi32> to vector<16xi32>
      tpu.vector_store %arg11[%swap3A_1608], %swap3A_1611 {strides = array<i32>} : memref<64xi32, #tpu.memory_space<vmem>>, vector<16xi32>,
      %mul3A_1612 = arith.constant 10000 : i32
      %mul3A_1613 = vector.broadcast %mul3A_1612 : i32 to vector<16xi32>
      %mul3A_1614 = arith.muli %get3A_1593, %mul3A_1613 : vector<16xi32>
      %get3A_1615 = arith.constant 1 : i32
      %get3A_1616 = arith.index_cast %get3A_1615 : i32 to index
      %get3A_1617 = arith.constant 192 : index
      %get3A_1618 = tpu.vector_load %arg9[%get3A_1616, %get3A_1617] {strides = array<i32>} : memref<2x320xi32, #tpu.memory_space<vmem>>, vector<1x16xi32>,
      %get3A_1619 = vector.shape_cast %get3A_1618 : vector<1x16xi32> to vector<16xi32>
      %add3A_1620 = arith.addi %mul3A_1614, %get3A_1619 : vector<16xi32>
      %swap3A_1621 = arith.constant 0 : index
      %swap3A_1622 = tpu.vector_load %arg13[%swap3A_1621] {strides = array<i32>} : memref<64xi32, #tpu.memory_space<vmem>>, vector<16xi32>,
      %swap3A_1623 = vector.shape_cast %swap3A_1622 : vector<16xi32> to vector<16xi32>
      %swap3A_1624 = vector.shape_cast %add3A_1620 : vector<16xi32> to vector<16xi32>
      tpu.vector_store %arg13[%swap3A_1621], %swap3A_1624 {strides = array<i32>} : memref<64xi32, #tpu.memory_space<vmem>>, vector<16xi32>,
      %get3A_1625 = arith.constant 1 : i32
      %get3A_1626 = arith.index_cast %get3A_1625 : i32 to index
      %get3A_1627 = arith.constant 208 : index
      %get3A_1628 = tpu.vector_load %arg10[%get3A_1626, %get3A_1627] {strides = array<i32>} : memref<2x320xi32, #tpu.memory_space<vmem>>, vector<1x16xi32>,
      %get3A_1629 = vector.shape_cast %get3A_1628 : vector<1x16xi32> to vector<16xi32>
      %mul3A_1630 = arith.constant 10000 : i32
      %mul3A_1631 = vector.broadcast %mul3A_1630 : i32 to vector<16xi32>
      %mul3A_1632 = arith.muli %get3A_1629, %mul3A_1631 : vector<16xi32>
      %get3A_1633 = arith.constant 1 : i32
      %get3A_1634 = arith.index_cast %get3A_1633 : i32 to index
      %get3A_1635 = arith.constant 208 : index
      %get3A_1636 = tpu.vector_load %arg8[%get3A_1634, %get3A_1635] {strides = array<i32>} : memref<2x320xi32, #tpu.memory_space<vmem>>, vector<1x16xi32>,
      %get3A_1637 = vector.shape_cast %get3A_1636 : vector<1x16xi32> to vector<16xi32>
      %add3A_1638 = arith.addi %mul3A_1632, %get3A_1637 : vector<16xi32>
      %mul3A_1639 = arith.constant 2 : i32
      %mul3A_1640 = vector.broadcast %mul3A_1639 : i32 to vector<16xi32>
      %mul3A_1641 = arith.muli %add3A_1638, %mul3A_1640 : vector<16xi32>
      %add3A_1642 = vector.broadcast %arg0 : i32 to vector<16xi32>
      %add3A_1643 = arith.addi %mul3A_1641, %add3A_1642 : vector<16xi32>
      %swap3A_1644 = arith.constant 16 : index
      %swap3A_1645 = tpu.vector_load %arg11[%swap3A_1644] {strides = array<i32>} : memref<64xi32, #tpu.memory_space<vmem>>, vector<16xi32>,
      %swap3A_1646 = vector.shape_cast %swap3A_1645 : vector<16xi32> to vector<16xi32>
      %swap3A_1647 = vector.shape_cast %add3A_1643 : vector<16xi32> to vector<16xi32>
      tpu.vector_store %arg11[%swap3A_1644], %swap3A_1647 {strides = array<i32>} : memref<64xi32, #tpu.memory_space<vmem>>, vector<16xi32>,
      %mul3A_1648 = arith.constant 10000 : i32
      %mul3A_1649 = vector.broadcast %mul3A_1648 : i32 to vector<16xi32>
      %mul3A_1650 = arith.muli %get3A_1629, %mul3A_1649 : vector<16xi32>
      %get3A_1651 = arith.constant 1 : i32
      %get3A_1652 = arith.index_cast %get3A_1651 : i32 to index
      %get3A_1653 = arith.constant 208 : index
      %get3A_1654 = tpu.vector_load %arg9[%get3A_1652, %get3A_1653] {strides = array<i32>} : memref<2x320xi32, #tpu.memory_space<vmem>>, vector<1x16xi32>,
      %get3A_1655 = vector.shape_cast %get3A_1654 : vector<1x16xi32> to vector<16xi32>
      %add3A_1656 = arith.addi %mul3A_1650, %get3A_1655 : vector<16xi32>
      %swap3A_1657 = arith.constant 16 : index
      %swap3A_1658 = tpu.vector_load %arg13[%swap3A_1657] {strides = array<i32>} : memref<64xi32, #tpu.memory_space<vmem>>, vector<16xi32>,
      %swap3A_1659 = vector.shape_cast %swap3A_1658 : vector<16xi32> to vector<16xi32>
      %swap3A_1660 = vector.shape_cast %add3A_1656 : vector<16xi32> to vector<16xi32>
      tpu.vector_store %arg13[%swap3A_1657], %swap3A_1660 {strides = array<i32>} : memref<64xi32, #tpu.memory_space<vmem>>, vector<16xi32>,
      %get3A_1661 = arith.constant 1 : i32
      %get3A_1662 = arith.index_cast %get3A_1661 : i32 to index
      %get3A_1663 = arith.constant 224 : index
      %get3A_1664 = tpu.vector_load %arg10[%get3A_1662, %get3A_1663] {strides = array<i32>} : memref<2x320xi32, #tpu.memory_space<vmem>>, vector<1x16xi32>,
      %get3A_1665 = vector.shape_cast %get3A_1664 : vector<1x16xi32> to vector<16xi32>
      %mul3A_1666 = arith.constant 10000 : i32
      %mul3A_1667 = vector.broadcast %mul3A_1666 : i32 to vector<16xi32>
      %mul3A_1668 = arith.muli %get3A_1665, %mul3A_1667 : vector<16xi32>
      %get3A_1669 = arith.constant 1 : i32
      %get3A_1670 = arith.index_cast %get3A_1669 : i32 to index
      %get3A_1671 = arith.constant 224 : index
      %get3A_1672 = tpu.vector_load %arg8[%get3A_1670, %get3A_1671] {strides = array<i32>} : memref<2x320xi32, #tpu.memory_space<vmem>>, vector<1x16xi32>,
      %get3A_1673 = vector.shape_cast %get3A_1672 : vector<1x16xi32> to vector<16xi32>
      %add3A_1674 = arith.addi %mul3A_1668, %get3A_1673 : vector<16xi32>
      %mul3A_1675 = arith.constant 2 : i32
      %mul3A_1676 = vector.broadcast %mul3A_1675 : i32 to vector<16xi32>
      %mul3A_1677 = arith.muli %add3A_1674, %mul3A_1676 : vector<16xi32>
      %add3A_1678 = vector.broadcast %arg0 : i32 to vector<16xi32>
      %add3A_1679 = arith.addi %mul3A_1677, %add3A_1678 : vector<16xi32>
      %swap3A_1680 = arith.constant 32 : index
      %swap3A_1681 = tpu.vector_load %arg11[%swap3A_1680] {strides = array<i32>} : memref<64xi32, #tpu.memory_space<vmem>>, vector<16xi32>,
      %swap3A_1682 = vector.shape_cast %swap3A_1681 : vector<16xi32> to vector<16xi32>
      %swap3A_1683 = vector.shape_cast %add3A_1679 : vector<16xi32> to vector<16xi32>
      tpu.vector_store %arg11[%swap3A_1680], %swap3A_1683 {strides = array<i32>} : memref<64xi32, #tpu.memory_space<vmem>>, vector<16xi32>,
      %mul3A_1684 = arith.constant 10000 : i32
      %mul3A_1685 = vector.broadcast %mul3A_1684 : i32 to vector<16xi32>
      %mul3A_1686 = arith.muli %get3A_1665, %mul3A_1685 : vector<16xi32>
      %get3A_1687 = arith.constant 1 : i32
      %get3A_1688 = arith.index_cast %get3A_1687 : i32 to index
      %get3A_1689 = arith.constant 224 : index
      %get3A_1690 = tpu.vector_load %arg9[%get3A_1688, %get3A_1689] {strides = array<i32>} : memref<2x320xi32, #tpu.memory_space<vmem>>, vector<1x16xi32>,
      %get3A_1691 = vector.shape_cast %get3A_1690 : vector<1x16xi32> to vector<16xi32>
      %add3A_1692 = arith.addi %mul3A_1686, %get3A_1691 : vector<16xi32>
      %swap3A_1693 = arith.constant 32 : index
      %swap3A_1694 = tpu.vector_load %arg13[%swap3A_1693] {strides = array<i32>} : memref<64xi32, #tpu.memory_space<vmem>>, vector<16xi32>,
      %swap3A_1695 = vector.shape_cast %swap3A_1694 : vector<16xi32> to vector<16xi32>
      %swap3A_1696 = vector.shape_cast %add3A_1692 : vector<16xi32> to vector<16xi32>
      tpu.vector_store %arg13[%swap3A_1693], %swap3A_1696 {strides = array<i32>} : memref<64xi32, #tpu.memory_space<vmem>>, vector<16xi32>,
      %get3A_1697 = arith.constant 1 : i32
      %get3A_1698 = arith.index_cast %get3A_1697 : i32 to index
      %get3A_1699 = arith.constant 240 : index
      %get3A_1700 = tpu.vector_load %arg10[%get3A_1698, %get3A_1699] {strides = array<i32>} : memref<2x320xi32, #tpu.memory_space<vmem>>, vector<1x16xi32>,
      %get3A_1701 = vector.shape_cast %get3A_1700 : vector<1x16xi32> to vector<16xi32>
      %mul3A_1702 = arith.constant 10000 : i32
      %mul3A_1703 = vector.broadcast %mul3A_1702 : i32 to vector<16xi32>
      %mul3A_1704 = arith.muli %get3A_1701, %mul3A_1703 : vector<16xi32>
      %get3A_1705 = arith.constant 1 : i32
      %get3A_1706 = arith.index_cast %get3A_1705 : i32 to index
      %get3A_1707 = arith.constant 240 : index
      %get3A_1708 = tpu.vector_load %arg8[%get3A_1706, %get3A_1707] {strides = array<i32>} : memref<2x320xi32, #tpu.memory_space<vmem>>, vector<1x16xi32>,
      %get3A_1709 = vector.shape_cast %get3A_1708 : vector<1x16xi32> to vector<16xi32>
      %add3A_1710 = arith.addi %mul3A_1704, %get3A_1709 : vector<16xi32>
      %mul3A_1711 = arith.constant 2 : i32
      %mul3A_1712 = vector.broadcast %mul3A_1711 : i32 to vector<16xi32>
      %mul3A_1713 = arith.muli %add3A_1710, %mul3A_1712 : vector<16xi32>
      %add3A_1714 = vector.broadcast %arg0 : i32 to vector<16xi32>
      %add3A_1715 = arith.addi %mul3A_1713, %add3A_1714 : vector<16xi32>
      %swap3A_1716 = arith.constant 48 : index
      %swap3A_1717 = tpu.vector_load %arg11[%swap3A_1716] {strides = array<i32>} : memref<64xi32, #tpu.memory_space<vmem>>, vector<16xi32>,
      %swap3A_1718 = vector.shape_cast %swap3A_1717 : vector<16xi32> to vector<16xi32>
      %swap3A_1719 = vector.shape_cast %add3A_1715 : vector<16xi32> to vector<16xi32>
      tpu.vector_store %arg11[%swap3A_1716], %swap3A_1719 {strides = array<i32>} : memref<64xi32, #tpu.memory_space<vmem>>, vector<16xi32>,
      %mul3A_1720 = arith.constant 10000 : i32
      %mul3A_1721 = vector.broadcast %mul3A_1720 : i32 to vector<16xi32>
      %mul3A_1722 = arith.muli %get3A_1701, %mul3A_1721 : vector<16xi32>
      %get3A_1723 = arith.constant 1 : i32
      %get3A_1724 = arith.index_cast %get3A_1723 : i32 to index
      %get3A_1725 = arith.constant 240 : index
      %get3A_1726 = tpu.vector_load %arg9[%get3A_1724, %get3A_1725] {strides = array<i32>} : memref<2x320xi32, #tpu.memory_space<vmem>>, vector<1x16xi32>,
      %get3A_1727 = vector.shape_cast %get3A_1726 : vector<1x16xi32> to vector<16xi32>
      %add3A_1728 = arith.addi %mul3A_1722, %get3A_1727 : vector<16xi32>
      %swap3A_1729 = arith.constant 48 : index
      %swap3A_1730 = tpu.vector_load %arg13[%swap3A_1729] {strides = array<i32>} : memref<64xi32, #tpu.memory_space<vmem>>, vector<16xi32>,
      %swap3A_1731 = vector.shape_cast %swap3A_1730 : vector<16xi32> to vector<16xi32>
      %swap3A_1732 = vector.shape_cast %add3A_1728 : vector<16xi32> to vector<16xi32>
      tpu.vector_store %arg13[%swap3A_1729], %swap3A_1732 {strides = array<i32>} : memref<64xi32, #tpu.memory_space<vmem>>, vector<16xi32>,
      %dma_wait3A_1733 = arith.constant 1 : i32
      %dma_wait3A_1734 = arith.constant 0 : i32
      %dma_wait3A_1735 = arith.constant 0 : i32
      %dma_wait3A_1736 = tpu.memref_slice %arg15[%dma_wait3A_1733, %dma_wait3A_1734, %dma_wait3A_1735] : memref<2x64x64xf32, #tpu.memory_space<vmem>> -> memref<1x64x64xf32, #tpu.memory_space<vmem>>
      %dma_wait3A_1737 = tpu.memref_squeeze %dma_wait3A_1736 : memref<1x64x64xf32, #tpu.memory_space<vmem>> -> memref<64x64xf32, #tpu.memory_space<vmem>>
      %dma_wait3A_1738 = arith.constant 0 : i32
      %dma_wait3A_1739 = arith.constant 0 : i32
      %dma_wait3A_1740 = tpu.memref_slice %arg2[%dma_wait3A_1738, %dma_wait3A_1739] : memref<60000x64xf32, #tpu.memory_space<hbm>> -> memref<60000x64xf32, #tpu.memory_space<hbm>>
      tpu.wait_indirect_dma semaphore(%arg20 : memref<!tpu.dma_semaphore, #tpu.memory_space<semaphore_mem>>) src(%dma_wait3A_1740 : memref<60000x64xf32, #tpu.memory_space<hbm>>) dst(%dma_wait3A_1737 : memref<64x64xf32, #tpu.memory_space<vmem>>)
      %dma_start3A_1741 = arith.constant 1 : i32
      %dma_start3A_1742 = arith.constant 0 : i32
      %dma_start3A_1743 = arith.constant 0 : i32
      %dma_start3A_1744 = tpu.memref_slice %arg15[%dma_start3A_1741, %dma_start3A_1742, %dma_start3A_1743] : memref<2x64x64xf32, #tpu.memory_space<vmem>> -> memref<1x64x64xf32, #tpu.memory_space<vmem>>
      %dma_start3A_1745 = tpu.memref_squeeze %dma_start3A_1744 : memref<1x64x64xf32, #tpu.memory_space<vmem>> -> memref<64x64xf32, #tpu.memory_space<vmem>>
      %dma_start3A_1746 = arith.constant 0 : i32
      %dma_start3A_1747 = arith.constant 0 : i32
      %dma_start3A_1748 = tpu.memref_slice %arg16[%dma_start3A_1746, %dma_start3A_1747] : memref<30016x64xf32, #tpu.memory_space<vmem_shared>> -> memref<30016x64xf32, #tpu.memory_space<vmem_shared>>
      tpu.enqueue_indirect_dma source(%dma_start3A_1745 : memref<64x64xf32, #tpu.memory_space<vmem>>) target(%dma_start3A_1748 : memref<30016x64xf32, #tpu.memory_space<vmem_shared>>) offsets(%arg14 : memref<64xi32, #tpu.memory_space<vmem>>) semaphore(%arg22 : memref<!tpu.dma_semaphore, #tpu.memory_space<semaphore_mem>>) {add = true}
      %dma_start3A_1749 = arith.constant 0 : i32
      %dma_start3A_1750 = arith.constant 0 : i32
      %dma_start3A_1751 = arith.constant 0 : i32
      %dma_start3A_1752 = tpu.memref_slice %arg15[%dma_start3A_1749, %dma_start3A_1750, %dma_start3A_1751] : memref<2x64x64xf32, #tpu.memory_space<vmem>> -> memref<1x64x64xf32, #tpu.memory_space<vmem>>
      %dma_start3A_1753 = tpu.memref_squeeze %dma_start3A_1752 : memref<1x64x64xf32, #tpu.memory_space<vmem>> -> memref<64x64xf32, #tpu.memory_space<vmem>>
      %dma_start3A_1754 = arith.constant 0 : i32
      %dma_start3A_1755 = arith.constant 0 : i32
      %dma_start3A_1756 = tpu.memref_slice %arg2[%dma_start3A_1754, %dma_start3A_1755] : memref<60000x64xf32, #tpu.memory_space<hbm>> -> memref<60000x64xf32, #tpu.memory_space<hbm>>
      tpu.enqueue_indirect_dma source(%dma_start3A_1756 : memref<60000x64xf32, #tpu.memory_space<hbm>>) target(%dma_start3A_1753 : memref<64x64xf32, #tpu.memory_space<vmem>>) offsets(%arg11 : memref<64xi32, #tpu.memory_space<vmem>>) semaphore(%arg19 : memref<!tpu.dma_semaphore, #tpu.memory_space<semaphore_mem>>)
      %dma_wait3A_1757 = arith.constant 1 : i32
      %dma_wait3A_1758 = arith.constant 0 : i32
      %dma_wait3A_1759 = arith.constant 0 : i32
      %dma_wait3A_1760 = tpu.memref_slice %arg15[%dma_wait3A_1757, %dma_wait3A_1758, %dma_wait3A_1759] : memref<2x64x64xf32, #tpu.memory_space<vmem>> -> memref<1x64x64xf32, #tpu.memory_space<vmem>>
      %dma_wait3A_1761 = tpu.memref_squeeze %dma_wait3A_1760 : memref<1x64x64xf32, #tpu.memory_space<vmem>> -> memref<64x64xf32, #tpu.memory_space<vmem>>
      %dma_wait3A_1762 = arith.constant 0 : i32
      %dma_wait3A_1763 = arith.constant 0 : i32
      %dma_wait3A_1764 = tpu.memref_slice %arg16[%dma_wait3A_1762, %dma_wait3A_1763] : memref<30016x64xf32, #tpu.memory_space<vmem_shared>> -> memref<30016x64xf32, #tpu.memory_space<vmem_shared>>
      tpu.wait_indirect_dma semaphore(%arg22 : memref<!tpu.dma_semaphore, #tpu.memory_space<semaphore_mem>>) src(%dma_wait3A_1761 : memref<64x64xf32, #tpu.memory_space<vmem>>) dst(%dma_wait3A_1764 : memref<30016x64xf32, #tpu.memory_space<vmem_shared>>)
      %get3A_1765 = arith.constant 1 : i32
      %get3A_1766 = arith.index_cast %get3A_1765 : i32 to index
      %get3A_1767 = arith.constant 256 : index
      %get3A_1768 = tpu.vector_load %arg10[%get3A_1766, %get3A_1767] {strides = array<i32>} : memref<2x320xi32, #tpu.memory_space<vmem>>, vector<1x16xi32>,
      %get3A_1769 = vector.shape_cast %get3A_1768 : vector<1x16xi32> to vector<16xi32>
      %mul3A_1770 = arith.constant 10000 : i32
      %mul3A_1771 = vector.broadcast %mul3A_1770 : i32 to vector<16xi32>
      %mul3A_1772 = arith.muli %get3A_1769, %mul3A_1771 : vector<16xi32>
      %get3A_1773 = arith.constant 1 : i32
      %get3A_1774 = arith.index_cast %get3A_1773 : i32 to index
      %get3A_1775 = arith.constant 256 : index
      %get3A_1776 = tpu.vector_load %arg8[%get3A_1774, %get3A_1775] {strides = array<i32>} : memref<2x320xi32, #tpu.memory_space<vmem>>, vector<1x16xi32>,
      %get3A_1777 = vector.shape_cast %get3A_1776 : vector<1x16xi32> to vector<16xi32>
      %add3A_1778 = arith.addi %mul3A_1772, %get3A_1777 : vector<16xi32>
      %mul3A_1779 = arith.constant 2 : i32
      %mul3A_1780 = vector.broadcast %mul3A_1779 : i32 to vector<16xi32>
      %mul3A_1781 = arith.muli %add3A_1778, %mul3A_1780 : vector<16xi32>
      %add3A_1782 = vector.broadcast %arg0 : i32 to vector<16xi32>
      %add3A_1783 = arith.addi %mul3A_1781, %add3A_1782 : vector<16xi32>
      %swap3A_1784 = arith.constant 0 : index
      %swap3A_1785 = tpu.vector_load %arg12[%swap3A_1784] {strides = array<i32>} : memref<64xi32, #tpu.memory_space<vmem>>, vector<16xi32>,
      %swap3A_1786 = vector.shape_cast %swap3A_1785 : vector<16xi32> to vector<16xi32>
      %swap3A_1787 = vector.shape_cast %add3A_1783 : vector<16xi32> to vector<16xi32>
      tpu.vector_store %arg12[%swap3A_1784], %swap3A_1787 {strides = array<i32>} : memref<64xi32, #tpu.memory_space<vmem>>, vector<16xi32>,
      %mul3A_1788 = arith.constant 10000 : i32
      %mul3A_1789 = vector.broadcast %mul3A_1788 : i32 to vector<16xi32>
      %mul3A_1790 = arith.muli %get3A_1769, %mul3A_1789 : vector<16xi32>
      %get3A_1791 = arith.constant 1 : i32
      %get3A_1792 = arith.index_cast %get3A_1791 : i32 to index
      %get3A_1793 = arith.constant 256 : index
      %get3A_1794 = tpu.vector_load %arg9[%get3A_1792, %get3A_1793] {strides = array<i32>} : memref<2x320xi32, #tpu.memory_space<vmem>>, vector<1x16xi32>,
      %get3A_1795 = vector.shape_cast %get3A_1794 : vector<1x16xi32> to vector<16xi32>
      %add3A_1796 = arith.addi %mul3A_1790, %get3A_1795 : vector<16xi32>
      %swap3A_1797 = arith.constant 0 : index
      %swap3A_1798 = tpu.vector_load %arg14[%swap3A_1797] {strides = array<i32>} : memref<64xi32, #tpu.memory_space<vmem>>, vector<16xi32>,
      %swap3A_1799 = vector.shape_cast %swap3A_1798 : vector<16xi32> to vector<16xi32>
      %swap3A_1800 = vector.shape_cast %add3A_1796 : vector<16xi32> to vector<16xi32>
      tpu.vector_store %arg14[%swap3A_1797], %swap3A_1800 {strides = array<i32>} : memref<64xi32, #tpu.memory_space<vmem>>, vector<16xi32>,
      %get3A_1801 = arith.constant 1 : i32
      %get3A_1802 = arith.index_cast %get3A_1801 : i32 to index
      %get3A_1803 = arith.constant 272 : index
      %get3A_1804 = tpu.vector_load %arg10[%get3A_1802, %get3A_1803] {strides = array<i32>} : memref<2x320xi32, #tpu.memory_space<vmem>>, vector<1x16xi32>,
      %get3A_1805 = vector.shape_cast %get3A_1804 : vector<1x16xi32> to vector<16xi32>
      %mul3A_1806 = arith.constant 10000 : i32
      %mul3A_1807 = vector.broadcast %mul3A_1806 : i32 to vector<16xi32>
      %mul3A_1808 = arith.muli %get3A_1805, %mul3A_1807 : vector<16xi32>
      %get3A_1809 = arith.constant 1 : i32
      %get3A_1810 = arith.index_cast %get3A_1809 : i32 to index
      %get3A_1811 = arith.constant 272 : index
      %get3A_1812 = tpu.vector_load %arg8[%get3A_1810, %get3A_1811] {strides = array<i32>} : memref<2x320xi32, #tpu.memory_space<vmem>>, vector<1x16xi32>,
      %get3A_1813 = vector.shape_cast %get3A_1812 : vector<1x16xi32> to vector<16xi32>
      %add3A_1814 = arith.addi %mul3A_1808, %get3A_1813 : vector<16xi32>
      %mul3A_1815 = arith.constant 2 : i32
      %mul3A_1816 = vector.broadcast %mul3A_1815 : i32 to vector<16xi32>
      %mul3A_1817 = arith.muli %add3A_1814, %mul3A_1816 : vector<16xi32>
      %add3A_1818 = vector.broadcast %arg0 : i32 to vector<16xi32>
      %add3A_1819 = arith.addi %mul3A_1817, %add3A_1818 : vector<16xi32>
      %swap3A_1820 = arith.constant 16 : index
      %swap3A_1821 = tpu.vector_load %arg12[%swap3A_1820] {strides = array<i32>} : memref<64xi32, #tpu.memory_space<vmem>>, vector<16xi32>,
      %swap3A_1822 = vector.shape_cast %swap3A_1821 : vector<16xi32> to vector<16xi32>
      %swap3A_1823 = vector.shape_cast %add3A_1819 : vector<16xi32> to vector<16xi32>
      tpu.vector_store %arg12[%swap3A_1820], %swap3A_1823 {strides = array<i32>} : memref<64xi32, #tpu.memory_space<vmem>>, vector<16xi32>,
      %mul3A_1824 = arith.constant 10000 : i32
      %mul3A_1825 = vector.broadcast %mul3A_1824 : i32 to vector<16xi32>
      %mul3A_1826 = arith.muli %get3A_1805, %mul3A_1825 : vector<16xi32>
      %get3A_1827 = arith.constant 1 : i32
      %get3A_1828 = arith.index_cast %get3A_1827 : i32 to index
      %get3A_1829 = arith.constant 272 : index
      %get3A_1830 = tpu.vector_load %arg9[%get3A_1828, %get3A_1829] {strides = array<i32>} : memref<2x320xi32, #tpu.memory_space<vmem>>, vector<1x16xi32>,
      %get3A_1831 = vector.shape_cast %get3A_1830 : vector<1x16xi32> to vector<16xi32>
      %add3A_1832 = arith.addi %mul3A_1826, %get3A_1831 : vector<16xi32>
      %swap3A_1833 = arith.constant 16 : index
      %swap3A_1834 = tpu.vector_load %arg14[%swap3A_1833] {strides = array<i32>} : memref<64xi32, #tpu.memory_space<vmem>>, vector<16xi32>,
      %swap3A_1835 = vector.shape_cast %swap3A_1834 : vector<16xi32> to vector<16xi32>
      %swap3A_1836 = vector.shape_cast %add3A_1832 : vector<16xi32> to vector<16xi32>
      tpu.vector_store %arg14[%swap3A_1833], %swap3A_1836 {strides = array<i32>} : memref<64xi32, #tpu.memory_space<vmem>>, vector<16xi32>,
      %get3A_1837 = arith.constant 1 : i32
      %get3A_1838 = arith.index_cast %get3A_1837 : i32 to index
      %get3A_1839 = arith.constant 288 : index
      %get3A_1840 = tpu.vector_load %arg10[%get3A_1838, %get3A_1839] {strides = array<i32>} : memref<2x320xi32, #tpu.memory_space<vmem>>, vector<1x16xi32>,
      %get3A_1841 = vector.shape_cast %get3A_1840 : vector<1x16xi32> to vector<16xi32>
      %mul3A_1842 = arith.constant 10000 : i32
      %mul3A_1843 = vector.broadcast %mul3A_1842 : i32 to vector<16xi32>
      %mul3A_1844 = arith.muli %get3A_1841, %mul3A_1843 : vector<16xi32>
      %get3A_1845 = arith.constant 1 : i32
      %get3A_1846 = arith.index_cast %get3A_1845 : i32 to index
      %get3A_1847 = arith.constant 288 : index
      %get3A_1848 = tpu.vector_load %arg8[%get3A_1846, %get3A_1847] {strides = array<i32>} : memref<2x320xi32, #tpu.memory_space<vmem>>, vector<1x16xi32>,
      %get3A_1849 = vector.shape_cast %get3A_1848 : vector<1x16xi32> to vector<16xi32>
      %add3A_1850 = arith.addi %mul3A_1844, %get3A_1849 : vector<16xi32>
      %mul3A_1851 = arith.constant 2 : i32
      %mul3A_1852 = vector.broadcast %mul3A_1851 : i32 to vector<16xi32>
      %mul3A_1853 = arith.muli %add3A_1850, %mul3A_1852 : vector<16xi32>
      %add3A_1854 = vector.broadcast %arg0 : i32 to vector<16xi32>
      %add3A_1855 = arith.addi %mul3A_1853, %add3A_1854 : vector<16xi32>
      %swap3A_1856 = arith.constant 32 : index
      %swap3A_1857 = tpu.vector_load %arg12[%swap3A_1856] {strides = array<i32>} : memref<64xi32, #tpu.memory_space<vmem>>, vector<16xi32>,
      %swap3A_1858 = vector.shape_cast %swap3A_1857 : vector<16xi32> to vector<16xi32>
      %swap3A_1859 = vector.shape_cast %add3A_1855 : vector<16xi32> to vector<16xi32>
      tpu.vector_store %arg12[%swap3A_1856], %swap3A_1859 {strides = array<i32>} : memref<64xi32, #tpu.memory_space<vmem>>, vector<16xi32>,
      %mul3A_1860 = arith.constant 10000 : i32
      %mul3A_1861 = vector.broadcast %mul3A_1860 : i32 to vector<16xi32>
      %mul3A_1862 = arith.muli %get3A_1841, %mul3A_1861 : vector<16xi32>
      %get3A_1863 = arith.constant 1 : i32
      %get3A_1864 = arith.index_cast %get3A_1863 : i32 to index
      %get3A_1865 = arith.constant 288 : index
      %get3A_1866 = tpu.vector_load %arg9[%get3A_1864, %get3A_1865] {strides = array<i32>} : memref<2x320xi32, #tpu.memory_space<vmem>>, vector<1x16xi32>,
      %get3A_1867 = vector.shape_cast %get3A_1866 : vector<1x16xi32> to vector<16xi32>
      %add3A_1868 = arith.addi %mul3A_1862, %get3A_1867 : vector<16xi32>
      %swap3A_1869 = arith.constant 32 : index
      %swap3A_1870 = tpu.vector_load %arg14[%swap3A_1869] {strides = array<i32>} : memref<64xi32, #tpu.memory_space<vmem>>, vector<16xi32>,
      %swap3A_1871 = vector.shape_cast %swap3A_1870 : vector<16xi32> to vector<16xi32>
      %swap3A_1872 = vector.shape_cast %add3A_1868 : vector<16xi32> to vector<16xi32>
      tpu.vector_store %arg14[%swap3A_1869], %swap3A_1872 {strides = array<i32>} : memref<64xi32, #tpu.memory_space<vmem>>, vector<16xi32>,
      %get3A_1873 = arith.constant 1 : i32
      %get3A_1874 = arith.index_cast %get3A_1873 : i32 to index
      %get3A_1875 = arith.constant 304 : index
      %get3A_1876 = tpu.vector_load %arg10[%get3A_1874, %get3A_1875] {strides = array<i32>} : memref<2x320xi32, #tpu.memory_space<vmem>>, vector<1x16xi32>,
      %get3A_1877 = vector.shape_cast %get3A_1876 : vector<1x16xi32> to vector<16xi32>
      %mul3A_1878 = arith.constant 10000 : i32
      %mul3A_1879 = vector.broadcast %mul3A_1878 : i32 to vector<16xi32>
      %mul3A_1880 = arith.muli %get3A_1877, %mul3A_1879 : vector<16xi32>
      %get3A_1881 = arith.constant 1 : i32
      %get3A_1882 = arith.index_cast %get3A_1881 : i32 to index
      %get3A_1883 = arith.constant 304 : index
      %get3A_1884 = tpu.vector_load %arg8[%get3A_1882, %get3A_1883] {strides = array<i32>} : memref<2x320xi32, #tpu.memory_space<vmem>>, vector<1x16xi32>,
      %get3A_1885 = vector.shape_cast %get3A_1884 : vector<1x16xi32> to vector<16xi32>
      %add3A_1886 = arith.addi %mul3A_1880, %get3A_1885 : vector<16xi32>
      %mul3A_1887 = arith.constant 2 : i32
      %mul3A_1888 = vector.broadcast %mul3A_1887 : i32 to vector<16xi32>
      %mul3A_1889 = arith.muli %add3A_1886, %mul3A_1888 : vector<16xi32>
      %add3A_1890 = vector.broadcast %arg0 : i32 to vector<16xi32>
      %add3A_1891 = arith.addi %mul3A_1889, %add3A_1890 : vector<16xi32>
      %swap3A_1892 = arith.constant 48 : index
      %swap3A_1893 = tpu.vector_load %arg12[%swap3A_1892] {strides = array<i32>} : memref<64xi32, #tpu.memory_space<vmem>>, vector<16xi32>,
      %swap3A_1894 = vector.shape_cast %swap3A_1893 : vector<16xi32> to vector<16xi32>
      %swap3A_1895 = vector.shape_cast %add3A_1891 : vector<16xi32> to vector<16xi32>
      tpu.vector_store %arg12[%swap3A_1892], %swap3A_1895 {strides = array<i32>} : memref<64xi32, #tpu.memory_space<vmem>>, vector<16xi32>,
      %mul3A_1896 = arith.constant 10000 : i32
      %mul3A_1897 = vector.broadcast %mul3A_1896 : i32 to vector<16xi32>
      %mul3A_1898 = arith.muli %get3A_1877, %mul3A_1897 : vector<16xi32>
      %get3A_1899 = arith.constant 1 : i32
      %get3A_1900 = arith.index_cast %get3A_1899 : i32 to index
      %get3A_1901 = arith.constant 304 : index
      %get3A_1902 = tpu.vector_load %arg9[%get3A_1900, %get3A_1901] {strides = array<i32>} : memref<2x320xi32, #tpu.memory_space<vmem>>, vector<1x16xi32>,
      %get3A_1903 = vector.shape_cast %get3A_1902 : vector<1x16xi32> to vector<16xi32>
      %add3A_1904 = arith.addi %mul3A_1898, %get3A_1903 : vector<16xi32>
      %swap3A_1905 = arith.constant 48 : index
      %swap3A_1906 = tpu.vector_load %arg14[%swap3A_1905] {strides = array<i32>} : memref<64xi32, #tpu.memory_space<vmem>>, vector<16xi32>,
      %swap3A_1907 = vector.shape_cast %swap3A_1906 : vector<16xi32> to vector<16xi32>
      %swap3A_1908 = vector.shape_cast %add3A_1904 : vector<16xi32> to vector<16xi32>
      tpu.vector_store %arg14[%swap3A_1905], %swap3A_1908 {strides = array<i32>} : memref<64xi32, #tpu.memory_space<vmem>>, vector<16xi32>,
      %dma_wait3A_1909 = arith.constant 0 : i32
      %dma_wait3A_1910 = arith.constant 0 : i32
      %dma_wait3A_1911 = arith.constant 0 : i32
      %dma_wait3A_1912 = tpu.memref_slice %arg15[%dma_wait3A_1909, %dma_wait3A_1910, %dma_wait3A_1911] : memref<2x64x64xf32, #tpu.memory_space<vmem>> -> memref<1x64x64xf32, #tpu.memory_space<vmem>>
      %dma_wait3A_1913 = tpu.memref_squeeze %dma_wait3A_1912 : memref<1x64x64xf32, #tpu.memory_space<vmem>> -> memref<64x64xf32, #tpu.memory_space<vmem>>
      %dma_wait3A_1914 = arith.constant 0 : i32
      %dma_wait3A_1915 = arith.constant 0 : i32
      %dma_wait3A_1916 = tpu.memref_slice %arg2[%dma_wait3A_1914, %dma_wait3A_1915] : memref<60000x64xf32, #tpu.memory_space<hbm>> -> memref<60000x64xf32, #tpu.memory_space<hbm>>
      tpu.wait_indirect_dma semaphore(%arg19 : memref<!tpu.dma_semaphore, #tpu.memory_space<semaphore_mem>>) src(%dma_wait3A_1916 : memref<60000x64xf32, #tpu.memory_space<hbm>>) dst(%dma_wait3A_1913 : memref<64x64xf32, #tpu.memory_space<vmem>>)
      %dma_start3A_1917 = arith.constant 0 : i32
      %dma_start3A_1918 = arith.constant 0 : i32
      %dma_start3A_1919 = arith.constant 0 : i32
      %dma_start3A_1920 = tpu.memref_slice %arg15[%dma_start3A_1917, %dma_start3A_1918, %dma_start3A_1919] : memref<2x64x64xf32, #tpu.memory_space<vmem>> -> memref<1x64x64xf32, #tpu.memory_space<vmem>>
      %dma_start3A_1921 = tpu.memref_squeeze %dma_start3A_1920 : memref<1x64x64xf32, #tpu.memory_space<vmem>> -> memref<64x64xf32, #tpu.memory_space<vmem>>
      %dma_start3A_1922 = arith.constant 0 : i32
      %dma_start3A_1923 = arith.constant 0 : i32
      %dma_start3A_1924 = tpu.memref_slice %arg16[%dma_start3A_1922, %dma_start3A_1923] : memref<30016x64xf32, #tpu.memory_space<vmem_shared>> -> memref<30016x64xf32, #tpu.memory_space<vmem_shared>>
      tpu.enqueue_indirect_dma source(%dma_start3A_1921 : memref<64x64xf32, #tpu.memory_space<vmem>>) target(%dma_start3A_1924 : memref<30016x64xf32, #tpu.memory_space<vmem_shared>>) offsets(%arg13 : memref<64xi32, #tpu.memory_space<vmem>>) semaphore(%arg21 : memref<!tpu.dma_semaphore, #tpu.memory_space<semaphore_mem>>) {add = true}
      %dma_start3A_1925 = arith.constant 1 : i32
      %dma_start3A_1926 = arith.constant 0 : i32
      %dma_start3A_1927 = arith.constant 0 : i32
      %dma_start3A_1928 = tpu.memref_slice %arg15[%dma_start3A_1925, %dma_start3A_1926, %dma_start3A_1927] : memref<2x64x64xf32, #tpu.memory_space<vmem>> -> memref<1x64x64xf32, #tpu.memory_space<vmem>>
      %dma_start3A_1929 = tpu.memref_squeeze %dma_start3A_1928 : memref<1x64x64xf32, #tpu.memory_space<vmem>> -> memref<64x64xf32, #tpu.memory_space<vmem>>
      %dma_start3A_1930 = arith.constant 0 : i32
      %dma_start3A_1931 = arith.constant 0 : i32
      %dma_start3A_1932 = tpu.memref_slice %arg2[%dma_start3A_1930, %dma_start3A_1931] : memref<60000x64xf32, #tpu.memory_space<hbm>> -> memref<60000x64xf32, #tpu.memory_space<hbm>>
      tpu.enqueue_indirect_dma source(%dma_start3A_1932 : memref<60000x64xf32, #tpu.memory_space<hbm>>) target(%dma_start3A_1929 : memref<64x64xf32, #tpu.memory_space<vmem>>) offsets(%arg12 : memref<64xi32, #tpu.memory_space<vmem>>) semaphore(%arg20 : memref<!tpu.dma_semaphore, #tpu.memory_space<semaphore_mem>>)
      %dma_wait3A_1933 = arith.constant 1 : i32
      %dma_wait3A_1934 = arith.constant 0 : i32
      %dma_wait3A_1935 = arith.constant 0 : i32
      %dma_wait3A_1936 = tpu.memref_slice %arg15[%dma_wait3A_1933, %dma_wait3A_1934, %dma_wait3A_1935] : memref<2x64x64xf32, #tpu.memory_space<vmem>> -> memref<1x64x64xf32, #tpu.memory_space<vmem>>
      %dma_wait3A_1937 = tpu.memref_squeeze %dma_wait3A_1936 : memref<1x64x64xf32, #tpu.memory_space<vmem>> -> memref<64x64xf32, #tpu.memory_space<vmem>>
      %dma_wait3A_1938 = arith.constant 0 : i32
      %dma_wait3A_1939 = arith.constant 0 : i32
      %dma_wait3A_1940 = tpu.memref_slice %arg2[%dma_wait3A_1938, %dma_wait3A_1939] : memref<60000x64xf32, #tpu.memory_space<hbm>> -> memref<60000x64xf32, #tpu.memory_space<hbm>>
      tpu.wait_indirect_dma semaphore(%arg20 : memref<!tpu.dma_semaphore, #tpu.memory_space<semaphore_mem>>) src(%dma_wait3A_1940 : memref<60000x64xf32, #tpu.memory_space<hbm>>) dst(%dma_wait3A_1937 : memref<64x64xf32, #tpu.memory_space<vmem>>)
      %dma_start3A_1941 = arith.constant 1 : i32
      %dma_start3A_1942 = arith.constant 0 : i32
      %dma_start3A_1943 = arith.constant 0 : i32
      %dma_start3A_1944 = tpu.memref_slice %arg15[%dma_start3A_1941, %dma_start3A_1942, %dma_start3A_1943] : memref<2x64x64xf32, #tpu.memory_space<vmem>> -> memref<1x64x64xf32, #tpu.memory_space<vmem>>
      %dma_start3A_1945 = tpu.memref_squeeze %dma_start3A_1944 : memref<1x64x64xf32, #tpu.memory_space<vmem>> -> memref<64x64xf32, #tpu.memory_space<vmem>>
      %dma_start3A_1946 = arith.constant 0 : i32
      %dma_start3A_1947 = arith.constant 0 : i32
      %dma_start3A_1948 = tpu.memref_slice %arg16[%dma_start3A_1946, %dma_start3A_1947] : memref<30016x64xf32, #tpu.memory_space<vmem_shared>> -> memref<30016x64xf32, #tpu.memory_space<vmem_shared>>
      tpu.enqueue_indirect_dma source(%dma_start3A_1945 : memref<64x64xf32, #tpu.memory_space<vmem>>) target(%dma_start3A_1948 : memref<30016x64xf32, #tpu.memory_space<vmem_shared>>) offsets(%arg14 : memref<64xi32, #tpu.memory_space<vmem>>) semaphore(%arg22 : memref<!tpu.dma_semaphore, #tpu.memory_space<semaphore_mem>>) {add = true}
      %dma_wait3A_1949 = arith.constant 0 : i32
      %dma_wait3A_1950 = arith.constant 0 : i32
      %dma_wait3A_1951 = arith.constant 0 : i32
      %dma_wait3A_1952 = tpu.memref_slice %arg15[%dma_wait3A_1949, %dma_wait3A_1950, %dma_wait3A_1951] : memref<2x64x64xf32, #tpu.memory_space<vmem>> -> memref<1x64x64xf32, #tpu.memory_space<vmem>>
      %dma_wait3A_1953 = tpu.memref_squeeze %dma_wait3A_1952 : memref<1x64x64xf32, #tpu.memory_space<vmem>> -> memref<64x64xf32, #tpu.memory_space<vmem>>
      %dma_wait3A_1954 = arith.constant 0 : i32
      %dma_wait3A_1955 = arith.constant 0 : i32
      %dma_wait3A_1956 = tpu.memref_slice %arg16[%dma_wait3A_1954, %dma_wait3A_1955] : memref<30016x64xf32, #tpu.memory_space<vmem_shared>> -> memref<30016x64xf32, #tpu.memory_space<vmem_shared>>
      tpu.wait_indirect_dma semaphore(%arg21 : memref<!tpu.dma_semaphore, #tpu.memory_space<semaphore_mem>>) src(%dma_wait3A_1953 : memref<64x64xf32, #tpu.memory_space<vmem>>) dst(%dma_wait3A_1956 : memref<30016x64xf32, #tpu.memory_space<vmem_shared>>)
      %dma_wait3A_1957 = arith.constant 1 : i32
      %dma_wait3A_1958 = arith.constant 0 : i32
      %dma_wait3A_1959 = arith.constant 0 : i32
      %dma_wait3A_1960 = tpu.memref_slice %arg15[%dma_wait3A_1957, %dma_wait3A_1958, %dma_wait3A_1959] : memref<2x64x64xf32, #tpu.memory_space<vmem>> -> memref<1x64x64xf32, #tpu.memory_space<vmem>>
      %dma_wait3A_1961 = tpu.memref_squeeze %dma_wait3A_1960 : memref<1x64x64xf32, #tpu.memory_space<vmem>> -> memref<64x64xf32, #tpu.memory_space<vmem>>
      %dma_wait3A_1962 = arith.constant 0 : i32
      %dma_wait3A_1963 = arith.constant 0 : i32
      %dma_wait3A_1964 = tpu.memref_slice %arg16[%dma_wait3A_1962, %dma_wait3A_1963] : memref<30016x64xf32, #tpu.memory_space<vmem_shared>> -> memref<30016x64xf32, #tpu.memory_space<vmem_shared>>
      tpu.wait_indirect_dma semaphore(%arg22 : memref<!tpu.dma_semaphore, #tpu.memory_space<semaphore_mem>>) src(%dma_wait3A_1961 : memref<64x64xf32, #tpu.memory_space<vmem>>) dst(%dma_wait3A_1964 : memref<30016x64xf32, #tpu.memory_space<vmem_shared>>)
    }
    %scan3A_34 = arith.constant 32 : i32
    %dma_wait3A = arith.constant 0 : i32
    %dma_wait3A_35 = arith.constant 0 : i32
    %dma_wait3A_36 = tpu.memref_slice %arg8[%dma_wait3A, %dma_wait3A_35] : memref<2x320xi32, #tpu.memory_space<vmem>> -> memref<1x320xi32, #tpu.memory_space<vmem>>
    %dma_wait3A_37 = tpu.memref_squeeze %dma_wait3A_36 : memref<1x320xi32, #tpu.memory_space<vmem>> -> memref<320xi32, #tpu.memory_space<vmem>>
    %dma_wait3A_38 = arith.constant 0 : i32
    %dma_wait3A_39 = tpu.memref_slice %arg3[%dma_wait3A_38] : memref<328000xi32, #tpu.memory_space<hbm>> -> memref<320xi32, #tpu.memory_space<hbm>>
    %dma_wait3A_40 = arith.constant 0 : i32
    %dma_wait3A_41 = tpu.memref_slice %arg8[%dma_wait3A, %dma_wait3A_40] : memref<2x320xi32, #tpu.memory_space<vmem>> -> memref<1x320xi32, #tpu.memory_space<vmem>>
    %dma_wait3A_42 = tpu.memref_squeeze %dma_wait3A_41 : memref<1x320xi32, #tpu.memory_space<vmem>> -> memref<320xi32, #tpu.memory_space<vmem>>
    %dma_wait3A_43 = arith.constant 0 : i32
    %dma_wait3A_44 = tpu.memref_slice %arg3[%dma_wait3A_43] : memref<328000xi32, #tpu.memory_space<hbm>> -> memref<320xi32, #tpu.memory_space<hbm>>
    tpu.wait_dma2 semaphore(%arg17 : memref<!tpu.dma_semaphore, #tpu.memory_space<semaphore_mem>>) src(%dma_wait3A_44 : memref<320xi32, #tpu.memory_space<hbm>>) dst(%dma_wait3A_42 : memref<320xi32, #tpu.memory_space<vmem>>)
    %dma_wait3A_45 = arith.constant 0 : i32
    %dma_wait3A_46 = arith.constant 0 : i32
    %dma_wait3A_47 = tpu.memref_slice %arg9[%dma_wait3A_45, %dma_wait3A_46] : memref<2x320xi32, #tpu.memory_space<vmem>> -> memref<1x320xi32, #tpu.memory_space<vmem>>
    %dma_wait3A_48 = tpu.memref_squeeze %dma_wait3A_47 : memref<1x320xi32, #tpu.memory_space<vmem>> -> memref<320xi32, #tpu.memory_space<vmem>>
    %dma_wait3A_49 = arith.constant 0 : i32
    %dma_wait3A_50 = tpu.memref_slice %arg3[%dma_wait3A_49] : memref<328000xi32, #tpu.memory_space<hbm>> -> memref<320xi32, #tpu.memory_space<hbm>>
    %dma_wait3A_51 = arith.constant 0 : i32
    %dma_wait3A_52 = tpu.memref_slice %arg9[%dma_wait3A_45, %dma_wait3A_51] : memref<2x320xi32, #tpu.memory_space<vmem>> -> memref<1x320xi32, #tpu.memory_space<vmem>>
    %dma_wait3A_53 = tpu.memref_squeeze %dma_wait3A_52 : memref<1x320xi32, #tpu.memory_space<vmem>> -> memref<320xi32, #tpu.memory_space<vmem>>
    %dma_wait3A_54 = arith.constant 0 : i32
    %dma_wait3A_55 = tpu.memref_slice %arg3[%dma_wait3A_54] : memref<328000xi32, #tpu.memory_space<hbm>> -> memref<320xi32, #tpu.memory_space<hbm>>
    tpu.wait_dma2 semaphore(%arg17 : memref<!tpu.dma_semaphore, #tpu.memory_space<semaphore_mem>>) src(%dma_wait3A_55 : memref<320xi32, #tpu.memory_space<hbm>>) dst(%dma_wait3A_53 : memref<320xi32, #tpu.memory_space<vmem>>)
    %dma_wait3A_56 = arith.constant 0 : i32
    %dma_wait3A_57 = arith.constant 0 : i32
    %dma_wait3A_58 = tpu.memref_slice %arg10[%dma_wait3A_56, %dma_wait3A_57] : memref<2x320xi32, #tpu.memory_space<vmem>> -> memref<1x320xi32, #tpu.memory_space<vmem>>
    %dma_wait3A_59 = tpu.memref_squeeze %dma_wait3A_58 : memref<1x320xi32, #tpu.memory_space<vmem>> -> memref<320xi32, #tpu.memory_space<vmem>>
    %dma_wait3A_60 = arith.constant 0 : i32
    %dma_wait3A_61 = tpu.memref_slice %arg3[%dma_wait3A_60] : memref<328000xi32, #tpu.memory_space<hbm>> -> memref<320xi32, #tpu.memory_space<hbm>>
    %dma_wait3A_62 = arith.constant 0 : i32
    %dma_wait3A_63 = tpu.memref_slice %arg10[%dma_wait3A_56, %dma_wait3A_62] : memref<2x320xi32, #tpu.memory_space<vmem>> -> memref<1x320xi32, #tpu.memory_space<vmem>>
    %dma_wait3A_64 = tpu.memref_squeeze %dma_wait3A_63 : memref<1x320xi32, #tpu.memory_space<vmem>> -> memref<320xi32, #tpu.memory_space<vmem>>
    %dma_wait3A_65 = arith.constant 0 : i32
    %dma_wait3A_66 = tpu.memref_slice %arg3[%dma_wait3A_65] : memref<328000xi32, #tpu.memory_space<hbm>> -> memref<320xi32, #tpu.memory_space<hbm>>
    tpu.wait_dma2 semaphore(%arg17 : memref<!tpu.dma_semaphore, #tpu.memory_space<semaphore_mem>>) src(%dma_wait3A_66 : memref<320xi32, #tpu.memory_space<hbm>>) dst(%dma_wait3A_64 : memref<320xi32, #tpu.memory_space<vmem>>)
    %barrier3A_67 = arith.constant 0 : index
    tpu.barrier barrier_id(%barrier3A_67)
    %mul3A_68 = arith.constant 64 : i32
    %mul3A_69 = arith.muli %arg0, %mul3A_68 : i32
    "tpu.region"() ({
      %run_scoped3A = tpu.sem_alloc : memref<!tpu.dma_semaphore, #tpu.memory_space<semaphore_mem>>
      %dma_start3A_70 = tpu.memref_slice %arg7[%mul3A_0, %mul3A_69] : memref<30016x128xf32, #tpu.memory_space<hbm>> -> memref<1876x64xf32, #tpu.memory_space<hbm>>
      %dma_start3A_71 = arith.constant 0 : i32
      %dma_start3A_72 = tpu.memref_slice %arg16[%mul3A_0, %dma_start3A_71] : memref<30016x64xf32, #tpu.memory_space<vmem_shared>> -> memref<1876x64xf32, #tpu.memory_space<vmem_shared>>
      tpu.enqueue_dma source(%dma_start3A_72 : memref<1876x64xf32, #tpu.memory_space<vmem_shared>>) target(%dma_start3A_70 : memref<1876x64xf32, #tpu.memory_space<hbm>>) target_semaphore(%run_scoped3A : memref<!tpu.dma_semaphore, #tpu.memory_space<semaphore_mem>>)
      %dma_wait3A_73 = tpu.memref_slice %arg7[%mul3A_0, %mul3A_69] : memref<30016x128xf32, #tpu.memory_space<hbm>> -> memref<1876x64xf32, #tpu.memory_space<hbm>>
      %dma_wait3A_74 = arith.constant 0 : i32
      %dma_wait3A_75 = tpu.memref_slice %arg16[%mul3A_0, %dma_wait3A_74] : memref<30016x64xf32, #tpu.memory_space<vmem_shared>> -> memref<1876x64xf32, #tpu.memory_space<vmem_shared>>
      tpu.wait_dma2 semaphore(%run_scoped3A : memref<!tpu.dma_semaphore, #tpu.memory_space<semaphore_mem>>) src(%dma_wait3A_75 : memref<1876x64xf32, #tpu.memory_space<vmem_shared>>) dst(%dma_wait3A_73 : memref<1876x64xf32, #tpu.memory_space<hbm>>)
      tpu.yield
    }) : () -> ()
    return
  }
}

#map = affine_map<(d0, d1) -> (0, 0)>
#map1 = affine_map<(d0, d1) -> (0)>
module attributes {stable_mosaic.version = 14 : i64} {
  func.func @k(%arg0: i32, %arg1: i32, %arg2: memref<60000x64xf32, #tpu.memory_space<hbm>>, %arg3: memref<328000xi32, #tpu.memory_space<hbm>>, %arg4: memref<328000xi32, #tpu.memory_space<hbm>>, %arg5: memref<328000xi32, #tpu.memory_space<hbm>>, %arg6: memref<1876x64xf32, #tpu.memory_space<hbm>>, %arg7: memref<30016x128xf32, #tpu.memory_space<hbm>>, %arg8: memref<2x320xi32, #tpu.memory_space<vmem>>, %arg9: memref<2x320xi32, #tpu.memory_space<vmem>>, %arg10: memref<2x320xi32, #tpu.memory_space<vmem>>, %arg11: memref<64xi32, #tpu.memory_space<vmem>>, %arg12: memref<64xi32, #tpu.memory_space<vmem>>, %arg13: memref<64xi32, #tpu.memory_space<vmem>>, %arg14: memref<64xi32, #tpu.memory_space<vmem>>, %arg15: memref<2x64x64xf32, #tpu.memory_space<vmem>>, %arg16: memref<30016x64xf32, #tpu.memory_space<vmem_shared>>, %arg17: memref<!tpu.dma_semaphore, #tpu.memory_space<semaphore_mem>>, %arg18: memref<!tpu.dma_semaphore, #tpu.memory_space<semaphore_mem>>, %arg19: memref<!tpu.dma_semaphore, #tpu.memory_space<semaphore_mem>>, %arg20: memref<!tpu.dma_semaphore, #tpu.memory_space<semaphore_mem>>, %arg21: memref<!tpu.dma_semaphore, #tpu.memory_space<semaphore_mem>>, %arg22: memref<!tpu.dma_semaphore, #tpu.memory_space<semaphore_mem>>) attributes {dimension_semantics = [#tpu.dimension_semantics<core_parallel>, #tpu.dimension_semantics<subcore_parallel>], iteration_bounds = array<i64: 2, 16>, scalar_prefetch = 0 : i64, scratch_operands = 15 : i64, tpu.core_type = #tpu.core_type<sc_vector_subcore>, window_params = [{transform_indices = #map}, {transform_indices = #map1}, {transform_indices = #map1}, {transform_indices = #map1}, {transform_indices = #map}, {transform_indices = #map}]} {
    %mul3A = arith.constant 1876 : i32
    %mul3A_0 = arith.muli %arg1, %mul3A : i32
    "tpu.region"() ({
      %run_scoped3A = tpu.sem_alloc : memref<!tpu.dma_semaphore, #tpu.memory_space<semaphore_mem>>
      %dma_start3A_70 = arith.constant 0 : i32
      %dma_start3A_71 = tpu.memref_slice %arg16[%mul3A_0, %dma_start3A_70] : memref<30016x64xf32, #tpu.memory_space<vmem_shared>> -> memref<1876x64xf32, #tpu.memory_space<vmem_shared>>
      tpu.enqueue_dma source(%arg6 : memref<1876x64xf32, #tpu.memory_space<hbm>>) target(%dma_start3A_71 : memref<1876x64xf32, #tpu.memory_space<vmem_shared>>) target_semaphore(%run_scoped3A : memref<!tpu.dma_semaphore, #tpu.memory_space<semaphore_mem>>)
      %dma_wait3A_72 = arith.constant 0 : i32
      %dma_wait3A_73 = tpu.memref_slice %arg16[%mul3A_0, %dma_wait3A_72] : memref<30016x64xf32, #tpu.memory_space<vmem_shared>> -> memref<1876x64xf32, #tpu.memory_space<vmem_shared>>
      tpu.wait_dma2 semaphore(%run_scoped3A : memref<!tpu.dma_semaphore, #tpu.memory_space<semaphore_mem>>) src(%arg6 : memref<1876x64xf32, #tpu.memory_space<hbm>>) dst(%dma_wait3A_73 : memref<1876x64xf32, #tpu.memory_space<vmem_shared>>)
      tpu.yield
    }) : () -> ()
    %barrier3A = arith.constant 0 : index
    tpu.barrier barrier_id(%barrier3A)
    %mul3A_1 = arith.constant 20480 : i32
    %mul3A_2 = arith.muli %arg1, %mul3A_1 : i32
    %add3A = arith.constant 0 : i32
    %add3A_3 = arith.addi %mul3A_2, %add3A : i32
    %dma_start3A = arith.constant 0 : i32
    %dma_start3A_4 = arith.constant 0 : i32
    %dma_start3A_5 = tpu.memref_slice %arg8[%dma_start3A, %dma_start3A_4] : memref<2x320xi32, #tpu.memory_space<vmem>> -> memref<1x320xi32, #tpu.memory_space<vmem>>
    %dma_start3A_6 = tpu.memref_squeeze %dma_start3A_5 : memref<1x320xi32, #tpu.memory_space<vmem>> -> memref<320xi32, #tpu.memory_space<vmem>>
    %dma_start3A_7 = tpu.memref_slice %arg3[%add3A_3] : memref<328000xi32, #tpu.memory_space<hbm>> -> memref<320xi32, #tpu.memory_space<hbm>>
    %dma_start3A_8 = arith.constant 0 : i32
    %dma_start3A_9 = tpu.memref_slice %arg8[%dma_start3A, %dma_start3A_8] : memref<2x320xi32, #tpu.memory_space<vmem>> -> memref<1x320xi32, #tpu.memory_space<vmem>>
    %dma_start3A_10 = tpu.memref_squeeze %dma_start3A_9 : memref<1x320xi32, #tpu.memory_space<vmem>> -> memref<320xi32, #tpu.memory_space<vmem>>
    %dma_start3A_11 = tpu.memref_slice %arg3[%add3A_3] : memref<328000xi32, #tpu.memory_space<hbm>> -> memref<320xi32, #tpu.memory_space<hbm>>
    tpu.enqueue_dma source(%dma_start3A_11 : memref<320xi32, #tpu.memory_space<hbm>>) target(%dma_start3A_10 : memref<320xi32, #tpu.memory_space<vmem>>) target_semaphore(%arg17 : memref<!tpu.dma_semaphore, #tpu.memory_space<semaphore_mem>>)
    %dma_start3A_12 = arith.constant 0 : i32
    %dma_start3A_13 = arith.constant 0 : i32
    %dma_start3A_14 = tpu.memref_slice %arg9[%dma_start3A_12, %dma_start3A_13] : memref<2x320xi32, #tpu.memory_space<vmem>> -> memref<1x320xi32, #tpu.memory_space<vmem>>
    %dma_start3A_15 = tpu.memref_squeeze %dma_start3A_14 : memref<1x320xi32, #tpu.memory_space<vmem>> -> memref<320xi32, #tpu.memory_space<vmem>>
    %dma_start3A_16 = tpu.memref_slice %arg4[%add3A_3] : memref<328000xi32, #tpu.memory_space<hbm>> -> memref<320xi32, #tpu.memory_space<hbm>>
    %dma_start3A_17 = arith.constant 0 : i32
    %dma_start3A_18 = tpu.memref_slice %arg9[%dma_start3A_12, %dma_start3A_17] : memref<2x320xi32, #tpu.memory_space<vmem>> -> memref<1x320xi32, #tpu.memory_space<vmem>>
    %dma_start3A_19 = tpu.memref_squeeze %dma_start3A_18 : memref<1x320xi32, #tpu.memory_space<vmem>> -> memref<320xi32, #tpu.memory_space<vmem>>
    %dma_start3A_20 = tpu.memref_slice %arg4[%add3A_3] : memref<328000xi32, #tpu.memory_space<hbm>> -> memref<320xi32, #tpu.memory_space<hbm>>
    tpu.enqueue_dma source(%dma_start3A_20 : memref<320xi32, #tpu.memory_space<hbm>>) target(%dma_start3A_19 : memref<320xi32, #tpu.memory_space<vmem>>) target_semaphore(%arg17 : memref<!tpu.dma_semaphore, #tpu.memory_space<semaphore_mem>>)
    %dma_start3A_21 = arith.constant 0 : i32
    %dma_start3A_22 = arith.constant 0 : i32
    %dma_start3A_23 = tpu.memref_slice %arg10[%dma_start3A_21, %dma_start3A_22] : memref<2x320xi32, #tpu.memory_space<vmem>> -> memref<1x320xi32, #tpu.memory_space<vmem>>
    %dma_start3A_24 = tpu.memref_squeeze %dma_start3A_23 : memref<1x320xi32, #tpu.memory_space<vmem>> -> memref<320xi32, #tpu.memory_space<vmem>>
    %dma_start3A_25 = tpu.memref_slice %arg5[%add3A_3] : memref<328000xi32, #tpu.memory_space<hbm>> -> memref<320xi32, #tpu.memory_space<hbm>>
    %dma_start3A_26 = arith.constant 0 : i32
    %dma_start3A_27 = tpu.memref_slice %arg10[%dma_start3A_21, %dma_start3A_26] : memref<2x320xi32, #tpu.memory_space<vmem>> -> memref<1x320xi32, #tpu.memory_space<vmem>>
    %dma_start3A_28 = tpu.memref_squeeze %dma_start3A_27 : memref<1x320xi32, #tpu.memory_space<vmem>> -> memref<320xi32, #tpu.memory_space<vmem>>
    %dma_start3A_29 = tpu.memref_slice %arg5[%add3A_3] : memref<328000xi32, #tpu.memory_space<hbm>> -> memref<320xi32, #tpu.memory_space<hbm>>
    tpu.enqueue_dma source(%dma_start3A_29 : memref<320xi32, #tpu.memory_space<hbm>>) target(%dma_start3A_28 : memref<320xi32, #tpu.memory_space<vmem>>) target_semaphore(%arg17 : memref<!tpu.dma_semaphore, #tpu.memory_space<semaphore_mem>>)
    %scan3A = arith.constant 0 : i32
    %scan3A_30 = arith.constant 0 : i32
    %scan3A_31 = arith.constant 32 : i32
    %scan3A_32 = arith.addi %scan3A_30, %scan3A_31 : i32
    %scan3A_33 = arith.constant 1 : i32
    scf.for %scan3A_70 = %scan3A_30 to %scan3A_32 step %scan3A_33  : i32 {
      %mul3A_71 = arith.constant 2 : i32
      %mul3A_72 = arith.muli %mul3A_71, %scan3A_70 : i32
      %dma_wait3A_73 = arith.constant 0 : i32
      %dma_wait3A_74 = arith.constant 0 : i32
      %dma_wait3A_75 = tpu.memref_slice %arg8[%dma_wait3A_73, %dma_wait3A_74] : memref<2x320xi32, #tpu.memory_space<vmem>> -> memref<1x320xi32, #tpu.memory_space<vmem>>
      %dma_wait3A_76 = tpu.memref_squeeze %dma_wait3A_75 : memref<1x320xi32, #tpu.memory_space<vmem>> -> memref<320xi32, #tpu.memory_space<vmem>>
      %dma_wait3A_77 = arith.constant 0 : i32
      %dma_wait3A_78 = tpu.memref_slice %arg3[%dma_wait3A_77] : memref<328000xi32, #tpu.memory_space<hbm>> -> memref<320xi32, #tpu.memory_space<hbm>>
      %dma_wait3A_79 = arith.constant 0 : i32
      %dma_wait3A_80 = tpu.memref_slice %arg8[%dma_wait3A_73, %dma_wait3A_79] : memref<2x320xi32, #tpu.memory_space<vmem>> -> memref<1x320xi32, #tpu.memory_space<vmem>>
      %dma_wait3A_81 = tpu.memref_squeeze %dma_wait3A_80 : memref<1x320xi32, #tpu.memory_space<vmem>> -> memref<320xi32, #tpu.memory_space<vmem>>
      %dma_wait3A_82 = arith.constant 0 : i32
      %dma_wait3A_83 = tpu.memref_slice %arg3[%dma_wait3A_82] : memref<328000xi32, #tpu.memory_space<hbm>> -> memref<320xi32, #tpu.memory_space<hbm>>
      tpu.wait_dma2 semaphore(%arg17 : memref<!tpu.dma_semaphore, #tpu.memory_space<semaphore_mem>>) src(%dma_wait3A_83 : memref<320xi32, #tpu.memory_space<hbm>>) dst(%dma_wait3A_81 : memref<320xi32, #tpu.memory_space<vmem>>)
      %dma_wait3A_84 = arith.constant 0 : i32
      %dma_wait3A_85 = arith.constant 0 : i32
      %dma_wait3A_86 = tpu.memref_slice %arg9[%dma_wait3A_84, %dma_wait3A_85] : memref<2x320xi32, #tpu.memory_space<vmem>> -> memref<1x320xi32, #tpu.memory_space<vmem>>
      %dma_wait3A_87 = tpu.memref_squeeze %dma_wait3A_86 : memref<1x320xi32, #tpu.memory_space<vmem>> -> memref<320xi32, #tpu.memory_space<vmem>>
      %dma_wait3A_88 = arith.constant 0 : i32
      %dma_wait3A_89 = tpu.memref_slice %arg3[%dma_wait3A_88] : memref<328000xi32, #tpu.memory_space<hbm>> -> memref<320xi32, #tpu.memory_space<hbm>>
      %dma_wait3A_90 = arith.constant 0 : i32
      %dma_wait3A_91 = tpu.memref_slice %arg9[%dma_wait3A_84, %dma_wait3A_90] : memref<2x320xi32, #tpu.memory_space<vmem>> -> memref<1x320xi32, #tpu.memory_space<vmem>>
      %dma_wait3A_92 = tpu.memref_squeeze %dma_wait3A_91 : memref<1x320xi32, #tpu.memory_space<vmem>> -> memref<320xi32, #tpu.memory_space<vmem>>
      %dma_wait3A_93 = arith.constant 0 : i32
      %dma_wait3A_94 = tpu.memref_slice %arg3[%dma_wait3A_93] : memref<328000xi32, #tpu.memory_space<hbm>> -> memref<320xi32, #tpu.memory_space<hbm>>
      tpu.wait_dma2 semaphore(%arg17 : memref<!tpu.dma_semaphore, #tpu.memory_space<semaphore_mem>>) src(%dma_wait3A_94 : memref<320xi32, #tpu.memory_space<hbm>>) dst(%dma_wait3A_92 : memref<320xi32, #tpu.memory_space<vmem>>)
      %dma_wait3A_95 = arith.constant 0 : i32
      %dma_wait3A_96 = arith.constant 0 : i32
      %dma_wait3A_97 = tpu.memref_slice %arg10[%dma_wait3A_95, %dma_wait3A_96] : memref<2x320xi32, #tpu.memory_space<vmem>> -> memref<1x320xi32, #tpu.memory_space<vmem>>
      %dma_wait3A_98 = tpu.memref_squeeze %dma_wait3A_97 : memref<1x320xi32, #tpu.memory_space<vmem>> -> memref<320xi32, #tpu.memory_space<vmem>>
      %dma_wait3A_99 = arith.constant 0 : i32
      %dma_wait3A_100 = tpu.memref_slice %arg3[%dma_wait3A_99] : memref<328000xi32, #tpu.memory_space<hbm>> -> memref<320xi32, #tpu.memory_space<hbm>>
      %dma_wait3A_101 = arith.constant 0 : i32
      %dma_wait3A_102 = tpu.memref_slice %arg10[%dma_wait3A_95, %dma_wait3A_101] : memref<2x320xi32, #tpu.memory_space<vmem>> -> memref<1x320xi32, #tpu.memory_space<vmem>>
      %dma_wait3A_103 = tpu.memref_squeeze %dma_wait3A_102 : memref<1x320xi32, #tpu.memory_space<vmem>> -> memref<320xi32, #tpu.memory_space<vmem>>
      %dma_wait3A_104 = arith.constant 0 : i32
      %dma_wait3A_105 = tpu.memref_slice %arg3[%dma_wait3A_104] : memref<328000xi32, #tpu.memory_space<hbm>> -> memref<320xi32, #tpu.memory_space<hbm>>
      tpu.wait_dma2 semaphore(%arg17 : memref<!tpu.dma_semaphore, #tpu.memory_space<semaphore_mem>>) src(%dma_wait3A_105 : memref<320xi32, #tpu.memory_space<hbm>>) dst(%dma_wait3A_103 : memref<320xi32, #tpu.memory_space<vmem>>)
      %add3A_106 = arith.constant 1 : i32
      %add3A_107 = arith.addi %mul3A_72, %add3A_106 : i32
      %mul3A_108 = arith.constant 20480 : i32
      %mul3A_109 = arith.muli %arg1, %mul3A_108 : i32
      %mul3A_110 = arith.constant 320 : i32
      %mul3A_111 = arith.muli %add3A_107, %mul3A_110 : i32
      %add3A_112 = arith.addi %mul3A_109, %mul3A_111 : i32
      %dma_start3A_113 = arith.constant 1 : i32
      %dma_start3A_114 = arith.constant 0 : i32
      %dma_start3A_115 = tpu.memref_slice %arg8[%dma_start3A_113, %dma_start3A_114] : memref<2x320xi32, #tpu.memory_space<vmem>> -> memref<1x320xi32, #tpu.memory_space<vmem>>
      %dma_start3A_116 = tpu.memref_squeeze %dma_start3A_115 : memref<1x320xi32, #tpu.memory_space<vmem>> -> memref<320xi32, #tpu.memory_space<vmem>>
      %dma_start3A_117 = tpu.memref_slice %arg3[%add3A_112] : memref<328000xi32, #tpu.memory_space<hbm>> -> memref<320xi32, #tpu.memory_space<hbm>>
      %dma_start3A_118 = arith.constant 0 : i32
      %dma_start3A_119 = tpu.memref_slice %arg8[%dma_start3A_113, %dma_start3A_118] : memref<2x320xi32, #tpu.memory_space<vmem>> -> memref<1x320xi32, #tpu.memory_space<vmem>>
      %dma_start3A_120 = tpu.memref_squeeze %dma_start3A_119 : memref<1x320xi32, #tpu.memory_space<vmem>> -> memref<320xi32, #tpu.memory_space<vmem>>
      %dma_start3A_121 = tpu.memref_slice %arg3[%add3A_112] : memref<328000xi32, #tpu.memory_space<hbm>> -> memref<320xi32, #tpu.memory_space<hbm>>
      tpu.enqueue_dma source(%dma_start3A_121 : memref<320xi32, #tpu.memory_space<hbm>>) target(%dma_start3A_120 : memref<320xi32, #tpu.memory_space<vmem>>) target_semaphore(%arg18 : memref<!tpu.dma_semaphore, #tpu.memory_space<semaphore_mem>>)
      %dma_start3A_122 = arith.constant 1 : i32
      %dma_start3A_123 = arith.constant 0 : i32
      %dma_start3A_124 = tpu.memref_slice %arg9[%dma_start3A_122, %dma_start3A_123] : memref<2x320xi32, #tpu.memory_space<vmem>> -> memref<1x320xi32, #tpu.memory_space<vmem>>
      %dma_start3A_125 = tpu.memref_squeeze %dma_start3A_124 : memref<1x320xi32, #tpu.memory_space<vmem>> -> memref<320xi32, #tpu.memory_space<vmem>>
      %dma_start3A_126 = tpu.memref_slice %arg4[%add3A_112] : memref<328000xi32, #tpu.memory_space<hbm>> -> memref<320xi32, #tpu.memory_space<hbm>>
      %dma_start3A_127 = arith.constant 0 : i32
      %dma_start3A_128 = tpu.memref_slice %arg9[%dma_start3A_122, %dma_start3A_127] : memref<2x320xi32, #tpu.memory_space<vmem>> -> memref<1x320xi32, #tpu.memory_space<vmem>>
      %dma_start3A_129 = tpu.memref_squeeze %dma_start3A_128 : memref<1x320xi32, #tpu.memory_space<vmem>> -> memref<320xi32, #tpu.memory_space<vmem>>
      %dma_start3A_130 = tpu.memref_slice %arg4[%add3A_112] : memref<328000xi32, #tpu.memory_space<hbm>> -> memref<320xi32, #tpu.memory_space<hbm>>
      tpu.enqueue_dma source(%dma_start3A_130 : memref<320xi32, #tpu.memory_space<hbm>>) target(%dma_start3A_129 : memref<320xi32, #tpu.memory_space<vmem>>) target_semaphore(%arg18 : memref<!tpu.dma_semaphore, #tpu.memory_space<semaphore_mem>>)
      %dma_start3A_131 = arith.constant 1 : i32
      %dma_start3A_132 = arith.constant 0 : i32
      %dma_start3A_133 = tpu.memref_slice %arg10[%dma_start3A_131, %dma_start3A_132] : memref<2x320xi32, #tpu.memory_space<vmem>> -> memref<1x320xi32, #tpu.memory_space<vmem>>
      %dma_start3A_134 = tpu.memref_squeeze %dma_start3A_133 : memref<1x320xi32, #tpu.memory_space<vmem>> -> memref<320xi32, #tpu.memory_space<vmem>>
      %dma_start3A_135 = tpu.memref_slice %arg5[%add3A_112] : memref<328000xi32, #tpu.memory_space<hbm>> -> memref<320xi32, #tpu.memory_space<hbm>>
      %dma_start3A_136 = arith.constant 0 : i32
      %dma_start3A_137 = tpu.memref_slice %arg10[%dma_start3A_131, %dma_start3A_136] : memref<2x320xi32, #tpu.memory_space<vmem>> -> memref<1x320xi32, #tpu.memory_space<vmem>>
      %dma_start3A_138 = tpu.memref_squeeze %dma_start3A_137 : memref<1x320xi32, #tpu.memory_space<vmem>> -> memref<320xi32, #tpu.memory_space<vmem>>
      %dma_start3A_139 = tpu.memref_slice %arg5[%add3A_112] : memref<328000xi32, #tpu.memory_space<hbm>> -> memref<320xi32, #tpu.memory_space<hbm>>
      tpu.enqueue_dma source(%dma_start3A_139 : memref<320xi32, #tpu.memory_space<hbm>>) target(%dma_start3A_138 : memref<320xi32, #tpu.memory_space<vmem>>) target_semaphore(%arg18 : memref<!tpu.dma_semaphore, #tpu.memory_space<semaphore_mem>>)
      %get3A = arith.constant 0 : i32
      %get3A_140 = arith.index_cast %get3A : i32 to index
      %get3A_141 = arith.constant 0 : index
      %get3A_142 = tpu.vector_load %arg10[%get3A_140, %get3A_141] {strides = array<i32>} : memref<2x320xi32, #tpu.memory_space<vmem>>, vector<1x16xi32>,
      %get3A_143 = vector.shape_cast %get3A_142 : vector<1x16xi32> to vector<16xi32>
      %mul3A_144 = arith.constant 10000 : i32
      %mul3A_145 = vector.broadcast %mul3A_144 : i32 to vector<16xi32>
      %mul3A_146 = arith.muli %get3A_143, %mul3A_145 : vector<16xi32>
      %get3A_147 = arith.constant 0 : i32
      %get3A_148 = arith.index_cast %get3A_147 : i32 to index
      %get3A_149 = arith.constant 0 : index
      %get3A_150 = tpu.vector_load %arg8[%get3A_148, %get3A_149] {strides = array<i32>} : memref<2x320xi32, #tpu.memory_space<vmem>>, vector<1x16xi32>,
      %get3A_151 = vector.shape_cast %get3A_150 : vector<1x16xi32> to vector<16xi32>
      %add3A_152 = arith.addi %mul3A_146, %get3A_151 : vector<16xi32>
      %mul3A_153 = arith.constant 2 : i32
      %mul3A_154 = vector.broadcast %mul3A_153 : i32 to vector<16xi32>
      %mul3A_155 = arith.muli %add3A_152, %mul3A_154 : vector<16xi32>
      %add3A_156 = vector.broadcast %arg0 : i32 to vector<16xi32>
      %add3A_157 = arith.addi %mul3A_155, %add3A_156 : vector<16xi32>
      %swap3A = arith.constant 0 : index
      %swap3A_158 = tpu.vector_load %arg11[%swap3A] {strides = array<i32>} : memref<64xi32, #tpu.memory_space<vmem>>, vector<16xi32>,
      %swap3A_159 = vector.shape_cast %swap3A_158 : vector<16xi32> to vector<16xi32>
      %swap3A_160 = vector.shape_cast %add3A_157 : vector<16xi32> to vector<16xi32>
      tpu.vector_store %arg11[%swap3A], %swap3A_160 {strides = array<i32>} : memref<64xi32, #tpu.memory_space<vmem>>, vector<16xi32>,
      %mul3A_161 = arith.constant 10000 : i32
      %mul3A_162 = vector.broadcast %mul3A_161 : i32 to vector<16xi32>
      %mul3A_163 = arith.muli %get3A_143, %mul3A_162 : vector<16xi32>
      %get3A_164 = arith.constant 0 : i32
      %get3A_165 = arith.index_cast %get3A_164 : i32 to index
      %get3A_166 = arith.constant 0 : index
      %get3A_167 = tpu.vector_load %arg9[%get3A_165, %get3A_166] {strides = array<i32>} : memref<2x320xi32, #tpu.memory_space<vmem>>, vector<1x16xi32>,
      %get3A_168 = vector.shape_cast %get3A_167 : vector<1x16xi32> to vector<16xi32>
      %add3A_169 = arith.addi %mul3A_163, %get3A_168 : vector<16xi32>
      %swap3A_170 = arith.constant 0 : index
      %swap3A_171 = tpu.vector_load %arg13[%swap3A_170] {strides = array<i32>} : memref<64xi32, #tpu.memory_space<vmem>>, vector<16xi32>,
      %swap3A_172 = vector.shape_cast %swap3A_171 : vector<16xi32> to vector<16xi32>
      %swap3A_173 = vector.shape_cast %add3A_169 : vector<16xi32> to vector<16xi32>
      tpu.vector_store %arg13[%swap3A_170], %swap3A_173 {strides = array<i32>} : memref<64xi32, #tpu.memory_space<vmem>>, vector<16xi32>,
      %get3A_174 = arith.constant 0 : i32
      %get3A_175 = arith.index_cast %get3A_174 : i32 to index
      %get3A_176 = arith.constant 16 : index
      %get3A_177 = tpu.vector_load %arg10[%get3A_175, %get3A_176] {strides = array<i32>} : memref<2x320xi32, #tpu.memory_space<vmem>>, vector<1x16xi32>,
      %get3A_178 = vector.shape_cast %get3A_177 : vector<1x16xi32> to vector<16xi32>
      %mul3A_179 = arith.constant 10000 : i32
      %mul3A_180 = vector.broadcast %mul3A_179 : i32 to vector<16xi32>
      %mul3A_181 = arith.muli %get3A_178, %mul3A_180 : vector<16xi32>
      %get3A_182 = arith.constant 0 : i32
      %get3A_183 = arith.index_cast %get3A_182 : i32 to index
      %get3A_184 = arith.constant 16 : index
      %get3A_185 = tpu.vector_load %arg8[%get3A_183, %get3A_184] {strides = array<i32>} : memref<2x320xi32, #tpu.memory_space<vmem>>, vector<1x16xi32>,
      %get3A_186 = vector.shape_cast %get3A_185 : vector<1x16xi32> to vector<16xi32>
      %add3A_187 = arith.addi %mul3A_181, %get3A_186 : vector<16xi32>
      %mul3A_188 = arith.constant 2 : i32
      %mul3A_189 = vector.broadcast %mul3A_188 : i32 to vector<16xi32>
      %mul3A_190 = arith.muli %add3A_187, %mul3A_189 : vector<16xi32>
      %add3A_191 = vector.broadcast %arg0 : i32 to vector<16xi32>
      %add3A_192 = arith.addi %mul3A_190, %add3A_191 : vector<16xi32>
      %swap3A_193 = arith.constant 16 : index
      %swap3A_194 = tpu.vector_load %arg11[%swap3A_193] {strides = array<i32>} : memref<64xi32, #tpu.memory_space<vmem>>, vector<16xi32>,
      %swap3A_195 = vector.shape_cast %swap3A_194 : vector<16xi32> to vector<16xi32>
      %swap3A_196 = vector.shape_cast %add3A_192 : vector<16xi32> to vector<16xi32>
      tpu.vector_store %arg11[%swap3A_193], %swap3A_196 {strides = array<i32>} : memref<64xi32, #tpu.memory_space<vmem>>, vector<16xi32>,
      %mul3A_197 = arith.constant 10000 : i32
      %mul3A_198 = vector.broadcast %mul3A_197 : i32 to vector<16xi32>
      %mul3A_199 = arith.muli %get3A_178, %mul3A_198 : vector<16xi32>
      %get3A_200 = arith.constant 0 : i32
      %get3A_201 = arith.index_cast %get3A_200 : i32 to index
      %get3A_202 = arith.constant 16 : index
      %get3A_203 = tpu.vector_load %arg9[%get3A_201, %get3A_202] {strides = array<i32>} : memref<2x320xi32, #tpu.memory_space<vmem>>, vector<1x16xi32>,
      %get3A_204 = vector.shape_cast %get3A_203 : vector<1x16xi32> to vector<16xi32>
      %add3A_205 = arith.addi %mul3A_199, %get3A_204 : vector<16xi32>
      %swap3A_206 = arith.constant 16 : index
      %swap3A_207 = tpu.vector_load %arg13[%swap3A_206] {strides = array<i32>} : memref<64xi32, #tpu.memory_space<vmem>>, vector<16xi32>,
      %swap3A_208 = vector.shape_cast %swap3A_207 : vector<16xi32> to vector<16xi32>
      %swap3A_209 = vector.shape_cast %add3A_205 : vector<16xi32> to vector<16xi32>
      tpu.vector_store %arg13[%swap3A_206], %swap3A_209 {strides = array<i32>} : memref<64xi32, #tpu.memory_space<vmem>>, vector<16xi32>,
      %get3A_210 = arith.constant 0 : i32
      %get3A_211 = arith.index_cast %get3A_210 : i32 to index
      %get3A_212 = arith.constant 32 : index
      %get3A_213 = tpu.vector_load %arg10[%get3A_211, %get3A_212] {strides = array<i32>} : memref<2x320xi32, #tpu.memory_space<vmem>>, vector<1x16xi32>,
      %get3A_214 = vector.shape_cast %get3A_213 : vector<1x16xi32> to vector<16xi32>
      %mul3A_215 = arith.constant 10000 : i32
      %mul3A_216 = vector.broadcast %mul3A_215 : i32 to vector<16xi32>
      %mul3A_217 = arith.muli %get3A_214, %mul3A_216 : vector<16xi32>
      %get3A_218 = arith.constant 0 : i32
      %get3A_219 = arith.index_cast %get3A_218 : i32 to index
      %get3A_220 = arith.constant 32 : index
      %get3A_221 = tpu.vector_load %arg8[%get3A_219, %get3A_220] {strides = array<i32>} : memref<2x320xi32, #tpu.memory_space<vmem>>, vector<1x16xi32>,
      %get3A_222 = vector.shape_cast %get3A_221 : vector<1x16xi32> to vector<16xi32>
      %add3A_223 = arith.addi %mul3A_217, %get3A_222 : vector<16xi32>
      %mul3A_224 = arith.constant 2 : i32
      %mul3A_225 = vector.broadcast %mul3A_224 : i32 to vector<16xi32>
      %mul3A_226 = arith.muli %add3A_223, %mul3A_225 : vector<16xi32>
      %add3A_227 = vector.broadcast %arg0 : i32 to vector<16xi32>
      %add3A_228 = arith.addi %mul3A_226, %add3A_227 : vector<16xi32>
      %swap3A_229 = arith.constant 32 : index
      %swap3A_230 = tpu.vector_load %arg11[%swap3A_229] {strides = array<i32>} : memref<64xi32, #tpu.memory_space<vmem>>, vector<16xi32>,
      %swap3A_231 = vector.shape_cast %swap3A_230 : vector<16xi32> to vector<16xi32>
      %swap3A_232 = vector.shape_cast %add3A_228 : vector<16xi32> to vector<16xi32>
      tpu.vector_store %arg11[%swap3A_229], %swap3A_232 {strides = array<i32>} : memref<64xi32, #tpu.memory_space<vmem>>, vector<16xi32>,
      %mul3A_233 = arith.constant 10000 : i32
      %mul3A_234 = vector.broadcast %mul3A_233 : i32 to vector<16xi32>
      %mul3A_235 = arith.muli %get3A_214, %mul3A_234 : vector<16xi32>
      %get3A_236 = arith.constant 0 : i32
      %get3A_237 = arith.index_cast %get3A_236 : i32 to index
      %get3A_238 = arith.constant 32 : index
      %get3A_239 = tpu.vector_load %arg9[%get3A_237, %get3A_238] {strides = array<i32>} : memref<2x320xi32, #tpu.memory_space<vmem>>, vector<1x16xi32>,
      %get3A_240 = vector.shape_cast %get3A_239 : vector<1x16xi32> to vector<16xi32>
      %add3A_241 = arith.addi %mul3A_235, %get3A_240 : vector<16xi32>
      %swap3A_242 = arith.constant 32 : index
      %swap3A_243 = tpu.vector_load %arg13[%swap3A_242] {strides = array<i32>} : memref<64xi32, #tpu.memory_space<vmem>>, vector<16xi32>,
      %swap3A_244 = vector.shape_cast %swap3A_243 : vector<16xi32> to vector<16xi32>
      %swap3A_245 = vector.shape_cast %add3A_241 : vector<16xi32> to vector<16xi32>
      tpu.vector_store %arg13[%swap3A_242], %swap3A_245 {strides = array<i32>} : memref<64xi32, #tpu.memory_space<vmem>>, vector<16xi32>,
      %get3A_246 = arith.constant 0 : i32
      %get3A_247 = arith.index_cast %get3A_246 : i32 to index
      %get3A_248 = arith.constant 48 : index
      %get3A_249 = tpu.vector_load %arg10[%get3A_247, %get3A_248] {strides = array<i32>} : memref<2x320xi32, #tpu.memory_space<vmem>>, vector<1x16xi32>,
      %get3A_250 = vector.shape_cast %get3A_249 : vector<1x16xi32> to vector<16xi32>
      %mul3A_251 = arith.constant 10000 : i32
      %mul3A_252 = vector.broadcast %mul3A_251 : i32 to vector<16xi32>
      %mul3A_253 = arith.muli %get3A_250, %mul3A_252 : vector<16xi32>
      %get3A_254 = arith.constant 0 : i32
      %get3A_255 = arith.index_cast %get3A_254 : i32 to index
      %get3A_256 = arith.constant 48 : index
      %get3A_257 = tpu.vector_load %arg8[%get3A_255, %get3A_256] {strides = array<i32>} : memref<2x320xi32, #tpu.memory_space<vmem>>, vector<1x16xi32>,
      %get3A_258 = vector.shape_cast %get3A_257 : vector<1x16xi32> to vector<16xi32>
      %add3A_259 = arith.addi %mul3A_253, %get3A_258 : vector<16xi32>
      %mul3A_260 = arith.constant 2 : i32
      %mul3A_261 = vector.broadcast %mul3A_260 : i32 to vector<16xi32>
      %mul3A_262 = arith.muli %add3A_259, %mul3A_261 : vector<16xi32>
      %add3A_263 = vector.broadcast %arg0 : i32 to vector<16xi32>
      %add3A_264 = arith.addi %mul3A_262, %add3A_263 : vector<16xi32>
      %swap3A_265 = arith.constant 48 : index
      %swap3A_266 = tpu.vector_load %arg11[%swap3A_265] {strides = array<i32>} : memref<64xi32, #tpu.memory_space<vmem>>, vector<16xi32>,
      %swap3A_267 = vector.shape_cast %swap3A_266 : vector<16xi32> to vector<16xi32>
      %swap3A_268 = vector.shape_cast %add3A_264 : vector<16xi32> to vector<16xi32>
      tpu.vector_store %arg11[%swap3A_265], %swap3A_268 {strides = array<i32>} : memref<64xi32, #tpu.memory_space<vmem>>, vector<16xi32>,
      %mul3A_269 = arith.constant 10000 : i32
      %mul3A_270 = vector.broadcast %mul3A_269 : i32 to vector<16xi32>
      %mul3A_271 = arith.muli %get3A_250, %mul3A_270 : vector<16xi32>
      %get3A_272 = arith.constant 0 : i32
      %get3A_273 = arith.index_cast %get3A_272 : i32 to index
      %get3A_274 = arith.constant 48 : index
      %get3A_275 = tpu.vector_load %arg9[%get3A_273, %get3A_274] {strides = array<i32>} : memref<2x320xi32, #tpu.memory_space<vmem>>, vector<1x16xi32>,
      %get3A_276 = vector.shape_cast %get3A_275 : vector<1x16xi32> to vector<16xi32>
      %add3A_277 = arith.addi %mul3A_271, %get3A_276 : vector<16xi32>
      %swap3A_278 = arith.constant 48 : index
      %swap3A_279 = tpu.vector_load %arg13[%swap3A_278] {strides = array<i32>} : memref<64xi32, #tpu.memory_space<vmem>>, vector<16xi32>,
      %swap3A_280 = vector.shape_cast %swap3A_279 : vector<16xi32> to vector<16xi32>
      %swap3A_281 = vector.shape_cast %add3A_277 : vector<16xi32> to vector<16xi32>
      tpu.vector_store %arg13[%swap3A_278], %swap3A_281 {strides = array<i32>} : memref<64xi32, #tpu.memory_space<vmem>>, vector<16xi32>,
      %dma_start3A_282 = arith.constant 0 : i32
      %dma_start3A_283 = arith.constant 0 : i32
      %dma_start3A_284 = arith.constant 0 : i32
      %dma_start3A_285 = tpu.memref_slice %arg15[%dma_start3A_282, %dma_start3A_283, %dma_start3A_284] : memref<2x64x64xf32, #tpu.memory_space<vmem>> -> memref<1x64x64xf32, #tpu.memory_space<vmem>>
      %dma_start3A_286 = tpu.memref_squeeze %dma_start3A_285 : memref<1x64x64xf32, #tpu.memory_space<vmem>> -> memref<64x64xf32, #tpu.memory_space<vmem>>
      %dma_start3A_287 = arith.constant 0 : i32
      %dma_start3A_288 = arith.constant 0 : i32
      %dma_start3A_289 = tpu.memref_slice %arg2[%dma_start3A_287, %dma_start3A_288] : memref<60000x64xf32, #tpu.memory_space<hbm>> -> memref<60000x64xf32, #tpu.memory_space<hbm>>
      tpu.enqueue_indirect_dma source(%dma_start3A_289 : memref<60000x64xf32, #tpu.memory_space<hbm>>) target(%dma_start3A_286 : memref<64x64xf32, #tpu.memory_space<vmem>>) offsets(%arg11 : memref<64xi32, #tpu.memory_space<vmem>>) semaphore(%arg19 : memref<!tpu.dma_semaphore, #tpu.memory_space<semaphore_mem>>)
      %get3A_290 = arith.constant 0 : i32
      %get3A_291 = arith.index_cast %get3A_290 : i32 to index
      %get3A_292 = arith.constant 64 : index
      %get3A_293 = tpu.vector_load %arg10[%get3A_291, %get3A_292] {strides = array<i32>} : memref<2x320xi32, #tpu.memory_space<vmem>>, vector<1x16xi32>,
      %get3A_294 = vector.shape_cast %get3A_293 : vector<1x16xi32> to vector<16xi32>
      %mul3A_295 = arith.constant 10000 : i32
      %mul3A_296 = vector.broadcast %mul3A_295 : i32 to vector<16xi32>
      %mul3A_297 = arith.muli %get3A_294, %mul3A_296 : vector<16xi32>
      %get3A_298 = arith.constant 0 : i32
      %get3A_299 = arith.index_cast %get3A_298 : i32 to index
      %get3A_300 = arith.constant 64 : index
      %get3A_301 = tpu.vector_load %arg8[%get3A_299, %get3A_300] {strides = array<i32>} : memref<2x320xi32, #tpu.memory_space<vmem>>, vector<1x16xi32>,
      %get3A_302 = vector.shape_cast %get3A_301 : vector<1x16xi32> to vector<16xi32>
      %add3A_303 = arith.addi %mul3A_297, %get3A_302 : vector<16xi32>
      %mul3A_304 = arith.constant 2 : i32
      %mul3A_305 = vector.broadcast %mul3A_304 : i32 to vector<16xi32>
      %mul3A_306 = arith.muli %add3A_303, %mul3A_305 : vector<16xi32>
      %add3A_307 = vector.broadcast %arg0 : i32 to vector<16xi32>
      %add3A_308 = arith.addi %mul3A_306, %add3A_307 : vector<16xi32>
      %swap3A_309 = arith.constant 0 : index
      %swap3A_310 = tpu.vector_load %arg12[%swap3A_309] {strides = array<i32>} : memref<64xi32, #tpu.memory_space<vmem>>, vector<16xi32>,
      %swap3A_311 = vector.shape_cast %swap3A_310 : vector<16xi32> to vector<16xi32>
      %swap3A_312 = vector.shape_cast %add3A_308 : vector<16xi32> to vector<16xi32>
      tpu.vector_store %arg12[%swap3A_309], %swap3A_312 {strides = array<i32>} : memref<64xi32, #tpu.memory_space<vmem>>, vector<16xi32>,
      %mul3A_313 = arith.constant 10000 : i32
      %mul3A_314 = vector.broadcast %mul3A_313 : i32 to vector<16xi32>
      %mul3A_315 = arith.muli %get3A_294, %mul3A_314 : vector<16xi32>
      %get3A_316 = arith.constant 0 : i32
      %get3A_317 = arith.index_cast %get3A_316 : i32 to index
      %get3A_318 = arith.constant 64 : index
      %get3A_319 = tpu.vector_load %arg9[%get3A_317, %get3A_318] {strides = array<i32>} : memref<2x320xi32, #tpu.memory_space<vmem>>, vector<1x16xi32>,
      %get3A_320 = vector.shape_cast %get3A_319 : vector<1x16xi32> to vector<16xi32>
      %add3A_321 = arith.addi %mul3A_315, %get3A_320 : vector<16xi32>
      %swap3A_322 = arith.constant 0 : index
      %swap3A_323 = tpu.vector_load %arg14[%swap3A_322] {strides = array<i32>} : memref<64xi32, #tpu.memory_space<vmem>>, vector<16xi32>,
      %swap3A_324 = vector.shape_cast %swap3A_323 : vector<16xi32> to vector<16xi32>
      %swap3A_325 = vector.shape_cast %add3A_321 : vector<16xi32> to vector<16xi32>
      tpu.vector_store %arg14[%swap3A_322], %swap3A_325 {strides = array<i32>} : memref<64xi32, #tpu.memory_space<vmem>>, vector<16xi32>,
      %get3A_326 = arith.constant 0 : i32
      %get3A_327 = arith.index_cast %get3A_326 : i32 to index
      %get3A_328 = arith.constant 80 : index
      %get3A_329 = tpu.vector_load %arg10[%get3A_327, %get3A_328] {strides = array<i32>} : memref<2x320xi32, #tpu.memory_space<vmem>>, vector<1x16xi32>,
      %get3A_330 = vector.shape_cast %get3A_329 : vector<1x16xi32> to vector<16xi32>
      %mul3A_331 = arith.constant 10000 : i32
      %mul3A_332 = vector.broadcast %mul3A_331 : i32 to vector<16xi32>
      %mul3A_333 = arith.muli %get3A_330, %mul3A_332 : vector<16xi32>
      %get3A_334 = arith.constant 0 : i32
      %get3A_335 = arith.index_cast %get3A_334 : i32 to index
      %get3A_336 = arith.constant 80 : index
      %get3A_337 = tpu.vector_load %arg8[%get3A_335, %get3A_336] {strides = array<i32>} : memref<2x320xi32, #tpu.memory_space<vmem>>, vector<1x16xi32>,
      %get3A_338 = vector.shape_cast %get3A_337 : vector<1x16xi32> to vector<16xi32>
      %add3A_339 = arith.addi %mul3A_333, %get3A_338 : vector<16xi32>
      %mul3A_340 = arith.constant 2 : i32
      %mul3A_341 = vector.broadcast %mul3A_340 : i32 to vector<16xi32>
      %mul3A_342 = arith.muli %add3A_339, %mul3A_341 : vector<16xi32>
      %add3A_343 = vector.broadcast %arg0 : i32 to vector<16xi32>
      %add3A_344 = arith.addi %mul3A_342, %add3A_343 : vector<16xi32>
      %swap3A_345 = arith.constant 16 : index
      %swap3A_346 = tpu.vector_load %arg12[%swap3A_345] {strides = array<i32>} : memref<64xi32, #tpu.memory_space<vmem>>, vector<16xi32>,
      %swap3A_347 = vector.shape_cast %swap3A_346 : vector<16xi32> to vector<16xi32>
      %swap3A_348 = vector.shape_cast %add3A_344 : vector<16xi32> to vector<16xi32>
      tpu.vector_store %arg12[%swap3A_345], %swap3A_348 {strides = array<i32>} : memref<64xi32, #tpu.memory_space<vmem>>, vector<16xi32>,
      %mul3A_349 = arith.constant 10000 : i32
      %mul3A_350 = vector.broadcast %mul3A_349 : i32 to vector<16xi32>
      %mul3A_351 = arith.muli %get3A_330, %mul3A_350 : vector<16xi32>
      %get3A_352 = arith.constant 0 : i32
      %get3A_353 = arith.index_cast %get3A_352 : i32 to index
      %get3A_354 = arith.constant 80 : index
      %get3A_355 = tpu.vector_load %arg9[%get3A_353, %get3A_354] {strides = array<i32>} : memref<2x320xi32, #tpu.memory_space<vmem>>, vector<1x16xi32>,
      %get3A_356 = vector.shape_cast %get3A_355 : vector<1x16xi32> to vector<16xi32>
      %add3A_357 = arith.addi %mul3A_351, %get3A_356 : vector<16xi32>
      %swap3A_358 = arith.constant 16 : index
      %swap3A_359 = tpu.vector_load %arg14[%swap3A_358] {strides = array<i32>} : memref<64xi32, #tpu.memory_space<vmem>>, vector<16xi32>,
      %swap3A_360 = vector.shape_cast %swap3A_359 : vector<16xi32> to vector<16xi32>
      %swap3A_361 = vector.shape_cast %add3A_357 : vector<16xi32> to vector<16xi32>
      tpu.vector_store %arg14[%swap3A_358], %swap3A_361 {strides = array<i32>} : memref<64xi32, #tpu.memory_space<vmem>>, vector<16xi32>,
      %get3A_362 = arith.constant 0 : i32
      %get3A_363 = arith.index_cast %get3A_362 : i32 to index
      %get3A_364 = arith.constant 96 : index
      %get3A_365 = tpu.vector_load %arg10[%get3A_363, %get3A_364] {strides = array<i32>} : memref<2x320xi32, #tpu.memory_space<vmem>>, vector<1x16xi32>,
      %get3A_366 = vector.shape_cast %get3A_365 : vector<1x16xi32> to vector<16xi32>
      %mul3A_367 = arith.constant 10000 : i32
      %mul3A_368 = vector.broadcast %mul3A_367 : i32 to vector<16xi32>
      %mul3A_369 = arith.muli %get3A_366, %mul3A_368 : vector<16xi32>
      %get3A_370 = arith.constant 0 : i32
      %get3A_371 = arith.index_cast %get3A_370 : i32 to index
      %get3A_372 = arith.constant 96 : index
      %get3A_373 = tpu.vector_load %arg8[%get3A_371, %get3A_372] {strides = array<i32>} : memref<2x320xi32, #tpu.memory_space<vmem>>, vector<1x16xi32>,
      %get3A_374 = vector.shape_cast %get3A_373 : vector<1x16xi32> to vector<16xi32>
      %add3A_375 = arith.addi %mul3A_369, %get3A_374 : vector<16xi32>
      %mul3A_376 = arith.constant 2 : i32
      %mul3A_377 = vector.broadcast %mul3A_376 : i32 to vector<16xi32>
      %mul3A_378 = arith.muli %add3A_375, %mul3A_377 : vector<16xi32>
      %add3A_379 = vector.broadcast %arg0 : i32 to vector<16xi32>
      %add3A_380 = arith.addi %mul3A_378, %add3A_379 : vector<16xi32>
      %swap3A_381 = arith.constant 32 : index
      %swap3A_382 = tpu.vector_load %arg12[%swap3A_381] {strides = array<i32>} : memref<64xi32, #tpu.memory_space<vmem>>, vector<16xi32>,
      %swap3A_383 = vector.shape_cast %swap3A_382 : vector<16xi32> to vector<16xi32>
      %swap3A_384 = vector.shape_cast %add3A_380 : vector<16xi32> to vector<16xi32>
      tpu.vector_store %arg12[%swap3A_381], %swap3A_384 {strides = array<i32>} : memref<64xi32, #tpu.memory_space<vmem>>, vector<16xi32>,
      %mul3A_385 = arith.constant 10000 : i32
      %mul3A_386 = vector.broadcast %mul3A_385 : i32 to vector<16xi32>
      %mul3A_387 = arith.muli %get3A_366, %mul3A_386 : vector<16xi32>
      %get3A_388 = arith.constant 0 : i32
      %get3A_389 = arith.index_cast %get3A_388 : i32 to index
      %get3A_390 = arith.constant 96 : index
      %get3A_391 = tpu.vector_load %arg9[%get3A_389, %get3A_390] {strides = array<i32>} : memref<2x320xi32, #tpu.memory_space<vmem>>, vector<1x16xi32>,
      %get3A_392 = vector.shape_cast %get3A_391 : vector<1x16xi32> to vector<16xi32>
      %add3A_393 = arith.addi %mul3A_387, %get3A_392 : vector<16xi32>
      %swap3A_394 = arith.constant 32 : index
      %swap3A_395 = tpu.vector_load %arg14[%swap3A_394] {strides = array<i32>} : memref<64xi32, #tpu.memory_space<vmem>>, vector<16xi32>,
      %swap3A_396 = vector.shape_cast %swap3A_395 : vector<16xi32> to vector<16xi32>
      %swap3A_397 = vector.shape_cast %add3A_393 : vector<16xi32> to vector<16xi32>
      tpu.vector_store %arg14[%swap3A_394], %swap3A_397 {strides = array<i32>} : memref<64xi32, #tpu.memory_space<vmem>>, vector<16xi32>,
      %get3A_398 = arith.constant 0 : i32
      %get3A_399 = arith.index_cast %get3A_398 : i32 to index
      %get3A_400 = arith.constant 112 : index
      %get3A_401 = tpu.vector_load %arg10[%get3A_399, %get3A_400] {strides = array<i32>} : memref<2x320xi32, #tpu.memory_space<vmem>>, vector<1x16xi32>,
      %get3A_402 = vector.shape_cast %get3A_401 : vector<1x16xi32> to vector<16xi32>
      %mul3A_403 = arith.constant 10000 : i32
      %mul3A_404 = vector.broadcast %mul3A_403 : i32 to vector<16xi32>
      %mul3A_405 = arith.muli %get3A_402, %mul3A_404 : vector<16xi32>
      %get3A_406 = arith.constant 0 : i32
      %get3A_407 = arith.index_cast %get3A_406 : i32 to index
      %get3A_408 = arith.constant 112 : index
      %get3A_409 = tpu.vector_load %arg8[%get3A_407, %get3A_408] {strides = array<i32>} : memref<2x320xi32, #tpu.memory_space<vmem>>, vector<1x16xi32>,
      %get3A_410 = vector.shape_cast %get3A_409 : vector<1x16xi32> to vector<16xi32>
      %add3A_411 = arith.addi %mul3A_405, %get3A_410 : vector<16xi32>
      %mul3A_412 = arith.constant 2 : i32
      %mul3A_413 = vector.broadcast %mul3A_412 : i32 to vector<16xi32>
      %mul3A_414 = arith.muli %add3A_411, %mul3A_413 : vector<16xi32>
      %add3A_415 = vector.broadcast %arg0 : i32 to vector<16xi32>
      %add3A_416 = arith.addi %mul3A_414, %add3A_415 : vector<16xi32>
      %swap3A_417 = arith.constant 48 : index
      %swap3A_418 = tpu.vector_load %arg12[%swap3A_417] {strides = array<i32>} : memref<64xi32, #tpu.memory_space<vmem>>, vector<16xi32>,
      %swap3A_419 = vector.shape_cast %swap3A_418 : vector<16xi32> to vector<16xi32>
      %swap3A_420 = vector.shape_cast %add3A_416 : vector<16xi32> to vector<16xi32>
      tpu.vector_store %arg12[%swap3A_417], %swap3A_420 {strides = array<i32>} : memref<64xi32, #tpu.memory_space<vmem>>, vector<16xi32>,
      %mul3A_421 = arith.constant 10000 : i32
      %mul3A_422 = vector.broadcast %mul3A_421 : i32 to vector<16xi32>
      %mul3A_423 = arith.muli %get3A_402, %mul3A_422 : vector<16xi32>
      %get3A_424 = arith.constant 0 : i32
      %get3A_425 = arith.index_cast %get3A_424 : i32 to index
      %get3A_426 = arith.constant 112 : index
      %get3A_427 = tpu.vector_load %arg9[%get3A_425, %get3A_426] {strides = array<i32>} : memref<2x320xi32, #tpu.memory_space<vmem>>, vector<1x16xi32>,
      %get3A_428 = vector.shape_cast %get3A_427 : vector<1x16xi32> to vector<16xi32>
      %add3A_429 = arith.addi %mul3A_423, %get3A_428 : vector<16xi32>
      %swap3A_430 = arith.constant 48 : index
      %swap3A_431 = tpu.vector_load %arg14[%swap3A_430] {strides = array<i32>} : memref<64xi32, #tpu.memory_space<vmem>>, vector<16xi32>,
      %swap3A_432 = vector.shape_cast %swap3A_431 : vector<16xi32> to vector<16xi32>
      %swap3A_433 = vector.shape_cast %add3A_429 : vector<16xi32> to vector<16xi32>
      tpu.vector_store %arg14[%swap3A_430], %swap3A_433 {strides = array<i32>} : memref<64xi32, #tpu.memory_space<vmem>>, vector<16xi32>,
      %dma_wait3A_434 = arith.constant 0 : i32
      %dma_wait3A_435 = arith.constant 0 : i32
      %dma_wait3A_436 = arith.constant 0 : i32
      %dma_wait3A_437 = tpu.memref_slice %arg15[%dma_wait3A_434, %dma_wait3A_435, %dma_wait3A_436] : memref<2x64x64xf32, #tpu.memory_space<vmem>> -> memref<1x64x64xf32, #tpu.memory_space<vmem>>
      %dma_wait3A_438 = tpu.memref_squeeze %dma_wait3A_437 : memref<1x64x64xf32, #tpu.memory_space<vmem>> -> memref<64x64xf32, #tpu.memory_space<vmem>>
      %dma_wait3A_439 = arith.constant 0 : i32
      %dma_wait3A_440 = arith.constant 0 : i32
      %dma_wait3A_441 = tpu.memref_slice %arg2[%dma_wait3A_439, %dma_wait3A_440] : memref<60000x64xf32, #tpu.memory_space<hbm>> -> memref<60000x64xf32, #tpu.memory_space<hbm>>
      tpu.wait_indirect_dma semaphore(%arg19 : memref<!tpu.dma_semaphore, #tpu.memory_space<semaphore_mem>>) src(%dma_wait3A_441 : memref<60000x64xf32, #tpu.memory_space<hbm>>) dst(%dma_wait3A_438 : memref<64x64xf32, #tpu.memory_space<vmem>>)
      %dma_start3A_442 = arith.constant 0 : i32
      %dma_start3A_443 = arith.constant 0 : i32
      %dma_start3A_444 = arith.constant 0 : i32
      %dma_start3A_445 = tpu.memref_slice %arg15[%dma_start3A_442, %dma_start3A_443, %dma_start3A_444] : memref<2x64x64xf32, #tpu.memory_space<vmem>> -> memref<1x64x64xf32, #tpu.memory_space<vmem>>
      %dma_start3A_446 = tpu.memref_squeeze %dma_start3A_445 : memref<1x64x64xf32, #tpu.memory_space<vmem>> -> memref<64x64xf32, #tpu.memory_space<vmem>>
      %dma_start3A_447 = arith.constant 0 : i32
      %dma_start3A_448 = arith.constant 0 : i32
      %dma_start3A_449 = tpu.memref_slice %arg16[%dma_start3A_447, %dma_start3A_448] : memref<30016x64xf32, #tpu.memory_space<vmem_shared>> -> memref<30016x64xf32, #tpu.memory_space<vmem_shared>>
      tpu.enqueue_indirect_dma source(%dma_start3A_446 : memref<64x64xf32, #tpu.memory_space<vmem>>) target(%dma_start3A_449 : memref<30016x64xf32, #tpu.memory_space<vmem_shared>>) offsets(%arg13 : memref<64xi32, #tpu.memory_space<vmem>>) semaphore(%arg21 : memref<!tpu.dma_semaphore, #tpu.memory_space<semaphore_mem>>) {add = true}
      %dma_start3A_450 = arith.constant 1 : i32
      %dma_start3A_451 = arith.constant 0 : i32
      %dma_start3A_452 = arith.constant 0 : i32
      %dma_start3A_453 = tpu.memref_slice %arg15[%dma_start3A_450, %dma_start3A_451, %dma_start3A_452] : memref<2x64x64xf32, #tpu.memory_space<vmem>> -> memref<1x64x64xf32, #tpu.memory_space<vmem>>
      %dma_start3A_454 = tpu.memref_squeeze %dma_start3A_453 : memref<1x64x64xf32, #tpu.memory_space<vmem>> -> memref<64x64xf32, #tpu.memory_space<vmem>>
      %dma_start3A_455 = arith.constant 0 : i32
      %dma_start3A_456 = arith.constant 0 : i32
      %dma_start3A_457 = tpu.memref_slice %arg2[%dma_start3A_455, %dma_start3A_456] : memref<60000x64xf32, #tpu.memory_space<hbm>> -> memref<60000x64xf32, #tpu.memory_space<hbm>>
      tpu.enqueue_indirect_dma source(%dma_start3A_457 : memref<60000x64xf32, #tpu.memory_space<hbm>>) target(%dma_start3A_454 : memref<64x64xf32, #tpu.memory_space<vmem>>) offsets(%arg12 : memref<64xi32, #tpu.memory_space<vmem>>) semaphore(%arg20 : memref<!tpu.dma_semaphore, #tpu.memory_space<semaphore_mem>>)
      %dma_wait3A_458 = arith.constant 0 : i32
      %dma_wait3A_459 = arith.constant 0 : i32
      %dma_wait3A_460 = arith.constant 0 : i32
      %dma_wait3A_461 = tpu.memref_slice %arg15[%dma_wait3A_458, %dma_wait3A_459, %dma_wait3A_460] : memref<2x64x64xf32, #tpu.memory_space<vmem>> -> memref<1x64x64xf32, #tpu.memory_space<vmem>>
      %dma_wait3A_462 = tpu.memref_squeeze %dma_wait3A_461 : memref<1x64x64xf32, #tpu.memory_space<vmem>> -> memref<64x64xf32, #tpu.memory_space<vmem>>
      %dma_wait3A_463 = arith.constant 0 : i32
      %dma_wait3A_464 = arith.constant 0 : i32
      %dma_wait3A_465 = tpu.memref_slice %arg16[%dma_wait3A_463, %dma_wait3A_464] : memref<30016x64xf32, #tpu.memory_space<vmem_shared>> -> memref<30016x64xf32, #tpu.memory_space<vmem_shared>>
      tpu.wait_indirect_dma semaphore(%arg21 : memref<!tpu.dma_semaphore, #tpu.memory_space<semaphore_mem>>) src(%dma_wait3A_462 : memref<64x64xf32, #tpu.memory_space<vmem>>) dst(%dma_wait3A_465 : memref<30016x64xf32, #tpu.memory_space<vmem_shared>>)
      %get3A_466 = arith.constant 0 : i32
      %get3A_467 = arith.index_cast %get3A_466 : i32 to index
      %get3A_468 = arith.constant 128 : index
      %get3A_469 = tpu.vector_load %arg10[%get3A_467, %get3A_468] {strides = array<i32>} : memref<2x320xi32, #tpu.memory_space<vmem>>, vector<1x16xi32>,
      %get3A_470 = vector.shape_cast %get3A_469 : vector<1x16xi32> to vector<16xi32>
      %mul3A_471 = arith.constant 10000 : i32
      %mul3A_472 = vector.broadcast %mul3A_471 : i32 to vector<16xi32>
      %mul3A_473 = arith.muli %get3A_470, %mul3A_472 : vector<16xi32>
      %get3A_474 = arith.constant 0 : i32
      %get3A_475 = arith.index_cast %get3A_474 : i32 to index
      %get3A_476 = arith.constant 128 : index
      %get3A_477 = tpu.vector_load %arg8[%get3A_475, %get3A_476] {strides = array<i32>} : memref<2x320xi32, #tpu.memory_space<vmem>>, vector<1x16xi32>,
      %get3A_478 = vector.shape_cast %get3A_477 : vector<1x16xi32> to vector<16xi32>
      %add3A_479 = arith.addi %mul3A_473, %get3A_478 : vector<16xi32>
      %mul3A_480 = arith.constant 2 : i32
      %mul3A_481 = vector.broadcast %mul3A_480 : i32 to vector<16xi32>
      %mul3A_482 = arith.muli %add3A_479, %mul3A_481 : vector<16xi32>
      %add3A_483 = vector.broadcast %arg0 : i32 to vector<16xi32>
      %add3A_484 = arith.addi %mul3A_482, %add3A_483 : vector<16xi32>
      %swap3A_485 = arith.constant 0 : index
      %swap3A_486 = tpu.vector_load %arg11[%swap3A_485] {strides = array<i32>} : memref<64xi32, #tpu.memory_space<vmem>>, vector<16xi32>,
      %swap3A_487 = vector.shape_cast %swap3A_486 : vector<16xi32> to vector<16xi32>
      %swap3A_488 = vector.shape_cast %add3A_484 : vector<16xi32> to vector<16xi32>
      tpu.vector_store %arg11[%swap3A_485], %swap3A_488 {strides = array<i32>} : memref<64xi32, #tpu.memory_space<vmem>>, vector<16xi32>,
      %mul3A_489 = arith.constant 10000 : i32
      %mul3A_490 = vector.broadcast %mul3A_489 : i32 to vector<16xi32>
      %mul3A_491 = arith.muli %get3A_470, %mul3A_490 : vector<16xi32>
      %get3A_492 = arith.constant 0 : i32
      %get3A_493 = arith.index_cast %get3A_492 : i32 to index
      %get3A_494 = arith.constant 128 : index
      %get3A_495 = tpu.vector_load %arg9[%get3A_493, %get3A_494] {strides = array<i32>} : memref<2x320xi32, #tpu.memory_space<vmem>>, vector<1x16xi32>,
      %get3A_496 = vector.shape_cast %get3A_495 : vector<1x16xi32> to vector<16xi32>
      %add3A_497 = arith.addi %mul3A_491, %get3A_496 : vector<16xi32>
      %swap3A_498 = arith.constant 0 : index
      %swap3A_499 = tpu.vector_load %arg13[%swap3A_498] {strides = array<i32>} : memref<64xi32, #tpu.memory_space<vmem>>, vector<16xi32>,
      %swap3A_500 = vector.shape_cast %swap3A_499 : vector<16xi32> to vector<16xi32>
      %swap3A_501 = vector.shape_cast %add3A_497 : vector<16xi32> to vector<16xi32>
      tpu.vector_store %arg13[%swap3A_498], %swap3A_501 {strides = array<i32>} : memref<64xi32, #tpu.memory_space<vmem>>, vector<16xi32>,
      %get3A_502 = arith.constant 0 : i32
      %get3A_503 = arith.index_cast %get3A_502 : i32 to index
      %get3A_504 = arith.constant 144 : index
      %get3A_505 = tpu.vector_load %arg10[%get3A_503, %get3A_504] {strides = array<i32>} : memref<2x320xi32, #tpu.memory_space<vmem>>, vector<1x16xi32>,
      %get3A_506 = vector.shape_cast %get3A_505 : vector<1x16xi32> to vector<16xi32>
      %mul3A_507 = arith.constant 10000 : i32
      %mul3A_508 = vector.broadcast %mul3A_507 : i32 to vector<16xi32>
      %mul3A_509 = arith.muli %get3A_506, %mul3A_508 : vector<16xi32>
      %get3A_510 = arith.constant 0 : i32
      %get3A_511 = arith.index_cast %get3A_510 : i32 to index
      %get3A_512 = arith.constant 144 : index
      %get3A_513 = tpu.vector_load %arg8[%get3A_511, %get3A_512] {strides = array<i32>} : memref<2x320xi32, #tpu.memory_space<vmem>>, vector<1x16xi32>,
      %get3A_514 = vector.shape_cast %get3A_513 : vector<1x16xi32> to vector<16xi32>
      %add3A_515 = arith.addi %mul3A_509, %get3A_514 : vector<16xi32>
      %mul3A_516 = arith.constant 2 : i32
      %mul3A_517 = vector.broadcast %mul3A_516 : i32 to vector<16xi32>
      %mul3A_518 = arith.muli %add3A_515, %mul3A_517 : vector<16xi32>
      %add3A_519 = vector.broadcast %arg0 : i32 to vector<16xi32>
      %add3A_520 = arith.addi %mul3A_518, %add3A_519 : vector<16xi32>
      %swap3A_521 = arith.constant 16 : index
      %swap3A_522 = tpu.vector_load %arg11[%swap3A_521] {strides = array<i32>} : memref<64xi32, #tpu.memory_space<vmem>>, vector<16xi32>,
      %swap3A_523 = vector.shape_cast %swap3A_522 : vector<16xi32> to vector<16xi32>
      %swap3A_524 = vector.shape_cast %add3A_520 : vector<16xi32> to vector<16xi32>
      tpu.vector_store %arg11[%swap3A_521], %swap3A_524 {strides = array<i32>} : memref<64xi32, #tpu.memory_space<vmem>>, vector<16xi32>,
      %mul3A_525 = arith.constant 10000 : i32
      %mul3A_526 = vector.broadcast %mul3A_525 : i32 to vector<16xi32>
      %mul3A_527 = arith.muli %get3A_506, %mul3A_526 : vector<16xi32>
      %get3A_528 = arith.constant 0 : i32
      %get3A_529 = arith.index_cast %get3A_528 : i32 to index
      %get3A_530 = arith.constant 144 : index
      %get3A_531 = tpu.vector_load %arg9[%get3A_529, %get3A_530] {strides = array<i32>} : memref<2x320xi32, #tpu.memory_space<vmem>>, vector<1x16xi32>,
      %get3A_532 = vector.shape_cast %get3A_531 : vector<1x16xi32> to vector<16xi32>
      %add3A_533 = arith.addi %mul3A_527, %get3A_532 : vector<16xi32>
      %swap3A_534 = arith.constant 16 : index
      %swap3A_535 = tpu.vector_load %arg13[%swap3A_534] {strides = array<i32>} : memref<64xi32, #tpu.memory_space<vmem>>, vector<16xi32>,
      %swap3A_536 = vector.shape_cast %swap3A_535 : vector<16xi32> to vector<16xi32>
      %swap3A_537 = vector.shape_cast %add3A_533 : vector<16xi32> to vector<16xi32>
      tpu.vector_store %arg13[%swap3A_534], %swap3A_537 {strides = array<i32>} : memref<64xi32, #tpu.memory_space<vmem>>, vector<16xi32>,
      %get3A_538 = arith.constant 0 : i32
      %get3A_539 = arith.index_cast %get3A_538 : i32 to index
      %get3A_540 = arith.constant 160 : index
      %get3A_541 = tpu.vector_load %arg10[%get3A_539, %get3A_540] {strides = array<i32>} : memref<2x320xi32, #tpu.memory_space<vmem>>, vector<1x16xi32>,
      %get3A_542 = vector.shape_cast %get3A_541 : vector<1x16xi32> to vector<16xi32>
      %mul3A_543 = arith.constant 10000 : i32
      %mul3A_544 = vector.broadcast %mul3A_543 : i32 to vector<16xi32>
      %mul3A_545 = arith.muli %get3A_542, %mul3A_544 : vector<16xi32>
      %get3A_546 = arith.constant 0 : i32
      %get3A_547 = arith.index_cast %get3A_546 : i32 to index
      %get3A_548 = arith.constant 160 : index
      %get3A_549 = tpu.vector_load %arg8[%get3A_547, %get3A_548] {strides = array<i32>} : memref<2x320xi32, #tpu.memory_space<vmem>>, vector<1x16xi32>,
      %get3A_550 = vector.shape_cast %get3A_549 : vector<1x16xi32> to vector<16xi32>
      %add3A_551 = arith.addi %mul3A_545, %get3A_550 : vector<16xi32>
      %mul3A_552 = arith.constant 2 : i32
      %mul3A_553 = vector.broadcast %mul3A_552 : i32 to vector<16xi32>
      %mul3A_554 = arith.muli %add3A_551, %mul3A_553 : vector<16xi32>
      %add3A_555 = vector.broadcast %arg0 : i32 to vector<16xi32>
      %add3A_556 = arith.addi %mul3A_554, %add3A_555 : vector<16xi32>
      %swap3A_557 = arith.constant 32 : index
      %swap3A_558 = tpu.vector_load %arg11[%swap3A_557] {strides = array<i32>} : memref<64xi32, #tpu.memory_space<vmem>>, vector<16xi32>,
      %swap3A_559 = vector.shape_cast %swap3A_558 : vector<16xi32> to vector<16xi32>
      %swap3A_560 = vector.shape_cast %add3A_556 : vector<16xi32> to vector<16xi32>
      tpu.vector_store %arg11[%swap3A_557], %swap3A_560 {strides = array<i32>} : memref<64xi32, #tpu.memory_space<vmem>>, vector<16xi32>,
      %mul3A_561 = arith.constant 10000 : i32
      %mul3A_562 = vector.broadcast %mul3A_561 : i32 to vector<16xi32>
      %mul3A_563 = arith.muli %get3A_542, %mul3A_562 : vector<16xi32>
      %get3A_564 = arith.constant 0 : i32
      %get3A_565 = arith.index_cast %get3A_564 : i32 to index
      %get3A_566 = arith.constant 160 : index
      %get3A_567 = tpu.vector_load %arg9[%get3A_565, %get3A_566] {strides = array<i32>} : memref<2x320xi32, #tpu.memory_space<vmem>>, vector<1x16xi32>,
      %get3A_568 = vector.shape_cast %get3A_567 : vector<1x16xi32> to vector<16xi32>
      %add3A_569 = arith.addi %mul3A_563, %get3A_568 : vector<16xi32>
      %swap3A_570 = arith.constant 32 : index
      %swap3A_571 = tpu.vector_load %arg13[%swap3A_570] {strides = array<i32>} : memref<64xi32, #tpu.memory_space<vmem>>, vector<16xi32>,
      %swap3A_572 = vector.shape_cast %swap3A_571 : vector<16xi32> to vector<16xi32>
      %swap3A_573 = vector.shape_cast %add3A_569 : vector<16xi32> to vector<16xi32>
      tpu.vector_store %arg13[%swap3A_570], %swap3A_573 {strides = array<i32>} : memref<64xi32, #tpu.memory_space<vmem>>, vector<16xi32>,
      %get3A_574 = arith.constant 0 : i32
      %get3A_575 = arith.index_cast %get3A_574 : i32 to index
      %get3A_576 = arith.constant 176 : index
      %get3A_577 = tpu.vector_load %arg10[%get3A_575, %get3A_576] {strides = array<i32>} : memref<2x320xi32, #tpu.memory_space<vmem>>, vector<1x16xi32>,
      %get3A_578 = vector.shape_cast %get3A_577 : vector<1x16xi32> to vector<16xi32>
      %mul3A_579 = arith.constant 10000 : i32
      %mul3A_580 = vector.broadcast %mul3A_579 : i32 to vector<16xi32>
      %mul3A_581 = arith.muli %get3A_578, %mul3A_580 : vector<16xi32>
      %get3A_582 = arith.constant 0 : i32
      %get3A_583 = arith.index_cast %get3A_582 : i32 to index
      %get3A_584 = arith.constant 176 : index
      %get3A_585 = tpu.vector_load %arg8[%get3A_583, %get3A_584] {strides = array<i32>} : memref<2x320xi32, #tpu.memory_space<vmem>>, vector<1x16xi32>,
      %get3A_586 = vector.shape_cast %get3A_585 : vector<1x16xi32> to vector<16xi32>
      %add3A_587 = arith.addi %mul3A_581, %get3A_586 : vector<16xi32>
      %mul3A_588 = arith.constant 2 : i32
      %mul3A_589 = vector.broadcast %mul3A_588 : i32 to vector<16xi32>
      %mul3A_590 = arith.muli %add3A_587, %mul3A_589 : vector<16xi32>
      %add3A_591 = vector.broadcast %arg0 : i32 to vector<16xi32>
      %add3A_592 = arith.addi %mul3A_590, %add3A_591 : vector<16xi32>
      %swap3A_593 = arith.constant 48 : index
      %swap3A_594 = tpu.vector_load %arg11[%swap3A_593] {strides = array<i32>} : memref<64xi32, #tpu.memory_space<vmem>>, vector<16xi32>,
      %swap3A_595 = vector.shape_cast %swap3A_594 : vector<16xi32> to vector<16xi32>
      %swap3A_596 = vector.shape_cast %add3A_592 : vector<16xi32> to vector<16xi32>
      tpu.vector_store %arg11[%swap3A_593], %swap3A_596 {strides = array<i32>} : memref<64xi32, #tpu.memory_space<vmem>>, vector<16xi32>,
      %mul3A_597 = arith.constant 10000 : i32
      %mul3A_598 = vector.broadcast %mul3A_597 : i32 to vector<16xi32>
      %mul3A_599 = arith.muli %get3A_578, %mul3A_598 : vector<16xi32>
      %get3A_600 = arith.constant 0 : i32
      %get3A_601 = arith.index_cast %get3A_600 : i32 to index
      %get3A_602 = arith.constant 176 : index
      %get3A_603 = tpu.vector_load %arg9[%get3A_601, %get3A_602] {strides = array<i32>} : memref<2x320xi32, #tpu.memory_space<vmem>>, vector<1x16xi32>,
      %get3A_604 = vector.shape_cast %get3A_603 : vector<1x16xi32> to vector<16xi32>
      %add3A_605 = arith.addi %mul3A_599, %get3A_604 : vector<16xi32>
      %swap3A_606 = arith.constant 48 : index
      %swap3A_607 = tpu.vector_load %arg13[%swap3A_606] {strides = array<i32>} : memref<64xi32, #tpu.memory_space<vmem>>, vector<16xi32>,
      %swap3A_608 = vector.shape_cast %swap3A_607 : vector<16xi32> to vector<16xi32>
      %swap3A_609 = vector.shape_cast %add3A_605 : vector<16xi32> to vector<16xi32>
      tpu.vector_store %arg13[%swap3A_606], %swap3A_609 {strides = array<i32>} : memref<64xi32, #tpu.memory_space<vmem>>, vector<16xi32>,
      %dma_wait3A_610 = arith.constant 1 : i32
      %dma_wait3A_611 = arith.constant 0 : i32
      %dma_wait3A_612 = arith.constant 0 : i32
      %dma_wait3A_613 = tpu.memref_slice %arg15[%dma_wait3A_610, %dma_wait3A_611, %dma_wait3A_612] : memref<2x64x64xf32, #tpu.memory_space<vmem>> -> memref<1x64x64xf32, #tpu.memory_space<vmem>>
      %dma_wait3A_614 = tpu.memref_squeeze %dma_wait3A_613 : memref<1x64x64xf32, #tpu.memory_space<vmem>> -> memref<64x64xf32, #tpu.memory_space<vmem>>
      %dma_wait3A_615 = arith.constant 0 : i32
      %dma_wait3A_616 = arith.constant 0 : i32
      %dma_wait3A_617 = tpu.memref_slice %arg2[%dma_wait3A_615, %dma_wait3A_616] : memref<60000x64xf32, #tpu.memory_space<hbm>> -> memref<60000x64xf32, #tpu.memory_space<hbm>>
      tpu.wait_indirect_dma semaphore(%arg20 : memref<!tpu.dma_semaphore, #tpu.memory_space<semaphore_mem>>) src(%dma_wait3A_617 : memref<60000x64xf32, #tpu.memory_space<hbm>>) dst(%dma_wait3A_614 : memref<64x64xf32, #tpu.memory_space<vmem>>)
      %dma_start3A_618 = arith.constant 1 : i32
      %dma_start3A_619 = arith.constant 0 : i32
      %dma_start3A_620 = arith.constant 0 : i32
      %dma_start3A_621 = tpu.memref_slice %arg15[%dma_start3A_618, %dma_start3A_619, %dma_start3A_620] : memref<2x64x64xf32, #tpu.memory_space<vmem>> -> memref<1x64x64xf32, #tpu.memory_space<vmem>>
      %dma_start3A_622 = tpu.memref_squeeze %dma_start3A_621 : memref<1x64x64xf32, #tpu.memory_space<vmem>> -> memref<64x64xf32, #tpu.memory_space<vmem>>
      %dma_start3A_623 = arith.constant 0 : i32
      %dma_start3A_624 = arith.constant 0 : i32
      %dma_start3A_625 = tpu.memref_slice %arg16[%dma_start3A_623, %dma_start3A_624] : memref<30016x64xf32, #tpu.memory_space<vmem_shared>> -> memref<30016x64xf32, #tpu.memory_space<vmem_shared>>
      tpu.enqueue_indirect_dma source(%dma_start3A_622 : memref<64x64xf32, #tpu.memory_space<vmem>>) target(%dma_start3A_625 : memref<30016x64xf32, #tpu.memory_space<vmem_shared>>) offsets(%arg14 : memref<64xi32, #tpu.memory_space<vmem>>) semaphore(%arg22 : memref<!tpu.dma_semaphore, #tpu.memory_space<semaphore_mem>>) {add = true}
      %dma_start3A_626 = arith.constant 0 : i32
      %dma_start3A_627 = arith.constant 0 : i32
      %dma_start3A_628 = arith.constant 0 : i32
      %dma_start3A_629 = tpu.memref_slice %arg15[%dma_start3A_626, %dma_start3A_627, %dma_start3A_628] : memref<2x64x64xf32, #tpu.memory_space<vmem>> -> memref<1x64x64xf32, #tpu.memory_space<vmem>>
      %dma_start3A_630 = tpu.memref_squeeze %dma_start3A_629 : memref<1x64x64xf32, #tpu.memory_space<vmem>> -> memref<64x64xf32, #tpu.memory_space<vmem>>
      %dma_start3A_631 = arith.constant 0 : i32
      %dma_start3A_632 = arith.constant 0 : i32
      %dma_start3A_633 = tpu.memref_slice %arg2[%dma_start3A_631, %dma_start3A_632] : memref<60000x64xf32, #tpu.memory_space<hbm>> -> memref<60000x64xf32, #tpu.memory_space<hbm>>
      tpu.enqueue_indirect_dma source(%dma_start3A_633 : memref<60000x64xf32, #tpu.memory_space<hbm>>) target(%dma_start3A_630 : memref<64x64xf32, #tpu.memory_space<vmem>>) offsets(%arg11 : memref<64xi32, #tpu.memory_space<vmem>>) semaphore(%arg19 : memref<!tpu.dma_semaphore, #tpu.memory_space<semaphore_mem>>)
      %dma_wait3A_634 = arith.constant 1 : i32
      %dma_wait3A_635 = arith.constant 0 : i32
      %dma_wait3A_636 = arith.constant 0 : i32
      %dma_wait3A_637 = tpu.memref_slice %arg15[%dma_wait3A_634, %dma_wait3A_635, %dma_wait3A_636] : memref<2x64x64xf32, #tpu.memory_space<vmem>> -> memref<1x64x64xf32, #tpu.memory_space<vmem>>
      %dma_wait3A_638 = tpu.memref_squeeze %dma_wait3A_637 : memref<1x64x64xf32, #tpu.memory_space<vmem>> -> memref<64x64xf32, #tpu.memory_space<vmem>>
      %dma_wait3A_639 = arith.constant 0 : i32
      %dma_wait3A_640 = arith.constant 0 : i32
      %dma_wait3A_641 = tpu.memref_slice %arg16[%dma_wait3A_639, %dma_wait3A_640] : memref<30016x64xf32, #tpu.memory_space<vmem_shared>> -> memref<30016x64xf32, #tpu.memory_space<vmem_shared>>
      tpu.wait_indirect_dma semaphore(%arg22 : memref<!tpu.dma_semaphore, #tpu.memory_space<semaphore_mem>>) src(%dma_wait3A_638 : memref<64x64xf32, #tpu.memory_space<vmem>>) dst(%dma_wait3A_641 : memref<30016x64xf32, #tpu.memory_space<vmem_shared>>)
      %get3A_642 = arith.constant 0 : i32
      %get3A_643 = arith.index_cast %get3A_642 : i32 to index
      %get3A_644 = arith.constant 192 : index
      %get3A_645 = tpu.vector_load %arg10[%get3A_643, %get3A_644] {strides = array<i32>} : memref<2x320xi32, #tpu.memory_space<vmem>>, vector<1x16xi32>,
      %get3A_646 = vector.shape_cast %get3A_645 : vector<1x16xi32> to vector<16xi32>
      %mul3A_647 = arith.constant 10000 : i32
      %mul3A_648 = vector.broadcast %mul3A_647 : i32 to vector<16xi32>
      %mul3A_649 = arith.muli %get3A_646, %mul3A_648 : vector<16xi32>
      %get3A_650 = arith.constant 0 : i32
      %get3A_651 = arith.index_cast %get3A_650 : i32 to index
      %get3A_652 = arith.constant 192 : index
      %get3A_653 = tpu.vector_load %arg8[%get3A_651, %get3A_652] {strides = array<i32>} : memref<2x320xi32, #tpu.memory_space<vmem>>, vector<1x16xi32>,
      %get3A_654 = vector.shape_cast %get3A_653 : vector<1x16xi32> to vector<16xi32>
      %add3A_655 = arith.addi %mul3A_649, %get3A_654 : vector<16xi32>
      %mul3A_656 = arith.constant 2 : i32
      %mul3A_657 = vector.broadcast %mul3A_656 : i32 to vector<16xi32>
      %mul3A_658 = arith.muli %add3A_655, %mul3A_657 : vector<16xi32>
      %add3A_659 = vector.broadcast %arg0 : i32 to vector<16xi32>
      %add3A_660 = arith.addi %mul3A_658, %add3A_659 : vector<16xi32>
      %swap3A_661 = arith.constant 0 : index
      %swap3A_662 = tpu.vector_load %arg12[%swap3A_661] {strides = array<i32>} : memref<64xi32, #tpu.memory_space<vmem>>, vector<16xi32>,
      %swap3A_663 = vector.shape_cast %swap3A_662 : vector<16xi32> to vector<16xi32>
      %swap3A_664 = vector.shape_cast %add3A_660 : vector<16xi32> to vector<16xi32>
      tpu.vector_store %arg12[%swap3A_661], %swap3A_664 {strides = array<i32>} : memref<64xi32, #tpu.memory_space<vmem>>, vector<16xi32>,
      %mul3A_665 = arith.constant 10000 : i32
      %mul3A_666 = vector.broadcast %mul3A_665 : i32 to vector<16xi32>
      %mul3A_667 = arith.muli %get3A_646, %mul3A_666 : vector<16xi32>
      %get3A_668 = arith.constant 0 : i32
      %get3A_669 = arith.index_cast %get3A_668 : i32 to index
      %get3A_670 = arith.constant 192 : index
      %get3A_671 = tpu.vector_load %arg9[%get3A_669, %get3A_670] {strides = array<i32>} : memref<2x320xi32, #tpu.memory_space<vmem>>, vector<1x16xi32>,
      %get3A_672 = vector.shape_cast %get3A_671 : vector<1x16xi32> to vector<16xi32>
      %add3A_673 = arith.addi %mul3A_667, %get3A_672 : vector<16xi32>
      %swap3A_674 = arith.constant 0 : index
      %swap3A_675 = tpu.vector_load %arg14[%swap3A_674] {strides = array<i32>} : memref<64xi32, #tpu.memory_space<vmem>>, vector<16xi32>,
      %swap3A_676 = vector.shape_cast %swap3A_675 : vector<16xi32> to vector<16xi32>
      %swap3A_677 = vector.shape_cast %add3A_673 : vector<16xi32> to vector<16xi32>
      tpu.vector_store %arg14[%swap3A_674], %swap3A_677 {strides = array<i32>} : memref<64xi32, #tpu.memory_space<vmem>>, vector<16xi32>,
      %get3A_678 = arith.constant 0 : i32
      %get3A_679 = arith.index_cast %get3A_678 : i32 to index
      %get3A_680 = arith.constant 208 : index
      %get3A_681 = tpu.vector_load %arg10[%get3A_679, %get3A_680] {strides = array<i32>} : memref<2x320xi32, #tpu.memory_space<vmem>>, vector<1x16xi32>,
      %get3A_682 = vector.shape_cast %get3A_681 : vector<1x16xi32> to vector<16xi32>
      %mul3A_683 = arith.constant 10000 : i32
      %mul3A_684 = vector.broadcast %mul3A_683 : i32 to vector<16xi32>
      %mul3A_685 = arith.muli %get3A_682, %mul3A_684 : vector<16xi32>
      %get3A_686 = arith.constant 0 : i32
      %get3A_687 = arith.index_cast %get3A_686 : i32 to index
      %get3A_688 = arith.constant 208 : index
      %get3A_689 = tpu.vector_load %arg8[%get3A_687, %get3A_688] {strides = array<i32>} : memref<2x320xi32, #tpu.memory_space<vmem>>, vector<1x16xi32>,
      %get3A_690 = vector.shape_cast %get3A_689 : vector<1x16xi32> to vector<16xi32>
      %add3A_691 = arith.addi %mul3A_685, %get3A_690 : vector<16xi32>
      %mul3A_692 = arith.constant 2 : i32
      %mul3A_693 = vector.broadcast %mul3A_692 : i32 to vector<16xi32>
      %mul3A_694 = arith.muli %add3A_691, %mul3A_693 : vector<16xi32>
      %add3A_695 = vector.broadcast %arg0 : i32 to vector<16xi32>
      %add3A_696 = arith.addi %mul3A_694, %add3A_695 : vector<16xi32>
      %swap3A_697 = arith.constant 16 : index
      %swap3A_698 = tpu.vector_load %arg12[%swap3A_697] {strides = array<i32>} : memref<64xi32, #tpu.memory_space<vmem>>, vector<16xi32>,
      %swap3A_699 = vector.shape_cast %swap3A_698 : vector<16xi32> to vector<16xi32>
      %swap3A_700 = vector.shape_cast %add3A_696 : vector<16xi32> to vector<16xi32>
      tpu.vector_store %arg12[%swap3A_697], %swap3A_700 {strides = array<i32>} : memref<64xi32, #tpu.memory_space<vmem>>, vector<16xi32>,
      %mul3A_701 = arith.constant 10000 : i32
      %mul3A_702 = vector.broadcast %mul3A_701 : i32 to vector<16xi32>
      %mul3A_703 = arith.muli %get3A_682, %mul3A_702 : vector<16xi32>
      %get3A_704 = arith.constant 0 : i32
      %get3A_705 = arith.index_cast %get3A_704 : i32 to index
      %get3A_706 = arith.constant 208 : index
      %get3A_707 = tpu.vector_load %arg9[%get3A_705, %get3A_706] {strides = array<i32>} : memref<2x320xi32, #tpu.memory_space<vmem>>, vector<1x16xi32>,
      %get3A_708 = vector.shape_cast %get3A_707 : vector<1x16xi32> to vector<16xi32>
      %add3A_709 = arith.addi %mul3A_703, %get3A_708 : vector<16xi32>
      %swap3A_710 = arith.constant 16 : index
      %swap3A_711 = tpu.vector_load %arg14[%swap3A_710] {strides = array<i32>} : memref<64xi32, #tpu.memory_space<vmem>>, vector<16xi32>,
      %swap3A_712 = vector.shape_cast %swap3A_711 : vector<16xi32> to vector<16xi32>
      %swap3A_713 = vector.shape_cast %add3A_709 : vector<16xi32> to vector<16xi32>
      tpu.vector_store %arg14[%swap3A_710], %swap3A_713 {strides = array<i32>} : memref<64xi32, #tpu.memory_space<vmem>>, vector<16xi32>,
      %get3A_714 = arith.constant 0 : i32
      %get3A_715 = arith.index_cast %get3A_714 : i32 to index
      %get3A_716 = arith.constant 224 : index
      %get3A_717 = tpu.vector_load %arg10[%get3A_715, %get3A_716] {strides = array<i32>} : memref<2x320xi32, #tpu.memory_space<vmem>>, vector<1x16xi32>,
      %get3A_718 = vector.shape_cast %get3A_717 : vector<1x16xi32> to vector<16xi32>
      %mul3A_719 = arith.constant 10000 : i32
      %mul3A_720 = vector.broadcast %mul3A_719 : i32 to vector<16xi32>
      %mul3A_721 = arith.muli %get3A_718, %mul3A_720 : vector<16xi32>
      %get3A_722 = arith.constant 0 : i32
      %get3A_723 = arith.index_cast %get3A_722 : i32 to index
      %get3A_724 = arith.constant 224 : index
      %get3A_725 = tpu.vector_load %arg8[%get3A_723, %get3A_724] {strides = array<i32>} : memref<2x320xi32, #tpu.memory_space<vmem>>, vector<1x16xi32>,
      %get3A_726 = vector.shape_cast %get3A_725 : vector<1x16xi32> to vector<16xi32>
      %add3A_727 = arith.addi %mul3A_721, %get3A_726 : vector<16xi32>
      %mul3A_728 = arith.constant 2 : i32
      %mul3A_729 = vector.broadcast %mul3A_728 : i32 to vector<16xi32>
      %mul3A_730 = arith.muli %add3A_727, %mul3A_729 : vector<16xi32>
      %add3A_731 = vector.broadcast %arg0 : i32 to vector<16xi32>
      %add3A_732 = arith.addi %mul3A_730, %add3A_731 : vector<16xi32>
      %swap3A_733 = arith.constant 32 : index
      %swap3A_734 = tpu.vector_load %arg12[%swap3A_733] {strides = array<i32>} : memref<64xi32, #tpu.memory_space<vmem>>, vector<16xi32>,
      %swap3A_735 = vector.shape_cast %swap3A_734 : vector<16xi32> to vector<16xi32>
      %swap3A_736 = vector.shape_cast %add3A_732 : vector<16xi32> to vector<16xi32>
      tpu.vector_store %arg12[%swap3A_733], %swap3A_736 {strides = array<i32>} : memref<64xi32, #tpu.memory_space<vmem>>, vector<16xi32>,
      %mul3A_737 = arith.constant 10000 : i32
      %mul3A_738 = vector.broadcast %mul3A_737 : i32 to vector<16xi32>
      %mul3A_739 = arith.muli %get3A_718, %mul3A_738 : vector<16xi32>
      %get3A_740 = arith.constant 0 : i32
      %get3A_741 = arith.index_cast %get3A_740 : i32 to index
      %get3A_742 = arith.constant 224 : index
      %get3A_743 = tpu.vector_load %arg9[%get3A_741, %get3A_742] {strides = array<i32>} : memref<2x320xi32, #tpu.memory_space<vmem>>, vector<1x16xi32>,
      %get3A_744 = vector.shape_cast %get3A_743 : vector<1x16xi32> to vector<16xi32>
      %add3A_745 = arith.addi %mul3A_739, %get3A_744 : vector<16xi32>
      %swap3A_746 = arith.constant 32 : index
      %swap3A_747 = tpu.vector_load %arg14[%swap3A_746] {strides = array<i32>} : memref<64xi32, #tpu.memory_space<vmem>>, vector<16xi32>,
      %swap3A_748 = vector.shape_cast %swap3A_747 : vector<16xi32> to vector<16xi32>
      %swap3A_749 = vector.shape_cast %add3A_745 : vector<16xi32> to vector<16xi32>
      tpu.vector_store %arg14[%swap3A_746], %swap3A_749 {strides = array<i32>} : memref<64xi32, #tpu.memory_space<vmem>>, vector<16xi32>,
      %get3A_750 = arith.constant 0 : i32
      %get3A_751 = arith.index_cast %get3A_750 : i32 to index
      %get3A_752 = arith.constant 240 : index
      %get3A_753 = tpu.vector_load %arg10[%get3A_751, %get3A_752] {strides = array<i32>} : memref<2x320xi32, #tpu.memory_space<vmem>>, vector<1x16xi32>,
      %get3A_754 = vector.shape_cast %get3A_753 : vector<1x16xi32> to vector<16xi32>
      %mul3A_755 = arith.constant 10000 : i32
      %mul3A_756 = vector.broadcast %mul3A_755 : i32 to vector<16xi32>
      %mul3A_757 = arith.muli %get3A_754, %mul3A_756 : vector<16xi32>
      %get3A_758 = arith.constant 0 : i32
      %get3A_759 = arith.index_cast %get3A_758 : i32 to index
      %get3A_760 = arith.constant 240 : index
      %get3A_761 = tpu.vector_load %arg8[%get3A_759, %get3A_760] {strides = array<i32>} : memref<2x320xi32, #tpu.memory_space<vmem>>, vector<1x16xi32>,
      %get3A_762 = vector.shape_cast %get3A_761 : vector<1x16xi32> to vector<16xi32>
      %add3A_763 = arith.addi %mul3A_757, %get3A_762 : vector<16xi32>
      %mul3A_764 = arith.constant 2 : i32
      %mul3A_765 = vector.broadcast %mul3A_764 : i32 to vector<16xi32>
      %mul3A_766 = arith.muli %add3A_763, %mul3A_765 : vector<16xi32>
      %add3A_767 = vector.broadcast %arg0 : i32 to vector<16xi32>
      %add3A_768 = arith.addi %mul3A_766, %add3A_767 : vector<16xi32>
      %swap3A_769 = arith.constant 48 : index
      %swap3A_770 = tpu.vector_load %arg12[%swap3A_769] {strides = array<i32>} : memref<64xi32, #tpu.memory_space<vmem>>, vector<16xi32>,
      %swap3A_771 = vector.shape_cast %swap3A_770 : vector<16xi32> to vector<16xi32>
      %swap3A_772 = vector.shape_cast %add3A_768 : vector<16xi32> to vector<16xi32>
      tpu.vector_store %arg12[%swap3A_769], %swap3A_772 {strides = array<i32>} : memref<64xi32, #tpu.memory_space<vmem>>, vector<16xi32>,
      %mul3A_773 = arith.constant 10000 : i32
      %mul3A_774 = vector.broadcast %mul3A_773 : i32 to vector<16xi32>
      %mul3A_775 = arith.muli %get3A_754, %mul3A_774 : vector<16xi32>
      %get3A_776 = arith.constant 0 : i32
      %get3A_777 = arith.index_cast %get3A_776 : i32 to index
      %get3A_778 = arith.constant 240 : index
      %get3A_779 = tpu.vector_load %arg9[%get3A_777, %get3A_778] {strides = array<i32>} : memref<2x320xi32, #tpu.memory_space<vmem>>, vector<1x16xi32>,
      %get3A_780 = vector.shape_cast %get3A_779 : vector<1x16xi32> to vector<16xi32>
      %add3A_781 = arith.addi %mul3A_775, %get3A_780 : vector<16xi32>
      %swap3A_782 = arith.constant 48 : index
      %swap3A_783 = tpu.vector_load %arg14[%swap3A_782] {strides = array<i32>} : memref<64xi32, #tpu.memory_space<vmem>>, vector<16xi32>,
      %swap3A_784 = vector.shape_cast %swap3A_783 : vector<16xi32> to vector<16xi32>
      %swap3A_785 = vector.shape_cast %add3A_781 : vector<16xi32> to vector<16xi32>
      tpu.vector_store %arg14[%swap3A_782], %swap3A_785 {strides = array<i32>} : memref<64xi32, #tpu.memory_space<vmem>>, vector<16xi32>,
      %dma_wait3A_786 = arith.constant 0 : i32
      %dma_wait3A_787 = arith.constant 0 : i32
      %dma_wait3A_788 = arith.constant 0 : i32
      %dma_wait3A_789 = tpu.memref_slice %arg15[%dma_wait3A_786, %dma_wait3A_787, %dma_wait3A_788] : memref<2x64x64xf32, #tpu.memory_space<vmem>> -> memref<1x64x64xf32, #tpu.memory_space<vmem>>
      %dma_wait3A_790 = tpu.memref_squeeze %dma_wait3A_789 : memref<1x64x64xf32, #tpu.memory_space<vmem>> -> memref<64x64xf32, #tpu.memory_space<vmem>>
      %dma_wait3A_791 = arith.constant 0 : i32
      %dma_wait3A_792 = arith.constant 0 : i32
      %dma_wait3A_793 = tpu.memref_slice %arg2[%dma_wait3A_791, %dma_wait3A_792] : memref<60000x64xf32, #tpu.memory_space<hbm>> -> memref<60000x64xf32, #tpu.memory_space<hbm>>
      tpu.wait_indirect_dma semaphore(%arg19 : memref<!tpu.dma_semaphore, #tpu.memory_space<semaphore_mem>>) src(%dma_wait3A_793 : memref<60000x64xf32, #tpu.memory_space<hbm>>) dst(%dma_wait3A_790 : memref<64x64xf32, #tpu.memory_space<vmem>>)
      %dma_start3A_794 = arith.constant 0 : i32
      %dma_start3A_795 = arith.constant 0 : i32
      %dma_start3A_796 = arith.constant 0 : i32
      %dma_start3A_797 = tpu.memref_slice %arg15[%dma_start3A_794, %dma_start3A_795, %dma_start3A_796] : memref<2x64x64xf32, #tpu.memory_space<vmem>> -> memref<1x64x64xf32, #tpu.memory_space<vmem>>
      %dma_start3A_798 = tpu.memref_squeeze %dma_start3A_797 : memref<1x64x64xf32, #tpu.memory_space<vmem>> -> memref<64x64xf32, #tpu.memory_space<vmem>>
      %dma_start3A_799 = arith.constant 0 : i32
      %dma_start3A_800 = arith.constant 0 : i32
      %dma_start3A_801 = tpu.memref_slice %arg16[%dma_start3A_799, %dma_start3A_800] : memref<30016x64xf32, #tpu.memory_space<vmem_shared>> -> memref<30016x64xf32, #tpu.memory_space<vmem_shared>>
      tpu.enqueue_indirect_dma source(%dma_start3A_798 : memref<64x64xf32, #tpu.memory_space<vmem>>) target(%dma_start3A_801 : memref<30016x64xf32, #tpu.memory_space<vmem_shared>>) offsets(%arg13 : memref<64xi32, #tpu.memory_space<vmem>>) semaphore(%arg21 : memref<!tpu.dma_semaphore, #tpu.memory_space<semaphore_mem>>) {add = true}
      %dma_start3A_802 = arith.constant 1 : i32
      %dma_start3A_803 = arith.constant 0 : i32
      %dma_start3A_804 = arith.constant 0 : i32
      %dma_start3A_805 = tpu.memref_slice %arg15[%dma_start3A_802, %dma_start3A_803, %dma_start3A_804] : memref<2x64x64xf32, #tpu.memory_space<vmem>> -> memref<1x64x64xf32, #tpu.memory_space<vmem>>
      %dma_start3A_806 = tpu.memref_squeeze %dma_start3A_805 : memref<1x64x64xf32, #tpu.memory_space<vmem>> -> memref<64x64xf32, #tpu.memory_space<vmem>>
      %dma_start3A_807 = arith.constant 0 : i32
      %dma_start3A_808 = arith.constant 0 : i32
      %dma_start3A_809 = tpu.memref_slice %arg2[%dma_start3A_807, %dma_start3A_808] : memref<60000x64xf32, #tpu.memory_space<hbm>> -> memref<60000x64xf32, #tpu.memory_space<hbm>>
      tpu.enqueue_indirect_dma source(%dma_start3A_809 : memref<60000x64xf32, #tpu.memory_space<hbm>>) target(%dma_start3A_806 : memref<64x64xf32, #tpu.memory_space<vmem>>) offsets(%arg12 : memref<64xi32, #tpu.memory_space<vmem>>) semaphore(%arg20 : memref<!tpu.dma_semaphore, #tpu.memory_space<semaphore_mem>>)
      %dma_wait3A_810 = arith.constant 0 : i32
      %dma_wait3A_811 = arith.constant 0 : i32
      %dma_wait3A_812 = arith.constant 0 : i32
      %dma_wait3A_813 = tpu.memref_slice %arg15[%dma_wait3A_810, %dma_wait3A_811, %dma_wait3A_812] : memref<2x64x64xf32, #tpu.memory_space<vmem>> -> memref<1x64x64xf32, #tpu.memory_space<vmem>>
      %dma_wait3A_814 = tpu.memref_squeeze %dma_wait3A_813 : memref<1x64x64xf32, #tpu.memory_space<vmem>> -> memref<64x64xf32, #tpu.memory_space<vmem>>
      %dma_wait3A_815 = arith.constant 0 : i32
      %dma_wait3A_816 = arith.constant 0 : i32
      %dma_wait3A_817 = tpu.memref_slice %arg16[%dma_wait3A_815, %dma_wait3A_816] : memref<30016x64xf32, #tpu.memory_space<vmem_shared>> -> memref<30016x64xf32, #tpu.memory_space<vmem_shared>>
      tpu.wait_indirect_dma semaphore(%arg21 : memref<!tpu.dma_semaphore, #tpu.memory_space<semaphore_mem>>) src(%dma_wait3A_814 : memref<64x64xf32, #tpu.memory_space<vmem>>) dst(%dma_wait3A_817 : memref<30016x64xf32, #tpu.memory_space<vmem_shared>>)
      %get3A_818 = arith.constant 0 : i32
      %get3A_819 = arith.index_cast %get3A_818 : i32 to index
      %get3A_820 = arith.constant 256 : index
      %get3A_821 = tpu.vector_load %arg10[%get3A_819, %get3A_820] {strides = array<i32>} : memref<2x320xi32, #tpu.memory_space<vmem>>, vector<1x16xi32>,
      %get3A_822 = vector.shape_cast %get3A_821 : vector<1x16xi32> to vector<16xi32>
      %mul3A_823 = arith.constant 10000 : i32
      %mul3A_824 = vector.broadcast %mul3A_823 : i32 to vector<16xi32>
      %mul3A_825 = arith.muli %get3A_822, %mul3A_824 : vector<16xi32>
      %get3A_826 = arith.constant 0 : i32
      %get3A_827 = arith.index_cast %get3A_826 : i32 to index
      %get3A_828 = arith.constant 256 : index
      %get3A_829 = tpu.vector_load %arg8[%get3A_827, %get3A_828] {strides = array<i32>} : memref<2x320xi32, #tpu.memory_space<vmem>>, vector<1x16xi32>,
      %get3A_830 = vector.shape_cast %get3A_829 : vector<1x16xi32> to vector<16xi32>
      %add3A_831 = arith.addi %mul3A_825, %get3A_830 : vector<16xi32>
      %mul3A_832 = arith.constant 2 : i32
      %mul3A_833 = vector.broadcast %mul3A_832 : i32 to vector<16xi32>
      %mul3A_834 = arith.muli %add3A_831, %mul3A_833 : vector<16xi32>
      %add3A_835 = vector.broadcast %arg0 : i32 to vector<16xi32>
      %add3A_836 = arith.addi %mul3A_834, %add3A_835 : vector<16xi32>
      %swap3A_837 = arith.constant 0 : index
      %swap3A_838 = tpu.vector_load %arg11[%swap3A_837] {strides = array<i32>} : memref<64xi32, #tpu.memory_space<vmem>>, vector<16xi32>,
      %swap3A_839 = vector.shape_cast %swap3A_838 : vector<16xi32> to vector<16xi32>
      %swap3A_840 = vector.shape_cast %add3A_836 : vector<16xi32> to vector<16xi32>
      tpu.vector_store %arg11[%swap3A_837], %swap3A_840 {strides = array<i32>} : memref<64xi32, #tpu.memory_space<vmem>>, vector<16xi32>,
      %mul3A_841 = arith.constant 10000 : i32
      %mul3A_842 = vector.broadcast %mul3A_841 : i32 to vector<16xi32>
      %mul3A_843 = arith.muli %get3A_822, %mul3A_842 : vector<16xi32>
      %get3A_844 = arith.constant 0 : i32
      %get3A_845 = arith.index_cast %get3A_844 : i32 to index
      %get3A_846 = arith.constant 256 : index
      %get3A_847 = tpu.vector_load %arg9[%get3A_845, %get3A_846] {strides = array<i32>} : memref<2x320xi32, #tpu.memory_space<vmem>>, vector<1x16xi32>,
      %get3A_848 = vector.shape_cast %get3A_847 : vector<1x16xi32> to vector<16xi32>
      %add3A_849 = arith.addi %mul3A_843, %get3A_848 : vector<16xi32>
      %swap3A_850 = arith.constant 0 : index
      %swap3A_851 = tpu.vector_load %arg13[%swap3A_850] {strides = array<i32>} : memref<64xi32, #tpu.memory_space<vmem>>, vector<16xi32>,
      %swap3A_852 = vector.shape_cast %swap3A_851 : vector<16xi32> to vector<16xi32>
      %swap3A_853 = vector.shape_cast %add3A_849 : vector<16xi32> to vector<16xi32>
      tpu.vector_store %arg13[%swap3A_850], %swap3A_853 {strides = array<i32>} : memref<64xi32, #tpu.memory_space<vmem>>, vector<16xi32>,
      %get3A_854 = arith.constant 0 : i32
      %get3A_855 = arith.index_cast %get3A_854 : i32 to index
      %get3A_856 = arith.constant 272 : index
      %get3A_857 = tpu.vector_load %arg10[%get3A_855, %get3A_856] {strides = array<i32>} : memref<2x320xi32, #tpu.memory_space<vmem>>, vector<1x16xi32>,
      %get3A_858 = vector.shape_cast %get3A_857 : vector<1x16xi32> to vector<16xi32>
      %mul3A_859 = arith.constant 10000 : i32
      %mul3A_860 = vector.broadcast %mul3A_859 : i32 to vector<16xi32>
      %mul3A_861 = arith.muli %get3A_858, %mul3A_860 : vector<16xi32>
      %get3A_862 = arith.constant 0 : i32
      %get3A_863 = arith.index_cast %get3A_862 : i32 to index
      %get3A_864 = arith.constant 272 : index
      %get3A_865 = tpu.vector_load %arg8[%get3A_863, %get3A_864] {strides = array<i32>} : memref<2x320xi32, #tpu.memory_space<vmem>>, vector<1x16xi32>,
      %get3A_866 = vector.shape_cast %get3A_865 : vector<1x16xi32> to vector<16xi32>
      %add3A_867 = arith.addi %mul3A_861, %get3A_866 : vector<16xi32>
      %mul3A_868 = arith.constant 2 : i32
      %mul3A_869 = vector.broadcast %mul3A_868 : i32 to vector<16xi32>
      %mul3A_870 = arith.muli %add3A_867, %mul3A_869 : vector<16xi32>
      %add3A_871 = vector.broadcast %arg0 : i32 to vector<16xi32>
      %add3A_872 = arith.addi %mul3A_870, %add3A_871 : vector<16xi32>
      %swap3A_873 = arith.constant 16 : index
      %swap3A_874 = tpu.vector_load %arg11[%swap3A_873] {strides = array<i32>} : memref<64xi32, #tpu.memory_space<vmem>>, vector<16xi32>,
      %swap3A_875 = vector.shape_cast %swap3A_874 : vector<16xi32> to vector<16xi32>
      %swap3A_876 = vector.shape_cast %add3A_872 : vector<16xi32> to vector<16xi32>
      tpu.vector_store %arg11[%swap3A_873], %swap3A_876 {strides = array<i32>} : memref<64xi32, #tpu.memory_space<vmem>>, vector<16xi32>,
      %mul3A_877 = arith.constant 10000 : i32
      %mul3A_878 = vector.broadcast %mul3A_877 : i32 to vector<16xi32>
      %mul3A_879 = arith.muli %get3A_858, %mul3A_878 : vector<16xi32>
      %get3A_880 = arith.constant 0 : i32
      %get3A_881 = arith.index_cast %get3A_880 : i32 to index
      %get3A_882 = arith.constant 272 : index
      %get3A_883 = tpu.vector_load %arg9[%get3A_881, %get3A_882] {strides = array<i32>} : memref<2x320xi32, #tpu.memory_space<vmem>>, vector<1x16xi32>,
      %get3A_884 = vector.shape_cast %get3A_883 : vector<1x16xi32> to vector<16xi32>
      %add3A_885 = arith.addi %mul3A_879, %get3A_884 : vector<16xi32>
      %swap3A_886 = arith.constant 16 : index
      %swap3A_887 = tpu.vector_load %arg13[%swap3A_886] {strides = array<i32>} : memref<64xi32, #tpu.memory_space<vmem>>, vector<16xi32>,
      %swap3A_888 = vector.shape_cast %swap3A_887 : vector<16xi32> to vector<16xi32>
      %swap3A_889 = vector.shape_cast %add3A_885 : vector<16xi32> to vector<16xi32>
      tpu.vector_store %arg13[%swap3A_886], %swap3A_889 {strides = array<i32>} : memref<64xi32, #tpu.memory_space<vmem>>, vector<16xi32>,
      %get3A_890 = arith.constant 0 : i32
      %get3A_891 = arith.index_cast %get3A_890 : i32 to index
      %get3A_892 = arith.constant 288 : index
      %get3A_893 = tpu.vector_load %arg10[%get3A_891, %get3A_892] {strides = array<i32>} : memref<2x320xi32, #tpu.memory_space<vmem>>, vector<1x16xi32>,
      %get3A_894 = vector.shape_cast %get3A_893 : vector<1x16xi32> to vector<16xi32>
      %mul3A_895 = arith.constant 10000 : i32
      %mul3A_896 = vector.broadcast %mul3A_895 : i32 to vector<16xi32>
      %mul3A_897 = arith.muli %get3A_894, %mul3A_896 : vector<16xi32>
      %get3A_898 = arith.constant 0 : i32
      %get3A_899 = arith.index_cast %get3A_898 : i32 to index
      %get3A_900 = arith.constant 288 : index
      %get3A_901 = tpu.vector_load %arg8[%get3A_899, %get3A_900] {strides = array<i32>} : memref<2x320xi32, #tpu.memory_space<vmem>>, vector<1x16xi32>,
      %get3A_902 = vector.shape_cast %get3A_901 : vector<1x16xi32> to vector<16xi32>
      %add3A_903 = arith.addi %mul3A_897, %get3A_902 : vector<16xi32>
      %mul3A_904 = arith.constant 2 : i32
      %mul3A_905 = vector.broadcast %mul3A_904 : i32 to vector<16xi32>
      %mul3A_906 = arith.muli %add3A_903, %mul3A_905 : vector<16xi32>
      %add3A_907 = vector.broadcast %arg0 : i32 to vector<16xi32>
      %add3A_908 = arith.addi %mul3A_906, %add3A_907 : vector<16xi32>
      %swap3A_909 = arith.constant 32 : index
      %swap3A_910 = tpu.vector_load %arg11[%swap3A_909] {strides = array<i32>} : memref<64xi32, #tpu.memory_space<vmem>>, vector<16xi32>,
      %swap3A_911 = vector.shape_cast %swap3A_910 : vector<16xi32> to vector<16xi32>
      %swap3A_912 = vector.shape_cast %add3A_908 : vector<16xi32> to vector<16xi32>
      tpu.vector_store %arg11[%swap3A_909], %swap3A_912 {strides = array<i32>} : memref<64xi32, #tpu.memory_space<vmem>>, vector<16xi32>,
      %mul3A_913 = arith.constant 10000 : i32
      %mul3A_914 = vector.broadcast %mul3A_913 : i32 to vector<16xi32>
      %mul3A_915 = arith.muli %get3A_894, %mul3A_914 : vector<16xi32>
      %get3A_916 = arith.constant 0 : i32
      %get3A_917 = arith.index_cast %get3A_916 : i32 to index
      %get3A_918 = arith.constant 288 : index
      %get3A_919 = tpu.vector_load %arg9[%get3A_917, %get3A_918] {strides = array<i32>} : memref<2x320xi32, #tpu.memory_space<vmem>>, vector<1x16xi32>,
      %get3A_920 = vector.shape_cast %get3A_919 : vector<1x16xi32> to vector<16xi32>
      %add3A_921 = arith.addi %mul3A_915, %get3A_920 : vector<16xi32>
      %swap3A_922 = arith.constant 32 : index
      %swap3A_923 = tpu.vector_load %arg13[%swap3A_922] {strides = array<i32>} : memref<64xi32, #tpu.memory_space<vmem>>, vector<16xi32>,
      %swap3A_924 = vector.shape_cast %swap3A_923 : vector<16xi32> to vector<16xi32>
      %swap3A_925 = vector.shape_cast %add3A_921 : vector<16xi32> to vector<16xi32>
      tpu.vector_store %arg13[%swap3A_922], %swap3A_925 {strides = array<i32>} : memref<64xi32, #tpu.memory_space<vmem>>, vector<16xi32>,
      %get3A_926 = arith.constant 0 : i32
      %get3A_927 = arith.index_cast %get3A_926 : i32 to index
      %get3A_928 = arith.constant 304 : index
      %get3A_929 = tpu.vector_load %arg10[%get3A_927, %get3A_928] {strides = array<i32>} : memref<2x320xi32, #tpu.memory_space<vmem>>, vector<1x16xi32>,
      %get3A_930 = vector.shape_cast %get3A_929 : vector<1x16xi32> to vector<16xi32>
      %mul3A_931 = arith.constant 10000 : i32
      %mul3A_932 = vector.broadcast %mul3A_931 : i32 to vector<16xi32>
      %mul3A_933 = arith.muli %get3A_930, %mul3A_932 : vector<16xi32>
      %get3A_934 = arith.constant 0 : i32
      %get3A_935 = arith.index_cast %get3A_934 : i32 to index
      %get3A_936 = arith.constant 304 : index
      %get3A_937 = tpu.vector_load %arg8[%get3A_935, %get3A_936] {strides = array<i32>} : memref<2x320xi32, #tpu.memory_space<vmem>>, vector<1x16xi32>,
      %get3A_938 = vector.shape_cast %get3A_937 : vector<1x16xi32> to vector<16xi32>
      %add3A_939 = arith.addi %mul3A_933, %get3A_938 : vector<16xi32>
      %mul3A_940 = arith.constant 2 : i32
      %mul3A_941 = vector.broadcast %mul3A_940 : i32 to vector<16xi32>
      %mul3A_942 = arith.muli %add3A_939, %mul3A_941 : vector<16xi32>
      %add3A_943 = vector.broadcast %arg0 : i32 to vector<16xi32>
      %add3A_944 = arith.addi %mul3A_942, %add3A_943 : vector<16xi32>
      %swap3A_945 = arith.constant 48 : index
      %swap3A_946 = tpu.vector_load %arg11[%swap3A_945] {strides = array<i32>} : memref<64xi32, #tpu.memory_space<vmem>>, vector<16xi32>,
      %swap3A_947 = vector.shape_cast %swap3A_946 : vector<16xi32> to vector<16xi32>
      %swap3A_948 = vector.shape_cast %add3A_944 : vector<16xi32> to vector<16xi32>
      tpu.vector_store %arg11[%swap3A_945], %swap3A_948 {strides = array<i32>} : memref<64xi32, #tpu.memory_space<vmem>>, vector<16xi32>,
      %mul3A_949 = arith.constant 10000 : i32
      %mul3A_950 = vector.broadcast %mul3A_949 : i32 to vector<16xi32>
      %mul3A_951 = arith.muli %get3A_930, %mul3A_950 : vector<16xi32>
      %get3A_952 = arith.constant 0 : i32
      %get3A_953 = arith.index_cast %get3A_952 : i32 to index
      %get3A_954 = arith.constant 304 : index
      %get3A_955 = tpu.vector_load %arg9[%get3A_953, %get3A_954] {strides = array<i32>} : memref<2x320xi32, #tpu.memory_space<vmem>>, vector<1x16xi32>,
      %get3A_956 = vector.shape_cast %get3A_955 : vector<1x16xi32> to vector<16xi32>
      %add3A_957 = arith.addi %mul3A_951, %get3A_956 : vector<16xi32>
      %swap3A_958 = arith.constant 48 : index
      %swap3A_959 = tpu.vector_load %arg13[%swap3A_958] {strides = array<i32>} : memref<64xi32, #tpu.memory_space<vmem>>, vector<16xi32>,
      %swap3A_960 = vector.shape_cast %swap3A_959 : vector<16xi32> to vector<16xi32>
      %swap3A_961 = vector.shape_cast %add3A_957 : vector<16xi32> to vector<16xi32>
      tpu.vector_store %arg13[%swap3A_958], %swap3A_961 {strides = array<i32>} : memref<64xi32, #tpu.memory_space<vmem>>, vector<16xi32>,
      %dma_wait3A_962 = arith.constant 1 : i32
      %dma_wait3A_963 = arith.constant 0 : i32
      %dma_wait3A_964 = arith.constant 0 : i32
      %dma_wait3A_965 = tpu.memref_slice %arg15[%dma_wait3A_962, %dma_wait3A_963, %dma_wait3A_964] : memref<2x64x64xf32, #tpu.memory_space<vmem>> -> memref<1x64x64xf32, #tpu.memory_space<vmem>>
      %dma_wait3A_966 = tpu.memref_squeeze %dma_wait3A_965 : memref<1x64x64xf32, #tpu.memory_space<vmem>> -> memref<64x64xf32, #tpu.memory_space<vmem>>
      %dma_wait3A_967 = arith.constant 0 : i32
      %dma_wait3A_968 = arith.constant 0 : i32
      %dma_wait3A_969 = tpu.memref_slice %arg2[%dma_wait3A_967, %dma_wait3A_968] : memref<60000x64xf32, #tpu.memory_space<hbm>> -> memref<60000x64xf32, #tpu.memory_space<hbm>>
      tpu.wait_indirect_dma semaphore(%arg20 : memref<!tpu.dma_semaphore, #tpu.memory_space<semaphore_mem>>) src(%dma_wait3A_969 : memref<60000x64xf32, #tpu.memory_space<hbm>>) dst(%dma_wait3A_966 : memref<64x64xf32, #tpu.memory_space<vmem>>)
      %dma_start3A_970 = arith.constant 1 : i32
      %dma_start3A_971 = arith.constant 0 : i32
      %dma_start3A_972 = arith.constant 0 : i32
      %dma_start3A_973 = tpu.memref_slice %arg15[%dma_start3A_970, %dma_start3A_971, %dma_start3A_972] : memref<2x64x64xf32, #tpu.memory_space<vmem>> -> memref<1x64x64xf32, #tpu.memory_space<vmem>>
      %dma_start3A_974 = tpu.memref_squeeze %dma_start3A_973 : memref<1x64x64xf32, #tpu.memory_space<vmem>> -> memref<64x64xf32, #tpu.memory_space<vmem>>
      %dma_start3A_975 = arith.constant 0 : i32
      %dma_start3A_976 = arith.constant 0 : i32
      %dma_start3A_977 = tpu.memref_slice %arg16[%dma_start3A_975, %dma_start3A_976] : memref<30016x64xf32, #tpu.memory_space<vmem_shared>> -> memref<30016x64xf32, #tpu.memory_space<vmem_shared>>
      tpu.enqueue_indirect_dma source(%dma_start3A_974 : memref<64x64xf32, #tpu.memory_space<vmem>>) target(%dma_start3A_977 : memref<30016x64xf32, #tpu.memory_space<vmem_shared>>) offsets(%arg14 : memref<64xi32, #tpu.memory_space<vmem>>) semaphore(%arg22 : memref<!tpu.dma_semaphore, #tpu.memory_space<semaphore_mem>>) {add = true}
      %dma_start3A_978 = arith.constant 0 : i32
      %dma_start3A_979 = arith.constant 0 : i32
      %dma_start3A_980 = arith.constant 0 : i32
      %dma_start3A_981 = tpu.memref_slice %arg15[%dma_start3A_978, %dma_start3A_979, %dma_start3A_980] : memref<2x64x64xf32, #tpu.memory_space<vmem>> -> memref<1x64x64xf32, #tpu.memory_space<vmem>>
      %dma_start3A_982 = tpu.memref_squeeze %dma_start3A_981 : memref<1x64x64xf32, #tpu.memory_space<vmem>> -> memref<64x64xf32, #tpu.memory_space<vmem>>
      %dma_start3A_983 = arith.constant 0 : i32
      %dma_start3A_984 = arith.constant 0 : i32
      %dma_start3A_985 = tpu.memref_slice %arg2[%dma_start3A_983, %dma_start3A_984] : memref<60000x64xf32, #tpu.memory_space<hbm>> -> memref<60000x64xf32, #tpu.memory_space<hbm>>
      tpu.enqueue_indirect_dma source(%dma_start3A_985 : memref<60000x64xf32, #tpu.memory_space<hbm>>) target(%dma_start3A_982 : memref<64x64xf32, #tpu.memory_space<vmem>>) offsets(%arg11 : memref<64xi32, #tpu.memory_space<vmem>>) semaphore(%arg19 : memref<!tpu.dma_semaphore, #tpu.memory_space<semaphore_mem>>)
      %dma_wait3A_986 = arith.constant 1 : i32
      %dma_wait3A_987 = arith.constant 0 : i32
      %dma_wait3A_988 = tpu.memref_slice %arg8[%dma_wait3A_986, %dma_wait3A_987] : memref<2x320xi32, #tpu.memory_space<vmem>> -> memref<1x320xi32, #tpu.memory_space<vmem>>
      %dma_wait3A_989 = tpu.memref_squeeze %dma_wait3A_988 : memref<1x320xi32, #tpu.memory_space<vmem>> -> memref<320xi32, #tpu.memory_space<vmem>>
      %dma_wait3A_990 = arith.constant 0 : i32
      %dma_wait3A_991 = tpu.memref_slice %arg3[%dma_wait3A_990] : memref<328000xi32, #tpu.memory_space<hbm>> -> memref<320xi32, #tpu.memory_space<hbm>>
      %dma_wait3A_992 = arith.constant 0 : i32
      %dma_wait3A_993 = tpu.memref_slice %arg8[%dma_wait3A_986, %dma_wait3A_992] : memref<2x320xi32, #tpu.memory_space<vmem>> -> memref<1x320xi32, #tpu.memory_space<vmem>>
      %dma_wait3A_994 = tpu.memref_squeeze %dma_wait3A_993 : memref<1x320xi32, #tpu.memory_space<vmem>> -> memref<320xi32, #tpu.memory_space<vmem>>
      %dma_wait3A_995 = arith.constant 0 : i32
      %dma_wait3A_996 = tpu.memref_slice %arg3[%dma_wait3A_995] : memref<328000xi32, #tpu.memory_space<hbm>> -> memref<320xi32, #tpu.memory_space<hbm>>
      tpu.wait_dma2 semaphore(%arg18 : memref<!tpu.dma_semaphore, #tpu.memory_space<semaphore_mem>>) src(%dma_wait3A_996 : memref<320xi32, #tpu.memory_space<hbm>>) dst(%dma_wait3A_994 : memref<320xi32, #tpu.memory_space<vmem>>)
      %dma_wait3A_997 = arith.constant 1 : i32
      %dma_wait3A_998 = arith.constant 0 : i32
      %dma_wait3A_999 = tpu.memref_slice %arg9[%dma_wait3A_997, %dma_wait3A_998] : memref<2x320xi32, #tpu.memory_space<vmem>> -> memref<1x320xi32, #tpu.memory_space<vmem>>
      %dma_wait3A_1000 = tpu.memref_squeeze %dma_wait3A_999 : memref<1x320xi32, #tpu.memory_space<vmem>> -> memref<320xi32, #tpu.memory_space<vmem>>
      %dma_wait3A_1001 = arith.constant 0 : i32
      %dma_wait3A_1002 = tpu.memref_slice %arg3[%dma_wait3A_1001] : memref<328000xi32, #tpu.memory_space<hbm>> -> memref<320xi32, #tpu.memory_space<hbm>>
      %dma_wait3A_1003 = arith.constant 0 : i32
      %dma_wait3A_1004 = tpu.memref_slice %arg9[%dma_wait3A_997, %dma_wait3A_1003] : memref<2x320xi32, #tpu.memory_space<vmem>> -> memref<1x320xi32, #tpu.memory_space<vmem>>
      %dma_wait3A_1005 = tpu.memref_squeeze %dma_wait3A_1004 : memref<1x320xi32, #tpu.memory_space<vmem>> -> memref<320xi32, #tpu.memory_space<vmem>>
      %dma_wait3A_1006 = arith.constant 0 : i32
      %dma_wait3A_1007 = tpu.memref_slice %arg3[%dma_wait3A_1006] : memref<328000xi32, #tpu.memory_space<hbm>> -> memref<320xi32, #tpu.memory_space<hbm>>
      tpu.wait_dma2 semaphore(%arg18 : memref<!tpu.dma_semaphore, #tpu.memory_space<semaphore_mem>>) src(%dma_wait3A_1007 : memref<320xi32, #tpu.memory_space<hbm>>) dst(%dma_wait3A_1005 : memref<320xi32, #tpu.memory_space<vmem>>)
      %dma_wait3A_1008 = arith.constant 1 : i32
      %dma_wait3A_1009 = arith.constant 0 : i32
      %dma_wait3A_1010 = tpu.memref_slice %arg10[%dma_wait3A_1008, %dma_wait3A_1009] : memref<2x320xi32, #tpu.memory_space<vmem>> -> memref<1x320xi32, #tpu.memory_space<vmem>>
      %dma_wait3A_1011 = tpu.memref_squeeze %dma_wait3A_1010 : memref<1x320xi32, #tpu.memory_space<vmem>> -> memref<320xi32, #tpu.memory_space<vmem>>
      %dma_wait3A_1012 = arith.constant 0 : i32
      %dma_wait3A_1013 = tpu.memref_slice %arg3[%dma_wait3A_1012] : memref<328000xi32, #tpu.memory_space<hbm>> -> memref<320xi32, #tpu.memory_space<hbm>>
      %dma_wait3A_1014 = arith.constant 0 : i32
      %dma_wait3A_1015 = tpu.memref_slice %arg10[%dma_wait3A_1008, %dma_wait3A_1014] : memref<2x320xi32, #tpu.memory_space<vmem>> -> memref<1x320xi32, #tpu.memory_space<vmem>>
      %dma_wait3A_1016 = tpu.memref_squeeze %dma_wait3A_1015 : memref<1x320xi32, #tpu.memory_space<vmem>> -> memref<320xi32, #tpu.memory_space<vmem>>
      %dma_wait3A_1017 = arith.constant 0 : i32
      %dma_wait3A_1018 = tpu.memref_slice %arg3[%dma_wait3A_1017] : memref<328000xi32, #tpu.memory_space<hbm>> -> memref<320xi32, #tpu.memory_space<hbm>>
      tpu.wait_dma2 semaphore(%arg18 : memref<!tpu.dma_semaphore, #tpu.memory_space<semaphore_mem>>) src(%dma_wait3A_1018 : memref<320xi32, #tpu.memory_space<hbm>>) dst(%dma_wait3A_1016 : memref<320xi32, #tpu.memory_space<vmem>>)
      %add3A_1019 = arith.constant 2 : i32
      %add3A_1020 = arith.addi %mul3A_72, %add3A_1019 : i32
      %mul3A_1021 = arith.constant 20480 : i32
      %mul3A_1022 = arith.muli %arg1, %mul3A_1021 : i32
      %mul3A_1023 = arith.constant 320 : i32
      %mul3A_1024 = arith.muli %add3A_1020, %mul3A_1023 : i32
      %add3A_1025 = arith.addi %mul3A_1022, %mul3A_1024 : i32
      %dma_start3A_1026 = arith.constant 0 : i32
      %dma_start3A_1027 = arith.constant 0 : i32
      %dma_start3A_1028 = tpu.memref_slice %arg8[%dma_start3A_1026, %dma_start3A_1027] : memref<2x320xi32, #tpu.memory_space<vmem>> -> memref<1x320xi32, #tpu.memory_space<vmem>>
      %dma_start3A_1029 = tpu.memref_squeeze %dma_start3A_1028 : memref<1x320xi32, #tpu.memory_space<vmem>> -> memref<320xi32, #tpu.memory_space<vmem>>
      %dma_start3A_1030 = tpu.memref_slice %arg3[%add3A_1025] : memref<328000xi32, #tpu.memory_space<hbm>> -> memref<320xi32, #tpu.memory_space<hbm>>
      %dma_start3A_1031 = arith.constant 0 : i32
      %dma_start3A_1032 = tpu.memref_slice %arg8[%dma_start3A_1026, %dma_start3A_1031] : memref<2x320xi32, #tpu.memory_space<vmem>> -> memref<1x320xi32, #tpu.memory_space<vmem>>
      %dma_start3A_1033 = tpu.memref_squeeze %dma_start3A_1032 : memref<1x320xi32, #tpu.memory_space<vmem>> -> memref<320xi32, #tpu.memory_space<vmem>>
      %dma_start3A_1034 = tpu.memref_slice %arg3[%add3A_1025] : memref<328000xi32, #tpu.memory_space<hbm>> -> memref<320xi32, #tpu.memory_space<hbm>>
      tpu.enqueue_dma source(%dma_start3A_1034 : memref<320xi32, #tpu.memory_space<hbm>>) target(%dma_start3A_1033 : memref<320xi32, #tpu.memory_space<vmem>>) target_semaphore(%arg17 : memref<!tpu.dma_semaphore, #tpu.memory_space<semaphore_mem>>)
      %dma_start3A_1035 = arith.constant 0 : i32
      %dma_start3A_1036 = arith.constant 0 : i32
      %dma_start3A_1037 = tpu.memref_slice %arg9[%dma_start3A_1035, %dma_start3A_1036] : memref<2x320xi32, #tpu.memory_space<vmem>> -> memref<1x320xi32, #tpu.memory_space<vmem>>
      %dma_start3A_1038 = tpu.memref_squeeze %dma_start3A_1037 : memref<1x320xi32, #tpu.memory_space<vmem>> -> memref<320xi32, #tpu.memory_space<vmem>>
      %dma_start3A_1039 = tpu.memref_slice %arg4[%add3A_1025] : memref<328000xi32, #tpu.memory_space<hbm>> -> memref<320xi32, #tpu.memory_space<hbm>>
      %dma_start3A_1040 = arith.constant 0 : i32
      %dma_start3A_1041 = tpu.memref_slice %arg9[%dma_start3A_1035, %dma_start3A_1040] : memref<2x320xi32, #tpu.memory_space<vmem>> -> memref<1x320xi32, #tpu.memory_space<vmem>>
      %dma_start3A_1042 = tpu.memref_squeeze %dma_start3A_1041 : memref<1x320xi32, #tpu.memory_space<vmem>> -> memref<320xi32, #tpu.memory_space<vmem>>
      %dma_start3A_1043 = tpu.memref_slice %arg4[%add3A_1025] : memref<328000xi32, #tpu.memory_space<hbm>> -> memref<320xi32, #tpu.memory_space<hbm>>
      tpu.enqueue_dma source(%dma_start3A_1043 : memref<320xi32, #tpu.memory_space<hbm>>) target(%dma_start3A_1042 : memref<320xi32, #tpu.memory_space<vmem>>) target_semaphore(%arg17 : memref<!tpu.dma_semaphore, #tpu.memory_space<semaphore_mem>>)
      %dma_start3A_1044 = arith.constant 0 : i32
      %dma_start3A_1045 = arith.constant 0 : i32
      %dma_start3A_1046 = tpu.memref_slice %arg10[%dma_start3A_1044, %dma_start3A_1045] : memref<2x320xi32, #tpu.memory_space<vmem>> -> memref<1x320xi32, #tpu.memory_space<vmem>>
      %dma_start3A_1047 = tpu.memref_squeeze %dma_start3A_1046 : memref<1x320xi32, #tpu.memory_space<vmem>> -> memref<320xi32, #tpu.memory_space<vmem>>
      %dma_start3A_1048 = tpu.memref_slice %arg5[%add3A_1025] : memref<328000xi32, #tpu.memory_space<hbm>> -> memref<320xi32, #tpu.memory_space<hbm>>
      %dma_start3A_1049 = arith.constant 0 : i32
      %dma_start3A_1050 = tpu.memref_slice %arg10[%dma_start3A_1044, %dma_start3A_1049] : memref<2x320xi32, #tpu.memory_space<vmem>> -> memref<1x320xi32, #tpu.memory_space<vmem>>
      %dma_start3A_1051 = tpu.memref_squeeze %dma_start3A_1050 : memref<1x320xi32, #tpu.memory_space<vmem>> -> memref<320xi32, #tpu.memory_space<vmem>>
      %dma_start3A_1052 = tpu.memref_slice %arg5[%add3A_1025] : memref<328000xi32, #tpu.memory_space<hbm>> -> memref<320xi32, #tpu.memory_space<hbm>>
      tpu.enqueue_dma source(%dma_start3A_1052 : memref<320xi32, #tpu.memory_space<hbm>>) target(%dma_start3A_1051 : memref<320xi32, #tpu.memory_space<vmem>>) target_semaphore(%arg17 : memref<!tpu.dma_semaphore, #tpu.memory_space<semaphore_mem>>)
      %dma_wait3A_1053 = arith.constant 1 : i32
      %dma_wait3A_1054 = arith.constant 0 : i32
      %dma_wait3A_1055 = arith.constant 0 : i32
      %dma_wait3A_1056 = tpu.memref_slice %arg15[%dma_wait3A_1053, %dma_wait3A_1054, %dma_wait3A_1055] : memref<2x64x64xf32, #tpu.memory_space<vmem>> -> memref<1x64x64xf32, #tpu.memory_space<vmem>>
      %dma_wait3A_1057 = tpu.memref_squeeze %dma_wait3A_1056 : memref<1x64x64xf32, #tpu.memory_space<vmem>> -> memref<64x64xf32, #tpu.memory_space<vmem>>
      %dma_wait3A_1058 = arith.constant 0 : i32
      %dma_wait3A_1059 = arith.constant 0 : i32
      %dma_wait3A_1060 = tpu.memref_slice %arg16[%dma_wait3A_1058, %dma_wait3A_1059] : memref<30016x64xf32, #tpu.memory_space<vmem_shared>> -> memref<30016x64xf32, #tpu.memory_space<vmem_shared>>
      tpu.wait_indirect_dma semaphore(%arg22 : memref<!tpu.dma_semaphore, #tpu.memory_space<semaphore_mem>>) src(%dma_wait3A_1057 : memref<64x64xf32, #tpu.memory_space<vmem>>) dst(%dma_wait3A_1060 : memref<30016x64xf32, #tpu.memory_space<vmem_shared>>)
      %get3A_1061 = arith.constant 1 : i32
      %get3A_1062 = arith.index_cast %get3A_1061 : i32 to index
      %get3A_1063 = arith.constant 0 : index
      %get3A_1064 = tpu.vector_load %arg10[%get3A_1062, %get3A_1063] {strides = array<i32>} : memref<2x320xi32, #tpu.memory_space<vmem>>, vector<1x16xi32>,
      %get3A_1065 = vector.shape_cast %get3A_1064 : vector<1x16xi32> to vector<16xi32>
      %mul3A_1066 = arith.constant 10000 : i32
      %mul3A_1067 = vector.broadcast %mul3A_1066 : i32 to vector<16xi32>
      %mul3A_1068 = arith.muli %get3A_1065, %mul3A_1067 : vector<16xi32>
      %get3A_1069 = arith.constant 1 : i32
      %get3A_1070 = arith.index_cast %get3A_1069 : i32 to index
      %get3A_1071 = arith.constant 0 : index
      %get3A_1072 = tpu.vector_load %arg8[%get3A_1070, %get3A_1071] {strides = array<i32>} : memref<2x320xi32, #tpu.memory_space<vmem>>, vector<1x16xi32>,
      %get3A_1073 = vector.shape_cast %get3A_1072 : vector<1x16xi32> to vector<16xi32>
      %add3A_1074 = arith.addi %mul3A_1068, %get3A_1073 : vector<16xi32>
      %mul3A_1075 = arith.constant 2 : i32
      %mul3A_1076 = vector.broadcast %mul3A_1075 : i32 to vector<16xi32>
      %mul3A_1077 = arith.muli %add3A_1074, %mul3A_1076 : vector<16xi32>
      %add3A_1078 = vector.broadcast %arg0 : i32 to vector<16xi32>
      %add3A_1079 = arith.addi %mul3A_1077, %add3A_1078 : vector<16xi32>
      %swap3A_1080 = arith.constant 0 : index
      %swap3A_1081 = tpu.vector_load %arg12[%swap3A_1080] {strides = array<i32>} : memref<64xi32, #tpu.memory_space<vmem>>, vector<16xi32>,
      %swap3A_1082 = vector.shape_cast %swap3A_1081 : vector<16xi32> to vector<16xi32>
      %swap3A_1083 = vector.shape_cast %add3A_1079 : vector<16xi32> to vector<16xi32>
      tpu.vector_store %arg12[%swap3A_1080], %swap3A_1083 {strides = array<i32>} : memref<64xi32, #tpu.memory_space<vmem>>, vector<16xi32>,
      %mul3A_1084 = arith.constant 10000 : i32
      %mul3A_1085 = vector.broadcast %mul3A_1084 : i32 to vector<16xi32>
      %mul3A_1086 = arith.muli %get3A_1065, %mul3A_1085 : vector<16xi32>
      %get3A_1087 = arith.constant 1 : i32
      %get3A_1088 = arith.index_cast %get3A_1087 : i32 to index
      %get3A_1089 = arith.constant 0 : index
      %get3A_1090 = tpu.vector_load %arg9[%get3A_1088, %get3A_1089] {strides = array<i32>} : memref<2x320xi32, #tpu.memory_space<vmem>>, vector<1x16xi32>,
      %get3A_1091 = vector.shape_cast %get3A_1090 : vector<1x16xi32> to vector<16xi32>
      %add3A_1092 = arith.addi %mul3A_1086, %get3A_1091 : vector<16xi32>
      %swap3A_1093 = arith.constant 0 : index
      %swap3A_1094 = tpu.vector_load %arg14[%swap3A_1093] {strides = array<i32>} : memref<64xi32, #tpu.memory_space<vmem>>, vector<16xi32>,
      %swap3A_1095 = vector.shape_cast %swap3A_1094 : vector<16xi32> to vector<16xi32>
      %swap3A_1096 = vector.shape_cast %add3A_1092 : vector<16xi32> to vector<16xi32>
      tpu.vector_store %arg14[%swap3A_1093], %swap3A_1096 {strides = array<i32>} : memref<64xi32, #tpu.memory_space<vmem>>, vector<16xi32>,
      %get3A_1097 = arith.constant 1 : i32
      %get3A_1098 = arith.index_cast %get3A_1097 : i32 to index
      %get3A_1099 = arith.constant 16 : index
      %get3A_1100 = tpu.vector_load %arg10[%get3A_1098, %get3A_1099] {strides = array<i32>} : memref<2x320xi32, #tpu.memory_space<vmem>>, vector<1x16xi32>,
      %get3A_1101 = vector.shape_cast %get3A_1100 : vector<1x16xi32> to vector<16xi32>
      %mul3A_1102 = arith.constant 10000 : i32
      %mul3A_1103 = vector.broadcast %mul3A_1102 : i32 to vector<16xi32>
      %mul3A_1104 = arith.muli %get3A_1101, %mul3A_1103 : vector<16xi32>
      %get3A_1105 = arith.constant 1 : i32
      %get3A_1106 = arith.index_cast %get3A_1105 : i32 to index
      %get3A_1107 = arith.constant 16 : index
      %get3A_1108 = tpu.vector_load %arg8[%get3A_1106, %get3A_1107] {strides = array<i32>} : memref<2x320xi32, #tpu.memory_space<vmem>>, vector<1x16xi32>,
      %get3A_1109 = vector.shape_cast %get3A_1108 : vector<1x16xi32> to vector<16xi32>
      %add3A_1110 = arith.addi %mul3A_1104, %get3A_1109 : vector<16xi32>
      %mul3A_1111 = arith.constant 2 : i32
      %mul3A_1112 = vector.broadcast %mul3A_1111 : i32 to vector<16xi32>
      %mul3A_1113 = arith.muli %add3A_1110, %mul3A_1112 : vector<16xi32>
      %add3A_1114 = vector.broadcast %arg0 : i32 to vector<16xi32>
      %add3A_1115 = arith.addi %mul3A_1113, %add3A_1114 : vector<16xi32>
      %swap3A_1116 = arith.constant 16 : index
      %swap3A_1117 = tpu.vector_load %arg12[%swap3A_1116] {strides = array<i32>} : memref<64xi32, #tpu.memory_space<vmem>>, vector<16xi32>,
      %swap3A_1118 = vector.shape_cast %swap3A_1117 : vector<16xi32> to vector<16xi32>
      %swap3A_1119 = vector.shape_cast %add3A_1115 : vector<16xi32> to vector<16xi32>
      tpu.vector_store %arg12[%swap3A_1116], %swap3A_1119 {strides = array<i32>} : memref<64xi32, #tpu.memory_space<vmem>>, vector<16xi32>,
      %mul3A_1120 = arith.constant 10000 : i32
      %mul3A_1121 = vector.broadcast %mul3A_1120 : i32 to vector<16xi32>
      %mul3A_1122 = arith.muli %get3A_1101, %mul3A_1121 : vector<16xi32>
      %get3A_1123 = arith.constant 1 : i32
      %get3A_1124 = arith.index_cast %get3A_1123 : i32 to index
      %get3A_1125 = arith.constant 16 : index
      %get3A_1126 = tpu.vector_load %arg9[%get3A_1124, %get3A_1125] {strides = array<i32>} : memref<2x320xi32, #tpu.memory_space<vmem>>, vector<1x16xi32>,
      %get3A_1127 = vector.shape_cast %get3A_1126 : vector<1x16xi32> to vector<16xi32>
      %add3A_1128 = arith.addi %mul3A_1122, %get3A_1127 : vector<16xi32>
      %swap3A_1129 = arith.constant 16 : index
      %swap3A_1130 = tpu.vector_load %arg14[%swap3A_1129] {strides = array<i32>} : memref<64xi32, #tpu.memory_space<vmem>>, vector<16xi32>,
      %swap3A_1131 = vector.shape_cast %swap3A_1130 : vector<16xi32> to vector<16xi32>
      %swap3A_1132 = vector.shape_cast %add3A_1128 : vector<16xi32> to vector<16xi32>
      tpu.vector_store %arg14[%swap3A_1129], %swap3A_1132 {strides = array<i32>} : memref<64xi32, #tpu.memory_space<vmem>>, vector<16xi32>,
      %get3A_1133 = arith.constant 1 : i32
      %get3A_1134 = arith.index_cast %get3A_1133 : i32 to index
      %get3A_1135 = arith.constant 32 : index
      %get3A_1136 = tpu.vector_load %arg10[%get3A_1134, %get3A_1135] {strides = array<i32>} : memref<2x320xi32, #tpu.memory_space<vmem>>, vector<1x16xi32>,
      %get3A_1137 = vector.shape_cast %get3A_1136 : vector<1x16xi32> to vector<16xi32>
      %mul3A_1138 = arith.constant 10000 : i32
      %mul3A_1139 = vector.broadcast %mul3A_1138 : i32 to vector<16xi32>
      %mul3A_1140 = arith.muli %get3A_1137, %mul3A_1139 : vector<16xi32>
      %get3A_1141 = arith.constant 1 : i32
      %get3A_1142 = arith.index_cast %get3A_1141 : i32 to index
      %get3A_1143 = arith.constant 32 : index
      %get3A_1144 = tpu.vector_load %arg8[%get3A_1142, %get3A_1143] {strides = array<i32>} : memref<2x320xi32, #tpu.memory_space<vmem>>, vector<1x16xi32>,
      %get3A_1145 = vector.shape_cast %get3A_1144 : vector<1x16xi32> to vector<16xi32>
      %add3A_1146 = arith.addi %mul3A_1140, %get3A_1145 : vector<16xi32>
      %mul3A_1147 = arith.constant 2 : i32
      %mul3A_1148 = vector.broadcast %mul3A_1147 : i32 to vector<16xi32>
      %mul3A_1149 = arith.muli %add3A_1146, %mul3A_1148 : vector<16xi32>
      %add3A_1150 = vector.broadcast %arg0 : i32 to vector<16xi32>
      %add3A_1151 = arith.addi %mul3A_1149, %add3A_1150 : vector<16xi32>
      %swap3A_1152 = arith.constant 32 : index
      %swap3A_1153 = tpu.vector_load %arg12[%swap3A_1152] {strides = array<i32>} : memref<64xi32, #tpu.memory_space<vmem>>, vector<16xi32>,
      %swap3A_1154 = vector.shape_cast %swap3A_1153 : vector<16xi32> to vector<16xi32>
      %swap3A_1155 = vector.shape_cast %add3A_1151 : vector<16xi32> to vector<16xi32>
      tpu.vector_store %arg12[%swap3A_1152], %swap3A_1155 {strides = array<i32>} : memref<64xi32, #tpu.memory_space<vmem>>, vector<16xi32>,
      %mul3A_1156 = arith.constant 10000 : i32
      %mul3A_1157 = vector.broadcast %mul3A_1156 : i32 to vector<16xi32>
      %mul3A_1158 = arith.muli %get3A_1137, %mul3A_1157 : vector<16xi32>
      %get3A_1159 = arith.constant 1 : i32
      %get3A_1160 = arith.index_cast %get3A_1159 : i32 to index
      %get3A_1161 = arith.constant 32 : index
      %get3A_1162 = tpu.vector_load %arg9[%get3A_1160, %get3A_1161] {strides = array<i32>} : memref<2x320xi32, #tpu.memory_space<vmem>>, vector<1x16xi32>,
      %get3A_1163 = vector.shape_cast %get3A_1162 : vector<1x16xi32> to vector<16xi32>
      %add3A_1164 = arith.addi %mul3A_1158, %get3A_1163 : vector<16xi32>
      %swap3A_1165 = arith.constant 32 : index
      %swap3A_1166 = tpu.vector_load %arg14[%swap3A_1165] {strides = array<i32>} : memref<64xi32, #tpu.memory_space<vmem>>, vector<16xi32>,
      %swap3A_1167 = vector.shape_cast %swap3A_1166 : vector<16xi32> to vector<16xi32>
      %swap3A_1168 = vector.shape_cast %add3A_1164 : vector<16xi32> to vector<16xi32>
      tpu.vector_store %arg14[%swap3A_1165], %swap3A_1168 {strides = array<i32>} : memref<64xi32, #tpu.memory_space<vmem>>, vector<16xi32>,
      %get3A_1169 = arith.constant 1 : i32
      %get3A_1170 = arith.index_cast %get3A_1169 : i32 to index
      %get3A_1171 = arith.constant 48 : index
      %get3A_1172 = tpu.vector_load %arg10[%get3A_1170, %get3A_1171] {strides = array<i32>} : memref<2x320xi32, #tpu.memory_space<vmem>>, vector<1x16xi32>,
      %get3A_1173 = vector.shape_cast %get3A_1172 : vector<1x16xi32> to vector<16xi32>
      %mul3A_1174 = arith.constant 10000 : i32
      %mul3A_1175 = vector.broadcast %mul3A_1174 : i32 to vector<16xi32>
      %mul3A_1176 = arith.muli %get3A_1173, %mul3A_1175 : vector<16xi32>
      %get3A_1177 = arith.constant 1 : i32
      %get3A_1178 = arith.index_cast %get3A_1177 : i32 to index
      %get3A_1179 = arith.constant 48 : index
      %get3A_1180 = tpu.vector_load %arg8[%get3A_1178, %get3A_1179] {strides = array<i32>} : memref<2x320xi32, #tpu.memory_space<vmem>>, vector<1x16xi32>,
      %get3A_1181 = vector.shape_cast %get3A_1180 : vector<1x16xi32> to vector<16xi32>
      %add3A_1182 = arith.addi %mul3A_1176, %get3A_1181 : vector<16xi32>
      %mul3A_1183 = arith.constant 2 : i32
      %mul3A_1184 = vector.broadcast %mul3A_1183 : i32 to vector<16xi32>
      %mul3A_1185 = arith.muli %add3A_1182, %mul3A_1184 : vector<16xi32>
      %add3A_1186 = vector.broadcast %arg0 : i32 to vector<16xi32>
      %add3A_1187 = arith.addi %mul3A_1185, %add3A_1186 : vector<16xi32>
      %swap3A_1188 = arith.constant 48 : index
      %swap3A_1189 = tpu.vector_load %arg12[%swap3A_1188] {strides = array<i32>} : memref<64xi32, #tpu.memory_space<vmem>>, vector<16xi32>,
      %swap3A_1190 = vector.shape_cast %swap3A_1189 : vector<16xi32> to vector<16xi32>
      %swap3A_1191 = vector.shape_cast %add3A_1187 : vector<16xi32> to vector<16xi32>
      tpu.vector_store %arg12[%swap3A_1188], %swap3A_1191 {strides = array<i32>} : memref<64xi32, #tpu.memory_space<vmem>>, vector<16xi32>,
      %mul3A_1192 = arith.constant 10000 : i32
      %mul3A_1193 = vector.broadcast %mul3A_1192 : i32 to vector<16xi32>
      %mul3A_1194 = arith.muli %get3A_1173, %mul3A_1193 : vector<16xi32>
      %get3A_1195 = arith.constant 1 : i32
      %get3A_1196 = arith.index_cast %get3A_1195 : i32 to index
      %get3A_1197 = arith.constant 48 : index
      %get3A_1198 = tpu.vector_load %arg9[%get3A_1196, %get3A_1197] {strides = array<i32>} : memref<2x320xi32, #tpu.memory_space<vmem>>, vector<1x16xi32>,
      %get3A_1199 = vector.shape_cast %get3A_1198 : vector<1x16xi32> to vector<16xi32>
      %add3A_1200 = arith.addi %mul3A_1194, %get3A_1199 : vector<16xi32>
      %swap3A_1201 = arith.constant 48 : index
      %swap3A_1202 = tpu.vector_load %arg14[%swap3A_1201] {strides = array<i32>} : memref<64xi32, #tpu.memory_space<vmem>>, vector<16xi32>,
      %swap3A_1203 = vector.shape_cast %swap3A_1202 : vector<16xi32> to vector<16xi32>
      %swap3A_1204 = vector.shape_cast %add3A_1200 : vector<16xi32> to vector<16xi32>
      tpu.vector_store %arg14[%swap3A_1201], %swap3A_1204 {strides = array<i32>} : memref<64xi32, #tpu.memory_space<vmem>>, vector<16xi32>,
      %dma_wait3A_1205 = arith.constant 0 : i32
      %dma_wait3A_1206 = arith.constant 0 : i32
      %dma_wait3A_1207 = arith.constant 0 : i32
      %dma_wait3A_1208 = tpu.memref_slice %arg15[%dma_wait3A_1205, %dma_wait3A_1206, %dma_wait3A_1207] : memref<2x64x64xf32, #tpu.memory_space<vmem>> -> memref<1x64x64xf32, #tpu.memory_space<vmem>>
      %dma_wait3A_1209 = tpu.memref_squeeze %dma_wait3A_1208 : memref<1x64x64xf32, #tpu.memory_space<vmem>> -> memref<64x64xf32, #tpu.memory_space<vmem>>
      %dma_wait3A_1210 = arith.constant 0 : i32
      %dma_wait3A_1211 = arith.constant 0 : i32
      %dma_wait3A_1212 = tpu.memref_slice %arg2[%dma_wait3A_1210, %dma_wait3A_1211] : memref<60000x64xf32, #tpu.memory_space<hbm>> -> memref<60000x64xf32, #tpu.memory_space<hbm>>
      tpu.wait_indirect_dma semaphore(%arg19 : memref<!tpu.dma_semaphore, #tpu.memory_space<semaphore_mem>>) src(%dma_wait3A_1212 : memref<60000x64xf32, #tpu.memory_space<hbm>>) dst(%dma_wait3A_1209 : memref<64x64xf32, #tpu.memory_space<vmem>>)
      %dma_start3A_1213 = arith.constant 0 : i32
      %dma_start3A_1214 = arith.constant 0 : i32
      %dma_start3A_1215 = arith.constant 0 : i32
      %dma_start3A_1216 = tpu.memref_slice %arg15[%dma_start3A_1213, %dma_start3A_1214, %dma_start3A_1215] : memref<2x64x64xf32, #tpu.memory_space<vmem>> -> memref<1x64x64xf32, #tpu.memory_space<vmem>>
      %dma_start3A_1217 = tpu.memref_squeeze %dma_start3A_1216 : memref<1x64x64xf32, #tpu.memory_space<vmem>> -> memref<64x64xf32, #tpu.memory_space<vmem>>
      %dma_start3A_1218 = arith.constant 0 : i32
      %dma_start3A_1219 = arith.constant 0 : i32
      %dma_start3A_1220 = tpu.memref_slice %arg16[%dma_start3A_1218, %dma_start3A_1219] : memref<30016x64xf32, #tpu.memory_space<vmem_shared>> -> memref<30016x64xf32, #tpu.memory_space<vmem_shared>>
      tpu.enqueue_indirect_dma source(%dma_start3A_1217 : memref<64x64xf32, #tpu.memory_space<vmem>>) target(%dma_start3A_1220 : memref<30016x64xf32, #tpu.memory_space<vmem_shared>>) offsets(%arg13 : memref<64xi32, #tpu.memory_space<vmem>>) semaphore(%arg21 : memref<!tpu.dma_semaphore, #tpu.memory_space<semaphore_mem>>) {add = true}
      %dma_start3A_1221 = arith.constant 1 : i32
      %dma_start3A_1222 = arith.constant 0 : i32
      %dma_start3A_1223 = arith.constant 0 : i32
      %dma_start3A_1224 = tpu.memref_slice %arg15[%dma_start3A_1221, %dma_start3A_1222, %dma_start3A_1223] : memref<2x64x64xf32, #tpu.memory_space<vmem>> -> memref<1x64x64xf32, #tpu.memory_space<vmem>>
      %dma_start3A_1225 = tpu.memref_squeeze %dma_start3A_1224 : memref<1x64x64xf32, #tpu.memory_space<vmem>> -> memref<64x64xf32, #tpu.memory_space<vmem>>
      %dma_start3A_1226 = arith.constant 0 : i32
      %dma_start3A_1227 = arith.constant 0 : i32
      %dma_start3A_1228 = tpu.memref_slice %arg2[%dma_start3A_1226, %dma_start3A_1227] : memref<60000x64xf32, #tpu.memory_space<hbm>> -> memref<60000x64xf32, #tpu.memory_space<hbm>>
      tpu.enqueue_indirect_dma source(%dma_start3A_1228 : memref<60000x64xf32, #tpu.memory_space<hbm>>) target(%dma_start3A_1225 : memref<64x64xf32, #tpu.memory_space<vmem>>) offsets(%arg12 : memref<64xi32, #tpu.memory_space<vmem>>) semaphore(%arg20 : memref<!tpu.dma_semaphore, #tpu.memory_space<semaphore_mem>>)
      %dma_wait3A_1229 = arith.constant 0 : i32
      %dma_wait3A_1230 = arith.constant 0 : i32
      %dma_wait3A_1231 = arith.constant 0 : i32
      %dma_wait3A_1232 = tpu.memref_slice %arg15[%dma_wait3A_1229, %dma_wait3A_1230, %dma_wait3A_1231] : memref<2x64x64xf32, #tpu.memory_space<vmem>> -> memref<1x64x64xf32, #tpu.memory_space<vmem>>
      %dma_wait3A_1233 = tpu.memref_squeeze %dma_wait3A_1232 : memref<1x64x64xf32, #tpu.memory_space<vmem>> -> memref<64x64xf32, #tpu.memory_space<vmem>>
      %dma_wait3A_1234 = arith.constant 0 : i32
      %dma_wait3A_1235 = arith.constant 0 : i32
      %dma_wait3A_1236 = tpu.memref_slice %arg16[%dma_wait3A_1234, %dma_wait3A_1235] : memref<30016x64xf32, #tpu.memory_space<vmem_shared>> -> memref<30016x64xf32, #tpu.memory_space<vmem_shared>>
      tpu.wait_indirect_dma semaphore(%arg21 : memref<!tpu.dma_semaphore, #tpu.memory_space<semaphore_mem>>) src(%dma_wait3A_1233 : memref<64x64xf32, #tpu.memory_space<vmem>>) dst(%dma_wait3A_1236 : memref<30016x64xf32, #tpu.memory_space<vmem_shared>>)
      %get3A_1237 = arith.constant 1 : i32
      %get3A_1238 = arith.index_cast %get3A_1237 : i32 to index
      %get3A_1239 = arith.constant 64 : index
      %get3A_1240 = tpu.vector_load %arg10[%get3A_1238, %get3A_1239] {strides = array<i32>} : memref<2x320xi32, #tpu.memory_space<vmem>>, vector<1x16xi32>,
      %get3A_1241 = vector.shape_cast %get3A_1240 : vector<1x16xi32> to vector<16xi32>
      %mul3A_1242 = arith.constant 10000 : i32
      %mul3A_1243 = vector.broadcast %mul3A_1242 : i32 to vector<16xi32>
      %mul3A_1244 = arith.muli %get3A_1241, %mul3A_1243 : vector<16xi32>
      %get3A_1245 = arith.constant 1 : i32
      %get3A_1246 = arith.index_cast %get3A_1245 : i32 to index
      %get3A_1247 = arith.constant 64 : index
      %get3A_1248 = tpu.vector_load %arg8[%get3A_1246, %get3A_1247] {strides = array<i32>} : memref<2x320xi32, #tpu.memory_space<vmem>>, vector<1x16xi32>,
      %get3A_1249 = vector.shape_cast %get3A_1248 : vector<1x16xi32> to vector<16xi32>
      %add3A_1250 = arith.addi %mul3A_1244, %get3A_1249 : vector<16xi32>
      %mul3A_1251 = arith.constant 2 : i32
      %mul3A_1252 = vector.broadcast %mul3A_1251 : i32 to vector<16xi32>
      %mul3A_1253 = arith.muli %add3A_1250, %mul3A_1252 : vector<16xi32>
      %add3A_1254 = vector.broadcast %arg0 : i32 to vector<16xi32>
      %add3A_1255 = arith.addi %mul3A_1253, %add3A_1254 : vector<16xi32>
      %swap3A_1256 = arith.constant 0 : index
      %swap3A_1257 = tpu.vector_load %arg11[%swap3A_1256] {strides = array<i32>} : memref<64xi32, #tpu.memory_space<vmem>>, vector<16xi32>,
      %swap3A_1258 = vector.shape_cast %swap3A_1257 : vector<16xi32> to vector<16xi32>
      %swap3A_1259 = vector.shape_cast %add3A_1255 : vector<16xi32> to vector<16xi32>
      tpu.vector_store %arg11[%swap3A_1256], %swap3A_1259 {strides = array<i32>} : memref<64xi32, #tpu.memory_space<vmem>>, vector<16xi32>,
      %mul3A_1260 = arith.constant 10000 : i32
      %mul3A_1261 = vector.broadcast %mul3A_1260 : i32 to vector<16xi32>
      %mul3A_1262 = arith.muli %get3A_1241, %mul3A_1261 : vector<16xi32>
      %get3A_1263 = arith.constant 1 : i32
      %get3A_1264 = arith.index_cast %get3A_1263 : i32 to index
      %get3A_1265 = arith.constant 64 : index
      %get3A_1266 = tpu.vector_load %arg9[%get3A_1264, %get3A_1265] {strides = array<i32>} : memref<2x320xi32, #tpu.memory_space<vmem>>, vector<1x16xi32>,
      %get3A_1267 = vector.shape_cast %get3A_1266 : vector<1x16xi32> to vector<16xi32>
      %add3A_1268 = arith.addi %mul3A_1262, %get3A_1267 : vector<16xi32>
      %swap3A_1269 = arith.constant 0 : index
      %swap3A_1270 = tpu.vector_load %arg13[%swap3A_1269] {strides = array<i32>} : memref<64xi32, #tpu.memory_space<vmem>>, vector<16xi32>,
      %swap3A_1271 = vector.shape_cast %swap3A_1270 : vector<16xi32> to vector<16xi32>
      %swap3A_1272 = vector.shape_cast %add3A_1268 : vector<16xi32> to vector<16xi32>
      tpu.vector_store %arg13[%swap3A_1269], %swap3A_1272 {strides = array<i32>} : memref<64xi32, #tpu.memory_space<vmem>>, vector<16xi32>,
      %get3A_1273 = arith.constant 1 : i32
      %get3A_1274 = arith.index_cast %get3A_1273 : i32 to index
      %get3A_1275 = arith.constant 80 : index
      %get3A_1276 = tpu.vector_load %arg10[%get3A_1274, %get3A_1275] {strides = array<i32>} : memref<2x320xi32, #tpu.memory_space<vmem>>, vector<1x16xi32>,
      %get3A_1277 = vector.shape_cast %get3A_1276 : vector<1x16xi32> to vector<16xi32>
      %mul3A_1278 = arith.constant 10000 : i32
      %mul3A_1279 = vector.broadcast %mul3A_1278 : i32 to vector<16xi32>
      %mul3A_1280 = arith.muli %get3A_1277, %mul3A_1279 : vector<16xi32>
      %get3A_1281 = arith.constant 1 : i32
      %get3A_1282 = arith.index_cast %get3A_1281 : i32 to index
      %get3A_1283 = arith.constant 80 : index
      %get3A_1284 = tpu.vector_load %arg8[%get3A_1282, %get3A_1283] {strides = array<i32>} : memref<2x320xi32, #tpu.memory_space<vmem>>, vector<1x16xi32>,
      %get3A_1285 = vector.shape_cast %get3A_1284 : vector<1x16xi32> to vector<16xi32>
      %add3A_1286 = arith.addi %mul3A_1280, %get3A_1285 : vector<16xi32>
      %mul3A_1287 = arith.constant 2 : i32
      %mul3A_1288 = vector.broadcast %mul3A_1287 : i32 to vector<16xi32>
      %mul3A_1289 = arith.muli %add3A_1286, %mul3A_1288 : vector<16xi32>
      %add3A_1290 = vector.broadcast %arg0 : i32 to vector<16xi32>
      %add3A_1291 = arith.addi %mul3A_1289, %add3A_1290 : vector<16xi32>
      %swap3A_1292 = arith.constant 16 : index
      %swap3A_1293 = tpu.vector_load %arg11[%swap3A_1292] {strides = array<i32>} : memref<64xi32, #tpu.memory_space<vmem>>, vector<16xi32>,
      %swap3A_1294 = vector.shape_cast %swap3A_1293 : vector<16xi32> to vector<16xi32>
      %swap3A_1295 = vector.shape_cast %add3A_1291 : vector<16xi32> to vector<16xi32>
      tpu.vector_store %arg11[%swap3A_1292], %swap3A_1295 {strides = array<i32>} : memref<64xi32, #tpu.memory_space<vmem>>, vector<16xi32>,
      %mul3A_1296 = arith.constant 10000 : i32
      %mul3A_1297 = vector.broadcast %mul3A_1296 : i32 to vector<16xi32>
      %mul3A_1298 = arith.muli %get3A_1277, %mul3A_1297 : vector<16xi32>
      %get3A_1299 = arith.constant 1 : i32
      %get3A_1300 = arith.index_cast %get3A_1299 : i32 to index
      %get3A_1301 = arith.constant 80 : index
      %get3A_1302 = tpu.vector_load %arg9[%get3A_1300, %get3A_1301] {strides = array<i32>} : memref<2x320xi32, #tpu.memory_space<vmem>>, vector<1x16xi32>,
      %get3A_1303 = vector.shape_cast %get3A_1302 : vector<1x16xi32> to vector<16xi32>
      %add3A_1304 = arith.addi %mul3A_1298, %get3A_1303 : vector<16xi32>
      %swap3A_1305 = arith.constant 16 : index
      %swap3A_1306 = tpu.vector_load %arg13[%swap3A_1305] {strides = array<i32>} : memref<64xi32, #tpu.memory_space<vmem>>, vector<16xi32>,
      %swap3A_1307 = vector.shape_cast %swap3A_1306 : vector<16xi32> to vector<16xi32>
      %swap3A_1308 = vector.shape_cast %add3A_1304 : vector<16xi32> to vector<16xi32>
      tpu.vector_store %arg13[%swap3A_1305], %swap3A_1308 {strides = array<i32>} : memref<64xi32, #tpu.memory_space<vmem>>, vector<16xi32>,
      %get3A_1309 = arith.constant 1 : i32
      %get3A_1310 = arith.index_cast %get3A_1309 : i32 to index
      %get3A_1311 = arith.constant 96 : index
      %get3A_1312 = tpu.vector_load %arg10[%get3A_1310, %get3A_1311] {strides = array<i32>} : memref<2x320xi32, #tpu.memory_space<vmem>>, vector<1x16xi32>,
      %get3A_1313 = vector.shape_cast %get3A_1312 : vector<1x16xi32> to vector<16xi32>
      %mul3A_1314 = arith.constant 10000 : i32
      %mul3A_1315 = vector.broadcast %mul3A_1314 : i32 to vector<16xi32>
      %mul3A_1316 = arith.muli %get3A_1313, %mul3A_1315 : vector<16xi32>
      %get3A_1317 = arith.constant 1 : i32
      %get3A_1318 = arith.index_cast %get3A_1317 : i32 to index
      %get3A_1319 = arith.constant 96 : index
      %get3A_1320 = tpu.vector_load %arg8[%get3A_1318, %get3A_1319] {strides = array<i32>} : memref<2x320xi32, #tpu.memory_space<vmem>>, vector<1x16xi32>,
      %get3A_1321 = vector.shape_cast %get3A_1320 : vector<1x16xi32> to vector<16xi32>
      %add3A_1322 = arith.addi %mul3A_1316, %get3A_1321 : vector<16xi32>
      %mul3A_1323 = arith.constant 2 : i32
      %mul3A_1324 = vector.broadcast %mul3A_1323 : i32 to vector<16xi32>
      %mul3A_1325 = arith.muli %add3A_1322, %mul3A_1324 : vector<16xi32>
      %add3A_1326 = vector.broadcast %arg0 : i32 to vector<16xi32>
      %add3A_1327 = arith.addi %mul3A_1325, %add3A_1326 : vector<16xi32>
      %swap3A_1328 = arith.constant 32 : index
      %swap3A_1329 = tpu.vector_load %arg11[%swap3A_1328] {strides = array<i32>} : memref<64xi32, #tpu.memory_space<vmem>>, vector<16xi32>,
      %swap3A_1330 = vector.shape_cast %swap3A_1329 : vector<16xi32> to vector<16xi32>
      %swap3A_1331 = vector.shape_cast %add3A_1327 : vector<16xi32> to vector<16xi32>
      tpu.vector_store %arg11[%swap3A_1328], %swap3A_1331 {strides = array<i32>} : memref<64xi32, #tpu.memory_space<vmem>>, vector<16xi32>,
      %mul3A_1332 = arith.constant 10000 : i32
      %mul3A_1333 = vector.broadcast %mul3A_1332 : i32 to vector<16xi32>
      %mul3A_1334 = arith.muli %get3A_1313, %mul3A_1333 : vector<16xi32>
      %get3A_1335 = arith.constant 1 : i32
      %get3A_1336 = arith.index_cast %get3A_1335 : i32 to index
      %get3A_1337 = arith.constant 96 : index
      %get3A_1338 = tpu.vector_load %arg9[%get3A_1336, %get3A_1337] {strides = array<i32>} : memref<2x320xi32, #tpu.memory_space<vmem>>, vector<1x16xi32>,
      %get3A_1339 = vector.shape_cast %get3A_1338 : vector<1x16xi32> to vector<16xi32>
      %add3A_1340 = arith.addi %mul3A_1334, %get3A_1339 : vector<16xi32>
      %swap3A_1341 = arith.constant 32 : index
      %swap3A_1342 = tpu.vector_load %arg13[%swap3A_1341] {strides = array<i32>} : memref<64xi32, #tpu.memory_space<vmem>>, vector<16xi32>,
      %swap3A_1343 = vector.shape_cast %swap3A_1342 : vector<16xi32> to vector<16xi32>
      %swap3A_1344 = vector.shape_cast %add3A_1340 : vector<16xi32> to vector<16xi32>
      tpu.vector_store %arg13[%swap3A_1341], %swap3A_1344 {strides = array<i32>} : memref<64xi32, #tpu.memory_space<vmem>>, vector<16xi32>,
      %get3A_1345 = arith.constant 1 : i32
      %get3A_1346 = arith.index_cast %get3A_1345 : i32 to index
      %get3A_1347 = arith.constant 112 : index
      %get3A_1348 = tpu.vector_load %arg10[%get3A_1346, %get3A_1347] {strides = array<i32>} : memref<2x320xi32, #tpu.memory_space<vmem>>, vector<1x16xi32>,
      %get3A_1349 = vector.shape_cast %get3A_1348 : vector<1x16xi32> to vector<16xi32>
      %mul3A_1350 = arith.constant 10000 : i32
      %mul3A_1351 = vector.broadcast %mul3A_1350 : i32 to vector<16xi32>
      %mul3A_1352 = arith.muli %get3A_1349, %mul3A_1351 : vector<16xi32>
      %get3A_1353 = arith.constant 1 : i32
      %get3A_1354 = arith.index_cast %get3A_1353 : i32 to index
      %get3A_1355 = arith.constant 112 : index
      %get3A_1356 = tpu.vector_load %arg8[%get3A_1354, %get3A_1355] {strides = array<i32>} : memref<2x320xi32, #tpu.memory_space<vmem>>, vector<1x16xi32>,
      %get3A_1357 = vector.shape_cast %get3A_1356 : vector<1x16xi32> to vector<16xi32>
      %add3A_1358 = arith.addi %mul3A_1352, %get3A_1357 : vector<16xi32>
      %mul3A_1359 = arith.constant 2 : i32
      %mul3A_1360 = vector.broadcast %mul3A_1359 : i32 to vector<16xi32>
      %mul3A_1361 = arith.muli %add3A_1358, %mul3A_1360 : vector<16xi32>
      %add3A_1362 = vector.broadcast %arg0 : i32 to vector<16xi32>
      %add3A_1363 = arith.addi %mul3A_1361, %add3A_1362 : vector<16xi32>
      %swap3A_1364 = arith.constant 48 : index
      %swap3A_1365 = tpu.vector_load %arg11[%swap3A_1364] {strides = array<i32>} : memref<64xi32, #tpu.memory_space<vmem>>, vector<16xi32>,
      %swap3A_1366 = vector.shape_cast %swap3A_1365 : vector<16xi32> to vector<16xi32>
      %swap3A_1367 = vector.shape_cast %add3A_1363 : vector<16xi32> to vector<16xi32>
      tpu.vector_store %arg11[%swap3A_1364], %swap3A_1367 {strides = array<i32>} : memref<64xi32, #tpu.memory_space<vmem>>, vector<16xi32>,
      %mul3A_1368 = arith.constant 10000 : i32
      %mul3A_1369 = vector.broadcast %mul3A_1368 : i32 to vector<16xi32>
      %mul3A_1370 = arith.muli %get3A_1349, %mul3A_1369 : vector<16xi32>
      %get3A_1371 = arith.constant 1 : i32
      %get3A_1372 = arith.index_cast %get3A_1371 : i32 to index
      %get3A_1373 = arith.constant 112 : index
      %get3A_1374 = tpu.vector_load %arg9[%get3A_1372, %get3A_1373] {strides = array<i32>} : memref<2x320xi32, #tpu.memory_space<vmem>>, vector<1x16xi32>,
      %get3A_1375 = vector.shape_cast %get3A_1374 : vector<1x16xi32> to vector<16xi32>
      %add3A_1376 = arith.addi %mul3A_1370, %get3A_1375 : vector<16xi32>
      %swap3A_1377 = arith.constant 48 : index
      %swap3A_1378 = tpu.vector_load %arg13[%swap3A_1377] {strides = array<i32>} : memref<64xi32, #tpu.memory_space<vmem>>, vector<16xi32>,
      %swap3A_1379 = vector.shape_cast %swap3A_1378 : vector<16xi32> to vector<16xi32>
      %swap3A_1380 = vector.shape_cast %add3A_1376 : vector<16xi32> to vector<16xi32>
      tpu.vector_store %arg13[%swap3A_1377], %swap3A_1380 {strides = array<i32>} : memref<64xi32, #tpu.memory_space<vmem>>, vector<16xi32>,
      %dma_wait3A_1381 = arith.constant 1 : i32
      %dma_wait3A_1382 = arith.constant 0 : i32
      %dma_wait3A_1383 = arith.constant 0 : i32
      %dma_wait3A_1384 = tpu.memref_slice %arg15[%dma_wait3A_1381, %dma_wait3A_1382, %dma_wait3A_1383] : memref<2x64x64xf32, #tpu.memory_space<vmem>> -> memref<1x64x64xf32, #tpu.memory_space<vmem>>
      %dma_wait3A_1385 = tpu.memref_squeeze %dma_wait3A_1384 : memref<1x64x64xf32, #tpu.memory_space<vmem>> -> memref<64x64xf32, #tpu.memory_space<vmem>>
      %dma_wait3A_1386 = arith.constant 0 : i32
      %dma_wait3A_1387 = arith.constant 0 : i32
      %dma_wait3A_1388 = tpu.memref_slice %arg2[%dma_wait3A_1386, %dma_wait3A_1387] : memref<60000x64xf32, #tpu.memory_space<hbm>> -> memref<60000x64xf32, #tpu.memory_space<hbm>>
      tpu.wait_indirect_dma semaphore(%arg20 : memref<!tpu.dma_semaphore, #tpu.memory_space<semaphore_mem>>) src(%dma_wait3A_1388 : memref<60000x64xf32, #tpu.memory_space<hbm>>) dst(%dma_wait3A_1385 : memref<64x64xf32, #tpu.memory_space<vmem>>)
      %dma_start3A_1389 = arith.constant 1 : i32
      %dma_start3A_1390 = arith.constant 0 : i32
      %dma_start3A_1391 = arith.constant 0 : i32
      %dma_start3A_1392 = tpu.memref_slice %arg15[%dma_start3A_1389, %dma_start3A_1390, %dma_start3A_1391] : memref<2x64x64xf32, #tpu.memory_space<vmem>> -> memref<1x64x64xf32, #tpu.memory_space<vmem>>
      %dma_start3A_1393 = tpu.memref_squeeze %dma_start3A_1392 : memref<1x64x64xf32, #tpu.memory_space<vmem>> -> memref<64x64xf32, #tpu.memory_space<vmem>>
      %dma_start3A_1394 = arith.constant 0 : i32
      %dma_start3A_1395 = arith.constant 0 : i32
      %dma_start3A_1396 = tpu.memref_slice %arg16[%dma_start3A_1394, %dma_start3A_1395] : memref<30016x64xf32, #tpu.memory_space<vmem_shared>> -> memref<30016x64xf32, #tpu.memory_space<vmem_shared>>
      tpu.enqueue_indirect_dma source(%dma_start3A_1393 : memref<64x64xf32, #tpu.memory_space<vmem>>) target(%dma_start3A_1396 : memref<30016x64xf32, #tpu.memory_space<vmem_shared>>) offsets(%arg14 : memref<64xi32, #tpu.memory_space<vmem>>) semaphore(%arg22 : memref<!tpu.dma_semaphore, #tpu.memory_space<semaphore_mem>>) {add = true}
      %dma_start3A_1397 = arith.constant 0 : i32
      %dma_start3A_1398 = arith.constant 0 : i32
      %dma_start3A_1399 = arith.constant 0 : i32
      %dma_start3A_1400 = tpu.memref_slice %arg15[%dma_start3A_1397, %dma_start3A_1398, %dma_start3A_1399] : memref<2x64x64xf32, #tpu.memory_space<vmem>> -> memref<1x64x64xf32, #tpu.memory_space<vmem>>
      %dma_start3A_1401 = tpu.memref_squeeze %dma_start3A_1400 : memref<1x64x64xf32, #tpu.memory_space<vmem>> -> memref<64x64xf32, #tpu.memory_space<vmem>>
      %dma_start3A_1402 = arith.constant 0 : i32
      %dma_start3A_1403 = arith.constant 0 : i32
      %dma_start3A_1404 = tpu.memref_slice %arg2[%dma_start3A_1402, %dma_start3A_1403] : memref<60000x64xf32, #tpu.memory_space<hbm>> -> memref<60000x64xf32, #tpu.memory_space<hbm>>
      tpu.enqueue_indirect_dma source(%dma_start3A_1404 : memref<60000x64xf32, #tpu.memory_space<hbm>>) target(%dma_start3A_1401 : memref<64x64xf32, #tpu.memory_space<vmem>>) offsets(%arg11 : memref<64xi32, #tpu.memory_space<vmem>>) semaphore(%arg19 : memref<!tpu.dma_semaphore, #tpu.memory_space<semaphore_mem>>)
      %dma_wait3A_1405 = arith.constant 1 : i32
      %dma_wait3A_1406 = arith.constant 0 : i32
      %dma_wait3A_1407 = arith.constant 0 : i32
      %dma_wait3A_1408 = tpu.memref_slice %arg15[%dma_wait3A_1405, %dma_wait3A_1406, %dma_wait3A_1407] : memref<2x64x64xf32, #tpu.memory_space<vmem>> -> memref<1x64x64xf32, #tpu.memory_space<vmem>>
      %dma_wait3A_1409 = tpu.memref_squeeze %dma_wait3A_1408 : memref<1x64x64xf32, #tpu.memory_space<vmem>> -> memref<64x64xf32, #tpu.memory_space<vmem>>
      %dma_wait3A_1410 = arith.constant 0 : i32
      %dma_wait3A_1411 = arith.constant 0 : i32
      %dma_wait3A_1412 = tpu.memref_slice %arg16[%dma_wait3A_1410, %dma_wait3A_1411] : memref<30016x64xf32, #tpu.memory_space<vmem_shared>> -> memref<30016x64xf32, #tpu.memory_space<vmem_shared>>
      tpu.wait_indirect_dma semaphore(%arg22 : memref<!tpu.dma_semaphore, #tpu.memory_space<semaphore_mem>>) src(%dma_wait3A_1409 : memref<64x64xf32, #tpu.memory_space<vmem>>) dst(%dma_wait3A_1412 : memref<30016x64xf32, #tpu.memory_space<vmem_shared>>)
      %get3A_1413 = arith.constant 1 : i32
      %get3A_1414 = arith.index_cast %get3A_1413 : i32 to index
      %get3A_1415 = arith.constant 128 : index
      %get3A_1416 = tpu.vector_load %arg10[%get3A_1414, %get3A_1415] {strides = array<i32>} : memref<2x320xi32, #tpu.memory_space<vmem>>, vector<1x16xi32>,
      %get3A_1417 = vector.shape_cast %get3A_1416 : vector<1x16xi32> to vector<16xi32>
      %mul3A_1418 = arith.constant 10000 : i32
      %mul3A_1419 = vector.broadcast %mul3A_1418 : i32 to vector<16xi32>
      %mul3A_1420 = arith.muli %get3A_1417, %mul3A_1419 : vector<16xi32>
      %get3A_1421 = arith.constant 1 : i32
      %get3A_1422 = arith.index_cast %get3A_1421 : i32 to index
      %get3A_1423 = arith.constant 128 : index
      %get3A_1424 = tpu.vector_load %arg8[%get3A_1422, %get3A_1423] {strides = array<i32>} : memref<2x320xi32, #tpu.memory_space<vmem>>, vector<1x16xi32>,
      %get3A_1425 = vector.shape_cast %get3A_1424 : vector<1x16xi32> to vector<16xi32>
      %add3A_1426 = arith.addi %mul3A_1420, %get3A_1425 : vector<16xi32>
      %mul3A_1427 = arith.constant 2 : i32
      %mul3A_1428 = vector.broadcast %mul3A_1427 : i32 to vector<16xi32>
      %mul3A_1429 = arith.muli %add3A_1426, %mul3A_1428 : vector<16xi32>
      %add3A_1430 = vector.broadcast %arg0 : i32 to vector<16xi32>
      %add3A_1431 = arith.addi %mul3A_1429, %add3A_1430 : vector<16xi32>
      %swap3A_1432 = arith.constant 0 : index
      %swap3A_1433 = tpu.vector_load %arg12[%swap3A_1432] {strides = array<i32>} : memref<64xi32, #tpu.memory_space<vmem>>, vector<16xi32>,
      %swap3A_1434 = vector.shape_cast %swap3A_1433 : vector<16xi32> to vector<16xi32>
      %swap3A_1435 = vector.shape_cast %add3A_1431 : vector<16xi32> to vector<16xi32>
      tpu.vector_store %arg12[%swap3A_1432], %swap3A_1435 {strides = array<i32>} : memref<64xi32, #tpu.memory_space<vmem>>, vector<16xi32>,
      %mul3A_1436 = arith.constant 10000 : i32
      %mul3A_1437 = vector.broadcast %mul3A_1436 : i32 to vector<16xi32>
      %mul3A_1438 = arith.muli %get3A_1417, %mul3A_1437 : vector<16xi32>
      %get3A_1439 = arith.constant 1 : i32
      %get3A_1440 = arith.index_cast %get3A_1439 : i32 to index
      %get3A_1441 = arith.constant 128 : index
      %get3A_1442 = tpu.vector_load %arg9[%get3A_1440, %get3A_1441] {strides = array<i32>} : memref<2x320xi32, #tpu.memory_space<vmem>>, vector<1x16xi32>,
      %get3A_1443 = vector.shape_cast %get3A_1442 : vector<1x16xi32> to vector<16xi32>
      %add3A_1444 = arith.addi %mul3A_1438, %get3A_1443 : vector<16xi32>
      %swap3A_1445 = arith.constant 0 : index
      %swap3A_1446 = tpu.vector_load %arg14[%swap3A_1445] {strides = array<i32>} : memref<64xi32, #tpu.memory_space<vmem>>, vector<16xi32>,
      %swap3A_1447 = vector.shape_cast %swap3A_1446 : vector<16xi32> to vector<16xi32>
      %swap3A_1448 = vector.shape_cast %add3A_1444 : vector<16xi32> to vector<16xi32>
      tpu.vector_store %arg14[%swap3A_1445], %swap3A_1448 {strides = array<i32>} : memref<64xi32, #tpu.memory_space<vmem>>, vector<16xi32>,
      %get3A_1449 = arith.constant 1 : i32
      %get3A_1450 = arith.index_cast %get3A_1449 : i32 to index
      %get3A_1451 = arith.constant 144 : index
      %get3A_1452 = tpu.vector_load %arg10[%get3A_1450, %get3A_1451] {strides = array<i32>} : memref<2x320xi32, #tpu.memory_space<vmem>>, vector<1x16xi32>,
      %get3A_1453 = vector.shape_cast %get3A_1452 : vector<1x16xi32> to vector<16xi32>
      %mul3A_1454 = arith.constant 10000 : i32
      %mul3A_1455 = vector.broadcast %mul3A_1454 : i32 to vector<16xi32>
      %mul3A_1456 = arith.muli %get3A_1453, %mul3A_1455 : vector<16xi32>
      %get3A_1457 = arith.constant 1 : i32
      %get3A_1458 = arith.index_cast %get3A_1457 : i32 to index
      %get3A_1459 = arith.constant 144 : index
      %get3A_1460 = tpu.vector_load %arg8[%get3A_1458, %get3A_1459] {strides = array<i32>} : memref<2x320xi32, #tpu.memory_space<vmem>>, vector<1x16xi32>,
      %get3A_1461 = vector.shape_cast %get3A_1460 : vector<1x16xi32> to vector<16xi32>
      %add3A_1462 = arith.addi %mul3A_1456, %get3A_1461 : vector<16xi32>
      %mul3A_1463 = arith.constant 2 : i32
      %mul3A_1464 = vector.broadcast %mul3A_1463 : i32 to vector<16xi32>
      %mul3A_1465 = arith.muli %add3A_1462, %mul3A_1464 : vector<16xi32>
      %add3A_1466 = vector.broadcast %arg0 : i32 to vector<16xi32>
      %add3A_1467 = arith.addi %mul3A_1465, %add3A_1466 : vector<16xi32>
      %swap3A_1468 = arith.constant 16 : index
      %swap3A_1469 = tpu.vector_load %arg12[%swap3A_1468] {strides = array<i32>} : memref<64xi32, #tpu.memory_space<vmem>>, vector<16xi32>,
      %swap3A_1470 = vector.shape_cast %swap3A_1469 : vector<16xi32> to vector<16xi32>
      %swap3A_1471 = vector.shape_cast %add3A_1467 : vector<16xi32> to vector<16xi32>
      tpu.vector_store %arg12[%swap3A_1468], %swap3A_1471 {strides = array<i32>} : memref<64xi32, #tpu.memory_space<vmem>>, vector<16xi32>,
      %mul3A_1472 = arith.constant 10000 : i32
      %mul3A_1473 = vector.broadcast %mul3A_1472 : i32 to vector<16xi32>
      %mul3A_1474 = arith.muli %get3A_1453, %mul3A_1473 : vector<16xi32>
      %get3A_1475 = arith.constant 1 : i32
      %get3A_1476 = arith.index_cast %get3A_1475 : i32 to index
      %get3A_1477 = arith.constant 144 : index
      %get3A_1478 = tpu.vector_load %arg9[%get3A_1476, %get3A_1477] {strides = array<i32>} : memref<2x320xi32, #tpu.memory_space<vmem>>, vector<1x16xi32>,
      %get3A_1479 = vector.shape_cast %get3A_1478 : vector<1x16xi32> to vector<16xi32>
      %add3A_1480 = arith.addi %mul3A_1474, %get3A_1479 : vector<16xi32>
      %swap3A_1481 = arith.constant 16 : index
      %swap3A_1482 = tpu.vector_load %arg14[%swap3A_1481] {strides = array<i32>} : memref<64xi32, #tpu.memory_space<vmem>>, vector<16xi32>,
      %swap3A_1483 = vector.shape_cast %swap3A_1482 : vector<16xi32> to vector<16xi32>
      %swap3A_1484 = vector.shape_cast %add3A_1480 : vector<16xi32> to vector<16xi32>
      tpu.vector_store %arg14[%swap3A_1481], %swap3A_1484 {strides = array<i32>} : memref<64xi32, #tpu.memory_space<vmem>>, vector<16xi32>,
      %get3A_1485 = arith.constant 1 : i32
      %get3A_1486 = arith.index_cast %get3A_1485 : i32 to index
      %get3A_1487 = arith.constant 160 : index
      %get3A_1488 = tpu.vector_load %arg10[%get3A_1486, %get3A_1487] {strides = array<i32>} : memref<2x320xi32, #tpu.memory_space<vmem>>, vector<1x16xi32>,
      %get3A_1489 = vector.shape_cast %get3A_1488 : vector<1x16xi32> to vector<16xi32>
      %mul3A_1490 = arith.constant 10000 : i32
      %mul3A_1491 = vector.broadcast %mul3A_1490 : i32 to vector<16xi32>
      %mul3A_1492 = arith.muli %get3A_1489, %mul3A_1491 : vector<16xi32>
      %get3A_1493 = arith.constant 1 : i32
      %get3A_1494 = arith.index_cast %get3A_1493 : i32 to index
      %get3A_1495 = arith.constant 160 : index
      %get3A_1496 = tpu.vector_load %arg8[%get3A_1494, %get3A_1495] {strides = array<i32>} : memref<2x320xi32, #tpu.memory_space<vmem>>, vector<1x16xi32>,
      %get3A_1497 = vector.shape_cast %get3A_1496 : vector<1x16xi32> to vector<16xi32>
      %add3A_1498 = arith.addi %mul3A_1492, %get3A_1497 : vector<16xi32>
      %mul3A_1499 = arith.constant 2 : i32
      %mul3A_1500 = vector.broadcast %mul3A_1499 : i32 to vector<16xi32>
      %mul3A_1501 = arith.muli %add3A_1498, %mul3A_1500 : vector<16xi32>
      %add3A_1502 = vector.broadcast %arg0 : i32 to vector<16xi32>
      %add3A_1503 = arith.addi %mul3A_1501, %add3A_1502 : vector<16xi32>
      %swap3A_1504 = arith.constant 32 : index
      %swap3A_1505 = tpu.vector_load %arg12[%swap3A_1504] {strides = array<i32>} : memref<64xi32, #tpu.memory_space<vmem>>, vector<16xi32>,
      %swap3A_1506 = vector.shape_cast %swap3A_1505 : vector<16xi32> to vector<16xi32>
      %swap3A_1507 = vector.shape_cast %add3A_1503 : vector<16xi32> to vector<16xi32>
      tpu.vector_store %arg12[%swap3A_1504], %swap3A_1507 {strides = array<i32>} : memref<64xi32, #tpu.memory_space<vmem>>, vector<16xi32>,
      %mul3A_1508 = arith.constant 10000 : i32
      %mul3A_1509 = vector.broadcast %mul3A_1508 : i32 to vector<16xi32>
      %mul3A_1510 = arith.muli %get3A_1489, %mul3A_1509 : vector<16xi32>
      %get3A_1511 = arith.constant 1 : i32
      %get3A_1512 = arith.index_cast %get3A_1511 : i32 to index
      %get3A_1513 = arith.constant 160 : index
      %get3A_1514 = tpu.vector_load %arg9[%get3A_1512, %get3A_1513] {strides = array<i32>} : memref<2x320xi32, #tpu.memory_space<vmem>>, vector<1x16xi32>,
      %get3A_1515 = vector.shape_cast %get3A_1514 : vector<1x16xi32> to vector<16xi32>
      %add3A_1516 = arith.addi %mul3A_1510, %get3A_1515 : vector<16xi32>
      %swap3A_1517 = arith.constant 32 : index
      %swap3A_1518 = tpu.vector_load %arg14[%swap3A_1517] {strides = array<i32>} : memref<64xi32, #tpu.memory_space<vmem>>, vector<16xi32>,
      %swap3A_1519 = vector.shape_cast %swap3A_1518 : vector<16xi32> to vector<16xi32>
      %swap3A_1520 = vector.shape_cast %add3A_1516 : vector<16xi32> to vector<16xi32>
      tpu.vector_store %arg14[%swap3A_1517], %swap3A_1520 {strides = array<i32>} : memref<64xi32, #tpu.memory_space<vmem>>, vector<16xi32>,
      %get3A_1521 = arith.constant 1 : i32
      %get3A_1522 = arith.index_cast %get3A_1521 : i32 to index
      %get3A_1523 = arith.constant 176 : index
      %get3A_1524 = tpu.vector_load %arg10[%get3A_1522, %get3A_1523] {strides = array<i32>} : memref<2x320xi32, #tpu.memory_space<vmem>>, vector<1x16xi32>,
      %get3A_1525 = vector.shape_cast %get3A_1524 : vector<1x16xi32> to vector<16xi32>
      %mul3A_1526 = arith.constant 10000 : i32
      %mul3A_1527 = vector.broadcast %mul3A_1526 : i32 to vector<16xi32>
      %mul3A_1528 = arith.muli %get3A_1525, %mul3A_1527 : vector<16xi32>
      %get3A_1529 = arith.constant 1 : i32
      %get3A_1530 = arith.index_cast %get3A_1529 : i32 to index
      %get3A_1531 = arith.constant 176 : index
      %get3A_1532 = tpu.vector_load %arg8[%get3A_1530, %get3A_1531] {strides = array<i32>} : memref<2x320xi32, #tpu.memory_space<vmem>>, vector<1x16xi32>,
      %get3A_1533 = vector.shape_cast %get3A_1532 : vector<1x16xi32> to vector<16xi32>
      %add3A_1534 = arith.addi %mul3A_1528, %get3A_1533 : vector<16xi32>
      %mul3A_1535 = arith.constant 2 : i32
      %mul3A_1536 = vector.broadcast %mul3A_1535 : i32 to vector<16xi32>
      %mul3A_1537 = arith.muli %add3A_1534, %mul3A_1536 : vector<16xi32>
      %add3A_1538 = vector.broadcast %arg0 : i32 to vector<16xi32>
      %add3A_1539 = arith.addi %mul3A_1537, %add3A_1538 : vector<16xi32>
      %swap3A_1540 = arith.constant 48 : index
      %swap3A_1541 = tpu.vector_load %arg12[%swap3A_1540] {strides = array<i32>} : memref<64xi32, #tpu.memory_space<vmem>>, vector<16xi32>,
      %swap3A_1542 = vector.shape_cast %swap3A_1541 : vector<16xi32> to vector<16xi32>
      %swap3A_1543 = vector.shape_cast %add3A_1539 : vector<16xi32> to vector<16xi32>
      tpu.vector_store %arg12[%swap3A_1540], %swap3A_1543 {strides = array<i32>} : memref<64xi32, #tpu.memory_space<vmem>>, vector<16xi32>,
      %mul3A_1544 = arith.constant 10000 : i32
      %mul3A_1545 = vector.broadcast %mul3A_1544 : i32 to vector<16xi32>
      %mul3A_1546 = arith.muli %get3A_1525, %mul3A_1545 : vector<16xi32>
      %get3A_1547 = arith.constant 1 : i32
      %get3A_1548 = arith.index_cast %get3A_1547 : i32 to index
      %get3A_1549 = arith.constant 176 : index
      %get3A_1550 = tpu.vector_load %arg9[%get3A_1548, %get3A_1549] {strides = array<i32>} : memref<2x320xi32, #tpu.memory_space<vmem>>, vector<1x16xi32>,
      %get3A_1551 = vector.shape_cast %get3A_1550 : vector<1x16xi32> to vector<16xi32>
      %add3A_1552 = arith.addi %mul3A_1546, %get3A_1551 : vector<16xi32>
      %swap3A_1553 = arith.constant 48 : index
      %swap3A_1554 = tpu.vector_load %arg14[%swap3A_1553] {strides = array<i32>} : memref<64xi32, #tpu.memory_space<vmem>>, vector<16xi32>,
      %swap3A_1555 = vector.shape_cast %swap3A_1554 : vector<16xi32> to vector<16xi32>
      %swap3A_1556 = vector.shape_cast %add3A_1552 : vector<16xi32> to vector<16xi32>
      tpu.vector_store %arg14[%swap3A_1553], %swap3A_1556 {strides = array<i32>} : memref<64xi32, #tpu.memory_space<vmem>>, vector<16xi32>,
      %dma_wait3A_1557 = arith.constant 0 : i32
      %dma_wait3A_1558 = arith.constant 0 : i32
      %dma_wait3A_1559 = arith.constant 0 : i32
      %dma_wait3A_1560 = tpu.memref_slice %arg15[%dma_wait3A_1557, %dma_wait3A_1558, %dma_wait3A_1559] : memref<2x64x64xf32, #tpu.memory_space<vmem>> -> memref<1x64x64xf32, #tpu.memory_space<vmem>>
      %dma_wait3A_1561 = tpu.memref_squeeze %dma_wait3A_1560 : memref<1x64x64xf32, #tpu.memory_space<vmem>> -> memref<64x64xf32, #tpu.memory_space<vmem>>
      %dma_wait3A_1562 = arith.constant 0 : i32
      %dma_wait3A_1563 = arith.constant 0 : i32
      %dma_wait3A_1564 = tpu.memref_slice %arg2[%dma_wait3A_1562, %dma_wait3A_1563] : memref<60000x64xf32, #tpu.memory_space<hbm>> -> memref<60000x64xf32, #tpu.memory_space<hbm>>
      tpu.wait_indirect_dma semaphore(%arg19 : memref<!tpu.dma_semaphore, #tpu.memory_space<semaphore_mem>>) src(%dma_wait3A_1564 : memref<60000x64xf32, #tpu.memory_space<hbm>>) dst(%dma_wait3A_1561 : memref<64x64xf32, #tpu.memory_space<vmem>>)
      %dma_start3A_1565 = arith.constant 0 : i32
      %dma_start3A_1566 = arith.constant 0 : i32
      %dma_start3A_1567 = arith.constant 0 : i32
      %dma_start3A_1568 = tpu.memref_slice %arg15[%dma_start3A_1565, %dma_start3A_1566, %dma_start3A_1567] : memref<2x64x64xf32, #tpu.memory_space<vmem>> -> memref<1x64x64xf32, #tpu.memory_space<vmem>>
      %dma_start3A_1569 = tpu.memref_squeeze %dma_start3A_1568 : memref<1x64x64xf32, #tpu.memory_space<vmem>> -> memref<64x64xf32, #tpu.memory_space<vmem>>
      %dma_start3A_1570 = arith.constant 0 : i32
      %dma_start3A_1571 = arith.constant 0 : i32
      %dma_start3A_1572 = tpu.memref_slice %arg16[%dma_start3A_1570, %dma_start3A_1571] : memref<30016x64xf32, #tpu.memory_space<vmem_shared>> -> memref<30016x64xf32, #tpu.memory_space<vmem_shared>>
      tpu.enqueue_indirect_dma source(%dma_start3A_1569 : memref<64x64xf32, #tpu.memory_space<vmem>>) target(%dma_start3A_1572 : memref<30016x64xf32, #tpu.memory_space<vmem_shared>>) offsets(%arg13 : memref<64xi32, #tpu.memory_space<vmem>>) semaphore(%arg21 : memref<!tpu.dma_semaphore, #tpu.memory_space<semaphore_mem>>) {add = true}
      %dma_start3A_1573 = arith.constant 1 : i32
      %dma_start3A_1574 = arith.constant 0 : i32
      %dma_start3A_1575 = arith.constant 0 : i32
      %dma_start3A_1576 = tpu.memref_slice %arg15[%dma_start3A_1573, %dma_start3A_1574, %dma_start3A_1575] : memref<2x64x64xf32, #tpu.memory_space<vmem>> -> memref<1x64x64xf32, #tpu.memory_space<vmem>>
      %dma_start3A_1577 = tpu.memref_squeeze %dma_start3A_1576 : memref<1x64x64xf32, #tpu.memory_space<vmem>> -> memref<64x64xf32, #tpu.memory_space<vmem>>
      %dma_start3A_1578 = arith.constant 0 : i32
      %dma_start3A_1579 = arith.constant 0 : i32
      %dma_start3A_1580 = tpu.memref_slice %arg2[%dma_start3A_1578, %dma_start3A_1579] : memref<60000x64xf32, #tpu.memory_space<hbm>> -> memref<60000x64xf32, #tpu.memory_space<hbm>>
      tpu.enqueue_indirect_dma source(%dma_start3A_1580 : memref<60000x64xf32, #tpu.memory_space<hbm>>) target(%dma_start3A_1577 : memref<64x64xf32, #tpu.memory_space<vmem>>) offsets(%arg12 : memref<64xi32, #tpu.memory_space<vmem>>) semaphore(%arg20 : memref<!tpu.dma_semaphore, #tpu.memory_space<semaphore_mem>>)
      %dma_wait3A_1581 = arith.constant 0 : i32
      %dma_wait3A_1582 = arith.constant 0 : i32
      %dma_wait3A_1583 = arith.constant 0 : i32
      %dma_wait3A_1584 = tpu.memref_slice %arg15[%dma_wait3A_1581, %dma_wait3A_1582, %dma_wait3A_1583] : memref<2x64x64xf32, #tpu.memory_space<vmem>> -> memref<1x64x64xf32, #tpu.memory_space<vmem>>
      %dma_wait3A_1585 = tpu.memref_squeeze %dma_wait3A_1584 : memref<1x64x64xf32, #tpu.memory_space<vmem>> -> memref<64x64xf32, #tpu.memory_space<vmem>>
      %dma_wait3A_1586 = arith.constant 0 : i32
      %dma_wait3A_1587 = arith.constant 0 : i32
      %dma_wait3A_1588 = tpu.memref_slice %arg16[%dma_wait3A_1586, %dma_wait3A_1587] : memref<30016x64xf32, #tpu.memory_space<vmem_shared>> -> memref<30016x64xf32, #tpu.memory_space<vmem_shared>>
      tpu.wait_indirect_dma semaphore(%arg21 : memref<!tpu.dma_semaphore, #tpu.memory_space<semaphore_mem>>) src(%dma_wait3A_1585 : memref<64x64xf32, #tpu.memory_space<vmem>>) dst(%dma_wait3A_1588 : memref<30016x64xf32, #tpu.memory_space<vmem_shared>>)
      %get3A_1589 = arith.constant 1 : i32
      %get3A_1590 = arith.index_cast %get3A_1589 : i32 to index
      %get3A_1591 = arith.constant 192 : index
      %get3A_1592 = tpu.vector_load %arg10[%get3A_1590, %get3A_1591] {strides = array<i32>} : memref<2x320xi32, #tpu.memory_space<vmem>>, vector<1x16xi32>,
      %get3A_1593 = vector.shape_cast %get3A_1592 : vector<1x16xi32> to vector<16xi32>
      %mul3A_1594 = arith.constant 10000 : i32
      %mul3A_1595 = vector.broadcast %mul3A_1594 : i32 to vector<16xi32>
      %mul3A_1596 = arith.muli %get3A_1593, %mul3A_1595 : vector<16xi32>
      %get3A_1597 = arith.constant 1 : i32
      %get3A_1598 = arith.index_cast %get3A_1597 : i32 to index
      %get3A_1599 = arith.constant 192 : index
      %get3A_1600 = tpu.vector_load %arg8[%get3A_1598, %get3A_1599] {strides = array<i32>} : memref<2x320xi32, #tpu.memory_space<vmem>>, vector<1x16xi32>,
      %get3A_1601 = vector.shape_cast %get3A_1600 : vector<1x16xi32> to vector<16xi32>
      %add3A_1602 = arith.addi %mul3A_1596, %get3A_1601 : vector<16xi32>
      %mul3A_1603 = arith.constant 2 : i32
      %mul3A_1604 = vector.broadcast %mul3A_1603 : i32 to vector<16xi32>
      %mul3A_1605 = arith.muli %add3A_1602, %mul3A_1604 : vector<16xi32>
      %add3A_1606 = vector.broadcast %arg0 : i32 to vector<16xi32>
      %add3A_1607 = arith.addi %mul3A_1605, %add3A_1606 : vector<16xi32>
      %swap3A_1608 = arith.constant 0 : index
      %swap3A_1609 = tpu.vector_load %arg11[%swap3A_1608] {strides = array<i32>} : memref<64xi32, #tpu.memory_space<vmem>>, vector<16xi32>,
      %swap3A_1610 = vector.shape_cast %swap3A_1609 : vector<16xi32> to vector<16xi32>
      %swap3A_1611 = vector.shape_cast %add3A_1607 : vector<16xi32> to vector<16xi32>
      tpu.vector_store %arg11[%swap3A_1608], %swap3A_1611 {strides = array<i32>} : memref<64xi32, #tpu.memory_space<vmem>>, vector<16xi32>,
      %mul3A_1612 = arith.constant 10000 : i32
      %mul3A_1613 = vector.broadcast %mul3A_1612 : i32 to vector<16xi32>
      %mul3A_1614 = arith.muli %get3A_1593, %mul3A_1613 : vector<16xi32>
      %get3A_1615 = arith.constant 1 : i32
      %get3A_1616 = arith.index_cast %get3A_1615 : i32 to index
      %get3A_1617 = arith.constant 192 : index
      %get3A_1618 = tpu.vector_load %arg9[%get3A_1616, %get3A_1617] {strides = array<i32>} : memref<2x320xi32, #tpu.memory_space<vmem>>, vector<1x16xi32>,
      %get3A_1619 = vector.shape_cast %get3A_1618 : vector<1x16xi32> to vector<16xi32>
      %add3A_1620 = arith.addi %mul3A_1614, %get3A_1619 : vector<16xi32>
      %swap3A_1621 = arith.constant 0 : index
      %swap3A_1622 = tpu.vector_load %arg13[%swap3A_1621] {strides = array<i32>} : memref<64xi32, #tpu.memory_space<vmem>>, vector<16xi32>,
      %swap3A_1623 = vector.shape_cast %swap3A_1622 : vector<16xi32> to vector<16xi32>
      %swap3A_1624 = vector.shape_cast %add3A_1620 : vector<16xi32> to vector<16xi32>
      tpu.vector_store %arg13[%swap3A_1621], %swap3A_1624 {strides = array<i32>} : memref<64xi32, #tpu.memory_space<vmem>>, vector<16xi32>,
      %get3A_1625 = arith.constant 1 : i32
      %get3A_1626 = arith.index_cast %get3A_1625 : i32 to index
      %get3A_1627 = arith.constant 208 : index
      %get3A_1628 = tpu.vector_load %arg10[%get3A_1626, %get3A_1627] {strides = array<i32>} : memref<2x320xi32, #tpu.memory_space<vmem>>, vector<1x16xi32>,
      %get3A_1629 = vector.shape_cast %get3A_1628 : vector<1x16xi32> to vector<16xi32>
      %mul3A_1630 = arith.constant 10000 : i32
      %mul3A_1631 = vector.broadcast %mul3A_1630 : i32 to vector<16xi32>
      %mul3A_1632 = arith.muli %get3A_1629, %mul3A_1631 : vector<16xi32>
      %get3A_1633 = arith.constant 1 : i32
      %get3A_1634 = arith.index_cast %get3A_1633 : i32 to index
      %get3A_1635 = arith.constant 208 : index
      %get3A_1636 = tpu.vector_load %arg8[%get3A_1634, %get3A_1635] {strides = array<i32>} : memref<2x320xi32, #tpu.memory_space<vmem>>, vector<1x16xi32>,
      %get3A_1637 = vector.shape_cast %get3A_1636 : vector<1x16xi32> to vector<16xi32>
      %add3A_1638 = arith.addi %mul3A_1632, %get3A_1637 : vector<16xi32>
      %mul3A_1639 = arith.constant 2 : i32
      %mul3A_1640 = vector.broadcast %mul3A_1639 : i32 to vector<16xi32>
      %mul3A_1641 = arith.muli %add3A_1638, %mul3A_1640 : vector<16xi32>
      %add3A_1642 = vector.broadcast %arg0 : i32 to vector<16xi32>
      %add3A_1643 = arith.addi %mul3A_1641, %add3A_1642 : vector<16xi32>
      %swap3A_1644 = arith.constant 16 : index
      %swap3A_1645 = tpu.vector_load %arg11[%swap3A_1644] {strides = array<i32>} : memref<64xi32, #tpu.memory_space<vmem>>, vector<16xi32>,
      %swap3A_1646 = vector.shape_cast %swap3A_1645 : vector<16xi32> to vector<16xi32>
      %swap3A_1647 = vector.shape_cast %add3A_1643 : vector<16xi32> to vector<16xi32>
      tpu.vector_store %arg11[%swap3A_1644], %swap3A_1647 {strides = array<i32>} : memref<64xi32, #tpu.memory_space<vmem>>, vector<16xi32>,
      %mul3A_1648 = arith.constant 10000 : i32
      %mul3A_1649 = vector.broadcast %mul3A_1648 : i32 to vector<16xi32>
      %mul3A_1650 = arith.muli %get3A_1629, %mul3A_1649 : vector<16xi32>
      %get3A_1651 = arith.constant 1 : i32
      %get3A_1652 = arith.index_cast %get3A_1651 : i32 to index
      %get3A_1653 = arith.constant 208 : index
      %get3A_1654 = tpu.vector_load %arg9[%get3A_1652, %get3A_1653] {strides = array<i32>} : memref<2x320xi32, #tpu.memory_space<vmem>>, vector<1x16xi32>,
      %get3A_1655 = vector.shape_cast %get3A_1654 : vector<1x16xi32> to vector<16xi32>
      %add3A_1656 = arith.addi %mul3A_1650, %get3A_1655 : vector<16xi32>
      %swap3A_1657 = arith.constant 16 : index
      %swap3A_1658 = tpu.vector_load %arg13[%swap3A_1657] {strides = array<i32>} : memref<64xi32, #tpu.memory_space<vmem>>, vector<16xi32>,
      %swap3A_1659 = vector.shape_cast %swap3A_1658 : vector<16xi32> to vector<16xi32>
      %swap3A_1660 = vector.shape_cast %add3A_1656 : vector<16xi32> to vector<16xi32>
      tpu.vector_store %arg13[%swap3A_1657], %swap3A_1660 {strides = array<i32>} : memref<64xi32, #tpu.memory_space<vmem>>, vector<16xi32>,
      %get3A_1661 = arith.constant 1 : i32
      %get3A_1662 = arith.index_cast %get3A_1661 : i32 to index
      %get3A_1663 = arith.constant 224 : index
      %get3A_1664 = tpu.vector_load %arg10[%get3A_1662, %get3A_1663] {strides = array<i32>} : memref<2x320xi32, #tpu.memory_space<vmem>>, vector<1x16xi32>,
      %get3A_1665 = vector.shape_cast %get3A_1664 : vector<1x16xi32> to vector<16xi32>
      %mul3A_1666 = arith.constant 10000 : i32
      %mul3A_1667 = vector.broadcast %mul3A_1666 : i32 to vector<16xi32>
      %mul3A_1668 = arith.muli %get3A_1665, %mul3A_1667 : vector<16xi32>
      %get3A_1669 = arith.constant 1 : i32
      %get3A_1670 = arith.index_cast %get3A_1669 : i32 to index
      %get3A_1671 = arith.constant 224 : index
      %get3A_1672 = tpu.vector_load %arg8[%get3A_1670, %get3A_1671] {strides = array<i32>} : memref<2x320xi32, #tpu.memory_space<vmem>>, vector<1x16xi32>,
      %get3A_1673 = vector.shape_cast %get3A_1672 : vector<1x16xi32> to vector<16xi32>
      %add3A_1674 = arith.addi %mul3A_1668, %get3A_1673 : vector<16xi32>
      %mul3A_1675 = arith.constant 2 : i32
      %mul3A_1676 = vector.broadcast %mul3A_1675 : i32 to vector<16xi32>
      %mul3A_1677 = arith.muli %add3A_1674, %mul3A_1676 : vector<16xi32>
      %add3A_1678 = vector.broadcast %arg0 : i32 to vector<16xi32>
      %add3A_1679 = arith.addi %mul3A_1677, %add3A_1678 : vector<16xi32>
      %swap3A_1680 = arith.constant 32 : index
      %swap3A_1681 = tpu.vector_load %arg11[%swap3A_1680] {strides = array<i32>} : memref<64xi32, #tpu.memory_space<vmem>>, vector<16xi32>,
      %swap3A_1682 = vector.shape_cast %swap3A_1681 : vector<16xi32> to vector<16xi32>
      %swap3A_1683 = vector.shape_cast %add3A_1679 : vector<16xi32> to vector<16xi32>
      tpu.vector_store %arg11[%swap3A_1680], %swap3A_1683 {strides = array<i32>} : memref<64xi32, #tpu.memory_space<vmem>>, vector<16xi32>,
      %mul3A_1684 = arith.constant 10000 : i32
      %mul3A_1685 = vector.broadcast %mul3A_1684 : i32 to vector<16xi32>
      %mul3A_1686 = arith.muli %get3A_1665, %mul3A_1685 : vector<16xi32>
      %get3A_1687 = arith.constant 1 : i32
      %get3A_1688 = arith.index_cast %get3A_1687 : i32 to index
      %get3A_1689 = arith.constant 224 : index
      %get3A_1690 = tpu.vector_load %arg9[%get3A_1688, %get3A_1689] {strides = array<i32>} : memref<2x320xi32, #tpu.memory_space<vmem>>, vector<1x16xi32>,
      %get3A_1691 = vector.shape_cast %get3A_1690 : vector<1x16xi32> to vector<16xi32>
      %add3A_1692 = arith.addi %mul3A_1686, %get3A_1691 : vector<16xi32>
      %swap3A_1693 = arith.constant 32 : index
      %swap3A_1694 = tpu.vector_load %arg13[%swap3A_1693] {strides = array<i32>} : memref<64xi32, #tpu.memory_space<vmem>>, vector<16xi32>,
      %swap3A_1695 = vector.shape_cast %swap3A_1694 : vector<16xi32> to vector<16xi32>
      %swap3A_1696 = vector.shape_cast %add3A_1692 : vector<16xi32> to vector<16xi32>
      tpu.vector_store %arg13[%swap3A_1693], %swap3A_1696 {strides = array<i32>} : memref<64xi32, #tpu.memory_space<vmem>>, vector<16xi32>,
      %get3A_1697 = arith.constant 1 : i32
      %get3A_1698 = arith.index_cast %get3A_1697 : i32 to index
      %get3A_1699 = arith.constant 240 : index
      %get3A_1700 = tpu.vector_load %arg10[%get3A_1698, %get3A_1699] {strides = array<i32>} : memref<2x320xi32, #tpu.memory_space<vmem>>, vector<1x16xi32>,
      %get3A_1701 = vector.shape_cast %get3A_1700 : vector<1x16xi32> to vector<16xi32>
      %mul3A_1702 = arith.constant 10000 : i32
      %mul3A_1703 = vector.broadcast %mul3A_1702 : i32 to vector<16xi32>
      %mul3A_1704 = arith.muli %get3A_1701, %mul3A_1703 : vector<16xi32>
      %get3A_1705 = arith.constant 1 : i32
      %get3A_1706 = arith.index_cast %get3A_1705 : i32 to index
      %get3A_1707 = arith.constant 240 : index
      %get3A_1708 = tpu.vector_load %arg8[%get3A_1706, %get3A_1707] {strides = array<i32>} : memref<2x320xi32, #tpu.memory_space<vmem>>, vector<1x16xi32>,
      %get3A_1709 = vector.shape_cast %get3A_1708 : vector<1x16xi32> to vector<16xi32>
      %add3A_1710 = arith.addi %mul3A_1704, %get3A_1709 : vector<16xi32>
      %mul3A_1711 = arith.constant 2 : i32
      %mul3A_1712 = vector.broadcast %mul3A_1711 : i32 to vector<16xi32>
      %mul3A_1713 = arith.muli %add3A_1710, %mul3A_1712 : vector<16xi32>
      %add3A_1714 = vector.broadcast %arg0 : i32 to vector<16xi32>
      %add3A_1715 = arith.addi %mul3A_1713, %add3A_1714 : vector<16xi32>
      %swap3A_1716 = arith.constant 48 : index
      %swap3A_1717 = tpu.vector_load %arg11[%swap3A_1716] {strides = array<i32>} : memref<64xi32, #tpu.memory_space<vmem>>, vector<16xi32>,
      %swap3A_1718 = vector.shape_cast %swap3A_1717 : vector<16xi32> to vector<16xi32>
      %swap3A_1719 = vector.shape_cast %add3A_1715 : vector<16xi32> to vector<16xi32>
      tpu.vector_store %arg11[%swap3A_1716], %swap3A_1719 {strides = array<i32>} : memref<64xi32, #tpu.memory_space<vmem>>, vector<16xi32>,
      %mul3A_1720 = arith.constant 10000 : i32
      %mul3A_1721 = vector.broadcast %mul3A_1720 : i32 to vector<16xi32>
      %mul3A_1722 = arith.muli %get3A_1701, %mul3A_1721 : vector<16xi32>
      %get3A_1723 = arith.constant 1 : i32
      %get3A_1724 = arith.index_cast %get3A_1723 : i32 to index
      %get3A_1725 = arith.constant 240 : index
      %get3A_1726 = tpu.vector_load %arg9[%get3A_1724, %get3A_1725] {strides = array<i32>} : memref<2x320xi32, #tpu.memory_space<vmem>>, vector<1x16xi32>,
      %get3A_1727 = vector.shape_cast %get3A_1726 : vector<1x16xi32> to vector<16xi32>
      %add3A_1728 = arith.addi %mul3A_1722, %get3A_1727 : vector<16xi32>
      %swap3A_1729 = arith.constant 48 : index
      %swap3A_1730 = tpu.vector_load %arg13[%swap3A_1729] {strides = array<i32>} : memref<64xi32, #tpu.memory_space<vmem>>, vector<16xi32>,
      %swap3A_1731 = vector.shape_cast %swap3A_1730 : vector<16xi32> to vector<16xi32>
      %swap3A_1732 = vector.shape_cast %add3A_1728 : vector<16xi32> to vector<16xi32>
      tpu.vector_store %arg13[%swap3A_1729], %swap3A_1732 {strides = array<i32>} : memref<64xi32, #tpu.memory_space<vmem>>, vector<16xi32>,
      %dma_wait3A_1733 = arith.constant 1 : i32
      %dma_wait3A_1734 = arith.constant 0 : i32
      %dma_wait3A_1735 = arith.constant 0 : i32
      %dma_wait3A_1736 = tpu.memref_slice %arg15[%dma_wait3A_1733, %dma_wait3A_1734, %dma_wait3A_1735] : memref<2x64x64xf32, #tpu.memory_space<vmem>> -> memref<1x64x64xf32, #tpu.memory_space<vmem>>
      %dma_wait3A_1737 = tpu.memref_squeeze %dma_wait3A_1736 : memref<1x64x64xf32, #tpu.memory_space<vmem>> -> memref<64x64xf32, #tpu.memory_space<vmem>>
      %dma_wait3A_1738 = arith.constant 0 : i32
      %dma_wait3A_1739 = arith.constant 0 : i32
      %dma_wait3A_1740 = tpu.memref_slice %arg2[%dma_wait3A_1738, %dma_wait3A_1739] : memref<60000x64xf32, #tpu.memory_space<hbm>> -> memref<60000x64xf32, #tpu.memory_space<hbm>>
      tpu.wait_indirect_dma semaphore(%arg20 : memref<!tpu.dma_semaphore, #tpu.memory_space<semaphore_mem>>) src(%dma_wait3A_1740 : memref<60000x64xf32, #tpu.memory_space<hbm>>) dst(%dma_wait3A_1737 : memref<64x64xf32, #tpu.memory_space<vmem>>)
      %dma_start3A_1741 = arith.constant 1 : i32
      %dma_start3A_1742 = arith.constant 0 : i32
      %dma_start3A_1743 = arith.constant 0 : i32
      %dma_start3A_1744 = tpu.memref_slice %arg15[%dma_start3A_1741, %dma_start3A_1742, %dma_start3A_1743] : memref<2x64x64xf32, #tpu.memory_space<vmem>> -> memref<1x64x64xf32, #tpu.memory_space<vmem>>
      %dma_start3A_1745 = tpu.memref_squeeze %dma_start3A_1744 : memref<1x64x64xf32, #tpu.memory_space<vmem>> -> memref<64x64xf32, #tpu.memory_space<vmem>>
      %dma_start3A_1746 = arith.constant 0 : i32
      %dma_start3A_1747 = arith.constant 0 : i32
      %dma_start3A_1748 = tpu.memref_slice %arg16[%dma_start3A_1746, %dma_start3A_1747] : memref<30016x64xf32, #tpu.memory_space<vmem_shared>> -> memref<30016x64xf32, #tpu.memory_space<vmem_shared>>
      tpu.enqueue_indirect_dma source(%dma_start3A_1745 : memref<64x64xf32, #tpu.memory_space<vmem>>) target(%dma_start3A_1748 : memref<30016x64xf32, #tpu.memory_space<vmem_shared>>) offsets(%arg14 : memref<64xi32, #tpu.memory_space<vmem>>) semaphore(%arg22 : memref<!tpu.dma_semaphore, #tpu.memory_space<semaphore_mem>>) {add = true}
      %dma_start3A_1749 = arith.constant 0 : i32
      %dma_start3A_1750 = arith.constant 0 : i32
      %dma_start3A_1751 = arith.constant 0 : i32
      %dma_start3A_1752 = tpu.memref_slice %arg15[%dma_start3A_1749, %dma_start3A_1750, %dma_start3A_1751] : memref<2x64x64xf32, #tpu.memory_space<vmem>> -> memref<1x64x64xf32, #tpu.memory_space<vmem>>
      %dma_start3A_1753 = tpu.memref_squeeze %dma_start3A_1752 : memref<1x64x64xf32, #tpu.memory_space<vmem>> -> memref<64x64xf32, #tpu.memory_space<vmem>>
      %dma_start3A_1754 = arith.constant 0 : i32
      %dma_start3A_1755 = arith.constant 0 : i32
      %dma_start3A_1756 = tpu.memref_slice %arg2[%dma_start3A_1754, %dma_start3A_1755] : memref<60000x64xf32, #tpu.memory_space<hbm>> -> memref<60000x64xf32, #tpu.memory_space<hbm>>
      tpu.enqueue_indirect_dma source(%dma_start3A_1756 : memref<60000x64xf32, #tpu.memory_space<hbm>>) target(%dma_start3A_1753 : memref<64x64xf32, #tpu.memory_space<vmem>>) offsets(%arg11 : memref<64xi32, #tpu.memory_space<vmem>>) semaphore(%arg19 : memref<!tpu.dma_semaphore, #tpu.memory_space<semaphore_mem>>)
      %dma_wait3A_1757 = arith.constant 1 : i32
      %dma_wait3A_1758 = arith.constant 0 : i32
      %dma_wait3A_1759 = arith.constant 0 : i32
      %dma_wait3A_1760 = tpu.memref_slice %arg15[%dma_wait3A_1757, %dma_wait3A_1758, %dma_wait3A_1759] : memref<2x64x64xf32, #tpu.memory_space<vmem>> -> memref<1x64x64xf32, #tpu.memory_space<vmem>>
      %dma_wait3A_1761 = tpu.memref_squeeze %dma_wait3A_1760 : memref<1x64x64xf32, #tpu.memory_space<vmem>> -> memref<64x64xf32, #tpu.memory_space<vmem>>
      %dma_wait3A_1762 = arith.constant 0 : i32
      %dma_wait3A_1763 = arith.constant 0 : i32
      %dma_wait3A_1764 = tpu.memref_slice %arg16[%dma_wait3A_1762, %dma_wait3A_1763] : memref<30016x64xf32, #tpu.memory_space<vmem_shared>> -> memref<30016x64xf32, #tpu.memory_space<vmem_shared>>
      tpu.wait_indirect_dma semaphore(%arg22 : memref<!tpu.dma_semaphore, #tpu.memory_space<semaphore_mem>>) src(%dma_wait3A_1761 : memref<64x64xf32, #tpu.memory_space<vmem>>) dst(%dma_wait3A_1764 : memref<30016x64xf32, #tpu.memory_space<vmem_shared>>)
      %get3A_1765 = arith.constant 1 : i32
      %get3A_1766 = arith.index_cast %get3A_1765 : i32 to index
      %get3A_1767 = arith.constant 256 : index
      %get3A_1768 = tpu.vector_load %arg10[%get3A_1766, %get3A_1767] {strides = array<i32>} : memref<2x320xi32, #tpu.memory_space<vmem>>, vector<1x16xi32>,
      %get3A_1769 = vector.shape_cast %get3A_1768 : vector<1x16xi32> to vector<16xi32>
      %mul3A_1770 = arith.constant 10000 : i32
      %mul3A_1771 = vector.broadcast %mul3A_1770 : i32 to vector<16xi32>
      %mul3A_1772 = arith.muli %get3A_1769, %mul3A_1771 : vector<16xi32>
      %get3A_1773 = arith.constant 1 : i32
      %get3A_1774 = arith.index_cast %get3A_1773 : i32 to index
      %get3A_1775 = arith.constant 256 : index
      %get3A_1776 = tpu.vector_load %arg8[%get3A_1774, %get3A_1775] {strides = array<i32>} : memref<2x320xi32, #tpu.memory_space<vmem>>, vector<1x16xi32>,
      %get3A_1777 = vector.shape_cast %get3A_1776 : vector<1x16xi32> to vector<16xi32>
      %add3A_1778 = arith.addi %mul3A_1772, %get3A_1777 : vector<16xi32>
      %mul3A_1779 = arith.constant 2 : i32
      %mul3A_1780 = vector.broadcast %mul3A_1779 : i32 to vector<16xi32>
      %mul3A_1781 = arith.muli %add3A_1778, %mul3A_1780 : vector<16xi32>
      %add3A_1782 = vector.broadcast %arg0 : i32 to vector<16xi32>
      %add3A_1783 = arith.addi %mul3A_1781, %add3A_1782 : vector<16xi32>
      %swap3A_1784 = arith.constant 0 : index
      %swap3A_1785 = tpu.vector_load %arg12[%swap3A_1784] {strides = array<i32>} : memref<64xi32, #tpu.memory_space<vmem>>, vector<16xi32>,
      %swap3A_1786 = vector.shape_cast %swap3A_1785 : vector<16xi32> to vector<16xi32>
      %swap3A_1787 = vector.shape_cast %add3A_1783 : vector<16xi32> to vector<16xi32>
      tpu.vector_store %arg12[%swap3A_1784], %swap3A_1787 {strides = array<i32>} : memref<64xi32, #tpu.memory_space<vmem>>, vector<16xi32>,
      %mul3A_1788 = arith.constant 10000 : i32
      %mul3A_1789 = vector.broadcast %mul3A_1788 : i32 to vector<16xi32>
      %mul3A_1790 = arith.muli %get3A_1769, %mul3A_1789 : vector<16xi32>
      %get3A_1791 = arith.constant 1 : i32
      %get3A_1792 = arith.index_cast %get3A_1791 : i32 to index
      %get3A_1793 = arith.constant 256 : index
      %get3A_1794 = tpu.vector_load %arg9[%get3A_1792, %get3A_1793] {strides = array<i32>} : memref<2x320xi32, #tpu.memory_space<vmem>>, vector<1x16xi32>,
      %get3A_1795 = vector.shape_cast %get3A_1794 : vector<1x16xi32> to vector<16xi32>
      %add3A_1796 = arith.addi %mul3A_1790, %get3A_1795 : vector<16xi32>
      %swap3A_1797 = arith.constant 0 : index
      %swap3A_1798 = tpu.vector_load %arg14[%swap3A_1797] {strides = array<i32>} : memref<64xi32, #tpu.memory_space<vmem>>, vector<16xi32>,
      %swap3A_1799 = vector.shape_cast %swap3A_1798 : vector<16xi32> to vector<16xi32>
      %swap3A_1800 = vector.shape_cast %add3A_1796 : vector<16xi32> to vector<16xi32>
      tpu.vector_store %arg14[%swap3A_1797], %swap3A_1800 {strides = array<i32>} : memref<64xi32, #tpu.memory_space<vmem>>, vector<16xi32>,
      %get3A_1801 = arith.constant 1 : i32
      %get3A_1802 = arith.index_cast %get3A_1801 : i32 to index
      %get3A_1803 = arith.constant 272 : index
      %get3A_1804 = tpu.vector_load %arg10[%get3A_1802, %get3A_1803] {strides = array<i32>} : memref<2x320xi32, #tpu.memory_space<vmem>>, vector<1x16xi32>,
      %get3A_1805 = vector.shape_cast %get3A_1804 : vector<1x16xi32> to vector<16xi32>
      %mul3A_1806 = arith.constant 10000 : i32
      %mul3A_1807 = vector.broadcast %mul3A_1806 : i32 to vector<16xi32>
      %mul3A_1808 = arith.muli %get3A_1805, %mul3A_1807 : vector<16xi32>
      %get3A_1809 = arith.constant 1 : i32
      %get3A_1810 = arith.index_cast %get3A_1809 : i32 to index
      %get3A_1811 = arith.constant 272 : index
      %get3A_1812 = tpu.vector_load %arg8[%get3A_1810, %get3A_1811] {strides = array<i32>} : memref<2x320xi32, #tpu.memory_space<vmem>>, vector<1x16xi32>,
      %get3A_1813 = vector.shape_cast %get3A_1812 : vector<1x16xi32> to vector<16xi32>
      %add3A_1814 = arith.addi %mul3A_1808, %get3A_1813 : vector<16xi32>
      %mul3A_1815 = arith.constant 2 : i32
      %mul3A_1816 = vector.broadcast %mul3A_1815 : i32 to vector<16xi32>
      %mul3A_1817 = arith.muli %add3A_1814, %mul3A_1816 : vector<16xi32>
      %add3A_1818 = vector.broadcast %arg0 : i32 to vector<16xi32>
      %add3A_1819 = arith.addi %mul3A_1817, %add3A_1818 : vector<16xi32>
      %swap3A_1820 = arith.constant 16 : index
      %swap3A_1821 = tpu.vector_load %arg12[%swap3A_1820] {strides = array<i32>} : memref<64xi32, #tpu.memory_space<vmem>>, vector<16xi32>,
      %swap3A_1822 = vector.shape_cast %swap3A_1821 : vector<16xi32> to vector<16xi32>
      %swap3A_1823 = vector.shape_cast %add3A_1819 : vector<16xi32> to vector<16xi32>
      tpu.vector_store %arg12[%swap3A_1820], %swap3A_1823 {strides = array<i32>} : memref<64xi32, #tpu.memory_space<vmem>>, vector<16xi32>,
      %mul3A_1824 = arith.constant 10000 : i32
      %mul3A_1825 = vector.broadcast %mul3A_1824 : i32 to vector<16xi32>
      %mul3A_1826 = arith.muli %get3A_1805, %mul3A_1825 : vector<16xi32>
      %get3A_1827 = arith.constant 1 : i32
      %get3A_1828 = arith.index_cast %get3A_1827 : i32 to index
      %get3A_1829 = arith.constant 272 : index
      %get3A_1830 = tpu.vector_load %arg9[%get3A_1828, %get3A_1829] {strides = array<i32>} : memref<2x320xi32, #tpu.memory_space<vmem>>, vector<1x16xi32>,
      %get3A_1831 = vector.shape_cast %get3A_1830 : vector<1x16xi32> to vector<16xi32>
      %add3A_1832 = arith.addi %mul3A_1826, %get3A_1831 : vector<16xi32>
      %swap3A_1833 = arith.constant 16 : index
      %swap3A_1834 = tpu.vector_load %arg14[%swap3A_1833] {strides = array<i32>} : memref<64xi32, #tpu.memory_space<vmem>>, vector<16xi32>,
      %swap3A_1835 = vector.shape_cast %swap3A_1834 : vector<16xi32> to vector<16xi32>
      %swap3A_1836 = vector.shape_cast %add3A_1832 : vector<16xi32> to vector<16xi32>
      tpu.vector_store %arg14[%swap3A_1833], %swap3A_1836 {strides = array<i32>} : memref<64xi32, #tpu.memory_space<vmem>>, vector<16xi32>,
      %get3A_1837 = arith.constant 1 : i32
      %get3A_1838 = arith.index_cast %get3A_1837 : i32 to index
      %get3A_1839 = arith.constant 288 : index
      %get3A_1840 = tpu.vector_load %arg10[%get3A_1838, %get3A_1839] {strides = array<i32>} : memref<2x320xi32, #tpu.memory_space<vmem>>, vector<1x16xi32>,
      %get3A_1841 = vector.shape_cast %get3A_1840 : vector<1x16xi32> to vector<16xi32>
      %mul3A_1842 = arith.constant 10000 : i32
      %mul3A_1843 = vector.broadcast %mul3A_1842 : i32 to vector<16xi32>
      %mul3A_1844 = arith.muli %get3A_1841, %mul3A_1843 : vector<16xi32>
      %get3A_1845 = arith.constant 1 : i32
      %get3A_1846 = arith.index_cast %get3A_1845 : i32 to index
      %get3A_1847 = arith.constant 288 : index
      %get3A_1848 = tpu.vector_load %arg8[%get3A_1846, %get3A_1847] {strides = array<i32>} : memref<2x320xi32, #tpu.memory_space<vmem>>, vector<1x16xi32>,
      %get3A_1849 = vector.shape_cast %get3A_1848 : vector<1x16xi32> to vector<16xi32>
      %add3A_1850 = arith.addi %mul3A_1844, %get3A_1849 : vector<16xi32>
      %mul3A_1851 = arith.constant 2 : i32
      %mul3A_1852 = vector.broadcast %mul3A_1851 : i32 to vector<16xi32>
      %mul3A_1853 = arith.muli %add3A_1850, %mul3A_1852 : vector<16xi32>
      %add3A_1854 = vector.broadcast %arg0 : i32 to vector<16xi32>
      %add3A_1855 = arith.addi %mul3A_1853, %add3A_1854 : vector<16xi32>
      %swap3A_1856 = arith.constant 32 : index
      %swap3A_1857 = tpu.vector_load %arg12[%swap3A_1856] {strides = array<i32>} : memref<64xi32, #tpu.memory_space<vmem>>, vector<16xi32>,
      %swap3A_1858 = vector.shape_cast %swap3A_1857 : vector<16xi32> to vector<16xi32>
      %swap3A_1859 = vector.shape_cast %add3A_1855 : vector<16xi32> to vector<16xi32>
      tpu.vector_store %arg12[%swap3A_1856], %swap3A_1859 {strides = array<i32>} : memref<64xi32, #tpu.memory_space<vmem>>, vector<16xi32>,
      %mul3A_1860 = arith.constant 10000 : i32
      %mul3A_1861 = vector.broadcast %mul3A_1860 : i32 to vector<16xi32>
      %mul3A_1862 = arith.muli %get3A_1841, %mul3A_1861 : vector<16xi32>
      %get3A_1863 = arith.constant 1 : i32
      %get3A_1864 = arith.index_cast %get3A_1863 : i32 to index
      %get3A_1865 = arith.constant 288 : index
      %get3A_1866 = tpu.vector_load %arg9[%get3A_1864, %get3A_1865] {strides = array<i32>} : memref<2x320xi32, #tpu.memory_space<vmem>>, vector<1x16xi32>,
      %get3A_1867 = vector.shape_cast %get3A_1866 : vector<1x16xi32> to vector<16xi32>
      %add3A_1868 = arith.addi %mul3A_1862, %get3A_1867 : vector<16xi32>
      %swap3A_1869 = arith.constant 32 : index
      %swap3A_1870 = tpu.vector_load %arg14[%swap3A_1869] {strides = array<i32>} : memref<64xi32, #tpu.memory_space<vmem>>, vector<16xi32>,
      %swap3A_1871 = vector.shape_cast %swap3A_1870 : vector<16xi32> to vector<16xi32>
      %swap3A_1872 = vector.shape_cast %add3A_1868 : vector<16xi32> to vector<16xi32>
      tpu.vector_store %arg14[%swap3A_1869], %swap3A_1872 {strides = array<i32>} : memref<64xi32, #tpu.memory_space<vmem>>, vector<16xi32>,
      %get3A_1873 = arith.constant 1 : i32
      %get3A_1874 = arith.index_cast %get3A_1873 : i32 to index
      %get3A_1875 = arith.constant 304 : index
      %get3A_1876 = tpu.vector_load %arg10[%get3A_1874, %get3A_1875] {strides = array<i32>} : memref<2x320xi32, #tpu.memory_space<vmem>>, vector<1x16xi32>,
      %get3A_1877 = vector.shape_cast %get3A_1876 : vector<1x16xi32> to vector<16xi32>
      %mul3A_1878 = arith.constant 10000 : i32
      %mul3A_1879 = vector.broadcast %mul3A_1878 : i32 to vector<16xi32>
      %mul3A_1880 = arith.muli %get3A_1877, %mul3A_1879 : vector<16xi32>
      %get3A_1881 = arith.constant 1 : i32
      %get3A_1882 = arith.index_cast %get3A_1881 : i32 to index
      %get3A_1883 = arith.constant 304 : index
      %get3A_1884 = tpu.vector_load %arg8[%get3A_1882, %get3A_1883] {strides = array<i32>} : memref<2x320xi32, #tpu.memory_space<vmem>>, vector<1x16xi32>,
      %get3A_1885 = vector.shape_cast %get3A_1884 : vector<1x16xi32> to vector<16xi32>
      %add3A_1886 = arith.addi %mul3A_1880, %get3A_1885 : vector<16xi32>
      %mul3A_1887 = arith.constant 2 : i32
      %mul3A_1888 = vector.broadcast %mul3A_1887 : i32 to vector<16xi32>
      %mul3A_1889 = arith.muli %add3A_1886, %mul3A_1888 : vector<16xi32>
      %add3A_1890 = vector.broadcast %arg0 : i32 to vector<16xi32>
      %add3A_1891 = arith.addi %mul3A_1889, %add3A_1890 : vector<16xi32>
      %swap3A_1892 = arith.constant 48 : index
      %swap3A_1893 = tpu.vector_load %arg12[%swap3A_1892] {strides = array<i32>} : memref<64xi32, #tpu.memory_space<vmem>>, vector<16xi32>,
      %swap3A_1894 = vector.shape_cast %swap3A_1893 : vector<16xi32> to vector<16xi32>
      %swap3A_1895 = vector.shape_cast %add3A_1891 : vector<16xi32> to vector<16xi32>
      tpu.vector_store %arg12[%swap3A_1892], %swap3A_1895 {strides = array<i32>} : memref<64xi32, #tpu.memory_space<vmem>>, vector<16xi32>,
      %mul3A_1896 = arith.constant 10000 : i32
      %mul3A_1897 = vector.broadcast %mul3A_1896 : i32 to vector<16xi32>
      %mul3A_1898 = arith.muli %get3A_1877, %mul3A_1897 : vector<16xi32>
      %get3A_1899 = arith.constant 1 : i32
      %get3A_1900 = arith.index_cast %get3A_1899 : i32 to index
      %get3A_1901 = arith.constant 304 : index
      %get3A_1902 = tpu.vector_load %arg9[%get3A_1900, %get3A_1901] {strides = array<i32>} : memref<2x320xi32, #tpu.memory_space<vmem>>, vector<1x16xi32>,
      %get3A_1903 = vector.shape_cast %get3A_1902 : vector<1x16xi32> to vector<16xi32>
      %add3A_1904 = arith.addi %mul3A_1898, %get3A_1903 : vector<16xi32>
      %swap3A_1905 = arith.constant 48 : index
      %swap3A_1906 = tpu.vector_load %arg14[%swap3A_1905] {strides = array<i32>} : memref<64xi32, #tpu.memory_space<vmem>>, vector<16xi32>,
      %swap3A_1907 = vector.shape_cast %swap3A_1906 : vector<16xi32> to vector<16xi32>
      %swap3A_1908 = vector.shape_cast %add3A_1904 : vector<16xi32> to vector<16xi32>
      tpu.vector_store %arg14[%swap3A_1905], %swap3A_1908 {strides = array<i32>} : memref<64xi32, #tpu.memory_space<vmem>>, vector<16xi32>,
      %dma_wait3A_1909 = arith.constant 0 : i32
      %dma_wait3A_1910 = arith.constant 0 : i32
      %dma_wait3A_1911 = arith.constant 0 : i32
      %dma_wait3A_1912 = tpu.memref_slice %arg15[%dma_wait3A_1909, %dma_wait3A_1910, %dma_wait3A_1911] : memref<2x64x64xf32, #tpu.memory_space<vmem>> -> memref<1x64x64xf32, #tpu.memory_space<vmem>>
      %dma_wait3A_1913 = tpu.memref_squeeze %dma_wait3A_1912 : memref<1x64x64xf32, #tpu.memory_space<vmem>> -> memref<64x64xf32, #tpu.memory_space<vmem>>
      %dma_wait3A_1914 = arith.constant 0 : i32
      %dma_wait3A_1915 = arith.constant 0 : i32
      %dma_wait3A_1916 = tpu.memref_slice %arg2[%dma_wait3A_1914, %dma_wait3A_1915] : memref<60000x64xf32, #tpu.memory_space<hbm>> -> memref<60000x64xf32, #tpu.memory_space<hbm>>
      tpu.wait_indirect_dma semaphore(%arg19 : memref<!tpu.dma_semaphore, #tpu.memory_space<semaphore_mem>>) src(%dma_wait3A_1916 : memref<60000x64xf32, #tpu.memory_space<hbm>>) dst(%dma_wait3A_1913 : memref<64x64xf32, #tpu.memory_space<vmem>>)
      %dma_start3A_1917 = arith.constant 0 : i32
      %dma_start3A_1918 = arith.constant 0 : i32
      %dma_start3A_1919 = arith.constant 0 : i32
      %dma_start3A_1920 = tpu.memref_slice %arg15[%dma_start3A_1917, %dma_start3A_1918, %dma_start3A_1919] : memref<2x64x64xf32, #tpu.memory_space<vmem>> -> memref<1x64x64xf32, #tpu.memory_space<vmem>>
      %dma_start3A_1921 = tpu.memref_squeeze %dma_start3A_1920 : memref<1x64x64xf32, #tpu.memory_space<vmem>> -> memref<64x64xf32, #tpu.memory_space<vmem>>
      %dma_start3A_1922 = arith.constant 0 : i32
      %dma_start3A_1923 = arith.constant 0 : i32
      %dma_start3A_1924 = tpu.memref_slice %arg16[%dma_start3A_1922, %dma_start3A_1923] : memref<30016x64xf32, #tpu.memory_space<vmem_shared>> -> memref<30016x64xf32, #tpu.memory_space<vmem_shared>>
      tpu.enqueue_indirect_dma source(%dma_start3A_1921 : memref<64x64xf32, #tpu.memory_space<vmem>>) target(%dma_start3A_1924 : memref<30016x64xf32, #tpu.memory_space<vmem_shared>>) offsets(%arg13 : memref<64xi32, #tpu.memory_space<vmem>>) semaphore(%arg21 : memref<!tpu.dma_semaphore, #tpu.memory_space<semaphore_mem>>) {add = true}
      %dma_start3A_1925 = arith.constant 1 : i32
      %dma_start3A_1926 = arith.constant 0 : i32
      %dma_start3A_1927 = arith.constant 0 : i32
      %dma_start3A_1928 = tpu.memref_slice %arg15[%dma_start3A_1925, %dma_start3A_1926, %dma_start3A_1927] : memref<2x64x64xf32, #tpu.memory_space<vmem>> -> memref<1x64x64xf32, #tpu.memory_space<vmem>>
      %dma_start3A_1929 = tpu.memref_squeeze %dma_start3A_1928 : memref<1x64x64xf32, #tpu.memory_space<vmem>> -> memref<64x64xf32, #tpu.memory_space<vmem>>
      %dma_start3A_1930 = arith.constant 0 : i32
      %dma_start3A_1931 = arith.constant 0 : i32
      %dma_start3A_1932 = tpu.memref_slice %arg2[%dma_start3A_1930, %dma_start3A_1931] : memref<60000x64xf32, #tpu.memory_space<hbm>> -> memref<60000x64xf32, #tpu.memory_space<hbm>>
      tpu.enqueue_indirect_dma source(%dma_start3A_1932 : memref<60000x64xf32, #tpu.memory_space<hbm>>) target(%dma_start3A_1929 : memref<64x64xf32, #tpu.memory_space<vmem>>) offsets(%arg12 : memref<64xi32, #tpu.memory_space<vmem>>) semaphore(%arg20 : memref<!tpu.dma_semaphore, #tpu.memory_space<semaphore_mem>>)
      %dma_wait3A_1933 = arith.constant 1 : i32
      %dma_wait3A_1934 = arith.constant 0 : i32
      %dma_wait3A_1935 = arith.constant 0 : i32
      %dma_wait3A_1936 = tpu.memref_slice %arg15[%dma_wait3A_1933, %dma_wait3A_1934, %dma_wait3A_1935] : memref<2x64x64xf32, #tpu.memory_space<vmem>> -> memref<1x64x64xf32, #tpu.memory_space<vmem>>
      %dma_wait3A_1937 = tpu.memref_squeeze %dma_wait3A_1936 : memref<1x64x64xf32, #tpu.memory_space<vmem>> -> memref<64x64xf32, #tpu.memory_space<vmem>>
      %dma_wait3A_1938 = arith.constant 0 : i32
      %dma_wait3A_1939 = arith.constant 0 : i32
      %dma_wait3A_1940 = tpu.memref_slice %arg2[%dma_wait3A_1938, %dma_wait3A_1939] : memref<60000x64xf32, #tpu.memory_space<hbm>> -> memref<60000x64xf32, #tpu.memory_space<hbm>>
      tpu.wait_indirect_dma semaphore(%arg20 : memref<!tpu.dma_semaphore, #tpu.memory_space<semaphore_mem>>) src(%dma_wait3A_1940 : memref<60000x64xf32, #tpu.memory_space<hbm>>) dst(%dma_wait3A_1937 : memref<64x64xf32, #tpu.memory_space<vmem>>)
      %dma_start3A_1941 = arith.constant 1 : i32
      %dma_start3A_1942 = arith.constant 0 : i32
      %dma_start3A_1943 = arith.constant 0 : i32
      %dma_start3A_1944 = tpu.memref_slice %arg15[%dma_start3A_1941, %dma_start3A_1942, %dma_start3A_1943] : memref<2x64x64xf32, #tpu.memory_space<vmem>> -> memref<1x64x64xf32, #tpu.memory_space<vmem>>
      %dma_start3A_1945 = tpu.memref_squeeze %dma_start3A_1944 : memref<1x64x64xf32, #tpu.memory_space<vmem>> -> memref<64x64xf32, #tpu.memory_space<vmem>>
      %dma_start3A_1946 = arith.constant 0 : i32
      %dma_start3A_1947 = arith.constant 0 : i32
      %dma_start3A_1948 = tpu.memref_slice %arg16[%dma_start3A_1946, %dma_start3A_1947] : memref<30016x64xf32, #tpu.memory_space<vmem_shared>> -> memref<30016x64xf32, #tpu.memory_space<vmem_shared>>
      tpu.enqueue_indirect_dma source(%dma_start3A_1945 : memref<64x64xf32, #tpu.memory_space<vmem>>) target(%dma_start3A_1948 : memref<30016x64xf32, #tpu.memory_space<vmem_shared>>) offsets(%arg14 : memref<64xi32, #tpu.memory_space<vmem>>) semaphore(%arg22 : memref<!tpu.dma_semaphore, #tpu.memory_space<semaphore_mem>>) {add = true}
      %dma_wait3A_1949 = arith.constant 0 : i32
      %dma_wait3A_1950 = arith.constant 0 : i32
      %dma_wait3A_1951 = arith.constant 0 : i32
      %dma_wait3A_1952 = tpu.memref_slice %arg15[%dma_wait3A_1949, %dma_wait3A_1950, %dma_wait3A_1951] : memref<2x64x64xf32, #tpu.memory_space<vmem>> -> memref<1x64x64xf32, #tpu.memory_space<vmem>>
      %dma_wait3A_1953 = tpu.memref_squeeze %dma_wait3A_1952 : memref<1x64x64xf32, #tpu.memory_space<vmem>> -> memref<64x64xf32, #tpu.memory_space<vmem>>
      %dma_wait3A_1954 = arith.constant 0 : i32
      %dma_wait3A_1955 = arith.constant 0 : i32
      %dma_wait3A_1956 = tpu.memref_slice %arg16[%dma_wait3A_1954, %dma_wait3A_1955] : memref<30016x64xf32, #tpu.memory_space<vmem_shared>> -> memref<30016x64xf32, #tpu.memory_space<vmem_shared>>
      tpu.wait_indirect_dma semaphore(%arg21 : memref<!tpu.dma_semaphore, #tpu.memory_space<semaphore_mem>>) src(%dma_wait3A_1953 : memref<64x64xf32, #tpu.memory_space<vmem>>) dst(%dma_wait3A_1956 : memref<30016x64xf32, #tpu.memory_space<vmem_shared>>)
      %dma_wait3A_1957 = arith.constant 1 : i32
      %dma_wait3A_1958 = arith.constant 0 : i32
      %dma_wait3A_1959 = arith.constant 0 : i32
      %dma_wait3A_1960 = tpu.memref_slice %arg15[%dma_wait3A_1957, %dma_wait3A_1958, %dma_wait3A_1959] : memref<2x64x64xf32, #tpu.memory_space<vmem>> -> memref<1x64x64xf32, #tpu.memory_space<vmem>>
      %dma_wait3A_1961 = tpu.memref_squeeze %dma_wait3A_1960 : memref<1x64x64xf32, #tpu.memory_space<vmem>> -> memref<64x64xf32, #tpu.memory_space<vmem>>
      %dma_wait3A_1962 = arith.constant 0 : i32
      %dma_wait3A_1963 = arith.constant 0 : i32
      %dma_wait3A_1964 = tpu.memref_slice %arg16[%dma_wait3A_1962, %dma_wait3A_1963] : memref<30016x64xf32, #tpu.memory_space<vmem_shared>> -> memref<30016x64xf32, #tpu.memory_space<vmem_shared>>
      tpu.wait_indirect_dma semaphore(%arg22 : memref<!tpu.dma_semaphore, #tpu.memory_space<semaphore_mem>>) src(%dma_wait3A_1961 : memref<64x64xf32, #tpu.memory_space<vmem>>) dst(%dma_wait3A_1964 : memref<30016x64xf32, #tpu.memory_space<vmem_shared>>)
    }
    %scan3A_34 = arith.constant 32 : i32
    %dma_wait3A = arith.constant 0 : i32
    %dma_wait3A_35 = arith.constant 0 : i32
    %dma_wait3A_36 = tpu.memref_slice %arg8[%dma_wait3A, %dma_wait3A_35] : memref<2x320xi32, #tpu.memory_space<vmem>> -> memref<1x320xi32, #tpu.memory_space<vmem>>
    %dma_wait3A_37 = tpu.memref_squeeze %dma_wait3A_36 : memref<1x320xi32, #tpu.memory_space<vmem>> -> memref<320xi32, #tpu.memory_space<vmem>>
    %dma_wait3A_38 = arith.constant 0 : i32
    %dma_wait3A_39 = tpu.memref_slice %arg3[%dma_wait3A_38] : memref<328000xi32, #tpu.memory_space<hbm>> -> memref<320xi32, #tpu.memory_space<hbm>>
    %dma_wait3A_40 = arith.constant 0 : i32
    %dma_wait3A_41 = tpu.memref_slice %arg8[%dma_wait3A, %dma_wait3A_40] : memref<2x320xi32, #tpu.memory_space<vmem>> -> memref<1x320xi32, #tpu.memory_space<vmem>>
    %dma_wait3A_42 = tpu.memref_squeeze %dma_wait3A_41 : memref<1x320xi32, #tpu.memory_space<vmem>> -> memref<320xi32, #tpu.memory_space<vmem>>
    %dma_wait3A_43 = arith.constant 0 : i32
    %dma_wait3A_44 = tpu.memref_slice %arg3[%dma_wait3A_43] : memref<328000xi32, #tpu.memory_space<hbm>> -> memref<320xi32, #tpu.memory_space<hbm>>
    tpu.wait_dma2 semaphore(%arg17 : memref<!tpu.dma_semaphore, #tpu.memory_space<semaphore_mem>>) src(%dma_wait3A_44 : memref<320xi32, #tpu.memory_space<hbm>>) dst(%dma_wait3A_42 : memref<320xi32, #tpu.memory_space<vmem>>)
    %dma_wait3A_45 = arith.constant 0 : i32
    %dma_wait3A_46 = arith.constant 0 : i32
    %dma_wait3A_47 = tpu.memref_slice %arg9[%dma_wait3A_45, %dma_wait3A_46] : memref<2x320xi32, #tpu.memory_space<vmem>> -> memref<1x320xi32, #tpu.memory_space<vmem>>
    %dma_wait3A_48 = tpu.memref_squeeze %dma_wait3A_47 : memref<1x320xi32, #tpu.memory_space<vmem>> -> memref<320xi32, #tpu.memory_space<vmem>>
    %dma_wait3A_49 = arith.constant 0 : i32
    %dma_wait3A_50 = tpu.memref_slice %arg3[%dma_wait3A_49] : memref<328000xi32, #tpu.memory_space<hbm>> -> memref<320xi32, #tpu.memory_space<hbm>>
    %dma_wait3A_51 = arith.constant 0 : i32
    %dma_wait3A_52 = tpu.memref_slice %arg9[%dma_wait3A_45, %dma_wait3A_51] : memref<2x320xi32, #tpu.memory_space<vmem>> -> memref<1x320xi32, #tpu.memory_space<vmem>>
    %dma_wait3A_53 = tpu.memref_squeeze %dma_wait3A_52 : memref<1x320xi32, #tpu.memory_space<vmem>> -> memref<320xi32, #tpu.memory_space<vmem>>
    %dma_wait3A_54 = arith.constant 0 : i32
    %dma_wait3A_55 = tpu.memref_slice %arg3[%dma_wait3A_54] : memref<328000xi32, #tpu.memory_space<hbm>> -> memref<320xi32, #tpu.memory_space<hbm>>
    tpu.wait_dma2 semaphore(%arg17 : memref<!tpu.dma_semaphore, #tpu.memory_space<semaphore_mem>>) src(%dma_wait3A_55 : memref<320xi32, #tpu.memory_space<hbm>>) dst(%dma_wait3A_53 : memref<320xi32, #tpu.memory_space<vmem>>)
    %dma_wait3A_56 = arith.constant 0 : i32
    %dma_wait3A_57 = arith.constant 0 : i32
    %dma_wait3A_58 = tpu.memref_slice %arg10[%dma_wait3A_56, %dma_wait3A_57] : memref<2x320xi32, #tpu.memory_space<vmem>> -> memref<1x320xi32, #tpu.memory_space<vmem>>
    %dma_wait3A_59 = tpu.memref_squeeze %dma_wait3A_58 : memref<1x320xi32, #tpu.memory_space<vmem>> -> memref<320xi32, #tpu.memory_space<vmem>>
    %dma_wait3A_60 = arith.constant 0 : i32
    %dma_wait3A_61 = tpu.memref_slice %arg3[%dma_wait3A_60] : memref<328000xi32, #tpu.memory_space<hbm>> -> memref<320xi32, #tpu.memory_space<hbm>>
    %dma_wait3A_62 = arith.constant 0 : i32
    %dma_wait3A_63 = tpu.memref_slice %arg10[%dma_wait3A_56, %dma_wait3A_62] : memref<2x320xi32, #tpu.memory_space<vmem>> -> memref<1x320xi32, #tpu.memory_space<vmem>>
    %dma_wait3A_64 = tpu.memref_squeeze %dma_wait3A_63 : memref<1x320xi32, #tpu.memory_space<vmem>> -> memref<320xi32, #tpu.memory_space<vmem>>
    %dma_wait3A_65 = arith.constant 0 : i32
    %dma_wait3A_66 = tpu.memref_slice %arg3[%dma_wait3A_65] : memref<328000xi32, #tpu.memory_space<hbm>> -> memref<320xi32, #tpu.memory_space<hbm>>
    tpu.wait_dma2 semaphore(%arg17 : memref<!tpu.dma_semaphore, #tpu.memory_space<semaphore_mem>>) src(%dma_wait3A_66 : memref<320xi32, #tpu.memory_space<hbm>>) dst(%dma_wait3A_64 : memref<320xi32, #tpu.memory_space<vmem>>)
    %barrier3A_67 = arith.constant 0 : index
    tpu.barrier barrier_id(%barrier3A_67)
    %mul3A_68 = arith.constant 64 : i32
    %mul3A_69 = arith.muli %arg0, %mul3A_68 : i32
    "tpu.region"() ({
      %run_scoped3A = tpu.sem_alloc : memref<!tpu.dma_semaphore, #tpu.memory_space<semaphore_mem>>
      %dma_start3A_70 = tpu.memref_slice %arg7[%mul3A_0, %mul3A_69] : memref<30016x128xf32, #tpu.memory_space<hbm>> -> memref<1876x64xf32, #tpu.memory_space<hbm>>
      %dma_start3A_71 = arith.constant 0 : i32
      %dma_start3A_72 = tpu.memref_slice %arg16[%mul3A_0, %dma_start3A_71] : memref<30016x64xf32, #tpu.memory_space<vmem_shared>> -> memref<1876x64xf32, #tpu.memory_space<vmem_shared>>
      tpu.enqueue_dma source(%dma_start3A_72 : memref<1876x64xf32, #tpu.memory_space<vmem_shared>>) target(%dma_start3A_70 : memref<1876x64xf32, #tpu.memory_space<hbm>>) target_semaphore(%run_scoped3A : memref<!tpu.dma_semaphore, #tpu.memory_space<semaphore_mem>>)
      %dma_wait3A_73 = tpu.memref_slice %arg7[%mul3A_0, %mul3A_69] : memref<30016x128xf32, #tpu.memory_space<hbm>> -> memref<1876x64xf32, #tpu.memory_space<hbm>>
      %dma_wait3A_74 = arith.constant 0 : i32
      %dma_wait3A_75 = tpu.memref_slice %arg16[%mul3A_0, %dma_wait3A_74] : memref<30016x64xf32, #tpu.memory_space<vmem_shared>> -> memref<1876x64xf32, #tpu.memory_space<vmem_shared>>
      tpu.wait_dma2 semaphore(%run_scoped3A : memref<!tpu.dma_semaphore, #tpu.memory_space<semaphore_mem>>) src(%dma_wait3A_75 : memref<1876x64xf32, #tpu.memory_space<vmem_shared>>) dst(%dma_wait3A_73 : memref<1876x64xf32, #tpu.memory_space<hbm>>)
      tpu.yield
    }) : () -> ()
    return
  }
}

module attributes {stable_mosaic.version = 14 : i64} {
  func.func @body(%arg0: i32, %arg1: i32, %arg2: memref<400x128xf32, #tpu.memory_space<vmem>>, %arg3: memref<1x128x128xf32, #tpu.memory_space<vmem>>, %arg4: memref<1x400x128xf32, #tpu.memory_space<vmem>>) attributes {dimension_semantics = [#tpu.dimension_semantics<arbitrary>, #tpu.dimension_semantics<arbitrary>], iteration_bounds = array<i64: 3, 25>, scalar_prefetch = 0 : i64, scratch_operands = 0 : i64, tpu.core_type = #tpu.core_type<tc>, window_params = [{transform_indices = @transform_0, window_bounds = array<i64: 400, 128>}, {transform_indices = @transform_1, window_bounds = array<i64: 1, 128, 128>}, {transform_indices = @transform_2, window_bounds = array<i64: 1, 400, 128>}]} {
    %get3A = arith.constant 0 : index
    %get3A_0 = arith.constant 0 : index
    %get3A_1 = vector.load %arg2[%get3A, %get3A_0] : memref<400x128xf32, #tpu.memory_space<vmem>>, vector<400x128xf32>
    %get3A_2 = arith.constant 0 : index
    %get3A_3 = arith.constant 0 : index
    %get3A_4 = arith.constant 0 : index
    %get3A_5 = vector.load %arg3[%get3A_2, %get3A_3, %get3A_4] : memref<1x128x128xf32, #tpu.memory_space<vmem>>, vector<1x128x128xf32>
    %get3A_6 = vector.shape_cast %get3A_5 : vector<1x128x128xf32> to vector<128x128xf32>
    %dot_general3A = arith.constant dense<0.000000e+00> : vector<400x128xf32>
    %dot_general3A_7 = tpu.matmul %get3A_1, %get3A_6, %dot_general3A {dimension_numbers = #tpu.dot_dimension_numbers<[1], [0], [0], [1], [0, 0, 1, 1], [], []>, precision = #tpu.contract_precision<fp32>, transpose_lhs_hint = false} : vector<400x128xf32>, vector<128x128xf32>, vector<400x128xf32> -> vector<400x128xf32>
    %swap3A = arith.constant 0 : index
    %swap3A_8 = arith.constant 0 : index
    %swap3A_9 = arith.constant 0 : index
    %swap3A_10 = vector.load %arg4[%swap3A, %swap3A_8, %swap3A_9] : memref<1x400x128xf32, #tpu.memory_space<vmem>>, vector<1x400x128xf32>
    %swap3A_11 = vector.shape_cast %swap3A_10 : vector<1x400x128xf32> to vector<400x128xf32>
    %swap3A_12 = vector.shape_cast %dot_general3A_7 : vector<400x128xf32> to vector<1x400x128xf32>
    tpu.vector_store %arg4[%swap3A, %swap3A_8, %swap3A_9], %swap3A_12 {strides = array<i32>} : memref<1x400x128xf32, #tpu.memory_space<vmem>>, vector<1x400x128xf32>,
    return
  }
  func.func @transform_0(%arg0: i32, %arg1: i32) -> (i32, i32) {
    %c0_i32 = arith.constant 0 : i32
    %c0_i32_0 = arith.constant 0 : i32
    return %arg1, %c0_i32 : i32, i32
  }
  func.func @transform_1(%arg0: i32, %arg1: i32) -> (i32, i32, i32) {
    %c0_i32 = arith.constant 0 : i32
    %c0_i32_0 = arith.constant 0 : i32
    %c0_i32_1 = arith.constant 0 : i32
    return %arg0, %c0_i32, %c0_i32_0 : i32, i32, i32
  }
  func.func @transform_2(%arg0: i32, %arg1: i32) -> (i32, i32, i32) {
    %c0_i32 = arith.constant 0 : i32
    %c0_i32_0 = arith.constant 0 : i32
    return %arg0, %arg1, %c0_i32 : i32, i32, i32
  }
}

module attributes {stable_mosaic.version = 14 : i64} {
  func.func @body(%arg0: i32, %arg1: i32, %arg2: memref<400x128xf32, #tpu.memory_space<vmem>>, %arg3: memref<1x384x128xf32, #tpu.memory_space<vmem>>, %arg4: memref<1x1x384xf32, #tpu.memory_space<vmem>>, %arg5: memref<1x400x384xf32, #tpu.memory_space<vmem>>) attributes {dimension_semantics = [#tpu.dimension_semantics<arbitrary>, #tpu.dimension_semantics<arbitrary>], iteration_bounds = array<i64: 3, 25>, scalar_prefetch = 0 : i64, scratch_operands = 0 : i64, tpu.core_type = #tpu.core_type<tc>, window_params = [{transform_indices = @transform_0, window_bounds = array<i64: 400, 128>}, {transform_indices = @transform_1, window_bounds = array<i64: 1, 384, 128>}, {transform_indices = @transform_2, window_bounds = array<i64: 1, 1, 384>}, {transform_indices = @transform_3, window_bounds = array<i64: 1, 400, 384>}]} {
    %get3A = arith.constant 0 : index
    %get3A_0 = arith.constant 0 : index
    %get3A_1 = vector.load %arg2[%get3A, %get3A_0] : memref<400x128xf32, #tpu.memory_space<vmem>>, vector<400x128xf32>
    %get3A_2 = arith.constant 0 : index
    %get3A_3 = arith.constant 0 : index
    %get3A_4 = arith.constant 0 : index
    %get3A_5 = vector.load %arg3[%get3A_2, %get3A_3, %get3A_4] : memref<1x384x128xf32, #tpu.memory_space<vmem>>, vector<1x384x128xf32>
    %get3A_6 = vector.shape_cast %get3A_5 : vector<1x384x128xf32> to vector<384x128xf32>
    %dot_general3A = arith.constant dense<0.000000e+00> : vector<400x384xf32>
    %dot_general3A_7 = tpu.matmul %get3A_1, %get3A_6, %dot_general3A {dimension_numbers = #tpu.dot_dimension_numbers<[1], [1], [0], [0], [0, 0, 1, 0], [], []>, precision = #tpu.contract_precision<fp32>, transpose_lhs_hint = false} : vector<400x128xf32>, vector<384x128xf32>, vector<400x384xf32> -> vector<400x384xf32>
    %get3A_8 = arith.constant 0 : index
    %get3A_9 = arith.constant 0 : index
    %get3A_10 = arith.constant 0 : index
    %get3A_11 = vector.load %arg4[%get3A_8, %get3A_9, %get3A_10] : memref<1x1x384xf32, #tpu.memory_space<vmem>>, vector<1x1x384xf32>
    %get3A_12 = vector.shape_cast %get3A_11 : vector<1x1x384xf32> to vector<384xf32>
    %broadcast_in_dim3A = vector.shape_cast %get3A_12 : vector<384xf32> to vector<1x384xf32>
    %add3A = vector.broadcast %broadcast_in_dim3A : vector<1x384xf32> to vector<400x384xf32>
    %add3A_13 = arith.addf %dot_general3A_7, %add3A : vector<400x384xf32>
    %swap3A = arith.constant 0 : index
    %swap3A_14 = arith.constant 0 : index
    %swap3A_15 = arith.constant 0 : index
    %swap3A_16 = vector.load %arg5[%swap3A, %swap3A_14, %swap3A_15] : memref<1x400x384xf32, #tpu.memory_space<vmem>>, vector<1x400x384xf32>
    %swap3A_17 = vector.shape_cast %swap3A_16 : vector<1x400x384xf32> to vector<400x384xf32>
    %swap3A_18 = vector.shape_cast %add3A_13 : vector<400x384xf32> to vector<1x400x384xf32>
    tpu.vector_store %arg5[%swap3A, %swap3A_14, %swap3A_15], %swap3A_18 {strides = array<i32>} : memref<1x400x384xf32, #tpu.memory_space<vmem>>, vector<1x400x384xf32>,
    return
  }
  func.func @transform_0(%arg0: i32, %arg1: i32) -> (i32, i32) {
    %c0_i32 = arith.constant 0 : i32
    %c0_i32_0 = arith.constant 0 : i32
    return %arg1, %c0_i32 : i32, i32
  }
  func.func @transform_1(%arg0: i32, %arg1: i32) -> (i32, i32, i32) {
    %c0_i32 = arith.constant 0 : i32
    %c0_i32_0 = arith.constant 0 : i32
    %c0_i32_1 = arith.constant 0 : i32
    return %arg0, %c0_i32, %c0_i32_0 : i32, i32, i32
  }
  func.func @transform_2(%arg0: i32, %arg1: i32) -> (i32, i32, i32) {
    %c0_i32 = arith.constant 0 : i32
    %c0_i32_0 = arith.constant 0 : i32
    %c0_i32_1 = arith.constant 0 : i32
    return %arg0, %c0_i32, %c0_i32_0 : i32, i32, i32
  }
  func.func @transform_3(%arg0: i32, %arg1: i32) -> (i32, i32, i32) {
    %c0_i32 = arith.constant 0 : i32
    %c0_i32_0 = arith.constant 0 : i32
    return %arg0, %arg1, %c0_i32 : i32, i32, i32
  }
}

module attributes {stable_mosaic.version = 14 : i64} {
  func.func @body(%arg0: i32, %arg1: i32, %arg2: memref<400x128xf32, #tpu.memory_space<vmem>>, %arg3: memref<400x128xf32, #tpu.memory_space<vmem>>, %arg4: memref<1x400x384xf32, #tpu.memory_space<vmem>>, %arg5: memref<1x384x128xf32, #tpu.memory_space<vmem>>, %arg6: memref<1x1x384xf32, #tpu.memory_space<vmem>>, %arg7: memref<1x128x128xf32, #tpu.memory_space<vmem>>, %arg8: memref<1x400x128xf32, #tpu.memory_space<vmem>>, %arg9: memref<1x400x128xf32, #tpu.memory_space<vmem>>) attributes {dimension_semantics = [#tpu.dimension_semantics<arbitrary>, #tpu.dimension_semantics<arbitrary>], iteration_bounds = array<i64: 3, 25>, scalar_prefetch = 0 : i64, scratch_operands = 0 : i64, tpu.core_type = #tpu.core_type<tc>, window_params = [{transform_indices = @transform_0, window_bounds = array<i64: 400, 128>}, {transform_indices = @transform_1, window_bounds = array<i64: 400, 128>}, {transform_indices = @transform_2, window_bounds = array<i64: 1, 400, 384>}, {transform_indices = @transform_3, window_bounds = array<i64: 1, 384, 128>}, {transform_indices = @transform_4, window_bounds = array<i64: 1, 1, 384>}, {transform_indices = @transform_5, window_bounds = array<i64: 1, 128, 128>}, {transform_indices = @transform_6, window_bounds = array<i64: 1, 400, 128>}, {transform_indices = @transform_7, window_bounds = array<i64: 1, 400, 128>}]} {
    %get3A = arith.constant 0 : index
    %get3A_0 = arith.constant 0 : index
    %get3A_1 = vector.load %arg2[%get3A, %get3A_0] : memref<400x128xf32, #tpu.memory_space<vmem>>, vector<400x128xf32>
    %get3A_2 = arith.constant 0 : index
    %get3A_3 = arith.constant 0 : index
    %get3A_4 = arith.constant 0 : index
    %get3A_5 = vector.load %arg4[%get3A_2, %get3A_3, %get3A_4] : memref<1x400x384xf32, #tpu.memory_space<vmem>>, vector<1x400x384xf32>
    %get3A_6 = vector.shape_cast %get3A_5 : vector<1x400x384xf32> to vector<400x384xf32>
    %get3A_7 = arith.constant 0 : index
    %get3A_8 = arith.constant 0 : index
    %get3A_9 = vector.load %arg3[%get3A_7, %get3A_8] : memref<400x128xf32, #tpu.memory_space<vmem>>, vector<400x128xf32>
    %get3A_10 = arith.constant 0 : index
    %get3A_11 = arith.constant 0 : index
    %get3A_12 = arith.constant 0 : index
    %get3A_13 = vector.load %arg5[%get3A_10, %get3A_11, %get3A_12] : memref<1x384x128xf32, #tpu.memory_space<vmem>>, vector<1x384x128xf32>
    %get3A_14 = vector.shape_cast %get3A_13 : vector<1x384x128xf32> to vector<384x128xf32>
    %get3A_15 = arith.constant 0 : index
    %get3A_16 = arith.constant 0 : index
    %get3A_17 = arith.constant 0 : index
    %get3A_18 = vector.load %arg6[%get3A_15, %get3A_16, %get3A_17] : memref<1x1x384xf32, #tpu.memory_space<vmem>>, vector<1x1x384xf32>
    %get3A_19 = vector.shape_cast %get3A_18 : vector<1x1x384xf32> to vector<384xf32>
    %dot_general3A = arith.constant dense<0.000000e+00> : vector<400x384xf32>
    %dot_general3A_20 = tpu.matmul %get3A_1, %get3A_14, %dot_general3A {dimension_numbers = #tpu.dot_dimension_numbers<[1], [1], [0], [0], [0, 0, 1, 0], [], []>, precision = #tpu.contract_precision<fp32>, transpose_lhs_hint = false} : vector<400x128xf32>, vector<384x128xf32>, vector<400x384xf32> -> vector<400x384xf32>
    %broadcast_in_dim3A = vector.shape_cast %get3A_19 : vector<384xf32> to vector<1x384xf32>
    %add3A = vector.broadcast %broadcast_in_dim3A : vector<1x384xf32> to vector<400x384xf32>
    %add3A_21 = arith.addf %dot_general3A_20, %add3A : vector<400x384xf32>
    %slice3A = vector.extract_strided_slice %add3A_21 {offsets = [0, 0], sizes = [400, 128], strides = [1, 1]} : vector<400x384xf32> to vector<400x128xf32>
    %slice3A_22 = vector.extract_strided_slice %get3A_6 {offsets = [0, 0], sizes = [400, 128], strides = [1, 1]} : vector<400x384xf32> to vector<400x128xf32>
    %add3A_23 = arith.addf %slice3A, %slice3A_22 : vector<400x128xf32>
    %logistic3A = arith.negf %add3A_23 : vector<400x128xf32>
    %logistic3A_24 = math.exp %logistic3A : vector<400x128xf32>
    %logistic3A_25 = arith.constant 1.000000e+00 : f32
    %logistic3A_26 = vector.broadcast %logistic3A_25 : f32 to vector<400x128xf32>
    %logistic3A_27 = arith.addf %logistic3A_26, %logistic3A_24 : vector<400x128xf32>
    %logistic3A_28 = arith.divf %logistic3A_26, %logistic3A_27 : vector<400x128xf32>
    %slice3A_29 = vector.extract_strided_slice %add3A_21 {offsets = [0, 128], sizes = [400, 128], strides = [1, 1]} : vector<400x384xf32> to vector<400x128xf32>
    %slice3A_30 = vector.extract_strided_slice %get3A_6 {offsets = [0, 128], sizes = [400, 128], strides = [1, 1]} : vector<400x384xf32> to vector<400x128xf32>
    %add3A_31 = arith.addf %slice3A_29, %slice3A_30 : vector<400x128xf32>
    %logistic3A_32 = arith.negf %add3A_31 : vector<400x128xf32>
    %logistic3A_33 = math.exp %logistic3A_32 : vector<400x128xf32>
    %logistic3A_34 = arith.constant 1.000000e+00 : f32
    %logistic3A_35 = vector.broadcast %logistic3A_34 : f32 to vector<400x128xf32>
    %logistic3A_36 = arith.addf %logistic3A_35, %logistic3A_33 : vector<400x128xf32>
    %logistic3A_37 = arith.divf %logistic3A_35, %logistic3A_36 : vector<400x128xf32>
    %slice3A_38 = vector.extract_strided_slice %add3A_21 {offsets = [0, 256], sizes = [400, 128], strides = [1, 1]} : vector<400x384xf32> to vector<400x128xf32>
    %slice3A_39 = vector.extract_strided_slice %get3A_6 {offsets = [0, 256], sizes = [400, 128], strides = [1, 1]} : vector<400x384xf32> to vector<400x128xf32>
    %mul3A = arith.mulf %logistic3A_28, %slice3A_39 : vector<400x128xf32>
    %add3A_40 = arith.addf %slice3A_38, %mul3A : vector<400x128xf32>
    %tanh3A = math.tanh %add3A_40 : vector<400x128xf32>
    %sub3A = arith.constant 1.000000e+00 : f32
    %sub3A_41 = vector.broadcast %sub3A : f32 to vector<400x128xf32>
    %sub3A_42 = arith.subf %sub3A_41, %logistic3A_37 : vector<400x128xf32>
    %mul3A_43 = arith.mulf %sub3A_42, %tanh3A : vector<400x128xf32>
    %mul3A_44 = arith.mulf %logistic3A_37, %get3A_9 : vector<400x128xf32>
    %add3A_45 = arith.addf %mul3A_43, %mul3A_44 : vector<400x128xf32>
    %swap3A = arith.constant 0 : index
    %swap3A_46 = arith.constant 0 : index
    %swap3A_47 = arith.constant 0 : index
    %swap3A_48 = vector.load %arg8[%swap3A, %swap3A_46, %swap3A_47] : memref<1x400x128xf32, #tpu.memory_space<vmem>>, vector<1x400x128xf32>
    %swap3A_49 = vector.shape_cast %swap3A_48 : vector<1x400x128xf32> to vector<400x128xf32>
    %swap3A_50 = vector.shape_cast %add3A_45 : vector<400x128xf32> to vector<1x400x128xf32>
    tpu.vector_store %arg8[%swap3A, %swap3A_46, %swap3A_47], %swap3A_50 {strides = array<i32>} : memref<1x400x128xf32, #tpu.memory_space<vmem>>, vector<1x400x128xf32>,
    %get3A_51 = arith.constant 0 : index
    %get3A_52 = arith.constant 0 : index
    %get3A_53 = arith.constant 0 : index
    %get3A_54 = vector.load %arg7[%get3A_51, %get3A_52, %get3A_53] : memref<1x128x128xf32, #tpu.memory_space<vmem>>, vector<1x128x128xf32>
    %get3A_55 = vector.shape_cast %get3A_54 : vector<1x128x128xf32> to vector<128x128xf32>
    %dot_general3A_56 = arith.constant dense<0.000000e+00> : vector<400x128xf32>
    %dot_general3A_57 = tpu.matmul %add3A_45, %get3A_55, %dot_general3A_56 {dimension_numbers = #tpu.dot_dimension_numbers<[1], [0], [0], [1], [0, 0, 1, 1], [], []>, precision = #tpu.contract_precision<fp32>, transpose_lhs_hint = false} : vector<400x128xf32>, vector<128x128xf32>, vector<400x128xf32> -> vector<400x128xf32>
    %swap3A_58 = arith.constant 0 : index
    %swap3A_59 = arith.constant 0 : index
    %swap3A_60 = arith.constant 0 : index
    %swap3A_61 = vector.load %arg9[%swap3A_58, %swap3A_59, %swap3A_60] : memref<1x400x128xf32, #tpu.memory_space<vmem>>, vector<1x400x128xf32>
    %swap3A_62 = vector.shape_cast %swap3A_61 : vector<1x400x128xf32> to vector<400x128xf32>
    %swap3A_63 = vector.shape_cast %dot_general3A_57 : vector<400x128xf32> to vector<1x400x128xf32>
    tpu.vector_store %arg9[%swap3A_58, %swap3A_59, %swap3A_60], %swap3A_63 {strides = array<i32>} : memref<1x400x128xf32, #tpu.memory_space<vmem>>, vector<1x400x128xf32>,
    return
  }
  func.func @transform_0(%arg0: i32, %arg1: i32) -> (i32, i32) {
    %mul3A = arith.constant 25 : i32
    %mul3A_0 = arith.muli %arg0, %mul3A : i32
    %add3A = arith.addi %mul3A_0, %arg1 : i32
    %c0_i32 = arith.constant 0 : i32
    %c0_i32_1 = arith.constant 0 : i32
    return %add3A, %c0_i32 : i32, i32
  }
  func.func @transform_1(%arg0: i32, %arg1: i32) -> (i32, i32) {
    %c0_i32 = arith.constant 0 : i32
    %c0_i32_0 = arith.constant 0 : i32
    return %arg1, %c0_i32 : i32, i32
  }
  func.func @transform_2(%arg0: i32, %arg1: i32) -> (i32, i32, i32) {
    %c0_i32 = arith.constant 0 : i32
    %c0_i32_0 = arith.constant 0 : i32
    return %arg0, %arg1, %c0_i32 : i32, i32, i32
  }
  func.func @transform_3(%arg0: i32, %arg1: i32) -> (i32, i32, i32) {
    %c0_i32 = arith.constant 0 : i32
    %c0_i32_0 = arith.constant 0 : i32
    %c0_i32_1 = arith.constant 0 : i32
    return %arg0, %c0_i32, %c0_i32_0 : i32, i32, i32
  }
  func.func @transform_4(%arg0: i32, %arg1: i32) -> (i32, i32, i32) {
    %c0_i32 = arith.constant 0 : i32
    %c0_i32_0 = arith.constant 0 : i32
    %c0_i32_1 = arith.constant 0 : i32
    return %arg0, %c0_i32, %c0_i32_0 : i32, i32, i32
  }
  func.func @transform_5(%arg0: i32, %arg1: i32) -> (i32, i32, i32) {
    %c0_i32 = arith.constant 0 : i32
    %c0_i32_0 = arith.constant 0 : i32
    %c0_i32_1 = arith.constant 0 : i32
    return %arg0, %c0_i32, %c0_i32_0 : i32, i32, i32
  }
  func.func @transform_6(%arg0: i32, %arg1: i32) -> (i32, i32, i32) {
    %c0_i32 = arith.constant 0 : i32
    %c0_i32_0 = arith.constant 0 : i32
    return %arg0, %arg1, %c0_i32 : i32, i32, i32
  }
  func.func @transform_7(%arg0: i32, %arg1: i32) -> (i32, i32, i32) {
    %c0_i32 = arith.constant 0 : i32
    %c0_i32_0 = arith.constant 0 : i32
    return %arg0, %arg1, %c0_i32 : i32, i32, i32
  }
}

module attributes {stable_mosaic.version = 14 : i64} {
  func.func @body(%arg0: i32, %arg1: i32, %arg2: memref<1x400x128xf32, #tpu.memory_space<vmem>>, %arg3: memref<1x384x128xf32, #tpu.memory_space<vmem>>, %arg4: memref<1x1x384xf32, #tpu.memory_space<vmem>>, %arg5: memref<1x400x384xf32, #tpu.memory_space<vmem>>) attributes {dimension_semantics = [#tpu.dimension_semantics<arbitrary>, #tpu.dimension_semantics<arbitrary>], iteration_bounds = array<i64: 3, 25>, scalar_prefetch = 0 : i64, scratch_operands = 0 : i64, tpu.core_type = #tpu.core_type<tc>, window_params = [{transform_indices = @transform_0, window_bounds = array<i64: 1, 400, 128>}, {transform_indices = @transform_1, window_bounds = array<i64: 1, 384, 128>}, {transform_indices = @transform_2, window_bounds = array<i64: 1, 1, 384>}, {transform_indices = @transform_3, window_bounds = array<i64: 1, 400, 384>}]} {
    %get3A = arith.constant 0 : index
    %get3A_0 = arith.constant 0 : index
    %get3A_1 = arith.constant 0 : index
    %get3A_2 = vector.load %arg2[%get3A, %get3A_0, %get3A_1] : memref<1x400x128xf32, #tpu.memory_space<vmem>>, vector<1x400x128xf32>
    %get3A_3 = vector.shape_cast %get3A_2 : vector<1x400x128xf32> to vector<400x128xf32>
    %get3A_4 = arith.constant 0 : index
    %get3A_5 = arith.constant 0 : index
    %get3A_6 = arith.constant 0 : index
    %get3A_7 = vector.load %arg3[%get3A_4, %get3A_5, %get3A_6] : memref<1x384x128xf32, #tpu.memory_space<vmem>>, vector<1x384x128xf32>
    %get3A_8 = vector.shape_cast %get3A_7 : vector<1x384x128xf32> to vector<384x128xf32>
    %dot_general3A = arith.constant dense<0.000000e+00> : vector<400x384xf32>
    %dot_general3A_9 = tpu.matmul %get3A_3, %get3A_8, %dot_general3A {dimension_numbers = #tpu.dot_dimension_numbers<[1], [1], [0], [0], [0, 0, 1, 0], [], []>, precision = #tpu.contract_precision<fp32>, transpose_lhs_hint = false} : vector<400x128xf32>, vector<384x128xf32>, vector<400x384xf32> -> vector<400x384xf32>
    %get3A_10 = arith.constant 0 : index
    %get3A_11 = arith.constant 0 : index
    %get3A_12 = arith.constant 0 : index
    %get3A_13 = vector.load %arg4[%get3A_10, %get3A_11, %get3A_12] : memref<1x1x384xf32, #tpu.memory_space<vmem>>, vector<1x1x384xf32>
    %get3A_14 = vector.shape_cast %get3A_13 : vector<1x1x384xf32> to vector<384xf32>
    %broadcast_in_dim3A = vector.shape_cast %get3A_14 : vector<384xf32> to vector<1x384xf32>
    %add3A = vector.broadcast %broadcast_in_dim3A : vector<1x384xf32> to vector<400x384xf32>
    %add3A_15 = arith.addf %dot_general3A_9, %add3A : vector<400x384xf32>
    %swap3A = arith.constant 0 : index
    %swap3A_16 = arith.constant 0 : index
    %swap3A_17 = arith.constant 0 : index
    %swap3A_18 = vector.load %arg5[%swap3A, %swap3A_16, %swap3A_17] : memref<1x400x384xf32, #tpu.memory_space<vmem>>, vector<1x400x384xf32>
    %swap3A_19 = vector.shape_cast %swap3A_18 : vector<1x400x384xf32> to vector<400x384xf32>
    %swap3A_20 = vector.shape_cast %add3A_15 : vector<400x384xf32> to vector<1x400x384xf32>
    tpu.vector_store %arg5[%swap3A, %swap3A_16, %swap3A_17], %swap3A_20 {strides = array<i32>} : memref<1x400x384xf32, #tpu.memory_space<vmem>>, vector<1x400x384xf32>,
    return
  }
  func.func @transform_0(%arg0: i32, %arg1: i32) -> (i32, i32, i32) {
    %c0_i32 = arith.constant 0 : i32
    %c0_i32_0 = arith.constant 0 : i32
    return %arg0, %arg1, %c0_i32 : i32, i32, i32
  }
  func.func @transform_1(%arg0: i32, %arg1: i32) -> (i32, i32, i32) {
    %c0_i32 = arith.constant 0 : i32
    %c0_i32_0 = arith.constant 0 : i32
    %c0_i32_1 = arith.constant 0 : i32
    return %arg0, %c0_i32, %c0_i32_0 : i32, i32, i32
  }
  func.func @transform_2(%arg0: i32, %arg1: i32) -> (i32, i32, i32) {
    %c0_i32 = arith.constant 0 : i32
    %c0_i32_0 = arith.constant 0 : i32
    %c0_i32_1 = arith.constant 0 : i32
    return %arg0, %c0_i32, %c0_i32_0 : i32, i32, i32
  }
  func.func @transform_3(%arg0: i32, %arg1: i32) -> (i32, i32, i32) {
    %c0_i32 = arith.constant 0 : i32
    %c0_i32_0 = arith.constant 0 : i32
    return %arg0, %arg1, %c0_i32 : i32, i32, i32
  }
}

module attributes {stable_mosaic.version = 14 : i64} {
  func.func @body(%arg0: i32, %arg1: memref<400x128xf32, #tpu.memory_space<vmem>>, %arg2: memref<400x128xf32, #tpu.memory_space<vmem>>, %arg3: memref<400x128xf32, #tpu.memory_space<vmem>>, %arg4: memref<3x400x128xf32, #tpu.memory_space<vmem>>, %arg5: memref<3x400x384xf32, #tpu.memory_space<vmem>>, %arg6: memref<400x128xf32, #tpu.memory_space<vmem>>, %arg7: memref<3x384x128xf32, #tpu.memory_space<vmem>>, %arg8: memref<3x384xf32, #tpu.memory_space<vmem>>, %arg9: memref<1x128xf32, #tpu.memory_space<vmem>>, %arg10: memref<1x128xf32, #tpu.memory_space<vmem>>, %arg11: memref<400x128xf32, #tpu.memory_space<vmem>>) attributes {dimension_semantics = [#tpu.dimension_semantics<arbitrary>], iteration_bounds = array<i64: 25>, scalar_prefetch = 0 : i64, scratch_operands = 0 : i64, tpu.core_type = #tpu.core_type<tc>, window_params = [{transform_indices = @transform_0, window_bounds = array<i64: 400, 128>}, {transform_indices = @transform_1, window_bounds = array<i64: 400, 128>}, {transform_indices = @transform_2, window_bounds = array<i64: 400, 128>}, {transform_indices = @transform_3, window_bounds = array<i64: 3, 400, 128>}, {transform_indices = @transform_4, window_bounds = array<i64: 3, 400, 384>}, {transform_indices = @transform_5, window_bounds = array<i64: 400, 128>}, {pipeline_mode = #tpu.pipeline_mode<synchronous>, transform_indices = @transform_6, window_bounds = array<i64: 3, 384, 128>}, {pipeline_mode = #tpu.pipeline_mode<synchronous>, transform_indices = @transform_7, window_bounds = array<i64: 3, 384>}, {pipeline_mode = #tpu.pipeline_mode<synchronous>, transform_indices = @transform_8, window_bounds = array<i64: 1, 128>}, {pipeline_mode = #tpu.pipeline_mode<synchronous>, transform_indices = @transform_9, window_bounds = array<i64: 1, 128>}, {transform_indices = @transform_10, window_bounds = array<i64: 400, 128>}]} {
    %get3A = arith.constant 0 : index
    %get3A_0 = arith.constant 0 : index
    %get3A_1 = vector.load %arg6[%get3A, %get3A_0] : memref<400x128xf32, #tpu.memory_space<vmem>>, vector<400x128xf32>
    %get3A_2 = arith.constant 0 : index
    %get3A_3 = arith.constant 0 : index
    %get3A_4 = vector.load %arg1[%get3A_2, %get3A_3] : memref<400x128xf32, #tpu.memory_space<vmem>>, vector<400x128xf32>
    %get3A_5 = arith.constant 0 : index
    %get3A_6 = arith.constant 0 : index
    %get3A_7 = arith.constant 0 : index
    %get3A_8 = vector.load %arg5[%get3A_5, %get3A_6, %get3A_7] : memref<3x400x384xf32, #tpu.memory_space<vmem>>, vector<1x400x384xf32>
    %get3A_9 = vector.shape_cast %get3A_8 : vector<1x400x384xf32> to vector<400x384xf32>
    %get3A_10 = arith.constant 0 : index
    %get3A_11 = arith.constant 0 : index
    %get3A_12 = arith.constant 0 : index
    %get3A_13 = vector.load %arg4[%get3A_10, %get3A_11, %get3A_12] : memref<3x400x128xf32, #tpu.memory_space<vmem>>, vector<1x400x128xf32>
    %get3A_14 = vector.shape_cast %get3A_13 : vector<1x400x128xf32> to vector<400x128xf32>
    %get3A_15 = arith.constant 0 : index
    %get3A_16 = arith.constant 0 : index
    %get3A_17 = arith.constant 0 : index
    %get3A_18 = vector.load %arg7[%get3A_15, %get3A_16, %get3A_17] : memref<3x384x128xf32, #tpu.memory_space<vmem>>, vector<1x384x128xf32>
    %get3A_19 = vector.shape_cast %get3A_18 : vector<1x384x128xf32> to vector<384x128xf32>
    %get3A_20 = arith.constant 0 : index
    %get3A_21 = arith.constant 0 : index
    %get3A_22 = vector.load %arg8[%get3A_20, %get3A_21] : memref<3x384xf32, #tpu.memory_space<vmem>>, vector<1x384xf32>
    %get3A_23 = vector.shape_cast %get3A_22 : vector<1x384xf32> to vector<384xf32>
    %dot_general3A = arith.constant dense<0.000000e+00> : vector<400x384xf32>
    %dot_general3A_24 = tpu.matmul %get3A_4, %get3A_19, %dot_general3A {dimension_numbers = #tpu.dot_dimension_numbers<[1], [1], [0], [0], [0, 0, 1, 0], [], []>, precision = #tpu.contract_precision<fp32>, transpose_lhs_hint = false} : vector<400x128xf32>, vector<384x128xf32>, vector<400x384xf32> -> vector<400x384xf32>
    %broadcast_in_dim3A = vector.shape_cast %get3A_23 : vector<384xf32> to vector<1x384xf32>
    %add3A = vector.broadcast %broadcast_in_dim3A : vector<1x384xf32> to vector<400x384xf32>
    %add3A_25 = arith.addf %dot_general3A_24, %add3A : vector<400x384xf32>
    %slice3A = vector.extract_strided_slice %add3A_25 {offsets = [0, 0], sizes = [400, 128], strides = [1, 1]} : vector<400x384xf32> to vector<400x128xf32>
    %slice3A_26 = vector.extract_strided_slice %get3A_9 {offsets = [0, 0], sizes = [400, 128], strides = [1, 1]} : vector<400x384xf32> to vector<400x128xf32>
    %add3A_27 = arith.addf %slice3A, %slice3A_26 : vector<400x128xf32>
    %logistic3A = arith.negf %add3A_27 : vector<400x128xf32>
    %logistic3A_28 = math.exp %logistic3A : vector<400x128xf32>
    %logistic3A_29 = arith.constant 1.000000e+00 : f32
    %logistic3A_30 = vector.broadcast %logistic3A_29 : f32 to vector<400x128xf32>
    %logistic3A_31 = arith.addf %logistic3A_30, %logistic3A_28 : vector<400x128xf32>
    %logistic3A_32 = arith.divf %logistic3A_30, %logistic3A_31 : vector<400x128xf32>
    %slice3A_33 = vector.extract_strided_slice %add3A_25 {offsets = [0, 128], sizes = [400, 128], strides = [1, 1]} : vector<400x384xf32> to vector<400x128xf32>
    %slice3A_34 = vector.extract_strided_slice %get3A_9 {offsets = [0, 128], sizes = [400, 128], strides = [1, 1]} : vector<400x384xf32> to vector<400x128xf32>
    %add3A_35 = arith.addf %slice3A_33, %slice3A_34 : vector<400x128xf32>
    %logistic3A_36 = arith.negf %add3A_35 : vector<400x128xf32>
    %logistic3A_37 = math.exp %logistic3A_36 : vector<400x128xf32>
    %logistic3A_38 = arith.constant 1.000000e+00 : f32
    %logistic3A_39 = vector.broadcast %logistic3A_38 : f32 to vector<400x128xf32>
    %logistic3A_40 = arith.addf %logistic3A_39, %logistic3A_37 : vector<400x128xf32>
    %logistic3A_41 = arith.divf %logistic3A_39, %logistic3A_40 : vector<400x128xf32>
    %slice3A_42 = vector.extract_strided_slice %add3A_25 {offsets = [0, 256], sizes = [400, 128], strides = [1, 1]} : vector<400x384xf32> to vector<400x128xf32>
    %slice3A_43 = vector.extract_strided_slice %get3A_9 {offsets = [0, 256], sizes = [400, 128], strides = [1, 1]} : vector<400x384xf32> to vector<400x128xf32>
    %mul3A = arith.mulf %logistic3A_32, %slice3A_43 : vector<400x128xf32>
    %add3A_44 = arith.addf %slice3A_42, %mul3A : vector<400x128xf32>
    %tanh3A = math.tanh %add3A_44 : vector<400x128xf32>
    %sub3A = arith.constant 1.000000e+00 : f32
    %sub3A_45 = vector.broadcast %sub3A : f32 to vector<400x128xf32>
    %sub3A_46 = arith.subf %sub3A_45, %logistic3A_41 : vector<400x128xf32>
    %mul3A_47 = arith.mulf %sub3A_46, %tanh3A : vector<400x128xf32>
    %mul3A_48 = arith.mulf %logistic3A_41, %get3A_14 : vector<400x128xf32>
    %add3A_49 = arith.addf %mul3A_47, %mul3A_48 : vector<400x128xf32>
    %add3A_50 = arith.addf %get3A_1, %add3A_49 : vector<400x128xf32>
    %get3A_51 = arith.constant 0 : index
    %get3A_52 = arith.constant 0 : index
    %get3A_53 = vector.load %arg2[%get3A_51, %get3A_52] : memref<400x128xf32, #tpu.memory_space<vmem>>, vector<400x128xf32>
    %get3A_54 = arith.constant 1 : index
    %get3A_55 = arith.constant 0 : index
    %get3A_56 = arith.constant 0 : index
    %get3A_57 = vector.load %arg5[%get3A_54, %get3A_55, %get3A_56] : memref<3x400x384xf32, #tpu.memory_space<vmem>>, vector<1x400x384xf32>
    %get3A_58 = vector.shape_cast %get3A_57 : vector<1x400x384xf32> to vector<400x384xf32>
    %get3A_59 = arith.constant 1 : index
    %get3A_60 = arith.constant 0 : index
    %get3A_61 = arith.constant 0 : index
    %get3A_62 = vector.load %arg4[%get3A_59, %get3A_60, %get3A_61] : memref<3x400x128xf32, #tpu.memory_space<vmem>>, vector<1x400x128xf32>
    %get3A_63 = vector.shape_cast %get3A_62 : vector<1x400x128xf32> to vector<400x128xf32>
    %get3A_64 = arith.constant 1 : index
    %get3A_65 = arith.constant 0 : index
    %get3A_66 = arith.constant 0 : index
    %get3A_67 = vector.load %arg7[%get3A_64, %get3A_65, %get3A_66] : memref<3x384x128xf32, #tpu.memory_space<vmem>>, vector<1x384x128xf32>
    %get3A_68 = vector.shape_cast %get3A_67 : vector<1x384x128xf32> to vector<384x128xf32>
    %get3A_69 = arith.constant 1 : index
    %get3A_70 = arith.constant 0 : index
    %get3A_71 = vector.load %arg8[%get3A_69, %get3A_70] : memref<3x384xf32, #tpu.memory_space<vmem>>, vector<1x384xf32>
    %get3A_72 = vector.shape_cast %get3A_71 : vector<1x384xf32> to vector<384xf32>
    %dot_general3A_73 = arith.constant dense<0.000000e+00> : vector<400x384xf32>
    %dot_general3A_74 = tpu.matmul %get3A_53, %get3A_68, %dot_general3A_73 {dimension_numbers = #tpu.dot_dimension_numbers<[1], [1], [0], [0], [0, 0, 1, 0], [], []>, precision = #tpu.contract_precision<fp32>, transpose_lhs_hint = false} : vector<400x128xf32>, vector<384x128xf32>, vector<400x384xf32> -> vector<400x384xf32>
    %broadcast_in_dim3A_75 = vector.shape_cast %get3A_72 : vector<384xf32> to vector<1x384xf32>
    %add3A_76 = vector.broadcast %broadcast_in_dim3A_75 : vector<1x384xf32> to vector<400x384xf32>
    %add3A_77 = arith.addf %dot_general3A_74, %add3A_76 : vector<400x384xf32>
    %slice3A_78 = vector.extract_strided_slice %add3A_77 {offsets = [0, 0], sizes = [400, 128], strides = [1, 1]} : vector<400x384xf32> to vector<400x128xf32>
    %slice3A_79 = vector.extract_strided_slice %get3A_58 {offsets = [0, 0], sizes = [400, 128], strides = [1, 1]} : vector<400x384xf32> to vector<400x128xf32>
    %add3A_80 = arith.addf %slice3A_78, %slice3A_79 : vector<400x128xf32>
    %logistic3A_81 = arith.negf %add3A_80 : vector<400x128xf32>
    %logistic3A_82 = math.exp %logistic3A_81 : vector<400x128xf32>
    %logistic3A_83 = arith.constant 1.000000e+00 : f32
    %logistic3A_84 = vector.broadcast %logistic3A_83 : f32 to vector<400x128xf32>
    %logistic3A_85 = arith.addf %logistic3A_84, %logistic3A_82 : vector<400x128xf32>
    %logistic3A_86 = arith.divf %logistic3A_84, %logistic3A_85 : vector<400x128xf32>
    %slice3A_87 = vector.extract_strided_slice %add3A_77 {offsets = [0, 128], sizes = [400, 128], strides = [1, 1]} : vector<400x384xf32> to vector<400x128xf32>
    %slice3A_88 = vector.extract_strided_slice %get3A_58 {offsets = [0, 128], sizes = [400, 128], strides = [1, 1]} : vector<400x384xf32> to vector<400x128xf32>
    %add3A_89 = arith.addf %slice3A_87, %slice3A_88 : vector<400x128xf32>
    %logistic3A_90 = arith.negf %add3A_89 : vector<400x128xf32>
    %logistic3A_91 = math.exp %logistic3A_90 : vector<400x128xf32>
    %logistic3A_92 = arith.constant 1.000000e+00 : f32
    %logistic3A_93 = vector.broadcast %logistic3A_92 : f32 to vector<400x128xf32>
    %logistic3A_94 = arith.addf %logistic3A_93, %logistic3A_91 : vector<400x128xf32>
    %logistic3A_95 = arith.divf %logistic3A_93, %logistic3A_94 : vector<400x128xf32>
    %slice3A_96 = vector.extract_strided_slice %add3A_77 {offsets = [0, 256], sizes = [400, 128], strides = [1, 1]} : vector<400x384xf32> to vector<400x128xf32>
    %slice3A_97 = vector.extract_strided_slice %get3A_58 {offsets = [0, 256], sizes = [400, 128], strides = [1, 1]} : vector<400x384xf32> to vector<400x128xf32>
    %mul3A_98 = arith.mulf %logistic3A_86, %slice3A_97 : vector<400x128xf32>
    %add3A_99 = arith.addf %slice3A_96, %mul3A_98 : vector<400x128xf32>
    %tanh3A_100 = math.tanh %add3A_99 : vector<400x128xf32>
    %sub3A_101 = arith.constant 1.000000e+00 : f32
    %sub3A_102 = vector.broadcast %sub3A_101 : f32 to vector<400x128xf32>
    %sub3A_103 = arith.subf %sub3A_102, %logistic3A_95 : vector<400x128xf32>
    %mul3A_104 = arith.mulf %sub3A_103, %tanh3A_100 : vector<400x128xf32>
    %mul3A_105 = arith.mulf %logistic3A_95, %get3A_63 : vector<400x128xf32>
    %add3A_106 = arith.addf %mul3A_104, %mul3A_105 : vector<400x128xf32>
    %add3A_107 = arith.addf %add3A_50, %add3A_106 : vector<400x128xf32>
    %get3A_108 = arith.constant 0 : index
    %get3A_109 = arith.constant 0 : index
    %get3A_110 = vector.load %arg3[%get3A_108, %get3A_109] : memref<400x128xf32, #tpu.memory_space<vmem>>, vector<400x128xf32>
    %get3A_111 = arith.constant 2 : index
    %get3A_112 = arith.constant 0 : index
    %get3A_113 = arith.constant 0 : index
    %get3A_114 = vector.load %arg5[%get3A_111, %get3A_112, %get3A_113] : memref<3x400x384xf32, #tpu.memory_space<vmem>>, vector<1x400x384xf32>
    %get3A_115 = vector.shape_cast %get3A_114 : vector<1x400x384xf32> to vector<400x384xf32>
    %get3A_116 = arith.constant 2 : index
    %get3A_117 = arith.constant 0 : index
    %get3A_118 = arith.constant 0 : index
    %get3A_119 = vector.load %arg4[%get3A_116, %get3A_117, %get3A_118] : memref<3x400x128xf32, #tpu.memory_space<vmem>>, vector<1x400x128xf32>
    %get3A_120 = vector.shape_cast %get3A_119 : vector<1x400x128xf32> to vector<400x128xf32>
    %get3A_121 = arith.constant 2 : index
    %get3A_122 = arith.constant 0 : index
    %get3A_123 = arith.constant 0 : index
    %get3A_124 = vector.load %arg7[%get3A_121, %get3A_122, %get3A_123] : memref<3x384x128xf32, #tpu.memory_space<vmem>>, vector<1x384x128xf32>
    %get3A_125 = vector.shape_cast %get3A_124 : vector<1x384x128xf32> to vector<384x128xf32>
    %get3A_126 = arith.constant 2 : index
    %get3A_127 = arith.constant 0 : index
    %get3A_128 = vector.load %arg8[%get3A_126, %get3A_127] : memref<3x384xf32, #tpu.memory_space<vmem>>, vector<1x384xf32>
    %get3A_129 = vector.shape_cast %get3A_128 : vector<1x384xf32> to vector<384xf32>
    %dot_general3A_130 = arith.constant dense<0.000000e+00> : vector<400x384xf32>
    %dot_general3A_131 = tpu.matmul %get3A_110, %get3A_125, %dot_general3A_130 {dimension_numbers = #tpu.dot_dimension_numbers<[1], [1], [0], [0], [0, 0, 1, 0], [], []>, precision = #tpu.contract_precision<fp32>, transpose_lhs_hint = false} : vector<400x128xf32>, vector<384x128xf32>, vector<400x384xf32> -> vector<400x384xf32>
    %broadcast_in_dim3A_132 = vector.shape_cast %get3A_129 : vector<384xf32> to vector<1x384xf32>
    %add3A_133 = vector.broadcast %broadcast_in_dim3A_132 : vector<1x384xf32> to vector<400x384xf32>
    %add3A_134 = arith.addf %dot_general3A_131, %add3A_133 : vector<400x384xf32>
    %slice3A_135 = vector.extract_strided_slice %add3A_134 {offsets = [0, 0], sizes = [400, 128], strides = [1, 1]} : vector<400x384xf32> to vector<400x128xf32>
    %slice3A_136 = vector.extract_strided_slice %get3A_115 {offsets = [0, 0], sizes = [400, 128], strides = [1, 1]} : vector<400x384xf32> to vector<400x128xf32>
    %add3A_137 = arith.addf %slice3A_135, %slice3A_136 : vector<400x128xf32>
    %logistic3A_138 = arith.negf %add3A_137 : vector<400x128xf32>
    %logistic3A_139 = math.exp %logistic3A_138 : vector<400x128xf32>
    %logistic3A_140 = arith.constant 1.000000e+00 : f32
    %logistic3A_141 = vector.broadcast %logistic3A_140 : f32 to vector<400x128xf32>
    %logistic3A_142 = arith.addf %logistic3A_141, %logistic3A_139 : vector<400x128xf32>
    %logistic3A_143 = arith.divf %logistic3A_141, %logistic3A_142 : vector<400x128xf32>
    %slice3A_144 = vector.extract_strided_slice %add3A_134 {offsets = [0, 128], sizes = [400, 128], strides = [1, 1]} : vector<400x384xf32> to vector<400x128xf32>
    %slice3A_145 = vector.extract_strided_slice %get3A_115 {offsets = [0, 128], sizes = [400, 128], strides = [1, 1]} : vector<400x384xf32> to vector<400x128xf32>
    %add3A_146 = arith.addf %slice3A_144, %slice3A_145 : vector<400x128xf32>
    %logistic3A_147 = arith.negf %add3A_146 : vector<400x128xf32>
    %logistic3A_148 = math.exp %logistic3A_147 : vector<400x128xf32>
    %logistic3A_149 = arith.constant 1.000000e+00 : f32
    %logistic3A_150 = vector.broadcast %logistic3A_149 : f32 to vector<400x128xf32>
    %logistic3A_151 = arith.addf %logistic3A_150, %logistic3A_148 : vector<400x128xf32>
    %logistic3A_152 = arith.divf %logistic3A_150, %logistic3A_151 : vector<400x128xf32>
    %slice3A_153 = vector.extract_strided_slice %add3A_134 {offsets = [0, 256], sizes = [400, 128], strides = [1, 1]} : vector<400x384xf32> to vector<400x128xf32>
    %slice3A_154 = vector.extract_strided_slice %get3A_115 {offsets = [0, 256], sizes = [400, 128], strides = [1, 1]} : vector<400x384xf32> to vector<400x128xf32>
    %mul3A_155 = arith.mulf %logistic3A_143, %slice3A_154 : vector<400x128xf32>
    %add3A_156 = arith.addf %slice3A_153, %mul3A_155 : vector<400x128xf32>
    %tanh3A_157 = math.tanh %add3A_156 : vector<400x128xf32>
    %sub3A_158 = arith.constant 1.000000e+00 : f32
    %sub3A_159 = vector.broadcast %sub3A_158 : f32 to vector<400x128xf32>
    %sub3A_160 = arith.subf %sub3A_159, %logistic3A_152 : vector<400x128xf32>
    %mul3A_161 = arith.mulf %sub3A_160, %tanh3A_157 : vector<400x128xf32>
    %mul3A_162 = arith.mulf %logistic3A_152, %get3A_120 : vector<400x128xf32>
    %add3A_163 = arith.addf %mul3A_161, %mul3A_162 : vector<400x128xf32>
    %add3A_164 = arith.addf %add3A_107, %add3A_163 : vector<400x128xf32>
    %reduce_sum3A = arith.constant dense<0.000000e+00> : vector<400xf32>
    %reduce_sum3A_165 = vector.multi_reduction <add>, %add3A_164, %reduce_sum3A [1] : vector<400x128xf32> to vector<400xf32>
    %broadcast_in_dim3A_166 = vector.shape_cast %reduce_sum3A_165 : vector<400xf32> to vector<400x1xf32>
    %div3A = arith.constant 1.280000e+02 : f32
    %div3A_167 = vector.broadcast %div3A : f32 to vector<400x1xf32>
    %div3A_168 = arith.divf %broadcast_in_dim3A_166, %div3A_167 : vector<400x1xf32>
    %sub3A_169 = vector.broadcast %div3A_168 : vector<400x1xf32> to vector<400x128xf32>
    %sub3A_170 = arith.subf %add3A_164, %sub3A_169 : vector<400x128xf32>
    %mul3A_171 = arith.mulf %sub3A_170, %sub3A_170 : vector<400x128xf32>
    %reduce_sum3A_172 = arith.constant dense<0.000000e+00> : vector<400xf32>
    %reduce_sum3A_173 = vector.multi_reduction <add>, %mul3A_171, %reduce_sum3A_172 [1] : vector<400x128xf32> to vector<400xf32>
    %broadcast_in_dim3A_174 = vector.shape_cast %reduce_sum3A_173 : vector<400xf32> to vector<400x1xf32>
    %div3A_175 = arith.constant 1.280000e+02 : f32
    %div3A_176 = vector.broadcast %div3A_175 : f32 to vector<400x1xf32>
    %div3A_177 = arith.divf %broadcast_in_dim3A_174, %div3A_176 : vector<400x1xf32>
    %add3A_178 = arith.constant 9.99999974E-6 : f32
    %add3A_179 = vector.broadcast %add3A_178 : f32 to vector<400x1xf32>
    %add3A_180 = arith.addf %div3A_177, %add3A_179 : vector<400x1xf32>
    %rsqrt3A = math.rsqrt %add3A_180 : vector<400x1xf32>
    %mul3A_181 = vector.broadcast %rsqrt3A : vector<400x1xf32> to vector<400x128xf32>
    %mul3A_182 = arith.mulf %sub3A_170, %mul3A_181 : vector<400x128xf32>
    %get3A_183 = arith.constant 0 : index
    %get3A_184 = arith.constant 0 : index
    %get3A_185 = vector.load %arg9[%get3A_183, %get3A_184] : memref<1x128xf32, #tpu.memory_space<vmem>>, vector<1x128xf32>
    %mul3A_186 = vector.broadcast %get3A_185 : vector<1x128xf32> to vector<400x128xf32>
    %mul3A_187 = arith.mulf %mul3A_182, %mul3A_186 : vector<400x128xf32>
    %get3A_188 = arith.constant 0 : index
    %get3A_189 = arith.constant 0 : index
    %get3A_190 = vector.load %arg10[%get3A_188, %get3A_189] : memref<1x128xf32, #tpu.memory_space<vmem>>, vector<1x128xf32>
    %add3A_191 = vector.broadcast %get3A_190 : vector<1x128xf32> to vector<400x128xf32>
    %add3A_192 = arith.addf %mul3A_187, %add3A_191 : vector<400x128xf32>
    %ge3A = arith.constant 0.000000e+00 : f32
    %ge3A_193 = vector.broadcast %ge3A : f32 to vector<400x128xf32>
    %ge3A_194 = arith.cmpf oge, %add3A_192, %ge3A_193 : vector<400x128xf32>
    %mul3A_195 = arith.constant 1.000000e-01 : f32
    %mul3A_196 = vector.broadcast %mul3A_195 : f32 to vector<400x128xf32>
    %mul3A_197 = arith.mulf %mul3A_196, %add3A_192 : vector<400x128xf32>
    %select_n3A = arith.select %ge3A_194, %add3A_192, %mul3A_197 : vector<400x128xi1>, vector<400x128xf32>
    %swap3A = arith.constant 0 : index
    %swap3A_198 = arith.constant 0 : index
    %swap3A_199 = vector.load %arg11[%swap3A, %swap3A_198] : memref<400x128xf32, #tpu.memory_space<vmem>>, vector<400x128xf32>
    tpu.vector_store %arg11[%swap3A, %swap3A_198], %select_n3A {strides = array<i32>} : memref<400x128xf32, #tpu.memory_space<vmem>>, vector<400x128xf32>,
    return
  }
  func.func @transform_0(%arg0: i32) -> (i32, i32) {
    %add3A = arith.constant 0 : i32
    %add3A_0 = arith.addi %add3A, %arg0 : i32
    %c0_i32 = arith.constant 0 : i32
    %c0_i32_1 = arith.constant 0 : i32
    return %add3A_0, %c0_i32 : i32, i32
  }
  func.func @transform_1(%arg0: i32) -> (i32, i32) {
    %add3A = arith.constant 25 : i32
    %add3A_0 = arith.addi %add3A, %arg0 : i32
    %c0_i32 = arith.constant 0 : i32
    %c0_i32_1 = arith.constant 0 : i32
    return %add3A_0, %c0_i32 : i32, i32
  }
  func.func @transform_2(%arg0: i32) -> (i32, i32) {
    %add3A = arith.constant 50 : i32
    %add3A_0 = arith.addi %add3A, %arg0 : i32
    %c0_i32 = arith.constant 0 : i32
    %c0_i32_1 = arith.constant 0 : i32
    return %add3A_0, %c0_i32 : i32, i32
  }
  func.func @transform_3(%arg0: i32) -> (i32, i32, i32) {
    %c0_i32 = arith.constant 0 : i32
    %c0_i32_0 = arith.constant 0 : i32
    %c0_i32_1 = arith.constant 0 : i32
    return %c0_i32, %arg0, %c0_i32_0 : i32, i32, i32
  }
  func.func @transform_4(%arg0: i32) -> (i32, i32, i32) {
    %c0_i32 = arith.constant 0 : i32
    %c0_i32_0 = arith.constant 0 : i32
    %c0_i32_1 = arith.constant 0 : i32
    return %c0_i32, %arg0, %c0_i32_0 : i32, i32, i32
  }
  func.func @transform_5(%arg0: i32) -> (i32, i32) {
    %c0_i32 = arith.constant 0 : i32
    %c0_i32_0 = arith.constant 0 : i32
    return %arg0, %c0_i32 : i32, i32
  }
  func.func @transform_6(%arg0: i32) -> (i32, i32, i32) {
    %c0_i32 = arith.constant 0 : i32
    %c0_i32_0 = arith.constant 0 : i32
    %c0_i32_1 = arith.constant 0 : i32
    %c0_i32_2 = arith.constant 0 : i32
    return %c0_i32, %c0_i32_0, %c0_i32_1 : i32, i32, i32
  }
  func.func @transform_7(%arg0: i32) -> (i32, i32) {
    %c0_i32 = arith.constant 0 : i32
    %c0_i32_0 = arith.constant 0 : i32
    %c0_i32_1 = arith.constant 0 : i32
    return %c0_i32, %c0_i32_0 : i32, i32
  }
  func.func @transform_8(%arg0: i32) -> (i32, i32) {
    %c0_i32 = arith.constant 0 : i32
    %c0_i32_0 = arith.constant 0 : i32
    %c0_i32_1 = arith.constant 0 : i32
    return %c0_i32, %c0_i32_0 : i32, i32
  }
  func.func @transform_9(%arg0: i32) -> (i32, i32) {
    %c0_i32 = arith.constant 0 : i32
    %c0_i32_0 = arith.constant 0 : i32
    %c0_i32_1 = arith.constant 0 : i32
    return %c0_i32, %c0_i32_0 : i32, i32
  }
  func.func @transform_10(%arg0: i32) -> (i32, i32) {
    %c0_i32 = arith.constant 0 : i32
    %c0_i32_0 = arith.constant 0 : i32
    return %arg0, %c0_i32 : i32, i32
  }
}

</mosaic_0001>

<sc_bundles>
// kernel: kernel.12.cloned.1.call-start
scs
__scs_entry_jumppad:
0x0: {  	(pc) =	sbr.rel $0x88, $3  }
0x1: {  	(tag) =	ssettag $0x0;
	lr =	simm.s32 $0x1  }
0x2: {  	[smem:$0x3F97] =	sst lr;
	_ =	strace $0xD0000000  }
0x3: {  	_ = 	snop  }
0x4: {  	_ = 	snop  }
0x5: {  	_ = 	snop  }
0x6: {  	_ = 	snop  }
0x7: {  	_ = 	snop  }
__scs_overlays_trampoline_lowered:
0x8: {  	[smem:$0x3FA6] =	sst s0  }
0x9: {  	[smem:$0x3FA7] =	sst s1  }
0xa: {  	[smem:$0x3FA8] =	sst s2  }
0xb: {  	[smem:$0x3FA9] =	sst s3  }
0xc: {  	[smem:$0x3FAA] =	sst s4  }
0xd: {  	[smem:$0x3FAB] =	sst s5  }
0xe: {  	[smem:$0x3FAC] =	sst s6  }
0xf: {  	[smem:$0x3FAD] =	sst s7  }
0x10: {  	[smem:$0x3FAE] =	sst s8  }
0x11: {  	[smem:$0x3FAF] =	sst s9;
	s0 =	simm.s32 @!p0 $0x0  }
0x12: {  	s1 =	sld [smem:$0x3F95];
	s0 =	simm.s32 @p0 $0x1  }
0x13: {  	[smem:$0x3FB0] =	sst s0;
	s0 =	simm.s32 @!p1 $0x0  }
0x14: {  	s2 =	sld [smem:$0x3F94];
	s0 =	simm.s32 @p1 $0x1  }
0x15: {  	[smem:$0x3FB1] =	sst s0;
	s0 =	simm.s32 @!p2 $0x0  }
0x16: {  	s3 =	sld [smem:$0x3FDB];
	s0 =	simm.s32 @p2 $0x1  }
0x17: {  	s4 =	simm.s32 $0x1BF5;
	[smem:$0x3FB3] =	sst s0  }
0x18: {  	s0 =	sld [smem:$0x3F96];
	_ =	swait.ge [sflag:s4], $0x0  }
0x19: {  	s7 =	sld [smem:$0x3F97]  }
0x1a: {  	s8 =	sadd.s32 $0xFFFFE003, lr  }
0x1b: {  	s9 =	sadd.s32 $0xFFFFFEF7, lr;
	s5 =	simm.s32 $0xFFFFFFFF;
	p2 =	slt.u32 s8, $0xFFFFF086  }
0x1c: {  	p1 =	slt.u32 s9, $0xF7A;
	s5 =	simm.s32 @!p2 $0x0  }
0x1d: {  	s5 =	simm.s32 @p1 $0x1;
	p0 =	seq.s32 s7, s2  }
0x1e: {  	s7 =	smul.u32 @!p0 $0xF7A, s2;
	p2 =	seq.s32 @!p0 s5, $0x0  }
0x1f: {  	s9 =	smul.u32 $0xF7A, s1;
	s8 =	simm.s32 @!p0 $0x1BF5;
	p2 =	por !p2, p0  }
0x20: {  	[sflag:s8] =	ssyncset.s32 @!p0 $0xFFFFF086;
	s6 =	sadd.s32 @!p0 s3, s7;
	s7 =	simm.s32 @!p0 $0x108  }
0x21: {  	s3 =	sadd.s32 s3, s9;
	s6 =	sadd.s32 @!p0 $0x88, s6;
	s7 =	simm.s32 @p2 $0x1082  }
0x22: {  	[simem:s7], [sflag:s8] =	dma.local @!p0 [hbm:s6], $0xF7A  }
0x23: {  	s9 =	sor.u32 $0xD0000000, s2;
	s6 =	simm.s32 $0x108;
	_ =	swait.ge @!p0 [sflag:s8], $0x0  }
0x24: {  	s3 =	sadd.s32 $0x88, s3;
	s6 =	simm.s32 @!p1 $0x1082;
	[sflag:s4] =	ssyncset.s32 $0xFFFFF086  }
0x25: {  	[simem:s6], [sflag:s4] =	dma.local [hbm:s3], $0xF7A  }
0x26: {  	[smem:$0x3F97] =	sst s1;
	(tag) =	ssettag s2;
	_ =	strace s9  }
0x27: {  	s1 =	sld [smem:$0x3FA7]  }
0x28: {  	s2 =	sld [smem:$0x3FA8]  }
0x29: {  	s4 =	sld [smem:$0x3FAA]  }
0x2a: {  	p0 =	seq.s32 s5, $0x0;
	s5 =	sld [smem:$0x3FAB]  }
0x2b: {  	s6 =	sld [smem:$0x3FAC]  }
0x2c: {  	s7 =	sld [smem:$0x3FAD]  }
0x2d: {  	s3 =	simm.s32 $0x108;
	s8 =	sld [smem:$0x3FAE]  }
0x2e: {  	s3 =	simm.s32 @!p0 $0x1082;
	s9 =	sld [smem:$0x3FAF]  }
0x2f: {  	lr =	sadd.s32 s0, s3;
	s0 =	sld [smem:$0x3FA6]  }
0x30: {  	s3 =	sld [smem:$0x3FA9]  }
0x31: {  	[smem:$0x3FB2] =	sst s10  }
0x32: {  	s10 =	sld [smem:$0x3FB0];
	_ =	sdelay $0x3  }
0x33: {  	p0 =	seq.s32 s10, $0x1;
	s10 =	sld [smem:$0x3FB2];
	_ =	sdelay $0x3  }
0x34: {  	[smem:$0x3FB2] =	sst s10  }
0x35: {  	s10 =	sld [smem:$0x3FB1];
	_ =	sdelay $0x3  }
0x36: {  	p1 =	seq.s32 s10, $0x1;
	s10 =	sld [smem:$0x3FB2];
	_ =	sdelay $0x3  }
0x37: {  	[smem:$0x3FB2] =	sst s10  }
0x38: {  	s10 =	sld [smem:$0x3FB3]  }
0x39: {  	_ = 	snop;
	(pc) =	sbr.ind lr, $3  }
0x3a: {  	_ = 	snop  }
0x3b: {  	_ = 	snop  }
0x3c: {  	p2 =	seq.s32 s10, $0x1;
	s10 =	sld [smem:$0x3FB2]  }
0x3d: {  	_ =	shalt  }
0x3e: {  	_ =	shalt  }
0x3f: {  	_ =	shalt  }
0x40: {  	_ =	shalt  }
0x41: {  	_ =	shalt  }
0x42: {  	_ =	shalt  }
0x43: {  	_ =	shalt  }
0x44: {  	_ =	shalt  }
0x45: {  	_ =	shalt  }
0x46: {  	_ =	shalt  }
0x47: {  	_ =	shalt  }
0x48: {  	_ =	shalt  }
0x49: {  	_ =	shalt  }
0x4a: {  	_ =	shalt  }
0x4b: {  	_ =	shalt  }
0x4c: {  	_ =	shalt  }
0x4d: {  	_ =	shalt  }
0x4e: {  	_ =	shalt  }
0x4f: {  	_ =	shalt  }
0x50: {  	_ =	shalt  }
0x51: {  	_ =	shalt  }
0x52: {  	_ =	shalt  }
0x53: {  	_ =	shalt  }
0x54: {  	_ =	shalt  }
0x55: {  	_ =	shalt  }
0x56: {  	_ =	shalt  }
0x57: {  	_ =	shalt  }
0x58: {  	_ =	shalt  }
0x59: {  	_ =	shalt  }
0x5a: {  	_ =	shalt  }
0x5b: {  	_ =	shalt  }
0x5c: {  	_ =	shalt  }
0x5d: {  	_ =	shalt  }
0x5e: {  	_ =	shalt  }
0x5f: {  	_ =	shalt  }
0x60: {  	_ =	shalt  }
0x61: {  	_ =	shalt  }
0x62: {  	_ =	shalt  }
0x63: {  	_ =	shalt  }
0x64: {  	_ =	shalt  }
0x65: {  	_ =	shalt  }
0x66: {  	_ =	shalt  }
0x67: {  	_ =	shalt  }
0x68: {  	_ =	shalt  }
0x69: {  	_ =	shalt  }
0x6a: {  	_ =	shalt  }
0x6b: {  	_ =	shalt  }
0x6c: {  	_ =	shalt  }
0x6d: {  	_ =	shalt  }
0x6e: {  	_ =	shalt  }
0x6f: {  	_ =	shalt  }
0x70: {  	_ =	shalt  }
0x71: {  	_ =	shalt  }
0x72: {  	_ =	shalt  }
0x73: {  	_ =	shalt  }
0x74: {  	_ =	shalt  }
0x75: {  	_ =	shalt  }
0x76: {  	_ =	shalt  }
0x77: {  	_ =	shalt  }
0x78: {  	_ =	shalt  }
0x79: {  	_ =	shalt  }
0x7a: {  	_ =	shalt  }
0x7b: {  	_ =	shalt  }
0x7c: {  	_ =	shalt  }
0x7d: {  	_ =	shalt  }
0x7e: {  	_ =	shalt  }
0x7f: {  	_ =	shalt  }
0x80: {  	_ =	shalt  }
0x81: {  	_ =	shalt  }
0x82: {  	_ =	shalt  }
0x83: {  	_ =	shalt  }
0x84: {  	_ =	shalt  }
0x85: {  	_ =	shalt  }
0x86: {  	_ =	shalt  }
0x87: {  	_ =	shalt  }
.Lfunc_end0:
.L_simem_size_0:
called_computation.1_lowered:
.L_overlay_start_0:
0x88: {  	s2 =	sld [smem:$0x3FD9]  }
0x89: {  	s3 =	sld [smem:$0x3FFE];
	_ =	sdelay $0x1  }
0x8a: {  	s1 =	srdreg.scid  }
0x8b: {  	s0 =	sand.u32 $0x1, s1  }
0x8c: {  	s17 =	sshll.u32 s0, $0xA;
	s2 =	sadd.s32 s3, s2  }
0x8d: {  	s2 =	sadd.s32 s2, s17  }
0x8e: {  	[smem:$0x3FBE] =	sst s2  }
0x8f: {  	_ = 	snop  }
0x90: {  	s2 =	sld [smem:$0x3FD0];
	(tm) =	ssettm $0x1  }
0x91: {  	s18 =	sld [smem:$0x3FFB];
	_ =	sdelay $0x3  }
0x92: {  	_ =	strace s18  }
0x93: {  	s3 =	sld [smem:$0x3FFC];
	_ =	sdelay $0x3  }
0x94: {  	_ =	strace s3  }
0x95: {  	s3 =	sld [smem:$0x3FFD];
	_ =	sdelay $0x3  }
0x96: {  	_ =	strace s3  }
0x97: {  	_ =	strace $0x8FFFFFFF  }
0x98: {  	s19 =	sld [smem:$0x3FDB];
	_ =	sdelay $0x1  }
0x99: {  	s4 =	simm.s32 $_scs_section_size  }
0x9a: {  	s5 =	simm.s32 $_size__tile_overlayer_lowered;
	s6 =	simm.s32 $_tile_overlayer_lowered  }
0x9b: {  	s22 =	simm.s32 $0x1BFF;
	s21 =	sshll.u32 s6, $0x1;
	s3 =	sadd.s32 s4, s19  }
0x9c: {  	s7 =	simm.s32 $0x0;
	s20 =	sshll.u32 s5, $0x1;
	s5 =	sadd.s32 s21, s3  }
0x9d: {  	[timem:s7], [sflag:s22] =	dma.local [hbm:s5], s20  }
0x9e: {  	_ =	swait.ge [sflag:s22], s20  }
0x9f: {  	s4 =	ssub.s32 $0x0, s20;
	[sflag:s22] =	ssyncset.done $0x0  }
0xa0: {  	[sflag:s22] =	ssyncadd.s32 s4;
	_ =	sdelay $0x1  }
0xa1: {  	s23 =	simm.s32 $0x1B8B  }
0xa2: {  	_ =	swait.ge [sflag:s23], $0x1  }
0xa3: {  	[sflag:s23] =	ssyncset.done $0x0  }
0xa4: {  	s25 =	simm.s32 $0x1B8E;
	s24 =	sld [smem:$0x3FFE];
	[sflag:s23] =	ssyncadd.s32 $0xFFFFFFFF  }
0xa5: {  	s26 =	simm.s32 $execute0_lowered;
	[smem:$0x3FD2] =	sst s25  }
0xa6: {  	s5 =	sshll.u32 s26, $0x1;
	_ =	strace $0x80000049;
	[dreg:$0x1] =	wrdreg $0xFFFFFFFF  }
0xa7: {  	s28 =	simm.s32 $_size_execute0_lowered;
	s3 =	sadd.s32 s3, s5;
	[dreg:$0x0] =	wrdreg $0x0  }
0xa8: {  	s5 =	sshll.u32 s28, $0x1;
	[dreg:$0x2] =	wrdreg s3  }
0xa9: {  	[dreg:$0x3] =	wrdreg s5  }
0xaa: {  	[dreg:$0x4] =	wrdreg $0xC0  }
0xab: {  	_ =	task [dreg:s7], $0x5FFFF  }
0xac: {  	[dreg:$0x1] =	wrdreg $0xFFFFFFFF  }
0xad: {  	[dreg:$0x0] =	wrdreg $0x60  }
0xae: {  	[dreg:$0x2] =	wrdreg s24  }
0xaf: {  	[dreg:$0x3] =	wrdreg s2  }
0xb0: {  	[dreg:$0x4] =	wrdreg $0x28800  }
0xb1: {  	[dreg:$0x5] =	wrdreg $0x9  }
0xb2: {  	_ =	task.clear_ibuf [dreg:s7], $0x6FFFF;
	_ =	strace $0x90000049  }
0xb3: {  	s29 =	simm.s32 $0x9;
	_ =	strace $0x8000004B  }
0xb4: {  	_ =	swait.ge [sflag:s29], $0x1  }
0xb5: {  	[sflag:s29] =	ssyncadd.s32 $0xFFFFFFFF  }
0xb6: {  	_ =	strace $0x9000004B  }
0xb7: {  	_ =	sfence  }
0xb8: {  	s30 =	sld [smem:$0x0];
	_ =	sdelay $0x2  }
0xb9: {  	s31 =	sshll.u32 s1, $0xD;
	s1 =	sshrl.u32 s1, $0x2  }
0xba: {  	s3 =	sand.u32 $0x4000, s31;
	s1 =	sadd.s32 s1, s30  }
0xbb: {  	s0 =	sor.u32 s3, s0;
	s1 =	sshll.u32 s1, $0x11  }
0xbc: {  	s0 =	sor.u32 s1, s0  }
0xbd: {  	s0 =	sadd.s32 $0x8F2B, s0  }
0xbe: {  	[sflag:s0] =	ssyncadd.remote.s32 $0x1  }
0xbf: {  	_ =	sfence.sel $0xFFFF  }
0xc0: {  	[dreg:$0x0] =	wrdreg $0xFFFFFFFF;
	(pc) =	sbr.abs _section_cstart, $3  }
0xc1: {  	[dreg:$0x1] =	wrdreg $0xFFFFFFFF  }
0xc2: {  	_ =	task.clear_ibuf [dreg:s7], $0x2FFFF;
	_ =	strace $0x9FFFFFFF  }
0xc3: {  	(tm) =	ssettm $0x7FFFFFFF  }
tec
execute0_lowered:
.L_overlay_start_1:
0x0: {  	(tag) =	ssettag $0x1  }
0x1: {  	s0 =	rddreg [dreg:$0x0]  }
0x2: {  	s3 =	rddreg [dreg:$0x1]  }
0x3: {  	s1 =	rddreg [dreg:$0x2]  }
0x4: {  	s2 =	simm.s32 $0x0;
	s5 =	srdreg.scid;
	s13 =	stileid.u32  }
0x5: {  	s14 =	simm.s32 $0x280;
	s28 =	simm.s32 $0x5;
	s29 =	simm.s32 $0x4  }
0x6: {  	s30 =	simm.s32 $0x840;
	s31 =	simm.s32 $0x6;
	[smem:$0x7FF] =	sst s2  }
0x7: {  	s4 =	sadd.s32 $0x16400, s0;
	s7 =	sadd.s32 $0xC200, s0;
	s6 =	smul.u32 $0x3AA00, s13  }
0x8: {  	s5 =	sand.u32 $0x1, s5;
	s8 =	sadd.s32 $0x2000, s0;
	s10 =	smul.u32 $0x75400, s13  }
0x9: {  	s9 =	sadd.s32 $0x8B800, s0;
	s12 =	smul.u32 $0x5000, s13;
	s18 =	sshll.u32 s13, $0x6  }
0xa: {  	s20 =	smul.u32 $0xA00, s13;
	s13 =	simm.s32 $0x7;
	_ =	strace $0x8000004A  }
0xb: {  	[dreg:$0x7] =	wrdreg s9;
	s15 =	sshll.u32 s5, $0x6;
	s16 =	ssub.s32 $0x2, s5  }
0xc: {  	s6 =	sor.u32 s15, s6;
	s11 =	sshrl.u32 s16, $0x1;
	s17 =	sshrl.u32 s10, $0x2  }
0xd: {  	s19 =	sshrl.u32 s12, $0x3;
	s25 =	sadd.s32 s20, s7;
	s26 =	sadd.s32 s20, s3  }
0xe: {  	s15 =	simm.s32 $0x500;
	s6 =	sshrl.u32 s6, $0x3;
	s9 =	ssub.s32 s16, s11  }
0xf: {  	s21 =	sadd.s32 s17, s1;
	s22 =	sadd.s32 s3, s19;
	s23 =	sadd.s32 s7, s19  }
0x10: {  	s24 =	sadd.s32 s8, s19;
	s8 =	sadd.s32 s20, s8;
	[dreg:$0x5] =	wrdreg s25  }
0x11: {  	[dreg:$0x6] =	wrdreg s26;
	s16 =	simm.s32 $0x1;
	s17 =	simm.s32 $0x140  }
0x12: {  	s19 =	simm.s32 $0x640;
	s20 =	simm.s32 $0x40;
	[dreg:$0x8] =	wrdreg s22  }
0x13: {  	s25 =	simm.s32 $0x7C0;
	s26 =	simm.s32 $0x1880;
	[dreg:$0x9] =	wrdreg s23  }
0x14: {  	s3 =	simm.s32 $0x0;
	s0 =	sadd.s32 s6, s0;
	[dreg:$0xa] =	wrdreg s24  }
0x15: {  	s6 =	sor.u32 $0x1C07, s18;
	[dreg:$0x4] =	wrdreg s8;
	s11 =	smax.u32 s9, $0x1  }
0x16: {  	s12 =	sshrl.u32 s21, $0x3;
	s18 =	simm.s32 $0x3C0;
	s21 =	simm.s32 $0x780  }
0x17: {  	s22 =	simm.s32 $0x880;
	s23 =	simm.s32 $0x3;
	s0 =	sadd.s32 $0x104800, s0  }
0x18: {  	v0 =	vmov s5;
	s24 =	simm.s32 $0x800;
	[dreg:$0xb] =	wrdreg s0;
	s0 =	simm.s32 $0x2  }
.LBB2_1:
0x19: {  	s5 =	rddreg [dreg:$0x7]  }
0x1a: {  	[spmem:s12], [sflag:s6] =	dma.local [hbm:s5], $0x3AA0  }
0x1b: {  	_ =	swait.ge [sflag:s13], $0x3AA0  }
0x1c: {  	[sflag:s13] =	ssyncset.done $0x0  }
0x1d: {  	[sflag:s13] =	ssyncadd.s32 $0xFFFFC560  }
0x1e: {  	[bflag:$0x0] =	sbarrier.arrive $0xFFFF  }
0x1f: {  	s8 =	rddreg [dreg:$0x8]  }
0x20: {  	[tilespmem:s2], [sflag:$0x1] =	stream.linear.gather [hbm4b:s8+s2], $0x140, $0x38;
	[tilespmem:$0x1FD80] =	vst v63  }
0x21: {  	s9 =	rddreg [dreg:$0x9]  }
0x22: {  	[tilespmem:s14], [sflag:$0x1] =	stream.linear.gather [hbm4b:s9+s2], $0x140, $0x38;
	[tilespmem:$0x1FD80] =	vst v63  }
0x23: {  	s5 =	simm.s32 $0x0;
	s10 =	rddreg [dreg:$0xa]  }
0x24: {  	[tilespmem:s15], [sflag:$0x1] =	stream.linear.gather [hbm4b:s10+s2], $0x140, $0x38;
	[tilespmem:$0x1FD80] =	vst v63  }
.LBB2_2:
0x25: {  	_ =	swait.ge [sflag:s16], $0x140  }
0x26: {  	[sflag:s16] =	ssyncset.done $0x0  }
0x27: {  	[sflag:s16] =	ssyncadd.s32 $0xFFFFFEC0  }
0x28: {  	_ =	swait.ge [sflag:s16], $0x140  }
0x29: {  	[sflag:s16] =	ssyncset.done $0x0  }
0x2a: {  	[sflag:s16] =	ssyncadd.s32 $0xFFFFFEC0  }
0x2b: {  	_ =	swait.ge [sflag:s16], $0x140  }
0x2c: {  	s7 =	rddreg [dreg:$0x6]  }
0x2d: {  	[sflag:s16] =	ssyncset.done $0x0;
	s7 =	sadd.s32 s5, s7  }
0x2e: {  	s8 =	rddreg [dreg:$0x5];
	[sflag:s16] =	ssyncadd.s32 $0xFFFFFEC0;
	s9 =	sadd.s32 $0x28, s7  }
0x2f: {  	[tilespmem:s17], [sflag:$0x2] =	stream.linear.gather [hbm4b:s9+s2], $0x140, $0x38;
	[tilespmem:$0x1FD80] =	vst v63  }
0x30: {  	s8 =	sadd.s32 s5, s8;
	s9 =	rddreg [dreg:$0x4]  }
0x31: {  	s10 =	sadd.s32 $0x28, s8;
	s9 =	sadd.s32 s5, s9  }
0x32: {  	[tilespmem:s18], [sflag:$0x2] =	stream.linear.gather [hbm4b:s10+s2], $0x140, $0x38;
	[tilespmem:$0x1FD80] =	vst v63  }
0x33: {  	s10 =	sadd.s32 $0x28, s9  }
0x34: {  	[tilespmem:s19], [sflag:$0x2] =	stream.linear.gather [hbm4b:s10+s2], $0x140, $0x38;
	[tilespmem:$0x1FD80] =	vst v63  }
0x35: {  	v1 =	vld [tilespmem:$0x500]  }
0x36: {  	v2 =	vld [tilespmem:$0x0]  }
0x37: {  	v3 =	vld [tilespmem:$0x280]  }
0x38: {  	v4 =	vld [tilespmem:$0x510]  }
0x39: {  	v5 =	vld [tilespmem:$0x10]  }
0x3a: {  	v6 =	vld [tilespmem:$0x520]  }
0x3b: {  	v7 =	vld [tilespmem:$0x20];
	v1 =	vmul.u32 $0x2710, v1  }
0x3c: {  	v8 =	vld [tilespmem:$0x530]  }
0x3d: {  	v9 =	vld [tilespmem:$0x290];
	v4 =	vmul.u32 $0x2710, v4;
	v2 =	vadd.s32 v2, v1  }
0x3e: {  	v10 =	vld [tilespmem:$0x30];
	v2 =	vshll.u32 v2, $0x1  }
0x3f: {  	v11 =	vld [tilespmem:$0x2A0];
	v6 =	vmul.u32 $0x2710, v6;
	v5 =	vadd.s32 v5, v4;
	v2 =	vor.u32 v0, v2  }
0x40: {  	v1 =	vadd.s32 v1, v3;
	[tilespmem:$0x780] =	vst v2;
	v2 =	vshll.u32 v5, $0x1  }
0x41: {  	v34 =	vld [tilespmem:$0x2B0];
	v3 =	vmul.u32 $0x2710, v8;
	[tilespmem:$0x800] =	vst v1;
	v1 =	vor.u32 v0, v2;
	v2 =	vadd.s32 v7, v6  }
0x42: {  	[tilespmem:$0x790] =	vst v1;
	v1 =	vadd.s32 v4, v9;
	v2 =	vshll.u32 v2, $0x1  }
0x43: {  	[tilespmem:$0x810] =	vst v1;
	v1 =	vor.u32 v0, v2;
	v2 =	vadd.s32 v10, v3  }
0x44: {  	[tilespmem:$0x7A0] =	vst v1;
	v1 =	vadd.s32 v6, v11;
	v2 =	vshll.u32 v2, $0x1  }
0x45: {  	[tilespmem:$0x820] =	vst v1;
	v1 =	vor.u32 v0, v2  }
0x46: {  	[tilespmem:$0x7B0] =	vst v1;
	v1 =	vadd.s32 v3, v34  }
0x47: {  	[tilespmem:$0x830] =	vst v1  }
0x48: {  	[tilespmem:s22], [sflag:$0x3] =	stream.indirect.gather [hbm4b:s4+s20], $0x40, s21, s20, $0xb8;
	[tilespmem:$0x1FD80] =	vst v63  }
0x49: {  	v1 =	vld [tilespmem:$0x540]  }
0x4a: {  	v2 =	vld [tilespmem:$0x40]  }
0x4b: {  	v3 =	vld [tilespmem:$0x2C0]  }
0x4c: {  	v35 =	vld [tilespmem:$0x550]  }
0x4d: {  	v36 =	vld [tilespmem:$0x50]  }
0x4e: {  	v37 =	vld [tilespmem:$0x560]  }
0x4f: {  	v38 =	vld [tilespmem:$0x60];
	v1 =	vmul.u32 $0x2710, v1  }
0x50: {  	v39 =	vld [tilespmem:$0x570]  }
0x51: {  	v40 =	vld [tilespmem:$0x2D0];
	v4 =	vmul.u32 $0x2710, v35;
	v2 =	vadd.s32 v2, v1  }
0x52: {  	v41 =	vld [tilespmem:$0x70];
	v2 =	vshll.u32 v2, $0x1  }
0x53: {  	v42 =	vld [tilespmem:$0x2E0];
	v6 =	vmul.u32 $0x2710, v37;
	v5 =	vadd.s32 v36, v4;
	v2 =	vor.u32 v0, v2  }
0x54: {  	v1 =	vadd.s32 v1, v3;
	[tilespmem:$0x7C0] =	vst v2;
	v2 =	vshll.u32 v5, $0x1  }
0x55: {  	v43 =	vld [tilespmem:$0x2F0];
	v3 =	vmul.u32 $0x2710, v39;
	[tilespmem:$0x840] =	vst v1;
	v1 =	vor.u32 v0, v2;
	v2 =	vadd.s32 v38, v6  }
0x56: {  	[tilespmem:$0x7D0] =	vst v1;
	v1 =	vadd.s32 v4, v40;
	v2 =	vshll.u32 v2, $0x1  }
0x57: {  	[tilespmem:$0x850] =	vst v1;
	v1 =	vor.u32 v0, v2;
	v2 =	vadd.s32 v41, v3  }
0x58: {  	[tilespmem:$0x7E0] =	vst v1;
	v1 =	vadd.s32 v6, v42;
	v2 =	vshll.u32 v2, $0x1  }
0x59: {  	[tilespmem:$0x860] =	vst v1;
	v1 =	vor.u32 v0, v2  }
0x5a: {  	[tilespmem:$0x7F0] =	vst v1;
	v1 =	vadd.s32 v3, v43  }
0x5b: {  	[tilespmem:$0x870] =	vst v1  }
0x5c: {  	_ =	swait.ge [sflag:s23], $0x1000  }
0x5d: {  	[sflag:s23] =	ssyncset.done $0x0  }
0x5e: {  	[sflag:s23] =	ssyncadd.s32 $0xFFFFF000  }
0x5f: {  	[spmem:s1] =	stream.indirect.scatter.add.f32 [tilespmem:s22], [sflag:$0x5], $0x40, s24, s20, $0xb8;
	[tilespmem:$0x1FD80] =	vst v63  }
0x60: {  	_ = 	snop  }
0x61: {  	[tilespmem:s26], [sflag:$0x4] =	stream.indirect.gather [hbm4b:s4+s20], $0x40, s25, s20, $0xb8;
	[tilespmem:$0x1FD80] =	vst v63  }
0x62: {  	_ =	swait.ge [sflag:s28], $0x1000  }
0x63: {  	[sflag:s28] =	ssyncset.done $0x0  }
0x64: {  	[sflag:s28] =	ssyncadd.s32 $0xFFFFF000  }
0x65: {  	v1 =	vld [tilespmem:$0x580]  }
0x66: {  	v2 =	vld [tilespmem:$0x80]  }
0x67: {  	v3 =	vld [tilespmem:$0x300]  }
0x68: {  	v44 =	vld [tilespmem:$0x590]  }
0x69: {  	v45 =	vld [tilespmem:$0x90]  }
0x6a: {  	v46 =	vld [tilespmem:$0x5A0]  }
0x6b: {  	v47 =	vld [tilespmem:$0xA0];
	v1 =	vmul.u32 $0x2710, v1  }
0x6c: {  	v48 =	vld [tilespmem:$0x5B0]  }
0x6d: {  	v49 =	vld [tilespmem:$0x310];
	v4 =	vmul.u32 $0x2710, v44;
	v2 =	vadd.s32 v2, v1  }
0x6e: {  	v50 =	vld [tilespmem:$0xB0];
	v2 =	vshll.u32 v2, $0x1  }
0x6f: {  	v51 =	vld [tilespmem:$0x320];
	v6 =	vmul.u32 $0x2710, v46;
	v5 =	vadd.s32 v45, v4;
	v2 =	vor.u32 v0, v2  }
0x70: {  	v1 =	vadd.s32 v1, v3;
	[tilespmem:$0x780] =	vst v2;
	v2 =	vshll.u32 v5, $0x1  }
0x71: {  	v52 =	vld [tilespmem:$0x330];
	v3 =	vmul.u32 $0x2710, v48;
	[tilespmem:$0x800] =	vst v1;
	v1 =	vor.u32 v0, v2;
	v2 =	vadd.s32 v47, v6  }
0x72: {  	[tilespmem:$0x790] =	vst v1;
	v1 =	vadd.s32 v4, v49;
	v2 =	vshll.u32 v2, $0x1  }
0x73: {  	[tilespmem:$0x810] =	vst v1;
	v1 =	vor.u32 v0, v2;
	v2 =	vadd.s32 v50, v3  }
0x74: {  	[tilespmem:$0x7A0] =	vst v1;
	v1 =	vadd.s32 v6, v51;
	v2 =	vshll.u32 v2, $0x1  }
0x75: {  	[tilespmem:$0x820] =	vst v1;
	v1 =	vor.u32 v0, v2  }
0x76: {  	[tilespmem:$0x7B0] =	vst v1;
	v1 =	vadd.s32 v3, v52  }
0x77: {  	[tilespmem:$0x830] =	vst v1  }
0x78: {  	_ =	swait.ge [sflag:s29], $0x1000  }
0x79: {  	[sflag:s29] =	ssyncset.done $0x0  }
0x7a: {  	[sflag:s29] =	ssyncadd.s32 $0xFFFFF000  }
0x7b: {  	[spmem:s1] =	stream.indirect.scatter.add.f32 [tilespmem:s26], [sflag:$0x6], $0x40, s30, s20, $0xb8;
	[tilespmem:$0x1FD80] =	vst v63  }
0x7c: {  	_ = 	snop  }
0x7d: {  	[tilespmem:s22], [sflag:$0x3] =	stream.indirect.gather [hbm4b:s4+s20], $0x40, s21, s20, $0xb8;
	[tilespmem:$0x1FD80] =	vst v63  }
0x7e: {  	_ =	swait.ge [sflag:s31], $0x1000  }
0x7f: {  	[sflag:s31] =	ssyncset.done $0x0  }
0x80: {  	[sflag:s31] =	ssyncadd.s32 $0xFFFFF000  }
0x81: {  	v1 =	vld [tilespmem:$0x5C0]  }
0x82: {  	v2 =	vld [tilespmem:$0xC0]  }
0x83: {  	v3 =	vld [tilespmem:$0x340]  }
0x84: {  	v53 =	vld [tilespmem:$0x5D0]  }
0x85: {  	v54 =	vld [tilespmem:$0xD0]  }
0x86: {  	v55 =	vld [tilespmem:$0x5E0]  }
0x87: {  	v56 =	vld [tilespmem:$0xE0];
	v1 =	vmul.u32 $0x2710, v1  }
0x88: {  	v57 =	vld [tilespmem:$0x5F0]  }
0x89: {  	v58 =	vld [tilespmem:$0x350];
	v4 =	vmul.u32 $0x2710, v53;
	v2 =	vadd.s32 v2, v1  }
0x8a: {  	v59 =	vld [tilespmem:$0xF0];
	v2 =	vshll.u32 v2, $0x1  }
0x8b: {  	v60 =	vld [tilespmem:$0x360];
	v6 =	vmul.u32 $0x2710, v55;
	v5 =	vadd.s32 v54, v4;
	v2 =	vor.u32 v0, v2  }
0x8c: {  	v1 =	vadd.s32 v1, v3;
	[tilespmem:$0x7C0] =	vst v2;
	v2 =	vshll.u32 v5, $0x1  }
0x8d: {  	v61 =	vld [tilespmem:$0x370];
	v3 =	vmul.u32 $0x2710, v57;
	[tilespmem:$0x840] =	vst v1;
	v1 =	vor.u32 v0, v2;
	v2 =	vadd.s32 v56, v6  }
0x8e: {  	[tilespmem:$0x7D0] =	vst v1;
	v1 =	vadd.s32 v4, v58;
	v2 =	vshll.u32 v2, $0x1  }
0x8f: {  	[tilespmem:$0x850] =	vst v1;
	v1 =	vor.u32 v0, v2;
	v2 =	vadd.s32 v59, v3  }
0x90: {  	[tilespmem:$0x7E0] =	vst v1;
	v1 =	vadd.s32 v6, v60;
	v2 =	vshll.u32 v2, $0x1  }
0x91: {  	[tilespmem:$0x860] =	vst v1;
	v1 =	vor.u32 v0, v2  }
0x92: {  	[tilespmem:$0x7F0] =	vst v1;
	v1 =	vadd.s32 v3, v61  }
0x93: {  	[tilespmem:$0x870] =	vst v1  }
0x94: {  	_ =	swait.ge [sflag:s23], $0x1000  }
0x95: {  	[sflag:s23] =	ssyncset.done $0x0  }
0x96: {  	[sflag:s23] =	ssyncadd.s32 $0xFFFFF000  }
0x97: {  	[spmem:s1] =	stream.indirect.scatter.add.f32 [tilespmem:s22], [sflag:$0x5], $0x40, s24, s20, $0xb8;
	[tilespmem:$0x1FD80] =	vst v63  }
0x98: {  	_ = 	snop  }
0x99: {  	[tilespmem:s26], [sflag:$0x4] =	stream.indirect.gather [hbm4b:s4+s20], $0x40, s25, s20, $0xb8;
	[tilespmem:$0x1FD80] =	vst v63  }
0x9a: {  	_ =	swait.ge [sflag:s28], $0x1000  }
0x9b: {  	[sflag:s28] =	ssyncset.done $0x0  }
0x9c: {  	[sflag:s28] =	ssyncadd.s32 $0xFFFFF000  }
0x9d: {  	v1 =	vld [tilespmem:$0x600]  }
0x9e: {  	v2 =	vld [tilespmem:$0x100]  }
0x9f: {  	v3 =	vld [tilespmem:$0x380]  }
0xa0: {  	v62 =	vld [tilespmem:$0x610]  }
0xa1: {  	v63 =	vld [tilespmem:$0x110]  }
0xa2: {  	v12 =	vld [tilespmem:$0x620]  }
0xa3: {  	v13 =	vld [tilespmem:$0x120];
	v1 =	vmul.u32 $0x2710, v1  }
0xa4: {  	v14 =	vld [tilespmem:$0x630]  }
0xa5: {  	v15 =	vld [tilespmem:$0x390];
	v4 =	vmul.u32 $0x2710, v62;
	v2 =	vadd.s32 v2, v1  }
0xa6: {  	v16 =	vld [tilespmem:$0x130];
	v2 =	vshll.u32 v2, $0x1  }
0xa7: {  	v17 =	vld [tilespmem:$0x3A0];
	v6 =	vmul.u32 $0x2710, v12;
	v5 =	vadd.s32 v63, v4;
	v2 =	vor.u32 v0, v2  }
0xa8: {  	v1 =	vadd.s32 v1, v3;
	[tilespmem:$0x780] =	vst v2;
	v2 =	vshll.u32 v5, $0x1  }
0xa9: {  	v18 =	vld [tilespmem:$0x3B0];
	v3 =	vmul.u32 $0x2710, v14;
	[tilespmem:$0x800] =	vst v1;
	v1 =	vor.u32 v0, v2;
	v2 =	vadd.s32 v13, v6  }
0xaa: {  	[tilespmem:$0x790] =	vst v1;
	v1 =	vadd.s32 v4, v15;
	v2 =	vshll.u32 v2, $0x1  }
0xab: {  	[tilespmem:$0x810] =	vst v1;
	v1 =	vor.u32 v0, v2;
	v2 =	vadd.s32 v16, v3  }
0xac: {  	[tilespmem:$0x7A0] =	vst v1;
	v1 =	vadd.s32 v6, v17;
	v2 =	vshll.u32 v2, $0x1  }
0xad: {  	[tilespmem:$0x820] =	vst v1;
	v1 =	vor.u32 v0, v2  }
0xae: {  	[tilespmem:$0x7B0] =	vst v1;
	v1 =	vadd.s32 v3, v18  }
0xaf: {  	[tilespmem:$0x830] =	vst v1  }
0xb0: {  	_ =	swait.ge [sflag:s29], $0x1000  }
0xb1: {  	[sflag:s29] =	ssyncset.done $0x0  }
0xb2: {  	[sflag:s29] =	ssyncadd.s32 $0xFFFFF000  }
0xb3: {  	[spmem:s1] =	stream.indirect.scatter.add.f32 [tilespmem:s26], [sflag:$0x6], $0x40, s30, s20, $0xb8;
	[tilespmem:$0x1FD80] =	vst v63  }
0xb4: {  	_ = 	snop  }
0xb5: {  	[tilespmem:s22], [sflag:$0x3] =	stream.indirect.gather [hbm4b:s4+s20], $0x40, s21, s20, $0xb8;
	[tilespmem:$0x1FD80] =	vst v63  }
0xb6: {  	_ =	swait.ge [sflag:s0], $0x140  }
0xb7: {  	[sflag:s0] =	ssyncset.done $0x0  }
0xb8: {  	[sflag:s0] =	ssyncadd.s32 $0xFFFFFEC0  }
0xb9: {  	_ =	swait.ge [sflag:s0], $0x140  }
0xba: {  	[sflag:s0] =	ssyncset.done $0x0  }
0xbb: {  	[sflag:s0] =	ssyncadd.s32 $0xFFFFFEC0  }
0xbc: {  	_ =	swait.ge [sflag:s0], $0x140  }
0xbd: {  	[sflag:s0] =	ssyncset.done $0x0  }
0xbe: {  	s7 =	sadd.s32 $0x50, s7;
	[sflag:s0] =	ssyncadd.s32 $0xFFFFFEC0  }
0xbf: {  	[tilespmem:s2], [sflag:$0x1] =	stream.linear.gather [hbm4b:s7+s2], $0x140, $0x38;
	[tilespmem:$0x1FD80] =	vst v63  }
0xc0: {  	s8 =	sadd.s32 $0x50, s8  }
0xc1: {  	[tilespmem:s14], [sflag:$0x1] =	stream.linear.gather [hbm4b:s8+s2], $0x140, $0x38;
	[tilespmem:$0x1FD80] =	vst v63  }
0xc2: {  	s10 =	sadd.s32 $0x50, s9  }
0xc3: {  	[tilespmem:s15], [sflag:$0x1] =	stream.linear.gather [hbm4b:s10+s2], $0x140, $0x38;
	[tilespmem:$0x1FD80] =	vst v63  }
0xc4: {  	_ =	swait.ge [sflag:s31], $0x1000  }
0xc5: {  	[sflag:s31] =	ssyncset.done $0x0  }
0xc6: {  	[sflag:s31] =	ssyncadd.s32 $0xFFFFF000  }
0xc7: {  	v1 =	vld [tilespmem:$0x640]  }
0xc8: {  	v2 =	vld [tilespmem:$0x140]  }
0xc9: {  	v3 =	vld [tilespmem:$0x3C0]  }
0xca: {  	v19 =	vld [tilespmem:$0x650]  }
0xcb: {  	v20 =	vld [tilespmem:$0x150]  }
0xcc: {  	v21 =	vld [tilespmem:$0x660]  }
0xcd: {  	v22 =	vld [tilespmem:$0x160];
	v1 =	vmul.u32 $0x2710, v1  }
0xce: {  	v23 =	vld [tilespmem:$0x670]  }
0xcf: {  	v24 =	vld [tilespmem:$0x3D0];
	v4 =	vmul.u32 $0x2710, v19;
	v2 =	vadd.s32 v2, v1  }
0xd0: {  	v25 =	vld [tilespmem:$0x170];
	v2 =	vshll.u32 v2, $0x1  }
0xd1: {  	v26 =	vld [tilespmem:$0x3E0];
	v6 =	vmul.u32 $0x2710, v21;
	v5 =	vadd.s32 v20, v4;
	v2 =	vor.u32 v0, v2  }
0xd2: {  	v1 =	vadd.s32 v1, v3;
	[tilespmem:$0x7C0] =	vst v2;
	v2 =	vshll.u32 v5, $0x1  }
0xd3: {  	v27 =	vld [tilespmem:$0x3F0];
	v3 =	vmul.u32 $0x2710, v23;
	[tilespmem:$0x840] =	vst v1;
	v1 =	vor.u32 v0, v2;
	v2 =	vadd.s32 v22, v6  }
0xd4: {  	[tilespmem:$0x7D0] =	vst v1;
	v1 =	vadd.s32 v4, v24;
	v2 =	vshll.u32 v2, $0x1  }
0xd5: {  	[tilespmem:$0x850] =	vst v1;
	v1 =	vor.u32 v0, v2;
	v2 =	vadd.s32 v25, v3  }
0xd6: {  	[tilespmem:$0x7E0] =	vst v1;
	v1 =	vadd.s32 v6, v26;
	v2 =	vshll.u32 v2, $0x1  }
0xd7: {  	[tilespmem:$0x860] =	vst v1;
	v1 =	vor.u32 v0, v2  }
0xd8: {  	[tilespmem:$0x7F0] =	vst v1;
	v1 =	vadd.s32 v3, v27  }
0xd9: {  	[tilespmem:$0x870] =	vst v1  }
0xda: {  	_ =	swait.ge [sflag:s23], $0x1000  }
0xdb: {  	[sflag:s23] =	ssyncset.done $0x0  }
0xdc: {  	[sflag:s23] =	ssyncadd.s32 $0xFFFFF000  }
0xdd: {  	[spmem:s1] =	stream.indirect.scatter.add.f32 [tilespmem:s22], [sflag:$0x5], $0x40, s24, s20, $0xb8;
	[tilespmem:$0x1FD80] =	vst v63  }
0xde: {  	_ = 	snop  }
0xdf: {  	[tilespmem:s26], [sflag:$0x4] =	stream.indirect.gather [hbm4b:s4+s20], $0x40, s25, s20, $0xb8;
	[tilespmem:$0x1FD80] =	vst v63  }
0xe0: {  	_ =	swait.ge [sflag:s28], $0x1000  }
0xe1: {  	[sflag:s28] =	ssyncset.done $0x0  }
0xe2: {  	[sflag:s28] =	ssyncadd.s32 $0xFFFFF000  }
0xe3: {  	v1 =	vld [tilespmem:$0x680]  }
0xe4: {  	v2 =	vld [tilespmem:$0x180]  }
0xe5: {  	v3 =	vld [tilespmem:$0x400]  }
0xe6: {  	v28 =	vld [tilespmem:$0x690]  }
0xe7: {  	v29 =	vld [tilespmem:$0x190]  }
0xe8: {  	v30 =	vld [tilespmem:$0x6A0]  }
0xe9: {  	v31 =	vld [tilespmem:$0x1A0];
	v1 =	vmul.u32 $0x2710, v1  }
0xea: {  	v32 =	vld [tilespmem:$0x6B0]  }
0xeb: {  	v33 =	vld [tilespmem:$0x410];
	v4 =	vmul.u32 $0x2710, v28;
	v2 =	vadd.s32 v2, v1  }
0xec: {  	v34 =	vld [tilespmem:$0x1B0];
	v2 =	vshll.u32 v2, $0x1  }
0xed: {  	v35 =	vld [tilespmem:$0x420];
	v6 =	vmul.u32 $0x2710, v30;
	v5 =	vadd.s32 v29, v4;
	v2 =	vor.u32 v0, v2  }
0xee: {  	v1 =	vadd.s32 v1, v3;
	[tilespmem:$0x780] =	vst v2;
	v2 =	vshll.u32 v5, $0x1  }
0xef: {  	v36 =	vld [tilespmem:$0x430];
	v3 =	vmul.u32 $0x2710, v32;
	[tilespmem:$0x800] =	vst v1;
	v1 =	vor.u32 v0, v2;
	v2 =	vadd.s32 v31, v6  }
0xf0: {  	[tilespmem:$0x790] =	vst v1;
	v1 =	vadd.s32 v4, v33;
	v2 =	vshll.u32 v2, $0x1  }
0xf1: {  	[tilespmem:$0x810] =	vst v1;
	v1 =	vor.u32 v0, v2;
	v2 =	vadd.s32 v34, v3  }
0xf2: {  	[tilespmem:$0x7A0] =	vst v1;
	v1 =	vadd.s32 v6, v35;
	v2 =	vshll.u32 v2, $0x1  }
0xf3: {  	[tilespmem:$0x820] =	vst v1;
	v1 =	vor.u32 v0, v2  }
0xf4: {  	[tilespmem:$0x7B0] =	vst v1;
	v1 =	vadd.s32 v3, v36  }
0xf5: {  	[tilespmem:$0x830] =	vst v1  }
0xf6: {  	_ =	swait.ge [sflag:s29], $0x1000  }
0xf7: {  	[sflag:s29] =	ssyncset.done $0x0  }
0xf8: {  	[sflag:s29] =	ssyncadd.s32 $0xFFFFF000  }
0xf9: {  	[spmem:s1] =	stream.indirect.scatter.add.f32 [tilespmem:s26], [sflag:$0x6], $0x40, s30, s20, $0xb8;
	[tilespmem:$0x1FD80] =	vst v63  }
0xfa: {  	_ = 	snop  }
0xfb: {  	[tilespmem:s22], [sflag:$0x3] =	stream.indirect.gather [hbm4b:s4+s20], $0x40, s21, s20, $0xb8;
	[tilespmem:$0x1FD80] =	vst v63  }
0xfc: {  	_ =	swait.ge [sflag:s31], $0x1000  }
0xfd: {  	[sflag:s31] =	ssyncset.done $0x0  }
0xfe: {  	[sflag:s31] =	ssyncadd.s32 $0xFFFFF000  }
0xff: {  	v1 =	vld [tilespmem:$0x6C0]  }
0x100: {  	v2 =	vld [tilespmem:$0x1C0]  }
0x101: {  	v3 =	vld [tilespmem:$0x440]  }
0x102: {  	v37 =	vld [tilespmem:$0x6D0]  }
0x103: {  	v38 =	vld [tilespmem:$0x1D0]  }
0x104: {  	v39 =	vld [tilespmem:$0x6E0]  }
0x105: {  	v40 =	vld [tilespmem:$0x1E0];
	v1 =	vmul.u32 $0x2710, v1  }
0x106: {  	v41 =	vld [tilespmem:$0x6F0]  }
0x107: {  	v42 =	vld [tilespmem:$0x450];
	v4 =	vmul.u32 $0x2710, v37;
	v2 =	vadd.s32 v2, v1  }
0x108: {  	v43 =	vld [tilespmem:$0x1F0];
	v2 =	vshll.u32 v2, $0x1  }
0x109: {  	v44 =	vld [tilespmem:$0x460];
	v6 =	vmul.u32 $0x2710, v39;
	v5 =	vadd.s32 v38, v4;
	v2 =	vor.u32 v0, v2  }
0x10a: {  	v1 =	vadd.s32 v1, v3;
	[tilespmem:$0x7C0] =	vst v2;
	v2 =	vshll.u32 v5, $0x1  }
0x10b: {  	v45 =	vld [tilespmem:$0x470];
	v3 =	vmul.u32 $0x2710, v41;
	[tilespmem:$0x840] =	vst v1;
	v1 =	vor.u32 v0, v2;
	v2 =	vadd.s32 v40, v6  }
0x10c: {  	[tilespmem:$0x7D0] =	vst v1;
	v1 =	vadd.s32 v4, v42;
	v2 =	vshll.u32 v2, $0x1  }
0x10d: {  	[tilespmem:$0x850] =	vst v1;
	v1 =	vor.u32 v0, v2;
	v2 =	vadd.s32 v43, v3  }
0x10e: {  	[tilespmem:$0x7E0] =	vst v1;
	v1 =	vadd.s32 v6, v44;
	v2 =	vshll.u32 v2, $0x1  }
0x10f: {  	[tilespmem:$0x860] =	vst v1;
	v1 =	vor.u32 v0, v2  }
0x110: {  	[tilespmem:$0x7F0] =	vst v1;
	v1 =	vadd.s32 v3, v45  }
0x111: {  	[tilespmem:$0x870] =	vst v1  }
0x112: {  	_ =	swait.ge [sflag:s23], $0x1000  }
0x113: {  	[sflag:s23] =	ssyncset.done $0x0  }
0x114: {  	[sflag:s23] =	ssyncadd.s32 $0xFFFFF000  }
0x115: {  	[spmem:s1] =	stream.indirect.scatter.add.f32 [tilespmem:s22], [sflag:$0x5], $0x40, s24, s20, $0xb8;
	[tilespmem:$0x1FD80] =	vst v63  }
0x116: {  	_ = 	snop  }
0x117: {  	[tilespmem:s26], [sflag:$0x4] =	stream.indirect.gather [hbm4b:s4+s20], $0x40, s25, s20, $0xb8;
	[tilespmem:$0x1FD80] =	vst v63  }
0x118: {  	_ =	swait.ge [sflag:s28], $0x1000  }
0x119: {  	[sflag:s28] =	ssyncset.done $0x0  }
0x11a: {  	[sflag:s28] =	ssyncadd.s32 $0xFFFFF000  }
0x11b: {  	v1 =	vld [tilespmem:$0x700]  }
0x11c: {  	v2 =	vld [tilespmem:$0x200]  }
0x11d: {  	v3 =	vld [tilespmem:$0x480]  }
0x11e: {  	v46 =	vld [tilespmem:$0x710]  }
0x11f: {  	v47 =	vld [tilespmem:$0x210]  }
0x120: {  	v48 =	vld [tilespmem:$0x720]  }
0x121: {  	v49 =	vld [tilespmem:$0x220];
	v1 =	vmul.u32 $0x2710, v1  }
0x122: {  	v50 =	vld [tilespmem:$0x730]  }
0x123: {  	v51 =	vld [tilespmem:$0x490];
	v4 =	vmul.u32 $0x2710, v46;
	v2 =	vadd.s32 v2, v1  }
0x124: {  	v52 =	vld [tilespmem:$0x230];
	v2 =	vshll.u32 v2, $0x1  }
0x125: {  	v53 =	vld [tilespmem:$0x4A0];
	v6 =	vmul.u32 $0x2710, v48;
	v5 =	vadd.s32 v47, v4;
	v2 =	vor.u32 v0, v2  }
0x126: {  	v1 =	vadd.s32 v1, v3;
	[tilespmem:$0x780] =	vst v2;
	v2 =	vshll.u32 v5, $0x1  }
0x127: {  	v54 =	vld [tilespmem:$0x4B0];
	v3 =	vmul.u32 $0x2710, v50;
	[tilespmem:$0x800] =	vst v1;
	v1 =	vor.u32 v0, v2;
	v2 =	vadd.s32 v49, v6  }
0x128: {  	[tilespmem:$0x790] =	vst v1;
	v1 =	vadd.s32 v4, v51;
	v2 =	vshll.u32 v2, $0x1  }
0x129: {  	[tilespmem:$0x810] =	vst v1;
	v1 =	vor.u32 v0, v2;
	v2 =	vadd.s32 v52, v3  }
0x12a: {  	[tilespmem:$0x7A0] =	vst v1;
	v1 =	vadd.s32 v6, v53;
	v2 =	vshll.u32 v2, $0x1  }
0x12b: {  	[tilespmem:$0x820] =	vst v1;
	v1 =	vor.u32 v0, v2  }
0x12c: {  	[tilespmem:$0x7B0] =	vst v1;
	v1 =	vadd.s32 v3, v54  }
0x12d: {  	[tilespmem:$0x830] =	vst v1  }
0x12e: {  	_ =	swait.ge [sflag:s29], $0x1000  }
0x12f: {  	[sflag:s29] =	ssyncset.done $0x0  }
0x130: {  	[sflag:s29] =	ssyncadd.s32 $0xFFFFF000  }
0x131: {  	[spmem:s1] =	stream.indirect.scatter.add.f32 [tilespmem:s26], [sflag:$0x6], $0x40, s30, s20, $0xb8;
	[tilespmem:$0x1FD80] =	vst v63  }
0x132: {  	_ = 	snop  }
0x133: {  	[tilespmem:s22], [sflag:$0x3] =	stream.indirect.gather [hbm4b:s4+s20], $0x40, s21, s20, $0xb8;
	[tilespmem:$0x1FD80] =	vst v63  }
0x134: {  	_ =	swait.ge [sflag:s31], $0x1000  }
0x135: {  	[sflag:s31] =	ssyncset.done $0x0  }
0x136: {  	[sflag:s31] =	ssyncadd.s32 $0xFFFFF000  }
0x137: {  	v1 =	vld [tilespmem:$0x740]  }
0x138: {  	v2 =	vld [tilespmem:$0x240]  }
0x139: {  	v3 =	vld [tilespmem:$0x4C0]  }
0x13a: {  	v55 =	vld [tilespmem:$0x750]  }
0x13b: {  	v56 =	vld [tilespmem:$0x250]  }
0x13c: {  	v57 =	vld [tilespmem:$0x760]  }
0x13d: {  	v58 =	vld [tilespmem:$0x260];
	v1 =	vmul.u32 $0x2710, v1  }
0x13e: {  	v59 =	vld [tilespmem:$0x770]  }
0x13f: {  	v60 =	vld [tilespmem:$0x4D0];
	v4 =	vmul.u32 $0x2710, v55;
	v2 =	vadd.s32 v2, v1  }
0x140: {  	v61 =	vld [tilespmem:$0x270];
	v2 =	vshll.u32 v2, $0x1  }
0x141: {  	v62 =	vld [tilespmem:$0x4E0];
	v6 =	vmul.u32 $0x2710, v57;
	v5 =	vadd.s32 v56, v4;
	v2 =	vor.u32 v0, v2  }
0x142: {  	v1 =	vadd.s32 v1, v3;
	[tilespmem:$0x7C0] =	vst v2;
	v2 =	vshll.u32 v5, $0x1  }
0x143: {  	v63 =	vld [tilespmem:$0x4F0];
	v3 =	vmul.u32 $0x2710, v59;
	[tilespmem:$0x840] =	vst v1;
	v1 =	vor.u32 v0, v2;
	v2 =	vadd.s32 v58, v6  }
0x144: {  	[tilespmem:$0x7D0] =	vst v1;
	v1 =	vadd.s32 v4, v60;
	v2 =	vshll.u32 v2, $0x1  }
0x145: {  	[tilespmem:$0x850] =	vst v1;
	v1 =	vor.u32 v0, v2;
	v2 =	vadd.s32 v61, v3  }
0x146: {  	[tilespmem:$0x7E0] =	vst v1;
	v1 =	vadd.s32 v6, v62;
	v2 =	vshll.u32 v2, $0x1  }
0x147: {  	[tilespmem:$0x860] =	vst v1;
	v1 =	vor.u32 v0, v2  }
0x148: {  	[tilespmem:$0x7F0] =	vst v1;
	v1 =	vadd.s32 v3, v63  }
0x149: {  	[tilespmem:$0x870] =	vst v1  }
0x14a: {  	_ =	swait.ge [sflag:s23], $0x1000  }
0x14b: {  	[sflag:s23] =	ssyncset.done $0x0  }
0x14c: {  	[sflag:s23] =	ssyncadd.s32 $0xFFFFF000  }
0x14d: {  	[spmem:s1] =	stream.indirect.scatter.add.f32 [tilespmem:s22], [sflag:$0x5], $0x40, s24, s20, $0xb8;
	[tilespmem:$0x1FD80] =	vst v63  }
0x14e: {  	_ = 	snop  }
0x14f: {  	[tilespmem:s26], [sflag:$0x4] =	stream.indirect.gather [hbm4b:s4+s20], $0x40, s25, s20, $0xb8;
	[tilespmem:$0x1FD80] =	vst v63  }
0x150: {  	_ =	swait.ge [sflag:s29], $0x1000  }
0x151: {  	[sflag:s29] =	ssyncset.done $0x0  }
0x152: {  	[sflag:s29] =	ssyncadd.s32 $0xFFFFF000  }
0x153: {  	[spmem:s1] =	stream.indirect.scatter.add.f32 [tilespmem:s26], [sflag:$0x6], $0x40, s30, s20, $0xb8;
	[tilespmem:$0x1FD80] =	vst v63  }
0x154: {  	p0 =	sne.s32 s5, $0x9B0;
	_ =	swait.ge [sflag:s28], $0x1000  }
.Ltmp0:
0x155: {  	[sflag:s28] =	ssyncset.done $0x0;
	(pc) =	sbr.rel @p0 .LBB2_2-.Ltmp0, $4  }
0x156: {  	[sflag:s28] =	ssyncadd.s32 $0xFFFFF000  }
0x157: {  	_ =	swait.ge [sflag:s31], $0x1000  }
0x158: {  	[sflag:s31] =	ssyncset.done $0x0  }
0x159: {  	s5 =	sadd.s32 $0x50, s5;
	[sflag:s31] =	ssyncadd.s32 $0xFFFFF000  }
0x15a: {  	_ =	swait.ge [sflag:s16], $0x140  }
0x15b: {  	[sflag:s16] =	ssyncset.done $0x0  }
0x15c: {  	[sflag:s16] =	ssyncadd.s32 $0xFFFFFEC0  }
0x15d: {  	_ =	swait.ge [sflag:s16], $0x140  }
0x15e: {  	[sflag:s16] =	ssyncset.done $0x0  }
0x15f: {  	[sflag:s16] =	ssyncadd.s32 $0xFFFFFEC0  }
0x160: {  	_ =	swait.ge [sflag:s16], $0x140  }
0x161: {  	[sflag:s16] =	ssyncset.done $0x0  }
0x162: {  	s3 =	sadd.s32 $0x1, s3;
	[sflag:s16] =	ssyncadd.s32 $0xFFFFFEC0  }
0x163: {  	s7 =	simm.s32 $0x10;
	p0 =	sne.s32 s3, s11;
	[bflag:$0x0] =	sbarrier.arrive $0xFFFF  }
.Ltmp1:
0x164: {  	s8 =	simm.s32 $0x8;
	s5 =	rddreg [dreg:$0xb];
	(pc) =	sbr.rel @p0 .LBB2_1-.Ltmp1, $4  }
0x165: {  	[hbm:s5@s7], [sflag:s6] =	dma.strided [spmem:s12@s8], $0x3AA0, s16, $0x8   }
0x166: {  	_ =	swait.ge [sflag:s13], $0x3AA0  }
0x167: {  	[sflag:s13] =	ssyncset.done $0x0  }
0x168: {  	[sflag:s13] =	ssyncadd.s32 $0xFFFFC560  }
0x169: {  	_ =	sfence.sel $0x180000  }
0x16a: {  	[bflag:$0x0] =	sbarrier.arrive $0xFFFF  }
0x16b: {  	_ =	strace $0x9000004A  }
0x16c: {  	s0 =	stileid.u32;
	[bflag:$0x2] =	sbarrier.arrive $0xFFFF  }
0x16d: {  	p0 =	sne.s32 s0, $0x0;
	s0 =	rddreg [dreg:$0x3]  }
0x16e: {  	s0 =	sadd.s32 @!p0 $0x100000, s0  }
0x16f: {  	[sflag:s0] =	ssyncadd.tile.s32 @!p0 $0x1;
	_ =	shalt  }
.Lfunc_end2:
_tile_overlayer_lowered:
.L_overlay_start_2:
0x170: {  	(tag) =	ssettag $0x2  }
0x171: {  	s0 =	rddreg [dreg:$0x0];
	s2 =	stileid.u32  }
0x172: {  	s1 =	rddreg [dreg:$0x1];
	p0 =	sne.s32 s2, $0x0  }
0x173: {  	s3 =	rddreg [dreg:$0x2];
	[bflag:$0x3] =	sbarrier.arrive $0xFFFF;
	s2 =	simm.s32 @!p0 $0x1C07  }
0x174: {  	[timem:s3], [sflag:s2] =	dma.local @!p0 [hbm:s0], s1  }
0x175: {  	s0 =	simm.s32 @!p0 $0x7  }
0x176: {  	_ =	swait.ge @!p0 [sflag:s0], s1  }
0x177: {  	s1 =	ssub.s32 @!p0 $0x0, s1;
	[sflag:s0] =	ssyncset.done @!p0 $0x0  }
0x178: {  	[sflag:s0] =	ssyncadd.s32 @!p0 s1  }
0x179: {  	[bflag:$0x3] =	sbarrier.arrive $0xFFFF  }
0x17a: {  	_ =	shalt  }

// kernel: kernel.9.cloned.1.call-start
scs
__scs_entry_jumppad:
0x0: {  	(pc) =	sbr.rel $0x88, $3  }
0x1: {  	(tag) =	ssettag $0x0;
	lr =	simm.s32 $0x1  }
0x2: {  	[smem:$0x3F97] =	sst lr;
	_ =	strace $0xD0000000  }
0x3: {  	_ = 	snop  }
0x4: {  	_ = 	snop  }
0x5: {  	_ = 	snop  }
0x6: {  	_ = 	snop  }
0x7: {  	_ = 	snop  }
__scs_overlays_trampoline_lowered:
0x8: {  	[smem:$0x3FA6] =	sst s0  }
0x9: {  	[smem:$0x3FA7] =	sst s1  }
0xa: {  	[smem:$0x3FA8] =	sst s2  }
0xb: {  	[smem:$0x3FA9] =	sst s3  }
0xc: {  	[smem:$0x3FAA] =	sst s4  }
0xd: {  	[smem:$0x3FAB] =	sst s5  }
0xe: {  	[smem:$0x3FAC] =	sst s6  }
0xf: {  	[smem:$0x3FAD] =	sst s7  }
0x10: {  	[smem:$0x3FAE] =	sst s8  }
0x11: {  	[smem:$0x3FAF] =	sst s9;
	s0 =	simm.s32 @!p0 $0x0  }
0x12: {  	s1 =	sld [smem:$0x3F95];
	s0 =	simm.s32 @p0 $0x1  }
0x13: {  	[smem:$0x3FB0] =	sst s0;
	s0 =	simm.s32 @!p1 $0x0  }
0x14: {  	s2 =	sld [smem:$0x3F94];
	s0 =	simm.s32 @p1 $0x1  }
0x15: {  	[smem:$0x3FB1] =	sst s0;
	s0 =	simm.s32 @!p2 $0x0  }
0x16: {  	s3 =	sld [smem:$0x3FDB];
	s0 =	simm.s32 @p2 $0x1  }
0x17: {  	s4 =	simm.s32 $0x1BF5;
	[smem:$0x3FB3] =	sst s0  }
0x18: {  	s0 =	sld [smem:$0x3F96];
	_ =	swait.ge [sflag:s4], $0x0  }
0x19: {  	s7 =	sld [smem:$0x3F97]  }
0x1a: {  	s8 =	sadd.s32 $0xFFFFE003, lr  }
0x1b: {  	s9 =	sadd.s32 $0xFFFFFEF7, lr;
	s5 =	simm.s32 $0xFFFFFFFF;
	p2 =	slt.u32 s8, $0xFFFFF086  }
0x1c: {  	p1 =	slt.u32 s9, $0xF7A;
	s5 =	simm.s32 @!p2 $0x0  }
0x1d: {  	s5 =	simm.s32 @p1 $0x1;
	p0 =	seq.s32 s7, s2  }
0x1e: {  	s7 =	smul.u32 @!p0 $0xF7A, s2;
	p2 =	seq.s32 @!p0 s5, $0x0  }
0x1f: {  	s9 =	smul.u32 $0xF7A, s1;
	s8 =	simm.s32 @!p0 $0x1BF5;
	p2 =	por !p2, p0  }
0x20: {  	[sflag:s8] =	ssyncset.s32 @!p0 $0xFFFFF086;
	s6 =	sadd.s32 @!p0 s3, s7;
	s7 =	simm.s32 @!p0 $0x108  }
0x21: {  	s3 =	sadd.s32 s3, s9;
	s6 =	sadd.s32 @!p0 $0x88, s6;
	s7 =	simm.s32 @p2 $0x1082  }
0x22: {  	[simem:s7], [sflag:s8] =	dma.local @!p0 [hbm:s6], $0xF7A  }
0x23: {  	s9 =	sor.u32 $0xD0000000, s2;
	s6 =	simm.s32 $0x108;
	_ =	swait.ge @!p0 [sflag:s8], $0x0  }
0x24: {  	s3 =	sadd.s32 $0x88, s3;
	s6 =	simm.s32 @!p1 $0x1082;
	[sflag:s4] =	ssyncset.s32 $0xFFFFF086  }
0x25: {  	[simem:s6], [sflag:s4] =	dma.local [hbm:s3], $0xF7A  }
0x26: {  	[smem:$0x3F97] =	sst s1;
	(tag) =	ssettag s2;
	_ =	strace s9  }
0x27: {  	s1 =	sld [smem:$0x3FA7]  }
0x28: {  	s2 =	sld [smem:$0x3FA8]  }
0x29: {  	s4 =	sld [smem:$0x3FAA]  }
0x2a: {  	p0 =	seq.s32 s5, $0x0;
	s5 =	sld [smem:$0x3FAB]  }
0x2b: {  	s6 =	sld [smem:$0x3FAC]  }
0x2c: {  	s7 =	sld [smem:$0x3FAD]  }
0x2d: {  	s3 =	simm.s32 $0x108;
	s8 =	sld [smem:$0x3FAE]  }
0x2e: {  	s3 =	simm.s32 @!p0 $0x1082;
	s9 =	sld [smem:$0x3FAF]  }
0x2f: {  	lr =	sadd.s32 s0, s3;
	s0 =	sld [smem:$0x3FA6]  }
0x30: {  	s3 =	sld [smem:$0x3FA9]  }
0x31: {  	[smem:$0x3FB2] =	sst s10  }
0x32: {  	s10 =	sld [smem:$0x3FB0];
	_ =	sdelay $0x3  }
0x33: {  	p0 =	seq.s32 s10, $0x1;
	s10 =	sld [smem:$0x3FB2];
	_ =	sdelay $0x3  }
0x34: {  	[smem:$0x3FB2] =	sst s10  }
0x35: {  	s10 =	sld [smem:$0x3FB1];
	_ =	sdelay $0x3  }
0x36: {  	p1 =	seq.s32 s10, $0x1;
	s10 =	sld [smem:$0x3FB2];
	_ =	sdelay $0x3  }
0x37: {  	[smem:$0x3FB2] =	sst s10  }
0x38: {  	s10 =	sld [smem:$0x3FB3]  }
0x39: {  	_ = 	snop;
	(pc) =	sbr.ind lr, $3  }
0x3a: {  	_ = 	snop  }
0x3b: {  	_ = 	snop  }
0x3c: {  	p2 =	seq.s32 s10, $0x1;
	s10 =	sld [smem:$0x3FB2]  }
0x3d: {  	_ =	shalt  }
0x3e: {  	_ =	shalt  }
0x3f: {  	_ =	shalt  }
0x40: {  	_ =	shalt  }
0x41: {  	_ =	shalt  }
0x42: {  	_ =	shalt  }
0x43: {  	_ =	shalt  }
0x44: {  	_ =	shalt  }
0x45: {  	_ =	shalt  }
0x46: {  	_ =	shalt  }
0x47: {  	_ =	shalt  }
0x48: {  	_ =	shalt  }
0x49: {  	_ =	shalt  }
0x4a: {  	_ =	shalt  }
0x4b: {  	_ =	shalt  }
0x4c: {  	_ =	shalt  }
0x4d: {  	_ =	shalt  }
0x4e: {  	_ =	shalt  }
0x4f: {  	_ =	shalt  }
0x50: {  	_ =	shalt  }
0x51: {  	_ =	shalt  }
0x52: {  	_ =	shalt  }
0x53: {  	_ =	shalt  }
0x54: {  	_ =	shalt  }
0x55: {  	_ =	shalt  }
0x56: {  	_ =	shalt  }
0x57: {  	_ =	shalt  }
0x58: {  	_ =	shalt  }
0x59: {  	_ =	shalt  }
0x5a: {  	_ =	shalt  }
0x5b: {  	_ =	shalt  }
0x5c: {  	_ =	shalt  }
0x5d: {  	_ =	shalt  }
0x5e: {  	_ =	shalt  }
0x5f: {  	_ =	shalt  }
0x60: {  	_ =	shalt  }
0x61: {  	_ =	shalt  }
0x62: {  	_ =	shalt  }
0x63: {  	_ =	shalt  }
0x64: {  	_ =	shalt  }
0x65: {  	_ =	shalt  }
0x66: {  	_ =	shalt  }
0x67: {  	_ =	shalt  }
0x68: {  	_ =	shalt  }
0x69: {  	_ =	shalt  }
0x6a: {  	_ =	shalt  }
0x6b: {  	_ =	shalt  }
0x6c: {  	_ =	shalt  }
0x6d: {  	_ =	shalt  }
0x6e: {  	_ =	shalt  }
0x6f: {  	_ =	shalt  }
0x70: {  	_ =	shalt  }
0x71: {  	_ =	shalt  }
0x72: {  	_ =	shalt  }
0x73: {  	_ =	shalt  }
0x74: {  	_ =	shalt  }
0x75: {  	_ =	shalt  }
0x76: {  	_ =	shalt  }
0x77: {  	_ =	shalt  }
0x78: {  	_ =	shalt  }
0x79: {  	_ =	shalt  }
0x7a: {  	_ =	shalt  }
0x7b: {  	_ =	shalt  }
0x7c: {  	_ =	shalt  }
0x7d: {  	_ =	shalt  }
0x7e: {  	_ =	shalt  }
0x7f: {  	_ =	shalt  }
0x80: {  	_ =	shalt  }
0x81: {  	_ =	shalt  }
0x82: {  	_ =	shalt  }
0x83: {  	_ =	shalt  }
0x84: {  	_ =	shalt  }
0x85: {  	_ =	shalt  }
0x86: {  	_ =	shalt  }
0x87: {  	_ =	shalt  }
.Lfunc_end0:
.L_simem_size_0:
called_computation_lowered:
.L_overlay_start_0:
0x88: {  	s2 =	sld [smem:$0x3FD9]  }
0x89: {  	s3 =	sld [smem:$0x3FFE];
	_ =	sdelay $0x1  }
0x8a: {  	s1 =	srdreg.scid  }
0x8b: {  	s0 =	sand.u32 $0x1, s1  }
0x8c: {  	s17 =	sshll.u32 s0, $0xA;
	s2 =	sadd.s32 s3, s2  }
0x8d: {  	s2 =	sadd.s32 s2, s17  }
0x8e: {  	[smem:$0x3FBE] =	sst s2  }
0x8f: {  	_ = 	snop  }
0x90: {  	s2 =	sld [smem:$0x3FD0];
	(tm) =	ssettm $0x1  }
0x91: {  	s18 =	sld [smem:$0x3FFB];
	_ =	sdelay $0x3  }
0x92: {  	_ =	strace s18  }
0x93: {  	s3 =	sld [smem:$0x3FFC];
	_ =	sdelay $0x3  }
0x94: {  	_ =	strace s3  }
0x95: {  	s3 =	sld [smem:$0x3FFD];
	_ =	sdelay $0x3  }
0x96: {  	_ =	strace s3  }
0x97: {  	_ =	strace $0x8FFFFFFF  }
0x98: {  	s19 =	sld [smem:$0x3FDB];
	_ =	sdelay $0x1  }
0x99: {  	s4 =	simm.s32 $_scs_section_size  }
0x9a: {  	s5 =	simm.s32 $_size__tile_overlayer_lowered;
	s6 =	simm.s32 $_tile_overlayer_lowered  }
0x9b: {  	s22 =	simm.s32 $0x1BFF;
	s21 =	sshll.u32 s6, $0x1;
	s3 =	sadd.s32 s4, s19  }
0x9c: {  	s7 =	simm.s32 $0x0;
	s20 =	sshll.u32 s5, $0x1;
	s5 =	sadd.s32 s21, s3  }
0x9d: {  	[timem:s7], [sflag:s22] =	dma.local [hbm:s5], s20  }
0x9e: {  	_ =	swait.ge [sflag:s22], s20  }
0x9f: {  	s4 =	ssub.s32 $0x0, s20;
	[sflag:s22] =	ssyncset.done $0x0  }
0xa0: {  	[sflag:s22] =	ssyncadd.s32 s4;
	_ =	sdelay $0x1  }
0xa1: {  	s23 =	simm.s32 $0x1B8B  }
0xa2: {  	_ =	swait.ge [sflag:s23], $0x1  }
0xa3: {  	[sflag:s23] =	ssyncset.done $0x0  }
0xa4: {  	s25 =	simm.s32 $0x1B8E;
	s24 =	sld [smem:$0x3FFE];
	[sflag:s23] =	ssyncadd.s32 $0xFFFFFFFF  }
0xa5: {  	s26 =	simm.s32 $execute0_lowered;
	[smem:$0x3FD2] =	sst s25  }
0xa6: {  	s5 =	sshll.u32 s26, $0x1;
	_ =	strace $0x80000046;
	[dreg:$0x1] =	wrdreg $0xFFFFFFFF  }
0xa7: {  	s28 =	simm.s32 $_size_execute0_lowered;
	s3 =	sadd.s32 s3, s5;
	[dreg:$0x0] =	wrdreg $0x0  }
0xa8: {  	s5 =	sshll.u32 s28, $0x1;
	[dreg:$0x2] =	wrdreg s3  }
0xa9: {  	[dreg:$0x3] =	wrdreg s5  }
0xaa: {  	[dreg:$0x4] =	wrdreg $0xC0  }
0xab: {  	_ =	task [dreg:s7], $0x5FFFF  }
0xac: {  	[dreg:$0x1] =	wrdreg $0xFFFFFFFF  }
0xad: {  	[dreg:$0x0] =	wrdreg $0x60  }
0xae: {  	[dreg:$0x2] =	wrdreg s24  }
0xaf: {  	[dreg:$0x3] =	wrdreg s2  }
0xb0: {  	[dreg:$0x4] =	wrdreg $0x28800  }
0xb1: {  	[dreg:$0x5] =	wrdreg $0x9  }
0xb2: {  	_ =	task.clear_ibuf [dreg:s7], $0x6FFFF;
	_ =	strace $0x90000046  }
0xb3: {  	s29 =	simm.s32 $0x9;
	_ =	strace $0x80000048  }
0xb4: {  	_ =	swait.ge [sflag:s29], $0x1  }
0xb5: {  	[sflag:s29] =	ssyncadd.s32 $0xFFFFFFFF  }
0xb6: {  	_ =	strace $0x90000048  }
0xb7: {  	_ =	sfence  }
0xb8: {  	s30 =	sld [smem:$0x0];
	_ =	sdelay $0x2  }
0xb9: {  	s31 =	sshll.u32 s1, $0xD;
	s1 =	sshrl.u32 s1, $0x2  }
0xba: {  	s3 =	sand.u32 $0x4000, s31;
	s1 =	sadd.s32 s1, s30  }
0xbb: {  	s0 =	sor.u32 s3, s0;
	s1 =	sshll.u32 s1, $0x11  }
0xbc: {  	s0 =	sor.u32 s1, s0  }
0xbd: {  	s0 =	sadd.s32 $0x8F2B, s0  }
0xbe: {  	[sflag:s0] =	ssyncadd.remote.s32 $0x1  }
0xbf: {  	_ =	sfence.sel $0xFFFF  }
0xc0: {  	[dreg:$0x0] =	wrdreg $0xFFFFFFFF;
	(pc) =	sbr.abs _section_cstart, $3  }
0xc1: {  	[dreg:$0x1] =	wrdreg $0xFFFFFFFF  }
0xc2: {  	_ =	task.clear_ibuf [dreg:s7], $0x2FFFF;
	_ =	strace $0x9FFFFFFF  }
0xc3: {  	(tm) =	ssettm $0x7FFFFFFF  }
tec
execute0_lowered:
.L_overlay_start_1:
0x0: {  	(tag) =	ssettag $0x1  }
0x1: {  	s0 =	rddreg [dreg:$0x0]  }
0x2: {  	s3 =	rddreg [dreg:$0x1]  }
0x3: {  	s1 =	rddreg [dreg:$0x2]  }
0x4: {  	s2 =	simm.s32 $0x0;
	s5 =	srdreg.scid;
	s13 =	stileid.u32  }
0x5: {  	s14 =	simm.s32 $0x280;
	s28 =	simm.s32 $0x5;
	s29 =	simm.s32 $0x4  }
0x6: {  	s30 =	simm.s32 $0x840;
	s31 =	simm.s32 $0x6;
	[smem:$0x7FF] =	sst s2  }
0x7: {  	s4 =	sadd.s32 $0x16400, s0;
	s7 =	sadd.s32 $0xC200, s0;
	s6 =	smul.u32 $0x3AA00, s13  }
0x8: {  	s5 =	sand.u32 $0x1, s5;
	s8 =	sadd.s32 $0x2000, s0;
	s10 =	smul.u32 $0x75400, s13  }
0x9: {  	s9 =	sadd.s32 $0x8B800, s0;
	s12 =	smul.u32 $0x5000, s13;
	s18 =	sshll.u32 s13, $0x6  }
0xa: {  	s20 =	smul.u32 $0xA00, s13;
	s13 =	simm.s32 $0x7;
	_ =	strace $0x80000047  }
0xb: {  	[dreg:$0x7] =	wrdreg s9;
	s15 =	sshll.u32 s5, $0x6;
	s16 =	ssub.s32 $0x2, s5  }
0xc: {  	s6 =	sor.u32 s15, s6;
	s11 =	sshrl.u32 s16, $0x1;
	s17 =	sshrl.u32 s10, $0x2  }
0xd: {  	s19 =	sshrl.u32 s12, $0x3;
	s25 =	sadd.s32 s20, s7;
	s26 =	sadd.s32 s20, s3  }
0xe: {  	s15 =	simm.s32 $0x500;
	s6 =	sshrl.u32 s6, $0x3;
	s9 =	ssub.s32 s16, s11  }
0xf: {  	s21 =	sadd.s32 s17, s1;
	s22 =	sadd.s32 s3, s19;
	s23 =	sadd.s32 s7, s19  }
0x10: {  	s24 =	sadd.s32 s8, s19;
	s8 =	sadd.s32 s20, s8;
	[dreg:$0x5] =	wrdreg s25  }
0x11: {  	[dreg:$0x6] =	wrdreg s26;
	s16 =	simm.s32 $0x1;
	s17 =	simm.s32 $0x140  }
0x12: {  	s19 =	simm.s32 $0x640;
	s20 =	simm.s32 $0x40;
	[dreg:$0x8] =	wrdreg s22  }
0x13: {  	s25 =	simm.s32 $0x7C0;
	s26 =	simm.s32 $0x1880;
	[dreg:$0x9] =	wrdreg s23  }
0x14: {  	s3 =	simm.s32 $0x0;
	s0 =	sadd.s32 s6, s0;
	[dreg:$0xa] =	wrdreg s24  }
0x15: {  	s6 =	sor.u32 $0x1C07, s18;
	[dreg:$0x4] =	wrdreg s8;
	s11 =	smax.u32 s9, $0x1  }
0x16: {  	s12 =	sshrl.u32 s21, $0x3;
	s18 =	simm.s32 $0x3C0;
	s21 =	simm.s32 $0x780  }
0x17: {  	s22 =	simm.s32 $0x880;
	s23 =	simm.s32 $0x3;
	s0 =	sadd.s32 $0x8F400, s0  }
0x18: {  	v0 =	vmov s5;
	s24 =	simm.s32 $0x800;
	[dreg:$0xb] =	wrdreg s0;
	s0 =	simm.s32 $0x2  }
.LBB2_1:
0x19: {  	s5 =	rddreg [dreg:$0x7]  }
0x1a: {  	[spmem:s12], [sflag:s6] =	dma.local [hbm:s5], $0x3AA0  }
0x1b: {  	_ =	swait.ge [sflag:s13], $0x3AA0  }
0x1c: {  	[sflag:s13] =	ssyncset.done $0x0  }
0x1d: {  	[sflag:s13] =	ssyncadd.s32 $0xFFFFC560  }
0x1e: {  	[bflag:$0x0] =	sbarrier.arrive $0xFFFF  }
0x1f: {  	s8 =	rddreg [dreg:$0x8]  }
0x20: {  	[tilespmem:s2], [sflag:$0x1] =	stream.linear.gather [hbm4b:s8+s2], $0x140, $0x38;
	[tilespmem:$0x1FD80] =	vst v63  }
0x21: {  	s9 =	rddreg [dreg:$0x9]  }
0x22: {  	[tilespmem:s14], [sflag:$0x1] =	stream.linear.gather [hbm4b:s9+s2], $0x140, $0x38;
	[tilespmem:$0x1FD80] =	vst v63  }
0x23: {  	s5 =	simm.s32 $0x0;
	s10 =	rddreg [dreg:$0xa]  }
0x24: {  	[tilespmem:s15], [sflag:$0x1] =	stream.linear.gather [hbm4b:s10+s2], $0x140, $0x38;
	[tilespmem:$0x1FD80] =	vst v63  }
.LBB2_2:
0x25: {  	_ =	swait.ge [sflag:s16], $0x140  }
0x26: {  	[sflag:s16] =	ssyncset.done $0x0  }
0x27: {  	[sflag:s16] =	ssyncadd.s32 $0xFFFFFEC0  }
0x28: {  	_ =	swait.ge [sflag:s16], $0x140  }
0x29: {  	[sflag:s16] =	ssyncset.done $0x0  }
0x2a: {  	[sflag:s16] =	ssyncadd.s32 $0xFFFFFEC0  }
0x2b: {  	_ =	swait.ge [sflag:s16], $0x140  }
0x2c: {  	s7 =	rddreg [dreg:$0x6]  }
0x2d: {  	[sflag:s16] =	ssyncset.done $0x0;
	s7 =	sadd.s32 s5, s7  }
0x2e: {  	s8 =	rddreg [dreg:$0x5];
	[sflag:s16] =	ssyncadd.s32 $0xFFFFFEC0;
	s9 =	sadd.s32 $0x28, s7  }
0x2f: {  	[tilespmem:s17], [sflag:$0x2] =	stream.linear.gather [hbm4b:s9+s2], $0x140, $0x38;
	[tilespmem:$0x1FD80] =	vst v63  }
0x30: {  	s8 =	sadd.s32 s5, s8;
	s9 =	rddreg [dreg:$0x4]  }
0x31: {  	s10 =	sadd.s32 $0x28, s8;
	s9 =	sadd.s32 s5, s9  }
0x32: {  	[tilespmem:s18], [sflag:$0x2] =	stream.linear.gather [hbm4b:s10+s2], $0x140, $0x38;
	[tilespmem:$0x1FD80] =	vst v63  }
0x33: {  	s10 =	sadd.s32 $0x28, s9  }
0x34: {  	[tilespmem:s19], [sflag:$0x2] =	stream.linear.gather [hbm4b:s10+s2], $0x140, $0x38;
	[tilespmem:$0x1FD80] =	vst v63  }
0x35: {  	v1 =	vld [tilespmem:$0x500]  }
0x36: {  	v2 =	vld [tilespmem:$0x0]  }
0x37: {  	v3 =	vld [tilespmem:$0x280]  }
0x38: {  	v4 =	vld [tilespmem:$0x510]  }
0x39: {  	v5 =	vld [tilespmem:$0x10]  }
0x3a: {  	v6 =	vld [tilespmem:$0x520]  }
0x3b: {  	v7 =	vld [tilespmem:$0x20];
	v1 =	vmul.u32 $0x2710, v1  }
0x3c: {  	v8 =	vld [tilespmem:$0x530]  }
0x3d: {  	v9 =	vld [tilespmem:$0x290];
	v4 =	vmul.u32 $0x2710, v4;
	v2 =	vadd.s32 v2, v1  }
0x3e: {  	v10 =	vld [tilespmem:$0x30];
	v2 =	vshll.u32 v2, $0x1  }
0x3f: {  	v11 =	vld [tilespmem:$0x2A0];
	v6 =	vmul.u32 $0x2710, v6;
	v5 =	vadd.s32 v5, v4;
	v2 =	vor.u32 v0, v2  }
0x40: {  	v1 =	vadd.s32 v1, v3;
	[tilespmem:$0x780] =	vst v2;
	v2 =	vshll.u32 v5, $0x1  }
0x41: {  	v34 =	vld [tilespmem:$0x2B0];
	v3 =	vmul.u32 $0x2710, v8;
	[tilespmem:$0x800] =	vst v1;
	v1 =	vor.u32 v0, v2;
	v2 =	vadd.s32 v7, v6  }
0x42: {  	[tilespmem:$0x790] =	vst v1;
	v1 =	vadd.s32 v4, v9;
	v2 =	vshll.u32 v2, $0x1  }
0x43: {  	[tilespmem:$0x810] =	vst v1;
	v1 =	vor.u32 v0, v2;
	v2 =	vadd.s32 v10, v3  }
0x44: {  	[tilespmem:$0x7A0] =	vst v1;
	v1 =	vadd.s32 v6, v11;
	v2 =	vshll.u32 v2, $0x1  }
0x45: {  	[tilespmem:$0x820] =	vst v1;
	v1 =	vor.u32 v0, v2  }
0x46: {  	[tilespmem:$0x7B0] =	vst v1;
	v1 =	vadd.s32 v3, v34  }
0x47: {  	[tilespmem:$0x830] =	vst v1  }
0x48: {  	[tilespmem:s22], [sflag:$0x3] =	stream.indirect.gather [hbm4b:s4+s20], $0x40, s21, s20, $0xb8;
	[tilespmem:$0x1FD80] =	vst v63  }
0x49: {  	v1 =	vld [tilespmem:$0x540]  }
0x4a: {  	v2 =	vld [tilespmem:$0x40]  }
0x4b: {  	v3 =	vld [tilespmem:$0x2C0]  }
0x4c: {  	v35 =	vld [tilespmem:$0x550]  }
0x4d: {  	v36 =	vld [tilespmem:$0x50]  }
0x4e: {  	v37 =	vld [tilespmem:$0x560]  }
0x4f: {  	v38 =	vld [tilespmem:$0x60];
	v1 =	vmul.u32 $0x2710, v1  }
0x50: {  	v39 =	vld [tilespmem:$0x570]  }
0x51: {  	v40 =	vld [tilespmem:$0x2D0];
	v4 =	vmul.u32 $0x2710, v35;
	v2 =	vadd.s32 v2, v1  }
0x52: {  	v41 =	vld [tilespmem:$0x70];
	v2 =	vshll.u32 v2, $0x1  }
0x53: {  	v42 =	vld [tilespmem:$0x2E0];
	v6 =	vmul.u32 $0x2710, v37;
	v5 =	vadd.s32 v36, v4;
	v2 =	vor.u32 v0, v2  }
0x54: {  	v1 =	vadd.s32 v1, v3;
	[tilespmem:$0x7C0] =	vst v2;
	v2 =	vshll.u32 v5, $0x1  }
0x55: {  	v43 =	vld [tilespmem:$0x2F0];
	v3 =	vmul.u32 $0x2710, v39;
	[tilespmem:$0x840] =	vst v1;
	v1 =	vor.u32 v0, v2;
	v2 =	vadd.s32 v38, v6  }
0x56: {  	[tilespmem:$0x7D0] =	vst v1;
	v1 =	vadd.s32 v4, v40;
	v2 =	vshll.u32 v2, $0x1  }
0x57: {  	[tilespmem:$0x850] =	vst v1;
	v1 =	vor.u32 v0, v2;
	v2 =	vadd.s32 v41, v3  }
0x58: {  	[tilespmem:$0x7E0] =	vst v1;
	v1 =	vadd.s32 v6, v42;
	v2 =	vshll.u32 v2, $0x1  }
0x59: {  	[tilespmem:$0x860] =	vst v1;
	v1 =	vor.u32 v0, v2  }
0x5a: {  	[tilespmem:$0x7F0] =	vst v1;
	v1 =	vadd.s32 v3, v43  }
0x5b: {  	[tilespmem:$0x870] =	vst v1  }
0x5c: {  	_ =	swait.ge [sflag:s23], $0x1000  }
0x5d: {  	[sflag:s23] =	ssyncset.done $0x0  }
0x5e: {  	[sflag:s23] =	ssyncadd.s32 $0xFFFFF000  }
0x5f: {  	[spmem:s1] =	stream.indirect.scatter.add.f32 [tilespmem:s22], [sflag:$0x5], $0x40, s24, s20, $0xb8;
	[tilespmem:$0x1FD80] =	vst v63  }
0x60: {  	_ = 	snop  }
0x61: {  	[tilespmem:s26], [sflag:$0x4] =	stream.indirect.gather [hbm4b:s4+s20], $0x40, s25, s20, $0xb8;
	[tilespmem:$0x1FD80] =	vst v63  }
0x62: {  	_ =	swait.ge [sflag:s28], $0x1000  }
0x63: {  	[sflag:s28] =	ssyncset.done $0x0  }
0x64: {  	[sflag:s28] =	ssyncadd.s32 $0xFFFFF000  }
0x65: {  	v1 =	vld [tilespmem:$0x580]  }
0x66: {  	v2 =	vld [tilespmem:$0x80]  }
0x67: {  	v3 =	vld [tilespmem:$0x300]  }
0x68: {  	v44 =	vld [tilespmem:$0x590]  }
0x69: {  	v45 =	vld [tilespmem:$0x90]  }
0x6a: {  	v46 =	vld [tilespmem:$0x5A0]  }
0x6b: {  	v47 =	vld [tilespmem:$0xA0];
	v1 =	vmul.u32 $0x2710, v1  }
0x6c: {  	v48 =	vld [tilespmem:$0x5B0]  }
0x6d: {  	v49 =	vld [tilespmem:$0x310];
	v4 =	vmul.u32 $0x2710, v44;
	v2 =	vadd.s32 v2, v1  }
0x6e: {  	v50 =	vld [tilespmem:$0xB0];
	v2 =	vshll.u32 v2, $0x1  }
0x6f: {  	v51 =	vld [tilespmem:$0x320];
	v6 =	vmul.u32 $0x2710, v46;
	v5 =	vadd.s32 v45, v4;
	v2 =	vor.u32 v0, v2  }
0x70: {  	v1 =	vadd.s32 v1, v3;
	[tilespmem:$0x780] =	vst v2;
	v2 =	vshll.u32 v5, $0x1  }
0x71: {  	v52 =	vld [tilespmem:$0x330];
	v3 =	vmul.u32 $0x2710, v48;
	[tilespmem:$0x800] =	vst v1;
	v1 =	vor.u32 v0, v2;
	v2 =	vadd.s32 v47, v6  }
0x72: {  	[tilespmem:$0x790] =	vst v1;
	v1 =	vadd.s32 v4, v49;
	v2 =	vshll.u32 v2, $0x1  }
0x73: {  	[tilespmem:$0x810] =	vst v1;
	v1 =	vor.u32 v0, v2;
	v2 =	vadd.s32 v50, v3  }
0x74: {  	[tilespmem:$0x7A0] =	vst v1;
	v1 =	vadd.s32 v6, v51;
	v2 =	vshll.u32 v2, $0x1  }
0x75: {  	[tilespmem:$0x820] =	vst v1;
	v1 =	vor.u32 v0, v2  }
0x76: {  	[tilespmem:$0x7B0] =	vst v1;
	v1 =	vadd.s32 v3, v52  }
0x77: {  	[tilespmem:$0x830] =	vst v1  }
0x78: {  	_ =	swait.ge [sflag:s29], $0x1000  }
0x79: {  	[sflag:s29] =	ssyncset.done $0x0  }
0x7a: {  	[sflag:s29] =	ssyncadd.s32 $0xFFFFF000  }
0x7b: {  	[spmem:s1] =	stream.indirect.scatter.add.f32 [tilespmem:s26], [sflag:$0x6], $0x40, s30, s20, $0xb8;
	[tilespmem:$0x1FD80] =	vst v63  }
0x7c: {  	_ = 	snop  }
0x7d: {  	[tilespmem:s22], [sflag:$0x3] =	stream.indirect.gather [hbm4b:s4+s20], $0x40, s21, s20, $0xb8;
	[tilespmem:$0x1FD80] =	vst v63  }
0x7e: {  	_ =	swait.ge [sflag:s31], $0x1000  }
0x7f: {  	[sflag:s31] =	ssyncset.done $0x0  }
0x80: {  	[sflag:s31] =	ssyncadd.s32 $0xFFFFF000  }
0x81: {  	v1 =	vld [tilespmem:$0x5C0]  }
0x82: {  	v2 =	vld [tilespmem:$0xC0]  }
0x83: {  	v3 =	vld [tilespmem:$0x340]  }
0x84: {  	v53 =	vld [tilespmem:$0x5D0]  }
0x85: {  	v54 =	vld [tilespmem:$0xD0]  }
0x86: {  	v55 =	vld [tilespmem:$0x5E0]  }
0x87: {  	v56 =	vld [tilespmem:$0xE0];
	v1 =	vmul.u32 $0x2710, v1  }
0x88: {  	v57 =	vld [tilespmem:$0x5F0]  }
0x89: {  	v58 =	vld [tilespmem:$0x350];
	v4 =	vmul.u32 $0x2710, v53;
	v2 =	vadd.s32 v2, v1  }
0x8a: {  	v59 =	vld [tilespmem:$0xF0];
	v2 =	vshll.u32 v2, $0x1  }
0x8b: {  	v60 =	vld [tilespmem:$0x360];
	v6 =	vmul.u32 $0x2710, v55;
	v5 =	vadd.s32 v54, v4;
	v2 =	vor.u32 v0, v2  }
0x8c: {  	v1 =	vadd.s32 v1, v3;
	[tilespmem:$0x7C0] =	vst v2;
	v2 =	vshll.u32 v5, $0x1  }
0x8d: {  	v61 =	vld [tilespmem:$0x370];
	v3 =	vmul.u32 $0x2710, v57;
	[tilespmem:$0x840] =	vst v1;
	v1 =	vor.u32 v0, v2;
	v2 =	vadd.s32 v56, v6  }
0x8e: {  	[tilespmem:$0x7D0] =	vst v1;
	v1 =	vadd.s32 v4, v58;
	v2 =	vshll.u32 v2, $0x1  }
0x8f: {  	[tilespmem:$0x850] =	vst v1;
	v1 =	vor.u32 v0, v2;
	v2 =	vadd.s32 v59, v3  }
0x90: {  	[tilespmem:$0x7E0] =	vst v1;
	v1 =	vadd.s32 v6, v60;
	v2 =	vshll.u32 v2, $0x1  }
0x91: {  	[tilespmem:$0x860] =	vst v1;
	v1 =	vor.u32 v0, v2  }
0x92: {  	[tilespmem:$0x7F0] =	vst v1;
	v1 =	vadd.s32 v3, v61  }
0x93: {  	[tilespmem:$0x870] =	vst v1  }
0x94: {  	_ =	swait.ge [sflag:s23], $0x1000  }
0x95: {  	[sflag:s23] =	ssyncset.done $0x0  }
0x96: {  	[sflag:s23] =	ssyncadd.s32 $0xFFFFF000  }
0x97: {  	[spmem:s1] =	stream.indirect.scatter.add.f32 [tilespmem:s22], [sflag:$0x5], $0x40, s24, s20, $0xb8;
	[tilespmem:$0x1FD80] =	vst v63  }
0x98: {  	_ = 	snop  }
0x99: {  	[tilespmem:s26], [sflag:$0x4] =	stream.indirect.gather [hbm4b:s4+s20], $0x40, s25, s20, $0xb8;
	[tilespmem:$0x1FD80] =	vst v63  }
0x9a: {  	_ =	swait.ge [sflag:s28], $0x1000  }
0x9b: {  	[sflag:s28] =	ssyncset.done $0x0  }
0x9c: {  	[sflag:s28] =	ssyncadd.s32 $0xFFFFF000  }
0x9d: {  	v1 =	vld [tilespmem:$0x600]  }
0x9e: {  	v2 =	vld [tilespmem:$0x100]  }
0x9f: {  	v3 =	vld [tilespmem:$0x380]  }
0xa0: {  	v62 =	vld [tilespmem:$0x610]  }
0xa1: {  	v63 =	vld [tilespmem:$0x110]  }
0xa2: {  	v12 =	vld [tilespmem:$0x620]  }
0xa3: {  	v13 =	vld [tilespmem:$0x120];
	v1 =	vmul.u32 $0x2710, v1  }
0xa4: {  	v14 =	vld [tilespmem:$0x630]  }
0xa5: {  	v15 =	vld [tilespmem:$0x390];
	v4 =	vmul.u32 $0x2710, v62;
	v2 =	vadd.s32 v2, v1  }
0xa6: {  	v16 =	vld [tilespmem:$0x130];
	v2 =	vshll.u32 v2, $0x1  }
0xa7: {  	v17 =	vld [tilespmem:$0x3A0];
	v6 =	vmul.u32 $0x2710, v12;
	v5 =	vadd.s32 v63, v4;
	v2 =	vor.u32 v0, v2  }
0xa8: {  	v1 =	vadd.s32 v1, v3;
	[tilespmem:$0x780] =	vst v2;
	v2 =	vshll.u32 v5, $0x1  }
0xa9: {  	v18 =	vld [tilespmem:$0x3B0];
	v3 =	vmul.u32 $0x2710, v14;
	[tilespmem:$0x800] =	vst v1;
	v1 =	vor.u32 v0, v2;
	v2 =	vadd.s32 v13, v6  }
0xaa: {  	[tilespmem:$0x790] =	vst v1;
	v1 =	vadd.s32 v4, v15;
	v2 =	vshll.u32 v2, $0x1  }
0xab: {  	[tilespmem:$0x810] =	vst v1;
	v1 =	vor.u32 v0, v2;
	v2 =	vadd.s32 v16, v3  }
0xac: {  	[tilespmem:$0x7A0] =	vst v1;
	v1 =	vadd.s32 v6, v17;
	v2 =	vshll.u32 v2, $0x1  }
0xad: {  	[tilespmem:$0x820] =	vst v1;
	v1 =	vor.u32 v0, v2  }
0xae: {  	[tilespmem:$0x7B0] =	vst v1;
	v1 =	vadd.s32 v3, v18  }
0xaf: {  	[tilespmem:$0x830] =	vst v1  }
0xb0: {  	_ =	swait.ge [sflag:s29], $0x1000  }
0xb1: {  	[sflag:s29] =	ssyncset.done $0x0  }
0xb2: {  	[sflag:s29] =	ssyncadd.s32 $0xFFFFF000  }
0xb3: {  	[spmem:s1] =	stream.indirect.scatter.add.f32 [tilespmem:s26], [sflag:$0x6], $0x40, s30, s20, $0xb8;
	[tilespmem:$0x1FD80] =	vst v63  }
0xb4: {  	_ = 	snop  }
0xb5: {  	[tilespmem:s22], [sflag:$0x3] =	stream.indirect.gather [hbm4b:s4+s20], $0x40, s21, s20, $0xb8;
	[tilespmem:$0x1FD80] =	vst v63  }
0xb6: {  	_ =	swait.ge [sflag:s0], $0x140  }
0xb7: {  	[sflag:s0] =	ssyncset.done $0x0  }
0xb8: {  	[sflag:s0] =	ssyncadd.s32 $0xFFFFFEC0  }
0xb9: {  	_ =	swait.ge [sflag:s0], $0x140  }
0xba: {  	[sflag:s0] =	ssyncset.done $0x0  }
0xbb: {  	[sflag:s0] =	ssyncadd.s32 $0xFFFFFEC0  }
0xbc: {  	_ =	swait.ge [sflag:s0], $0x140  }
0xbd: {  	[sflag:s0] =	ssyncset.done $0x0  }
0xbe: {  	s7 =	sadd.s32 $0x50, s7;
	[sflag:s0] =	ssyncadd.s32 $0xFFFFFEC0  }
0xbf: {  	[tilespmem:s2], [sflag:$0x1] =	stream.linear.gather [hbm4b:s7+s2], $0x140, $0x38;
	[tilespmem:$0x1FD80] =	vst v63  }
0xc0: {  	s8 =	sadd.s32 $0x50, s8  }
0xc1: {  	[tilespmem:s14], [sflag:$0x1] =	stream.linear.gather [hbm4b:s8+s2], $0x140, $0x38;
	[tilespmem:$0x1FD80] =	vst v63  }
0xc2: {  	s10 =	sadd.s32 $0x50, s9  }
0xc3: {  	[tilespmem:s15], [sflag:$0x1] =	stream.linear.gather [hbm4b:s10+s2], $0x140, $0x38;
	[tilespmem:$0x1FD80] =	vst v63  }
0xc4: {  	_ =	swait.ge [sflag:s31], $0x1000  }
0xc5: {  	[sflag:s31] =	ssyncset.done $0x0  }
0xc6: {  	[sflag:s31] =	ssyncadd.s32 $0xFFFFF000  }
0xc7: {  	v1 =	vld [tilespmem:$0x640]  }
0xc8: {  	v2 =	vld [tilespmem:$0x140]  }
0xc9: {  	v3 =	vld [tilespmem:$0x3C0]  }
0xca: {  	v19 =	vld [tilespmem:$0x650]  }
0xcb: {  	v20 =	vld [tilespmem:$0x150]  }
0xcc: {  	v21 =	vld [tilespmem:$0x660]  }
0xcd: {  	v22 =	vld [tilespmem:$0x160];
	v1 =	vmul.u32 $0x2710, v1  }
0xce: {  	v23 =	vld [tilespmem:$0x670]  }
0xcf: {  	v24 =	vld [tilespmem:$0x3D0];
	v4 =	vmul.u32 $0x2710, v19;
	v2 =	vadd.s32 v2, v1  }
0xd0: {  	v25 =	vld [tilespmem:$0x170];
	v2 =	vshll.u32 v2, $0x1  }
0xd1: {  	v26 =	vld [tilespmem:$0x3E0];
	v6 =	vmul.u32 $0x2710, v21;
	v5 =	vadd.s32 v20, v4;
	v2 =	vor.u32 v0, v2  }
0xd2: {  	v1 =	vadd.s32 v1, v3;
	[tilespmem:$0x7C0] =	vst v2;
	v2 =	vshll.u32 v5, $0x1  }
0xd3: {  	v27 =	vld [tilespmem:$0x3F0];
	v3 =	vmul.u32 $0x2710, v23;
	[tilespmem:$0x840] =	vst v1;
	v1 =	vor.u32 v0, v2;
	v2 =	vadd.s32 v22, v6  }
0xd4: {  	[tilespmem:$0x7D0] =	vst v1;
	v1 =	vadd.s32 v4, v24;
	v2 =	vshll.u32 v2, $0x1  }
0xd5: {  	[tilespmem:$0x850] =	vst v1;
	v1 =	vor.u32 v0, v2;
	v2 =	vadd.s32 v25, v3  }
0xd6: {  	[tilespmem:$0x7E0] =	vst v1;
	v1 =	vadd.s32 v6, v26;
	v2 =	vshll.u32 v2, $0x1  }
0xd7: {  	[tilespmem:$0x860] =	vst v1;
	v1 =	vor.u32 v0, v2  }
0xd8: {  	[tilespmem:$0x7F0] =	vst v1;
	v1 =	vadd.s32 v3, v27  }
0xd9: {  	[tilespmem:$0x870] =	vst v1  }
0xda: {  	_ =	swait.ge [sflag:s23], $0x1000  }
0xdb: {  	[sflag:s23] =	ssyncset.done $0x0  }
0xdc: {  	[sflag:s23] =	ssyncadd.s32 $0xFFFFF000  }
0xdd: {  	[spmem:s1] =	stream.indirect.scatter.add.f32 [tilespmem:s22], [sflag:$0x5], $0x40, s24, s20, $0xb8;
	[tilespmem:$0x1FD80] =	vst v63  }
0xde: {  	_ = 	snop  }
0xdf: {  	[tilespmem:s26], [sflag:$0x4] =	stream.indirect.gather [hbm4b:s4+s20], $0x40, s25, s20, $0xb8;
	[tilespmem:$0x1FD80] =	vst v63  }
0xe0: {  	_ =	swait.ge [sflag:s28], $0x1000  }
0xe1: {  	[sflag:s28] =	ssyncset.done $0x0  }
0xe2: {  	[sflag:s28] =	ssyncadd.s32 $0xFFFFF000  }
0xe3: {  	v1 =	vld [tilespmem:$0x680]  }
0xe4: {  	v2 =	vld [tilespmem:$0x180]  }
0xe5: {  	v3 =	vld [tilespmem:$0x400]  }
0xe6: {  	v28 =	vld [tilespmem:$0x690]  }
0xe7: {  	v29 =	vld [tilespmem:$0x190]  }
0xe8: {  	v30 =	vld [tilespmem:$0x6A0]  }
0xe9: {  	v31 =	vld [tilespmem:$0x1A0];
	v1 =	vmul.u32 $0x2710, v1  }
0xea: {  	v32 =	vld [tilespmem:$0x6B0]  }
0xeb: {  	v33 =	vld [tilespmem:$0x410];
	v4 =	vmul.u32 $0x2710, v28;
	v2 =	vadd.s32 v2, v1  }
0xec: {  	v34 =	vld [tilespmem:$0x1B0];
	v2 =	vshll.u32 v2, $0x1  }
0xed: {  	v35 =	vld [tilespmem:$0x420];
	v6 =	vmul.u32 $0x2710, v30;
	v5 =	vadd.s32 v29, v4;
	v2 =	vor.u32 v0, v2  }
0xee: {  	v1 =	vadd.s32 v1, v3;
	[tilespmem:$0x780] =	vst v2;
	v2 =	vshll.u32 v5, $0x1  }
0xef: {  	v36 =	vld [tilespmem:$0x430];
	v3 =	vmul.u32 $0x2710, v32;
	[tilespmem:$0x800] =	vst v1;
	v1 =	vor.u32 v0, v2;
	v2 =	vadd.s32 v31, v6  }
0xf0: {  	[tilespmem:$0x790] =	vst v1;
	v1 =	vadd.s32 v4, v33;
	v2 =	vshll.u32 v2, $0x1  }
0xf1: {  	[tilespmem:$0x810] =	vst v1;
	v1 =	vor.u32 v0, v2;
	v2 =	vadd.s32 v34, v3  }
0xf2: {  	[tilespmem:$0x7A0] =	vst v1;
	v1 =	vadd.s32 v6, v35;
	v2 =	vshll.u32 v2, $0x1  }
0xf3: {  	[tilespmem:$0x820] =	vst v1;
	v1 =	vor.u32 v0, v2  }
0xf4: {  	[tilespmem:$0x7B0] =	vst v1;
	v1 =	vadd.s32 v3, v36  }
0xf5: {  	[tilespmem:$0x830] =	vst v1  }
0xf6: {  	_ =	swait.ge [sflag:s29], $0x1000  }
0xf7: {  	[sflag:s29] =	ssyncset.done $0x0  }
0xf8: {  	[sflag:s29] =	ssyncadd.s32 $0xFFFFF000  }
0xf9: {  	[spmem:s1] =	stream.indirect.scatter.add.f32 [tilespmem:s26], [sflag:$0x6], $0x40, s30, s20, $0xb8;
	[tilespmem:$0x1FD80] =	vst v63  }
0xfa: {  	_ = 	snop  }
0xfb: {  	[tilespmem:s22], [sflag:$0x3] =	stream.indirect.gather [hbm4b:s4+s20], $0x40, s21, s20, $0xb8;
	[tilespmem:$0x1FD80] =	vst v63  }
0xfc: {  	_ =	swait.ge [sflag:s31], $0x1000  }
0xfd: {  	[sflag:s31] =	ssyncset.done $0x0  }
0xfe: {  	[sflag:s31] =	ssyncadd.s32 $0xFFFFF000  }
0xff: {  	v1 =	vld [tilespmem:$0x6C0]  }
0x100: {  	v2 =	vld [tilespmem:$0x1C0]  }
0x101: {  	v3 =	vld [tilespmem:$0x440]  }
0x102: {  	v37 =	vld [tilespmem:$0x6D0]  }
0x103: {  	v38 =	vld [tilespmem:$0x1D0]  }
0x104: {  	v39 =	vld [tilespmem:$0x6E0]  }
0x105: {  	v40 =	vld [tilespmem:$0x1E0];
	v1 =	vmul.u32 $0x2710, v1  }
0x106: {  	v41 =	vld [tilespmem:$0x6F0]  }
0x107: {  	v42 =	vld [tilespmem:$0x450];
	v4 =	vmul.u32 $0x2710, v37;
	v2 =	vadd.s32 v2, v1  }
0x108: {  	v43 =	vld [tilespmem:$0x1F0];
	v2 =	vshll.u32 v2, $0x1  }
0x109: {  	v44 =	vld [tilespmem:$0x460];
	v6 =	vmul.u32 $0x2710, v39;
	v5 =	vadd.s32 v38, v4;
	v2 =	vor.u32 v0, v2  }
0x10a: {  	v1 =	vadd.s32 v1, v3;
	[tilespmem:$0x7C0] =	vst v2;
	v2 =	vshll.u32 v5, $0x1  }
0x10b: {  	v45 =	vld [tilespmem:$0x470];
	v3 =	vmul.u32 $0x2710, v41;
	[tilespmem:$0x840] =	vst v1;
	v1 =	vor.u32 v0, v2;
	v2 =	vadd.s32 v40, v6  }
0x10c: {  	[tilespmem:$0x7D0] =	vst v1;
	v1 =	vadd.s32 v4, v42;
	v2 =	vshll.u32 v2, $0x1  }
0x10d: {  	[tilespmem:$0x850] =	vst v1;
	v1 =	vor.u32 v0, v2;
	v2 =	vadd.s32 v43, v3  }
0x10e: {  	[tilespmem:$0x7E0] =	vst v1;
	v1 =	vadd.s32 v6, v44;
	v2 =	vshll.u32 v2, $0x1  }
0x10f: {  	[tilespmem:$0x860] =	vst v1;
	v1 =	vor.u32 v0, v2  }
0x110: {  	[tilespmem:$0x7F0] =	vst v1;
	v1 =	vadd.s32 v3, v45  }
0x111: {  	[tilespmem:$0x870] =	vst v1  }
0x112: {  	_ =	swait.ge [sflag:s23], $0x1000  }
0x113: {  	[sflag:s23] =	ssyncset.done $0x0  }
0x114: {  	[sflag:s23] =	ssyncadd.s32 $0xFFFFF000  }
0x115: {  	[spmem:s1] =	stream.indirect.scatter.add.f32 [tilespmem:s22], [sflag:$0x5], $0x40, s24, s20, $0xb8;
	[tilespmem:$0x1FD80] =	vst v63  }
0x116: {  	_ = 	snop  }
0x117: {  	[tilespmem:s26], [sflag:$0x4] =	stream.indirect.gather [hbm4b:s4+s20], $0x40, s25, s20, $0xb8;
	[tilespmem:$0x1FD80] =	vst v63  }
0x118: {  	_ =	swait.ge [sflag:s28], $0x1000  }
0x119: {  	[sflag:s28] =	ssyncset.done $0x0  }
0x11a: {  	[sflag:s28] =	ssyncadd.s32 $0xFFFFF000  }
0x11b: {  	v1 =	vld [tilespmem:$0x700]  }
0x11c: {  	v2 =	vld [tilespmem:$0x200]  }
0x11d: {  	v3 =	vld [tilespmem:$0x480]  }
0x11e: {  	v46 =	vld [tilespmem:$0x710]  }
0x11f: {  	v47 =	vld [tilespmem:$0x210]  }
0x120: {  	v48 =	vld [tilespmem:$0x720]  }
0x121: {  	v49 =	vld [tilespmem:$0x220];
	v1 =	vmul.u32 $0x2710, v1  }
0x122: {  	v50 =	vld [tilespmem:$0x730]  }
0x123: {  	v51 =	vld [tilespmem:$0x490];
	v4 =	vmul.u32 $0x2710, v46;
	v2 =	vadd.s32 v2, v1  }
0x124: {  	v52 =	vld [tilespmem:$0x230];
	v2 =	vshll.u32 v2, $0x1  }
0x125: {  	v53 =	vld [tilespmem:$0x4A0];
	v6 =	vmul.u32 $0x2710, v48;
	v5 =	vadd.s32 v47, v4;
	v2 =	vor.u32 v0, v2  }
0x126: {  	v1 =	vadd.s32 v1, v3;
	[tilespmem:$0x780] =	vst v2;
	v2 =	vshll.u32 v5, $0x1  }
0x127: {  	v54 =	vld [tilespmem:$0x4B0];
	v3 =	vmul.u32 $0x2710, v50;
	[tilespmem:$0x800] =	vst v1;
	v1 =	vor.u32 v0, v2;
	v2 =	vadd.s32 v49, v6  }
0x128: {  	[tilespmem:$0x790] =	vst v1;
	v1 =	vadd.s32 v4, v51;
	v2 =	vshll.u32 v2, $0x1  }
0x129: {  	[tilespmem:$0x810] =	vst v1;
	v1 =	vor.u32 v0, v2;
	v2 =	vadd.s32 v52, v3  }
0x12a: {  	[tilespmem:$0x7A0] =	vst v1;
	v1 =	vadd.s32 v6, v53;
	v2 =	vshll.u32 v2, $0x1  }
0x12b: {  	[tilespmem:$0x820] =	vst v1;
	v1 =	vor.u32 v0, v2  }
0x12c: {  	[tilespmem:$0x7B0] =	vst v1;
	v1 =	vadd.s32 v3, v54  }
0x12d: {  	[tilespmem:$0x830] =	vst v1  }
0x12e: {  	_ =	swait.ge [sflag:s29], $0x1000  }
0x12f: {  	[sflag:s29] =	ssyncset.done $0x0  }
0x130: {  	[sflag:s29] =	ssyncadd.s32 $0xFFFFF000  }
0x131: {  	[spmem:s1] =	stream.indirect.scatter.add.f32 [tilespmem:s26], [sflag:$0x6], $0x40, s30, s20, $0xb8;
	[tilespmem:$0x1FD80] =	vst v63  }
0x132: {  	_ = 	snop  }
0x133: {  	[tilespmem:s22], [sflag:$0x3] =	stream.indirect.gather [hbm4b:s4+s20], $0x40, s21, s20, $0xb8;
	[tilespmem:$0x1FD80] =	vst v63  }
0x134: {  	_ =	swait.ge [sflag:s31], $0x1000  }
0x135: {  	[sflag:s31] =	ssyncset.done $0x0  }
0x136: {  	[sflag:s31] =	ssyncadd.s32 $0xFFFFF000  }
0x137: {  	v1 =	vld [tilespmem:$0x740]  }
0x138: {  	v2 =	vld [tilespmem:$0x240]  }
0x139: {  	v3 =	vld [tilespmem:$0x4C0]  }
0x13a: {  	v55 =	vld [tilespmem:$0x750]  }
0x13b: {  	v56 =	vld [tilespmem:$0x250]  }
0x13c: {  	v57 =	vld [tilespmem:$0x760]  }
0x13d: {  	v58 =	vld [tilespmem:$0x260];
	v1 =	vmul.u32 $0x2710, v1  }
0x13e: {  	v59 =	vld [tilespmem:$0x770]  }
0x13f: {  	v60 =	vld [tilespmem:$0x4D0];
	v4 =	vmul.u32 $0x2710, v55;
	v2 =	vadd.s32 v2, v1  }
0x140: {  	v61 =	vld [tilespmem:$0x270];
	v2 =	vshll.u32 v2, $0x1  }
0x141: {  	v62 =	vld [tilespmem:$0x4E0];
	v6 =	vmul.u32 $0x2710, v57;
	v5 =	vadd.s32 v56, v4;
	v2 =	vor.u32 v0, v2  }
0x142: {  	v1 =	vadd.s32 v1, v3;
	[tilespmem:$0x7C0] =	vst v2;
	v2 =	vshll.u32 v5, $0x1  }
0x143: {  	v63 =	vld [tilespmem:$0x4F0];
	v3 =	vmul.u32 $0x2710, v59;
	[tilespmem:$0x840] =	vst v1;
	v1 =	vor.u32 v0, v2;
	v2 =	vadd.s32 v58, v6  }
0x144: {  	[tilespmem:$0x7D0] =	vst v1;
	v1 =	vadd.s32 v4, v60;
	v2 =	vshll.u32 v2, $0x1  }
0x145: {  	[tilespmem:$0x850] =	vst v1;
	v1 =	vor.u32 v0, v2;
	v2 =	vadd.s32 v61, v3  }
0x146: {  	[tilespmem:$0x7E0] =	vst v1;
	v1 =	vadd.s32 v6, v62;
	v2 =	vshll.u32 v2, $0x1  }
0x147: {  	[tilespmem:$0x860] =	vst v1;
	v1 =	vor.u32 v0, v2  }
0x148: {  	[tilespmem:$0x7F0] =	vst v1;
	v1 =	vadd.s32 v3, v63  }
0x149: {  	[tilespmem:$0x870] =	vst v1  }
0x14a: {  	_ =	swait.ge [sflag:s23], $0x1000  }
0x14b: {  	[sflag:s23] =	ssyncset.done $0x0  }
0x14c: {  	[sflag:s23] =	ssyncadd.s32 $0xFFFFF000  }
0x14d: {  	[spmem:s1] =	stream.indirect.scatter.add.f32 [tilespmem:s22], [sflag:$0x5], $0x40, s24, s20, $0xb8;
	[tilespmem:$0x1FD80] =	vst v63  }
0x14e: {  	_ = 	snop  }
0x14f: {  	[tilespmem:s26], [sflag:$0x4] =	stream.indirect.gather [hbm4b:s4+s20], $0x40, s25, s20, $0xb8;
	[tilespmem:$0x1FD80] =	vst v63  }
0x150: {  	_ =	swait.ge [sflag:s29], $0x1000  }
0x151: {  	[sflag:s29] =	ssyncset.done $0x0  }
0x152: {  	[sflag:s29] =	ssyncadd.s32 $0xFFFFF000  }
0x153: {  	[spmem:s1] =	stream.indirect.scatter.add.f32 [tilespmem:s26], [sflag:$0x6], $0x40, s30, s20, $0xb8;
	[tilespmem:$0x1FD80] =	vst v63  }
0x154: {  	p0 =	sne.s32 s5, $0x9B0;
	_ =	swait.ge [sflag:s28], $0x1000  }
.Ltmp0:
0x155: {  	[sflag:s28] =	ssyncset.done $0x0;
	(pc) =	sbr.rel @p0 .LBB2_2-.Ltmp0, $4  }
0x156: {  	[sflag:s28] =	ssyncadd.s32 $0xFFFFF000  }
0x157: {  	_ =	swait.ge [sflag:s31], $0x1000  }
0x158: {  	[sflag:s31] =	ssyncset.done $0x0  }
0x159: {  	s5 =	sadd.s32 $0x50, s5;
	[sflag:s31] =	ssyncadd.s32 $0xFFFFF000  }
0x15a: {  	_ =	swait.ge [sflag:s16], $0x140  }
0x15b: {  	[sflag:s16] =	ssyncset.done $0x0  }
0x15c: {  	[sflag:s16] =	ssyncadd.s32 $0xFFFFFEC0  }
0x15d: {  	_ =	swait.ge [sflag:s16], $0x140  }
0x15e: {  	[sflag:s16] =	ssyncset.done $0x0  }
0x15f: {  	[sflag:s16] =	ssyncadd.s32 $0xFFFFFEC0  }
0x160: {  	_ =	swait.ge [sflag:s16], $0x140  }
0x161: {  	[sflag:s16] =	ssyncset.done $0x0  }
0x162: {  	s3 =	sadd.s32 $0x1, s3;
	[sflag:s16] =	ssyncadd.s32 $0xFFFFFEC0  }
0x163: {  	s7 =	simm.s32 $0x10;
	p0 =	sne.s32 s3, s11;
	[bflag:$0x0] =	sbarrier.arrive $0xFFFF  }
.Ltmp1:
0x164: {  	s8 =	simm.s32 $0x8;
	s5 =	rddreg [dreg:$0xb];
	(pc) =	sbr.rel @p0 .LBB2_1-.Ltmp1, $4  }
0x165: {  	[hbm:s5@s7], [sflag:s6] =	dma.strided [spmem:s12@s8], $0x3AA0, s16, $0x8   }
0x166: {  	_ =	swait.ge [sflag:s13], $0x3AA0  }
0x167: {  	[sflag:s13] =	ssyncset.done $0x0  }
0x168: {  	[sflag:s13] =	ssyncadd.s32 $0xFFFFC560  }
0x169: {  	_ =	sfence.sel $0x180000  }
0x16a: {  	[bflag:$0x0] =	sbarrier.arrive $0xFFFF  }
0x16b: {  	_ =	strace $0x90000047  }
0x16c: {  	s0 =	stileid.u32;
	[bflag:$0x2] =	sbarrier.arrive $0xFFFF  }
0x16d: {  	p0 =	sne.s32 s0, $0x0;
	s0 =	rddreg [dreg:$0x3]  }
0x16e: {  	s0 =	sadd.s32 @!p0 $0x100000, s0  }
0x16f: {  	[sflag:s0] =	ssyncadd.tile.s32 @!p0 $0x1;
	_ =	shalt  }
.Lfunc_end2:
_tile_overlayer_lowered:
.L_overlay_start_2:
0x170: {  	(tag) =	ssettag $0x2  }
0x171: {  	s0 =	rddreg [dreg:$0x0];
	s2 =	stileid.u32  }
0x172: {  	s1 =	rddreg [dreg:$0x1];
	p0 =	sne.s32 s2, $0x0  }
0x173: {  	s3 =	rddreg [dreg:$0x2];
	[bflag:$0x3] =	sbarrier.arrive $0xFFFF;
	s2 =	simm.s32 @!p0 $0x1C07  }
0x174: {  	[timem:s3], [sflag:s2] =	dma.local @!p0 [hbm:s0], s1  }
0x175: {  	s0 =	simm.s32 @!p0 $0x7  }
0x176: {  	_ =	swait.ge @!p0 [sflag:s0], s1  }
0x177: {  	s1 =	ssub.s32 @!p0 $0x0, s1;
	[sflag:s0] =	ssyncset.done @!p0 $0x0  }
0x178: {  	[sflag:s0] =	ssyncadd.s32 @!p0 s1  }
0x179: {  	[bflag:$0x3] =	sbarrier.arrive $0xFFFF  }
0x17a: {  	_ =	shalt  }

</sc_bundles>
